<compile_context>
chip_gen: v7x
topology: tpu7x:2x2x1
jax: 0.10.2.dev20260603
libtpu: 0.0.44.dev20260713+nightly
codegen_flags: <defaults>
</compile_context>

<pallas_src>
import functools

import jax
import jax.numpy as jnp
from jax import lax
from jax.experimental import pallas as pl
from jax.experimental.pallas import tpu as pltpu
from jax.experimental.pallas import tpu_sc as plsc

N_R = 10000
N_P = 50000
E = 320000
D = 128
OUT = 2

NC = 2
NS = 16
NW = NC * NS

R_PAD = 10240
P_PAD = 50176
K = 128

SB = 8
NSUP = 10
E_PAD = NW * NSUP * SB * K
ECH_P = E_PAD // K

KH = 64
PCH = P_PAD // KH
PCH_Q, PCH_R = divmod(PCH, NW)

FG = 2
FW = P_PAD // (NW // FG)
FEDG = E // FG
SCH = 2048
FCH_N, FCH_T = divmod(FEDG, SCH)

CG = 8
CRNG = R_PAD // (NW // CG)
CEDG = E // CG
CCH_N, CCH_T = divmod(CEDG, SCH)

_MESH = plsc.VectorSubcoreMesh(
    core_axis_name="c", subcore_axis_name="s", num_cores=NC, num_subcores=NS)


def _worker_id():
  return lax.axis_index("s") * NC + lax.axis_index("c")


def _sc_hp0(xp_pad, emb_protein):

  @functools.partial(
      pl.kernel,
      out_type=jax.ShapeDtypeStruct((P_PAD, D), jnp.float32),
      mesh=_MESH,
      compiler_params=pltpu.CompilerParams(needs_layout_passes=False),
      scratch_types=[
          pltpu.VMEM((KH,), jnp.int32),
          pltpu.VMEM((KH, D), jnp.float32),
          pltpu.SemaphoreType.DMA,
      ],
  )
  def body(xp_hbm, emb_hbm, hp0_hbm, sidx, rows, sem):
    gw = _worker_id()
    nhp = PCH_Q + jnp.where(gw < PCH_R, 1, 0)

    @pl.loop(0, nhp)
    def _hp(i):
      off = (gw + i * NW) * KH
      pltpu.sync_copy(xp_hbm.at[pl.ds(off, KH)], sidx)
      pltpu.async_copy(emb_hbm.at[sidx], rows, sem).wait()
      pltpu.sync_copy(rows, hp0_hbm.at[pl.ds(off, KH)])

  return body(xp_pad, emb_protein)


def _sc_edge_agg(table, src2d, dst2d):

  @functools.partial(
      pl.kernel,
      out_type=jax.ShapeDtypeStruct((NC * R_PAD, D), jnp.float32),
      mesh=_MESH,
      compiler_params=pltpu.CompilerParams(needs_layout_passes=False),
      scratch_types=[
          pltpu.VMEM_SHARED((R_PAD, D), jnp.float32),
          pltpu.VMEM((SB, K), jnp.int32),
          pltpu.VMEM((SB, K), jnp.int32),
          pltpu.VMEM((K, D), jnp.float32),
          pltpu.VMEM((K, D), jnp.float32),
          pltpu.SemaphoreType.DMA,
          pltpu.SemaphoreType.DMA,
          pltpu.SemaphoreType.DMA,
      ],
  )
  def body(tab_hbm, src_hbm, dst_hbm, agg_hbm, agg_s,
           sbig, dbig, rows0, rows1, semg, sems0, sems1):
    c = lax.axis_index("c")
    s = lax.axis_index("s")
    gw = _worker_id()
    rows = (rows0, rows1)
    sems = (sems0, sems1)

    @pl.loop(0, K)
    def _z(r):
      for j in range(D // 16):
        rows0[r, pl.ds(j * 16, 16)] = jnp.zeros((16,), jnp.float32)

    for t in range(5):
      pltpu.sync_copy(rows0, agg_s.at[pl.ds(s * 640 + t * K, K)])
    plsc.subcore_barrier()

    ch0 = gw * (NSUP * SB)

    @pl.loop(0, NSUP)
    def _sup(sp):
      base = ch0 + sp * SB
      pltpu.sync_copy(src_hbm.at[pl.ds(base, SB)], sbig)
      pltpu.sync_copy(dst_hbm.at[pl.ds(base, SB)], dbig)
      for q in range(SB):
        b = q % 2
        if q >= 2:
          pltpu.make_async_copy(rows[b], agg_s.at[dbig.at[q]], sems[b]).wait()
        pltpu.async_copy(tab_hbm.at[sbig.at[q]], rows[b], semg).wait()
        pltpu.async_copy(rows[b], agg_s.at[dbig.at[q]], sems[b], add=True)
      pltpu.make_async_copy(rows0, agg_s.at[dbig.at[0]], sems0).wait()
      pltpu.make_async_copy(rows1, agg_s.at[dbig.at[0]], sems1).wait()

    plsc.subcore_barrier()
    for t in range(5):
      pltpu.sync_copy(agg_s.at[pl.ds(s * 640 + t * K, K)], rows0)
      pltpu.sync_copy(rows0, agg_hbm.at[pl.ds(c * R_PAD + s * 640 + t * K, K)])

  return body(table, src2d, dst2d)


def _sc_flags(dst_pr, dst_rp):

  @functools.partial(
      pl.kernel,
      out_type=(
          jax.ShapeDtypeStruct((FG * P_PAD,), jnp.float32),
          jax.ShapeDtypeStruct((CG * R_PAD,), jnp.float32),
      ),
      mesh=_MESH,
      compiler_params=pltpu.CompilerParams(needs_layout_passes=False),
      scratch_types=[
          pltpu.VMEM((SCH,), jnp.int32),
          pltpu.VMEM((SCH,), jnp.int32),
          pltpu.VMEM((FW + 16,), jnp.float32),
          pltpu.VMEM((CRNG + 16,), jnp.float32),
          pltpu.SemaphoreType.DMA,
          pltpu.SemaphoreType.DMA,
      ],
  )
  def body(dpr_hbm, drp_hbm, flag_hbm, cnt_hbm,
           dbuf0, dbuf1, hist, chist, semd0, semd1):
    gw = _worker_id()
    dbuf = (dbuf0, dbuf1)
    semd = (semd0, semd1)

    @pl.loop(0, (FW + 16) // 16)
    def _zh(r):
      hist[pl.ds(r * 16, 16)] = jnp.zeros((16,), jnp.float32)

    @pl.loop(0, (CRNG + 16) // 16)
    def _zc(r):
      chist[pl.ds(r * 16, 16)] = jnp.zeros((16,), jnp.float32)

    fg = gw // (NW // FG)
    base = (gw % (NW // FG)) * FW
    ebase = fg * FEDG

    def _mark(b, nvec):
      def mark(j):
        v = dbuf[b][pl.ds(j * 16, 16)]
        m = (v >= base) & (v < base + FW)
        idx = jnp.where(m, v - base, FW)
        plsc.store_scatter(hist, [idx], jnp.full((16,), 1.0, jnp.float32))
      return pl.loop(0, nvec)(mark)

    pltpu.async_copy(drp_hbm.at[pl.ds(ebase, SCH)], dbuf0, semd0)

    @pl.loop(0, FCH_N // 2)
    def _fpair(i):
      pltpu.make_async_copy(drp_hbm.at[pl.ds(ebase, SCH)], dbuf0, semd0).wait()
      pltpu.async_copy(
          drp_hbm.at[pl.ds(ebase + (2 * i + 1) * SCH, SCH)], dbuf1, semd1)
      _mark(0, SCH // 16)
      pltpu.make_async_copy(drp_hbm.at[pl.ds(ebase, SCH)], dbuf1, semd1).wait()

      @pl.when(i < FCH_N // 2 - 1)
      def _():
        pltpu.async_copy(
            drp_hbm.at[pl.ds(ebase + (2 * i + 2) * SCH, SCH)], dbuf0, semd0)
      _mark(1, SCH // 16)

    pltpu.sync_copy(drp_hbm.at[pl.ds(ebase + FCH_N * SCH, FCH_T)],
                    dbuf0.at[pl.ds(0, FCH_T)])
    _mark(0, FCH_T // 16)

    pltpu.sync_copy(hist.at[pl.ds(0, FW)],
                    flag_hbm.at[pl.ds(fg * P_PAD + base, FW)])

    cg = gw // (NW // CG)
    cbase = (gw % (NW // CG)) * CRNG
    cebase = cg * CEDG

    def _count(b, nvec):
      def count(j):
        v = dbuf[b][pl.ds(j * 16, 16)]
        m = (v >= cbase) & (v < cbase + CRNG)
        idx = jnp.where(m, v - cbase, CRNG)
        cnt, mlast = plsc.scan_count(v, mask=m)
        plsc.addupdate_scatter(chist, [idx], cnt.astype(jnp.float32),
                               mask=mlast & m)
      return pl.loop(0, nvec)(count)

    @pl.loop(0, CCH_N)
    def _cscan(i):
      pltpu.sync_copy(dpr_hbm.at[pl.ds(cebase + i * SCH, SCH)], dbuf0)
      _count(0, SCH // 16)

    pltpu.sync_copy(dpr_hbm.at[pl.ds(cebase + CCH_N * SCH, CCH_T)],
                    dbuf0.at[pl.ds(0, CCH_T)])
    _count(0, CCH_T // 16)

    pltpu.sync_copy(chist.at[pl.ds(0, CRNG)],
                    cnt_hbm.at[pl.ds(cg * R_PAD + cbase, CRNG)])

  return body(dst_pr, dst_rp)


_PREC = lax.Precision.DEFAULT
BLK_P = 1024
BLK_R = 1024


def _l2norm(t):
  return t / jnp.maximum(jnp.sqrt(jnp.sum(t * t, axis=-1, keepdims=True)), 1e-12)


def _tc_protein_body(hp0_ref, flag_ref, emb_ref, Wl_ref, bl_ref, Wr_ref, out_ref):
  f1 = jnp.max(flag_ref[...], axis=0)
  flag = lax.broadcast_in_dim(f1, (BLK_P, D), (0,))
  u = jnp.dot(emb_ref[...], Wl_ref[...], precision=_PREC)
  t = (flag * u + bl_ref[...]
       + jnp.dot(hp0_ref[...], Wr_ref[...], precision=_PREC))
  out_ref[...] = jnp.maximum(_l2norm(t), 0.0)


def _tc_protein(hp0, flag, emb_reaction, Wl, bl, Wr):
  grid = (P_PAD // BLK_P,)
  return pl.pallas_call(
      _tc_protein_body,
      grid=grid,
      in_specs=[
          pl.BlockSpec((BLK_P, D), lambda i: (i, 0)),
          pl.BlockSpec((FG, BLK_P), lambda i: (0, i)),
          pl.BlockSpec((1, D), lambda i: (0, 0)),
          pl.BlockSpec((D, D), lambda i: (0, 0)),
          pl.BlockSpec((D,), lambda i: (0,)),
          pl.BlockSpec((D, D), lambda i: (0, 0)),
      ],
      out_specs=pl.BlockSpec((BLK_P, D), lambda i: (i, 0)),
      out_shape=jax.ShapeDtypeStruct((P_PAD, D), jnp.float32),
  )(hp0, flag, emb_reaction, Wl, bl, Wr)


def _tc_react_body(agg_ref, cnt_ref, emb_ref, Wl_ref, bl_ref, Wr_ref,
                   out_ref, rinv_ref):
  agg = agg_ref[0] + agg_ref[1]
  cnt = jnp.sum(cnt_ref[...], axis=0)
  rinv1 = 1.0 / jnp.maximum(cnt, 1.0)
  rinv = lax.broadcast_in_dim(rinv1, (BLK_R, 1), (0,))
  mean = agg * lax.broadcast_in_dim(rinv1, (BLK_R, D), (0,))
  u = jnp.dot(emb_ref[...], Wr_ref[...], precision=_PREC)
  t = jnp.dot(mean, Wl_ref[...], precision=_PREC) + bl_ref[...] + u
  out_ref[...] = jnp.maximum(_l2norm(t), 0.0)
  rinv_ref[...] = rinv


def _tc_react(aggP, cnt8, emb_reaction, Wl, bl, Wr):
  grid = (R_PAD // BLK_R,)
  return pl.pallas_call(
      _tc_react_body,
      grid=grid,
      in_specs=[
          pl.BlockSpec((NC, BLK_R, D), lambda i: (0, i, 0)),
          pl.BlockSpec((CG, BLK_R), lambda i: (0, i)),
          pl.BlockSpec((1, D), lambda i: (0, 0)),
          pl.BlockSpec((D, D), lambda i: (0, 0)),
          pl.BlockSpec((D,), lambda i: (0,)),
          pl.BlockSpec((D, D), lambda i: (0, 0)),
      ],
      out_specs=[
          pl.BlockSpec((BLK_R, D), lambda i: (i, 0)),
          pl.BlockSpec((BLK_R, 1), lambda i: (i, 0)),
      ],
      out_shape=[
          jax.ShapeDtypeStruct((R_PAD, D), jnp.float32),
          jax.ShapeDtypeStruct((R_PAD, 1), jnp.float32),
      ],
  )(aggP, cnt8, emb_reaction, Wl, bl, Wr)


def _tc_final_body(bgg_ref, rinv_ref, hr1_ref, Wl_ref, bl_ref, Wr_ref,
                   Wo_ref, bo_ref, out_ref):
  agg = bgg_ref[0] + bgg_ref[1]
  mean = agg * rinv_ref[...]
  t = (jnp.dot(mean, Wl_ref[...], precision=_PREC) + bl_ref[...]
       + jnp.dot(hr1_ref[...], Wr_ref[...], precision=_PREC))
  h = jnp.maximum(_l2norm(t), 0.0)
  out_ref[...] = jnp.dot(h, Wo_ref[...], precision=_PREC) + bo_ref[...]


def _tc_final(bggP, rinv, h_r1, Wl, bl, Wr, W_out, b_out):
  grid = (R_PAD // BLK_R,)
  return pl.pallas_call(
      _tc_final_body,
      grid=grid,
      in_specs=[
          pl.BlockSpec((NC, BLK_R, D), lambda i: (0, i, 0)),
          pl.BlockSpec((BLK_R, 1), lambda i: (i, 0)),
          pl.BlockSpec((BLK_R, D), lambda i: (i, 0)),
          pl.BlockSpec((D, D), lambda i: (0, 0)),
          pl.BlockSpec((D,), lambda i: (0,)),
          pl.BlockSpec((D, D), lambda i: (0, 0)),
          pl.BlockSpec((D, OUT), lambda i: (0, 0)),
          pl.BlockSpec((OUT,), lambda i: (0,)),
      ],
      out_specs=pl.BlockSpec((BLK_R, OUT), lambda i: (i, 0)),
      out_shape=jax.ShapeDtypeStruct((R_PAD, OUT), jnp.float32),
  )(bggP, rinv, h_r1, Wl, bl, Wr, W_out, b_out)


def kernel(x_reaction, x_protein, edge_index_pr, edge_index_rp, emb_reaction,
           emb_protein, Wl_pr_0, bl_pr_0, Wr_pr_0, Wl_rp_0, bl_rp_0, Wr_rp_0,
           Wl_pr_1, bl_pr_1, Wr_pr_1, Wl_rp_1, bl_rp_1, Wr_rp_1, W_out, b_out):
  del x_reaction, Wl_rp_1, bl_rp_1, Wr_rp_1
  xp_pad = jnp.pad(x_protein[:, 0], (0, P_PAD - N_P))
  src_pr = edge_index_pr[0]
  dst_pr = edge_index_pr[1]
  dst_rp = edge_index_rp[1]
  npad = E_PAD - E
  pad_src = jnp.arange(npad, dtype=jnp.int32) % N_P
  pad_dst = N_R + (jnp.arange(npad, dtype=jnp.int32) % (R_PAD - N_R))
  src2d = jnp.concatenate([src_pr, pad_src]).reshape(ECH_P, K)
  dst2d = jnp.concatenate([dst_pr, pad_dst]).reshape(ECH_P, K)

  hp0 = _sc_hp0(xp_pad, emb_protein)
  aggP = _sc_edge_agg(hp0, src2d, dst2d).reshape(NC, R_PAD, D)
  flag, cnt8 = _sc_flags(dst_pr, dst_rp)
  flag = flag.reshape(FG, P_PAD)
  cnt8 = cnt8.reshape(CG, R_PAD)

  h_p1 = _tc_protein(hp0, flag, emb_reaction, Wl_rp_0, bl_rp_0, Wr_rp_0)
  h_r1, rinv = _tc_react(aggP, cnt8, emb_reaction, Wl_pr_0, bl_pr_0, Wr_pr_0)

  bggP = _sc_edge_agg(h_p1, src2d, dst2d).reshape(NC, R_PAD, D)
  out_pad = _tc_final(bggP, rinv, h_r1, Wl_pr_1, bl_pr_1, Wr_pr_1, W_out, b_out)
  return out_pad[:N_R]

# --- scband reference (transcript-rebuilt; emitter-appended) ---
"""Pipeline reference for scband-hetero-gnn-69965017252512 (READ-ONLY COPY).

The authoritative reference and input builder live on the scoring server;
editing this copy changes nothing except your own understanding.
"""

import jax, jax.numpy as jnp
import numpy as np

N_R = 10000   # reaction nodes
N_P = 50000   # protein nodes
E = 320000    # edges per edge type
D = 128       # learned_embedding_dim == hidden_channels
OUT = 2       # out_channels


def setup_inputs(seed: int = 0) -> dict:
    key = jax.random.key(seed)
    ks = jax.random.split(key, 32)
    inp = {}
    # node index tensors (shape [N,1] as in the torch forward, squeezed inside)
    inp["x_reaction"] = jnp.zeros((N_R, 1), dtype=jnp.int32)
    inp["x_protein"] = jax.random.randint(ks[0], (N_P, 1), 0, N_P, dtype=jnp.int32)
    # edge types: protein->reaction and reaction->protein
    src_pr = jax.random.randint(ks[1], (E,), 0, N_P, dtype=jnp.int32)
    dst_pr = jax.random.randint(ks[2], (E,), 0, N_R, dtype=jnp.int32)
    inp["edge_index_pr"] = jnp.stack([src_pr, dst_pr], axis=0)
    src_rp = jax.random.randint(ks[3], (E,), 0, N_R, dtype=jnp.int32)
    dst_rp = jax.random.randint(ks[4], (E,), 0, N_P, dtype=jnp.int32)
    inp["edge_index_rp"] = jnp.stack([src_rp, dst_rp], axis=0)
    # PartialFixedEmbedding tables: reaction is a single learned row, protein a full table
    s = 1.0 / np.sqrt(D)
    inp["emb_reaction"] = jax.random.normal(ks[5], (1, D), dtype=jnp.float32) * s
    inp["emb_protein"] = jax.random.normal(ks[6], (N_P, D), dtype=jnp.float32) * s
    # SAGEConv params per layer per edge type: lin_l (W,b) for aggregated msgs, lin_r (W) for root
    i = 7
    for layer in (0, 1):
        for et in ("pr", "rp"):
            inp[f"Wl_{et}_{layer}"] = jax.random.normal(ks[i], (D, D), dtype=jnp.float32) * s; i += 1
            inp[f"bl_{et}_{layer}"] = jnp.zeros((D,), dtype=jnp.float32)
            inp[f"Wr_{et}_{layer}"] = jax.random.normal(ks[i], (D, D), dtype=jnp.float32) * s; i += 1
    inp["W_out"] = jax.random.normal(ks[i], (D, OUT), dtype=jnp.float32) * s
    inp["b_out"] = jnp.zeros((OUT,), dtype=jnp.float32)
    return inp


def _sage(x_src, x_dst, e_src, e_dst, n_dst, Wl, bl, Wr):
    # PyG SAGEConv with mean aggregation and normalize=True
    msgs = jnp.take(x_src, e_src, axis=0)
    agg = jax.ops.segment_sum(msgs, e_dst, num_segments=n_dst)
    cnt = jax.ops.segment_sum(jnp.ones((e_src.shape[0],), jnp.float32), e_dst, num_segments=n_dst)
    mean = agg / jnp.maximum(cnt, 1.0)[:, None]
    out = mean @ Wl + bl + x_dst @ Wr
    nrm = jnp.sqrt(jnp.sum(out * out, axis=-1, keepdims=True))
    return out / jnp.maximum(nrm, 1e-12)


def reference(x_reaction, x_protein, edge_index_pr, edge_index_rp,
              emb_reaction, emb_protein,
              Wl_pr_0, bl_pr_0, Wr_pr_0, Wl_rp_0, bl_rp_0, Wr_rp_0,
              Wl_pr_1, bl_pr_1, Wr_pr_1, Wl_rp_1, bl_rp_1, Wr_rp_1,
              W_out, b_out):
    # PartialFixedEmbedding: reaction nodes all map to row 0 of a 1-row table
    h_r = jnp.take(emb_reaction, jnp.zeros((x_reaction.shape[0],), jnp.int32), axis=0)
    h_p = jnp.take(emb_protein, x_protein[:, 0], axis=0)
    # HeteroConv layer 0 (aggr='sum'; one edge type per dst here) + relu
    nr = _sage(h_p, h_r, edge_index_pr[0], edge_index_pr[1], h_r.shape[0], Wl_pr_0, bl_pr_0, Wr_pr_0)
    np_ = _sage(h_r, h_p, edge_index_rp[0], edge_index_rp[1], h_p.shape[0], Wl_rp_0, bl_rp_0, Wr_rp_0)
    h_r, h_p = jax.nn.relu(nr), jax.nn.relu(np_)
    # HeteroConv layer 1 + relu
    nr = _sage(h_p, h_r, edge_index_pr[0], edge_index_pr[1], h_r.shape[0], Wl_pr_1, bl_pr_1, Wr_pr_1)
    np_ = _sage(h_r, h_p, edge_index_rp[0], edge_index_rp[1], h_p.shape[0], Wl_rp_1, bl_rp_1, Wr_rp_1)
    h_r, h_p = jax.nn.relu(nr), jax.nn.relu(np_)
    # lin_reaction on reaction nodes
    return h_r @ W_out + b_out

if __name__ == "__main__":
    import jax
    _d = setup_inputs()
    print(jax.jit(kernel)(*tuple(_d.values())))

</pallas_src>

<mosaic_0001>
#map = affine_map<(d0, d1) -> (0, 0)>
module attributes {stable_mosaic.version = 14 : i64} {
  func.func @body(%arg0: i32, %arg1: i32, %arg2: memref<50176x128xf32, #tpu.memory_space<hbm>>, %arg3: memref<2560x128xi32, #tpu.memory_space<hbm>>, %arg4: memref<2560x128xi32, #tpu.memory_space<hbm>>, %arg5: memref<20480x128xf32, #tpu.memory_space<hbm>>, %arg6: memref<10240x128xf32, #tpu.memory_space<vmem_shared>>, %arg7: memref<8x128xi32, #tpu.memory_space<vmem>>, %arg8: memref<8x128xi32, #tpu.memory_space<vmem>>, %arg9: memref<128x128xf32, #tpu.memory_space<vmem>>, %arg10: memref<128x128xf32, #tpu.memory_space<vmem>>, %arg11: memref<!tpu.dma_semaphore, #tpu.memory_space<semaphore_mem>>, %arg12: memref<!tpu.dma_semaphore, #tpu.memory_space<semaphore_mem>>, %arg13: memref<!tpu.dma_semaphore, #tpu.memory_space<semaphore_mem>>) attributes {dimension_semantics = [#tpu.dimension_semantics<core_parallel>, #tpu.dimension_semantics<subcore_parallel>], iteration_bounds = array<i64: 2, 16>, scalar_prefetch = 0 : i64, scratch_operands = 8 : i64, tpu.core_type = #tpu.core_type<sc_vector_subcore>, window_params = [{transform_indices = #map}, {transform_indices = #map}, {transform_indices = #map}, {transform_indices = #map}]} {
    %mul3A = arith.constant 2 : i32
    %mul3A_0 = arith.muli %arg1, %mul3A : i32
    %add3A = arith.addi %mul3A_0, %arg0 : i32
    %scan3A = arith.constant 0 : i32
    %scan3A_1 = arith.constant 128 : i32
    %scan3A_2 = arith.addi %scan3A, %scan3A_1 : i32
    %scan3A_3 = arith.constant 1 : i32
    scf.for %scan3A_88 = %scan3A to %scan3A_2 step %scan3A_3  : i32 {
      %mul3A_89 = arith.constant 1 : i32
      %mul3A_90 = arith.muli %scan3A_88, %mul3A_89 : i32
      %add3A_91 = arith.constant 0 : i32
      %add3A_92 = arith.addi %add3A_91, %mul3A_90 : i32
      %broadcast_in_dim3A = arith.constant 0.000000e+00 : f32
      %broadcast_in_dim3A_93 = vector.broadcast %broadcast_in_dim3A : f32 to vector<16xf32>
      %swap3A = arith.index_cast %add3A_92 : i32 to index
      %swap3A_94 = arith.constant 0 : index
      %swap3A_95 = tpu.vector_load %arg9[%swap3A, %swap3A_94] {strides = array<i32>} : memref<128x128xf32, #tpu.memory_space<vmem>>, vector<16xf32>,
      tpu.vector_store %arg9[%swap3A, %swap3A_94], %broadcast_in_dim3A_93 {strides = array<i32>} : memref<128x128xf32, #tpu.memory_space<vmem>>, vector<16xf32>,
      %broadcast_in_dim3A_96 = arith.constant 0.000000e+00 : f32
      %broadcast_in_dim3A_97 = vector.broadcast %broadcast_in_dim3A_96 : f32 to vector<16xf32>
      %swap3A_98 = arith.index_cast %add3A_92 : i32 to index
      %swap3A_99 = arith.constant 16 : index
      %swap3A_100 = tpu.vector_load %arg9[%swap3A_98, %swap3A_99] {strides = array<i32>} : memref<128x128xf32, #tpu.memory_space<vmem>>, vector<16xf32>,
      tpu.vector_store %arg9[%swap3A_98, %swap3A_99], %broadcast_in_dim3A_97 {strides = array<i32>} : memref<128x128xf32, #tpu.memory_space<vmem>>, vector<16xf32>,
      %broadcast_in_dim3A_101 = arith.constant 0.000000e+00 : f32
      %broadcast_in_dim3A_102 = vector.broadcast %broadcast_in_dim3A_101 : f32 to vector<16xf32>
      %swap3A_103 = arith.index_cast %add3A_92 : i32 to index
      %swap3A_104 = arith.constant 32 : index
      %swap3A_105 = tpu.vector_load %arg9[%swap3A_103, %swap3A_104] {strides = array<i32>} : memref<128x128xf32, #tpu.memory_space<vmem>>, vector<16xf32>,
      tpu.vector_store %arg9[%swap3A_103, %swap3A_104], %broadcast_in_dim3A_102 {strides = array<i32>} : memref<128x128xf32, #tpu.memory_space<vmem>>, vector<16xf32>,
      %broadcast_in_dim3A_106 = arith.constant 0.000000e+00 : f32
      %broadcast_in_dim3A_107 = vector.broadcast %broadcast_in_dim3A_106 : f32 to vector<16xf32>
      %swap3A_108 = arith.index_cast %add3A_92 : i32 to index
      %swap3A_109 = arith.constant 48 : index
      %swap3A_110 = tpu.vector_load %arg9[%swap3A_108, %swap3A_109] {strides = array<i32>} : memref<128x128xf32, #tpu.memory_space<vmem>>, vector<16xf32>,
      tpu.vector_store %arg9[%swap3A_108, %swap3A_109], %broadcast_in_dim3A_107 {strides = array<i32>} : memref<128x128xf32, #tpu.memory_space<vmem>>, vector<16xf32>,
      %broadcast_in_dim3A_111 = arith.constant 0.000000e+00 : f32
      %broadcast_in_dim3A_112 = vector.broadcast %broadcast_in_dim3A_111 : f32 to vector<16xf32>
      %swap3A_113 = arith.index_cast %add3A_92 : i32 to index
      %swap3A_114 = arith.constant 64 : index
      %swap3A_115 = tpu.vector_load %arg9[%swap3A_113, %swap3A_114] {strides = array<i32>} : memref<128x128xf32, #tpu.memory_space<vmem>>, vector<16xf32>,
      tpu.vector_store %arg9[%swap3A_113, %swap3A_114], %broadcast_in_dim3A_112 {strides = array<i32>} : memref<128x128xf32, #tpu.memory_space<vmem>>, vector<16xf32>,
      %broadcast_in_dim3A_116 = arith.constant 0.000000e+00 : f32
      %broadcast_in_dim3A_117 = vector.broadcast %broadcast_in_dim3A_116 : f32 to vector<16xf32>
      %swap3A_118 = arith.index_cast %add3A_92 : i32 to index
      %swap3A_119 = arith.constant 80 : index
      %swap3A_120 = tpu.vector_load %arg9[%swap3A_118, %swap3A_119] {strides = array<i32>} : memref<128x128xf32, #tpu.memory_space<vmem>>, vector<16xf32>,
      tpu.vector_store %arg9[%swap3A_118, %swap3A_119], %broadcast_in_dim3A_117 {strides = array<i32>} : memref<128x128xf32, #tpu.memory_space<vmem>>, vector<16xf32>,
      %broadcast_in_dim3A_121 = arith.constant 0.000000e+00 : f32
      %broadcast_in_dim3A_122 = vector.broadcast %broadcast_in_dim3A_121 : f32 to vector<16xf32>
      %swap3A_123 = arith.index_cast %add3A_92 : i32 to index
      %swap3A_124 = arith.constant 96 : index
      %swap3A_125 = tpu.vector_load %arg9[%swap3A_123, %swap3A_124] {strides = array<i32>} : memref<128x128xf32, #tpu.memory_space<vmem>>, vector<16xf32>,
      tpu.vector_store %arg9[%swap3A_123, %swap3A_124], %broadcast_in_dim3A_122 {strides = array<i32>} : memref<128x128xf32, #tpu.memory_space<vmem>>, vector<16xf32>,
      %broadcast_in_dim3A_126 = arith.constant 0.000000e+00 : f32
      %broadcast_in_dim3A_127 = vector.broadcast %broadcast_in_dim3A_126 : f32 to vector<16xf32>
      %swap3A_128 = arith.index_cast %add3A_92 : i32 to index
      %swap3A_129 = arith.constant 112 : index
      %swap3A_130 = tpu.vector_load %arg9[%swap3A_128, %swap3A_129] {strides = array<i32>} : memref<128x128xf32, #tpu.memory_space<vmem>>, vector<16xf32>,
      tpu.vector_store %arg9[%swap3A_128, %swap3A_129], %broadcast_in_dim3A_127 {strides = array<i32>} : memref<128x128xf32, #tpu.memory_space<vmem>>, vector<16xf32>,
    }
    %scan3A_4 = arith.constant 128 : i32
    %mul3A_5 = arith.constant 640 : i32
    %mul3A_6 = arith.muli %arg1, %mul3A_5 : i32
    %add3A_7 = arith.constant 0 : i32
    %add3A_8 = arith.addi %mul3A_6, %add3A_7 : i32
    "tpu.region"() ({
      %run_scoped3A = tpu.sem_alloc : memref<!tpu.dma_semaphore, #tpu.memory_space<semaphore_mem>>
      %dma_start3A = arith.constant 0 : i32
      %dma_start3A_88 = tpu.memref_slice %arg6[%add3A_8, %dma_start3A] : memref<10240x128xf32, #tpu.memory_space<vmem_shared>> -> memref<128x128xf32, #tpu.memory_space<vmem_shared>>
      %dma_start3A_89 = arith.constant 0 : i32
      %dma_start3A_90 = tpu.memref_slice %arg6[%add3A_8, %dma_start3A_89] : memref<10240x128xf32, #tpu.memory_space<vmem_shared>> -> memref<128x128xf32, #tpu.memory_space<vmem_shared>>
      tpu.enqueue_dma source(%arg9 : memref<128x128xf32, #tpu.memory_space<vmem>>) target(%dma_start3A_90 : memref<128x128xf32, #tpu.memory_space<vmem_shared>>) target_semaphore(%run_scoped3A : memref<!tpu.dma_semaphore, #tpu.memory_space<semaphore_mem>>)
      %dma_wait3A = arith.constant 0 : i32
      %dma_wait3A_91 = tpu.memref_slice %arg6[%add3A_8, %dma_wait3A] : memref<10240x128xf32, #tpu.memory_space<vmem_shared>> -> memref<128x128xf32, #tpu.memory_space<vmem_shared>>
      %dma_wait3A_92 = arith.constant 0 : i32
      %dma_wait3A_93 = tpu.memref_slice %arg6[%add3A_8, %dma_wait3A_92] : memref<10240x128xf32, #tpu.memory_space<vmem_shared>> -> memref<128x128xf32, #tpu.memory_space<vmem_shared>>
      tpu.wait_dma2 semaphore(%run_scoped3A : memref<!tpu.dma_semaphore, #tpu.memory_space<semaphore_mem>>) src(%arg9 : memref<128x128xf32, #tpu.memory_space<vmem>>) dst(%dma_wait3A_93 : memref<128x128xf32, #tpu.memory_space<vmem_shared>>)
      tpu.yield
    }) : () -> ()
    %mul3A_9 = arith.constant 640 : i32
    %mul3A_10 = arith.muli %arg1, %mul3A_9 : i32
    %add3A_11 = arith.constant 128 : i32
    %add3A_12 = arith.addi %mul3A_10, %add3A_11 : i32
    "tpu.region"() ({
      %run_scoped3A = tpu.sem_alloc : memref<!tpu.dma_semaphore, #tpu.memory_space<semaphore_mem>>
      %dma_start3A = arith.constant 0 : i32
      %dma_start3A_88 = tpu.memref_slice %arg6[%add3A_12, %dma_start3A] : memref<10240x128xf32, #tpu.memory_space<vmem_shared>> -> memref<128x128xf32, #tpu.memory_space<vmem_shared>>
      %dma_start3A_89 = arith.constant 0 : i32
      %dma_start3A_90 = tpu.memref_slice %arg6[%add3A_12, %dma_start3A_89] : memref<10240x128xf32, #tpu.memory_space<vmem_shared>> -> memref<128x128xf32, #tpu.memory_space<vmem_shared>>
      tpu.enqueue_dma source(%arg9 : memref<128x128xf32, #tpu.memory_space<vmem>>) target(%dma_start3A_90 : memref<128x128xf32, #tpu.memory_space<vmem_shared>>) target_semaphore(%run_scoped3A : memref<!tpu.dma_semaphore, #tpu.memory_space<semaphore_mem>>)
      %dma_wait3A = arith.constant 0 : i32
      %dma_wait3A_91 = tpu.memref_slice %arg6[%add3A_12, %dma_wait3A] : memref<10240x128xf32, #tpu.memory_space<vmem_shared>> -> memref<128x128xf32, #tpu.memory_space<vmem_shared>>
      %dma_wait3A_92 = arith.constant 0 : i32
      %dma_wait3A_93 = tpu.memref_slice %arg6[%add3A_12, %dma_wait3A_92] : memref<10240x128xf32, #tpu.memory_space<vmem_shared>> -> memref<128x128xf32, #tpu.memory_space<vmem_shared>>
      tpu.wait_dma2 semaphore(%run_scoped3A : memref<!tpu.dma_semaphore, #tpu.memory_space<semaphore_mem>>) src(%arg9 : memref<128x128xf32, #tpu.memory_space<vmem>>) dst(%dma_wait3A_93 : memref<128x128xf32, #tpu.memory_space<vmem_shared>>)
      tpu.yield
    }) : () -> ()
    %mul3A_13 = arith.constant 640 : i32
    %mul3A_14 = arith.muli %arg1, %mul3A_13 : i32
    %add3A_15 = arith.constant 256 : i32
    %add3A_16 = arith.addi %mul3A_14, %add3A_15 : i32
    "tpu.region"() ({
      %run_scoped3A = tpu.sem_alloc : memref<!tpu.dma_semaphore, #tpu.memory_space<semaphore_mem>>
      %dma_start3A = arith.constant 0 : i32
      %dma_start3A_88 = tpu.memref_slice %arg6[%add3A_16, %dma_start3A] : memref<10240x128xf32, #tpu.memory_space<vmem_shared>> -> memref<128x128xf32, #tpu.memory_space<vmem_shared>>
      %dma_start3A_89 = arith.constant 0 : i32
      %dma_start3A_90 = tpu.memref_slice %arg6[%add3A_16, %dma_start3A_89] : memref<10240x128xf32, #tpu.memory_space<vmem_shared>> -> memref<128x128xf32, #tpu.memory_space<vmem_shared>>
      tpu.enqueue_dma source(%arg9 : memref<128x128xf32, #tpu.memory_space<vmem>>) target(%dma_start3A_90 : memref<128x128xf32, #tpu.memory_space<vmem_shared>>) target_semaphore(%run_scoped3A : memref<!tpu.dma_semaphore, #tpu.memory_space<semaphore_mem>>)
      %dma_wait3A = arith.constant 0 : i32
      %dma_wait3A_91 = tpu.memref_slice %arg6[%add3A_16, %dma_wait3A] : memref<10240x128xf32, #tpu.memory_space<vmem_shared>> -> memref<128x128xf32, #tpu.memory_space<vmem_shared>>
      %dma_wait3A_92 = arith.constant 0 : i32
      %dma_wait3A_93 = tpu.memref_slice %arg6[%add3A_16, %dma_wait3A_92] : memref<10240x128xf32, #tpu.memory_space<vmem_shared>> -> memref<128x128xf32, #tpu.memory_space<vmem_shared>>
      tpu.wait_dma2 semaphore(%run_scoped3A : memref<!tpu.dma_semaphore, #tpu.memory_space<semaphore_mem>>) src(%arg9 : memref<128x128xf32, #tpu.memory_space<vmem>>) dst(%dma_wait3A_93 : memref<128x128xf32, #tpu.memory_space<vmem_shared>>)
      tpu.yield
    }) : () -> ()
    %mul3A_17 = arith.constant 640 : i32
    %mul3A_18 = arith.muli %arg1, %mul3A_17 : i32
    %add3A_19 = arith.constant 384 : i32
    %add3A_20 = arith.addi %mul3A_18, %add3A_19 : i32
    "tpu.region"() ({
      %run_scoped3A = tpu.sem_alloc : memref<!tpu.dma_semaphore, #tpu.memory_space<semaphore_mem>>
      %dma_start3A = arith.constant 0 : i32
      %dma_start3A_88 = tpu.memref_slice %arg6[%add3A_20, %dma_start3A] : memref<10240x128xf32, #tpu.memory_space<vmem_shared>> -> memref<128x128xf32, #tpu.memory_space<vmem_shared>>
      %dma_start3A_89 = arith.constant 0 : i32
      %dma_start3A_90 = tpu.memref_slice %arg6[%add3A_20, %dma_start3A_89] : memref<10240x128xf32, #tpu.memory_space<vmem_shared>> -> memref<128x128xf32, #tpu.memory_space<vmem_shared>>
      tpu.enqueue_dma source(%arg9 : memref<128x128xf32, #tpu.memory_space<vmem>>) target(%dma_start3A_90 : memref<128x128xf32, #tpu.memory_space<vmem_shared>>) target_semaphore(%run_scoped3A : memref<!tpu.dma_semaphore, #tpu.memory_space<semaphore_mem>>)
      %dma_wait3A = arith.constant 0 : i32
      %dma_wait3A_91 = tpu.memref_slice %arg6[%add3A_20, %dma_wait3A] : memref<10240x128xf32, #tpu.memory_space<vmem_shared>> -> memref<128x128xf32, #tpu.memory_space<vmem_shared>>
      %dma_wait3A_92 = arith.constant 0 : i32
      %dma_wait3A_93 = tpu.memref_slice %arg6[%add3A_20, %dma_wait3A_92] : memref<10240x128xf32, #tpu.memory_space<vmem_shared>> -> memref<128x128xf32, #tpu.memory_space<vmem_shared>>
      tpu.wait_dma2 semaphore(%run_scoped3A : memref<!tpu.dma_semaphore, #tpu.memory_space<semaphore_mem>>) src(%arg9 : memref<128x128xf32, #tpu.memory_space<vmem>>) dst(%dma_wait3A_93 : memref<128x128xf32, #tpu.memory_space<vmem_shared>>)
      tpu.yield
    }) : () -> ()
    %mul3A_21 = arith.constant 640 : i32
    %mul3A_22 = arith.muli %arg1, %mul3A_21 : i32
    %add3A_23 = arith.constant 512 : i32
    %add3A_24 = arith.addi %mul3A_22, %add3A_23 : i32
    "tpu.region"() ({
      %run_scoped3A = tpu.sem_alloc : memref<!tpu.dma_semaphore, #tpu.memory_space<semaphore_mem>>
      %dma_start3A = arith.constant 0 : i32
      %dma_start3A_88 = tpu.memref_slice %arg6[%add3A_24, %dma_start3A] : memref<10240x128xf32, #tpu.memory_space<vmem_shared>> -> memref<128x128xf32, #tpu.memory_space<vmem_shared>>
      %dma_start3A_89 = arith.constant 0 : i32
      %dma_start3A_90 = tpu.memref_slice %arg6[%add3A_24, %dma_start3A_89] : memref<10240x128xf32, #tpu.memory_space<vmem_shared>> -> memref<128x128xf32, #tpu.memory_space<vmem_shared>>
      tpu.enqueue_dma source(%arg9 : memref<128x128xf32, #tpu.memory_space<vmem>>) target(%dma_start3A_90 : memref<128x128xf32, #tpu.memory_space<vmem_shared>>) target_semaphore(%run_scoped3A : memref<!tpu.dma_semaphore, #tpu.memory_space<semaphore_mem>>)
      %dma_wait3A = arith.constant 0 : i32
      %dma_wait3A_91 = tpu.memref_slice %arg6[%add3A_24, %dma_wait3A] : memref<10240x128xf32, #tpu.memory_space<vmem_shared>> -> memref<128x128xf32, #tpu.memory_space<vmem_shared>>
      %dma_wait3A_92 = arith.constant 0 : i32
      %dma_wait3A_93 = tpu.memref_slice %arg6[%add3A_24, %dma_wait3A_92] : memref<10240x128xf32, #tpu.memory_space<vmem_shared>> -> memref<128x128xf32, #tpu.memory_space<vmem_shared>>
      tpu.wait_dma2 semaphore(%run_scoped3A : memref<!tpu.dma_semaphore, #tpu.memory_space<semaphore_mem>>) src(%arg9 : memref<128x128xf32, #tpu.memory_space<vmem>>) dst(%dma_wait3A_93 : memref<128x128xf32, #tpu.memory_space<vmem_shared>>)
      tpu.yield
    }) : () -> ()
    %barrier3A = arith.constant 0 : index
    tpu.barrier barrier_id(%barrier3A)
    %mul3A_25 = arith.constant 80 : i32
    %mul3A_26 = arith.muli %add3A, %mul3A_25 : i32
    %scan3A_27 = arith.constant 0 : i32
    %scan3A_28 = arith.constant 10 : i32
    %scan3A_29 = arith.addi %scan3A_27, %scan3A_28 : i32
    %scan3A_30 = arith.constant 1 : i32
    scf.for %scan3A_88 = %scan3A_27 to %scan3A_29 step %scan3A_30  : i32 {
      %mul3A_89 = arith.constant 1 : i32
      %mul3A_90 = arith.muli %scan3A_88, %mul3A_89 : i32
      %add3A_91 = arith.constant 0 : i32
      %add3A_92 = arith.addi %add3A_91, %mul3A_90 : i32
      %mul3A_93 = arith.constant 8 : i32
      %mul3A_94 = arith.muli %add3A_92, %mul3A_93 : i32
      %add3A_95 = arith.addi %mul3A_26, %mul3A_94 : i32
      "tpu.region"() ({
        %run_scoped3A = tpu.sem_alloc : memref<!tpu.dma_semaphore, #tpu.memory_space<semaphore_mem>>
        %dma_start3A_318 = arith.constant 0 : i32
        %dma_start3A_319 = tpu.memref_slice %arg3[%add3A_95, %dma_start3A_318] : memref<2560x128xi32, #tpu.memory_space<hbm>> -> memref<8x128xi32, #tpu.memory_space<hbm>>
        %dma_start3A_320 = arith.constant 0 : i32
        %dma_start3A_321 = tpu.memref_slice %arg3[%add3A_95, %dma_start3A_320] : memref<2560x128xi32, #tpu.memory_space<hbm>> -> memref<8x128xi32, #tpu.memory_space<hbm>>
        tpu.enqueue_dma source(%dma_start3A_321 : memref<8x128xi32, #tpu.memory_space<hbm>>) target(%arg7 : memref<8x128xi32, #tpu.memory_space<vmem>>) target_semaphore(%run_scoped3A : memref<!tpu.dma_semaphore, #tpu.memory_space<semaphore_mem>>)
        %dma_wait3A_322 = arith.constant 0 : i32
        %dma_wait3A_323 = tpu.memref_slice %arg3[%add3A_95, %dma_wait3A_322] : memref<2560x128xi32, #tpu.memory_space<hbm>> -> memref<8x128xi32, #tpu.memory_space<hbm>>
        %dma_wait3A_324 = arith.constant 0 : i32
        %dma_wait3A_325 = tpu.memref_slice %arg3[%add3A_95, %dma_wait3A_324] : memref<2560x128xi32, #tpu.memory_space<hbm>> -> memref<8x128xi32, #tpu.memory_space<hbm>>
        tpu.wait_dma2 semaphore(%run_scoped3A : memref<!tpu.dma_semaphore, #tpu.memory_space<semaphore_mem>>) src(%dma_wait3A_325 : memref<8x128xi32, #tpu.memory_space<hbm>>) dst(%arg7 : memref<8x128xi32, #tpu.memory_space<vmem>>)
        tpu.yield
      }) : () -> ()
      "tpu.region"() ({
        %run_scoped3A = tpu.sem_alloc : memref<!tpu.dma_semaphore, #tpu.memory_space<semaphore_mem>>
        %dma_start3A_318 = arith.constant 0 : i32
        %dma_start3A_319 = tpu.memref_slice %arg4[%add3A_95, %dma_start3A_318] : memref<2560x128xi32, #tpu.memory_space<hbm>> -> memref<8x128xi32, #tpu.memory_space<hbm>>
        %dma_start3A_320 = arith.constant 0 : i32
        %dma_start3A_321 = tpu.memref_slice %arg4[%add3A_95, %dma_start3A_320] : memref<2560x128xi32, #tpu.memory_space<hbm>> -> memref<8x128xi32, #tpu.memory_space<hbm>>
        tpu.enqueue_dma source(%dma_start3A_321 : memref<8x128xi32, #tpu.memory_space<hbm>>) target(%arg8 : memref<8x128xi32, #tpu.memory_space<vmem>>) target_semaphore(%run_scoped3A : memref<!tpu.dma_semaphore, #tpu.memory_space<semaphore_mem>>)
        %dma_wait3A_322 = arith.constant 0 : i32
        %dma_wait3A_323 = tpu.memref_slice %arg4[%add3A_95, %dma_wait3A_322] : memref<2560x128xi32, #tpu.memory_space<hbm>> -> memref<8x128xi32, #tpu.memory_space<hbm>>
        %dma_wait3A_324 = arith.constant 0 : i32
        %dma_wait3A_325 = tpu.memref_slice %arg4[%add3A_95, %dma_wait3A_324] : memref<2560x128xi32, #tpu.memory_space<hbm>> -> memref<8x128xi32, #tpu.memory_space<hbm>>
        tpu.wait_dma2 semaphore(%run_scoped3A : memref<!tpu.dma_semaphore, #tpu.memory_space<semaphore_mem>>) src(%dma_wait3A_325 : memref<8x128xi32, #tpu.memory_space<hbm>>) dst(%arg8 : memref<8x128xi32, #tpu.memory_space<vmem>>)
        tpu.yield
      }) : () -> ()
      %dma_start3A = arith.constant 0 : i32
      %dma_start3A_96 = arith.constant 0 : i32
      %dma_start3A_97 = tpu.memref_slice %arg7[%dma_start3A, %dma_start3A_96] : memref<8x128xi32, #tpu.memory_space<vmem>> -> memref<1x128xi32, #tpu.memory_space<vmem>>
      %dma_start3A_98 = tpu.memref_squeeze %dma_start3A_97 : memref<1x128xi32, #tpu.memory_space<vmem>> -> memref<128xi32, #tpu.memory_space<vmem>>
      %dma_start3A_99 = arith.constant 0 : i32
      %dma_start3A_100 = arith.constant 0 : i32
      %dma_start3A_101 = tpu.memref_slice %arg2[%dma_start3A_99, %dma_start3A_100] : memref<50176x128xf32, #tpu.memory_space<hbm>> -> memref<50176x128xf32, #tpu.memory_space<hbm>>
      tpu.enqueue_indirect_dma source(%dma_start3A_101 : memref<50176x128xf32, #tpu.memory_space<hbm>>) target(%arg9 : memref<128x128xf32, #tpu.memory_space<vmem>>) offsets(%dma_start3A_98 : memref<128xi32, #tpu.memory_space<vmem>>) semaphore(%arg11 : memref<!tpu.dma_semaphore, #tpu.memory_space<semaphore_mem>>)
      %dma_wait3A = arith.constant 0 : i32
      %dma_wait3A_102 = arith.constant 0 : i32
      %dma_wait3A_103 = tpu.memref_slice %arg7[%dma_wait3A, %dma_wait3A_102] : memref<8x128xi32, #tpu.memory_space<vmem>> -> memref<1x128xi32, #tpu.memory_space<vmem>>
      %dma_wait3A_104 = tpu.memref_squeeze %dma_wait3A_103 : memref<1x128xi32, #tpu.memory_space<vmem>> -> memref<128xi32, #tpu.memory_space<vmem>>
      %dma_wait3A_105 = arith.constant 0 : i32
      %dma_wait3A_106 = arith.constant 0 : i32
      %dma_wait3A_107 = tpu.memref_slice %arg2[%dma_wait3A_105, %dma_wait3A_106] : memref<50176x128xf32, #tpu.memory_space<hbm>> -> memref<50176x128xf32, #tpu.memory_space<hbm>>
      tpu.wait_indirect_dma semaphore(%arg11 : memref<!tpu.dma_semaphore, #tpu.memory_space<semaphore_mem>>) src(%dma_wait3A_107 : memref<50176x128xf32, #tpu.memory_space<hbm>>) dst(%arg9 : memref<128x128xf32, #tpu.memory_space<vmem>>)
      %dma_start3A_108 = arith.constant 0 : i32
      %dma_start3A_109 = arith.constant 0 : i32
      %dma_start3A_110 = tpu.memref_slice %arg8[%dma_start3A_108, %dma_start3A_109] : memref<8x128xi32, #tpu.memory_space<vmem>> -> memref<1x128xi32, #tpu.memory_space<vmem>>
      %dma_start3A_111 = tpu.memref_squeeze %dma_start3A_110 : memref<1x128xi32, #tpu.memory_space<vmem>> -> memref<128xi32, #tpu.memory_space<vmem>>
      %dma_start3A_112 = arith.constant 0 : i32
      %dma_start3A_113 = arith.constant 0 : i32
      %dma_start3A_114 = tpu.memref_slice %arg6[%dma_start3A_112, %dma_start3A_113] : memref<10240x128xf32, #tpu.memory_space<vmem_shared>> -> memref<10240x128xf32, #tpu.memory_space<vmem_shared>>
      tpu.enqueue_indirect_dma source(%arg9 : memref<128x128xf32, #tpu.memory_space<vmem>>) target(%dma_start3A_114 : memref<10240x128xf32, #tpu.memory_space<vmem_shared>>) offsets(%dma_start3A_111 : memref<128xi32, #tpu.memory_space<vmem>>) semaphore(%arg12 : memref<!tpu.dma_semaphore, #tpu.memory_space<semaphore_mem>>) {add = true}
      %dma_start3A_115 = arith.constant 1 : i32
      %dma_start3A_116 = arith.constant 0 : i32
      %dma_start3A_117 = tpu.memref_slice %arg7[%dma_start3A_115, %dma_start3A_116] : memref<8x128xi32, #tpu.memory_space<vmem>> -> memref<1x128xi32, #tpu.memory_space<vmem>>
      %dma_start3A_118 = tpu.memref_squeeze %dma_start3A_117 : memref<1x128xi32, #tpu.memory_space<vmem>> -> memref<128xi32, #tpu.memory_space<vmem>>
      %dma_start3A_119 = arith.constant 0 : i32
      %dma_start3A_120 = arith.constant 0 : i32
      %dma_start3A_121 = tpu.memref_slice %arg2[%dma_start3A_119, %dma_start3A_120] : memref<50176x128xf32, #tpu.memory_space<hbm>> -> memref<50176x128xf32, #tpu.memory_space<hbm>>
      tpu.enqueue_indirect_dma source(%dma_start3A_121 : memref<50176x128xf32, #tpu.memory_space<hbm>>) target(%arg10 : memref<128x128xf32, #tpu.memory_space<vmem>>) offsets(%dma_start3A_118 : memref<128xi32, #tpu.memory_space<vmem>>) semaphore(%arg11 : memref<!tpu.dma_semaphore, #tpu.memory_space<semaphore_mem>>)
      %dma_wait3A_122 = arith.constant 1 : i32
      %dma_wait3A_123 = arith.constant 0 : i32
      %dma_wait3A_124 = tpu.memref_slice %arg7[%dma_wait3A_122, %dma_wait3A_123] : memref<8x128xi32, #tpu.memory_space<vmem>> -> memref<1x128xi32, #tpu.memory_space<vmem>>
      %dma_wait3A_125 = tpu.memref_squeeze %dma_wait3A_124 : memref<1x128xi32, #tpu.memory_space<vmem>> -> memref<128xi32, #tpu.memory_space<vmem>>
      %dma_wait3A_126 = arith.constant 0 : i32
      %dma_wait3A_127 = arith.constant 0 : i32
      %dma_wait3A_128 = tpu.memref_slice %arg2[%dma_wait3A_126, %dma_wait3A_127] : memref<50176x128xf32, #tpu.memory_space<hbm>> -> memref<50176x128xf32, #tpu.memory_space<hbm>>
      tpu.wait_indirect_dma semaphore(%arg11 : memref<!tpu.dma_semaphore, #tpu.memory_space<semaphore_mem>>) src(%dma_wait3A_128 : memref<50176x128xf32, #tpu.memory_space<hbm>>) dst(%arg10 : memref<128x128xf32, #tpu.memory_space<vmem>>)
      %dma_start3A_129 = arith.constant 1 : i32
      %dma_start3A_130 = arith.constant 0 : i32
      %dma_start3A_131 = tpu.memref_slice %arg8[%dma_start3A_129, %dma_start3A_130] : memref<8x128xi32, #tpu.memory_space<vmem>> -> memref<1x128xi32, #tpu.memory_space<vmem>>
      %dma_start3A_132 = tpu.memref_squeeze %dma_start3A_131 : memref<1x128xi32, #tpu.memory_space<vmem>> -> memref<128xi32, #tpu.memory_space<vmem>>
      %dma_start3A_133 = arith.constant 0 : i32
      %dma_start3A_134 = arith.constant 0 : i32
      %dma_start3A_135 = tpu.memref_slice %arg6[%dma_start3A_133, %dma_start3A_134] : memref<10240x128xf32, #tpu.memory_space<vmem_shared>> -> memref<10240x128xf32, #tpu.memory_space<vmem_shared>>
      tpu.enqueue_indirect_dma source(%arg10 : memref<128x128xf32, #tpu.memory_space<vmem>>) target(%dma_start3A_135 : memref<10240x128xf32, #tpu.memory_space<vmem_shared>>) offsets(%dma_start3A_132 : memref<128xi32, #tpu.memory_space<vmem>>) semaphore(%arg13 : memref<!tpu.dma_semaphore, #tpu.memory_space<semaphore_mem>>) {add = true}
      %dma_wait3A_136 = arith.constant 2 : i32
      %dma_wait3A_137 = arith.constant 0 : i32
      %dma_wait3A_138 = tpu.memref_slice %arg8[%dma_wait3A_136, %dma_wait3A_137] : memref<8x128xi32, #tpu.memory_space<vmem>> -> memref<1x128xi32, #tpu.memory_space<vmem>>
      %dma_wait3A_139 = tpu.memref_squeeze %dma_wait3A_138 : memref<1x128xi32, #tpu.memory_space<vmem>> -> memref<128xi32, #tpu.memory_space<vmem>>
      %dma_wait3A_140 = arith.constant 0 : i32
      %dma_wait3A_141 = arith.constant 0 : i32
      %dma_wait3A_142 = tpu.memref_slice %arg6[%dma_wait3A_140, %dma_wait3A_141] : memref<10240x128xf32, #tpu.memory_space<vmem_shared>> -> memref<10240x128xf32, #tpu.memory_space<vmem_shared>>
      tpu.wait_indirect_dma semaphore(%arg12 : memref<!tpu.dma_semaphore, #tpu.memory_space<semaphore_mem>>) src(%arg9 : memref<128x128xf32, #tpu.memory_space<vmem>>) dst(%dma_wait3A_142 : memref<10240x128xf32, #tpu.memory_space<vmem_shared>>)
      %dma_start3A_143 = arith.constant 2 : i32
      %dma_start3A_144 = arith.constant 0 : i32
      %dma_start3A_145 = tpu.memref_slice %arg7[%dma_start3A_143, %dma_start3A_144] : memref<8x128xi32, #tpu.memory_space<vmem>> -> memref<1x128xi32, #tpu.memory_space<vmem>>
      %dma_start3A_146 = tpu.memref_squeeze %dma_start3A_145 : memref<1x128xi32, #tpu.memory_space<vmem>> -> memref<128xi32, #tpu.memory_space<vmem>>
      %dma_start3A_147 = arith.constant 0 : i32
      %dma_start3A_148 = arith.constant 0 : i32
      %dma_start3A_149 = tpu.memref_slice %arg2[%dma_start3A_147, %dma_start3A_148] : memref<50176x128xf32, #tpu.memory_space<hbm>> -> memref<50176x128xf32, #tpu.memory_space<hbm>>
      tpu.enqueue_indirect_dma source(%dma_start3A_149 : memref<50176x128xf32, #tpu.memory_space<hbm>>) target(%arg9 : memref<128x128xf32, #tpu.memory_space<vmem>>) offsets(%dma_start3A_146 : memref<128xi32, #tpu.memory_space<vmem>>) semaphore(%arg11 : memref<!tpu.dma_semaphore, #tpu.memory_space<semaphore_mem>>)
      %dma_wait3A_150 = arith.constant 2 : i32
      %dma_wait3A_151 = arith.constant 0 : i32
      %dma_wait3A_152 = tpu.memref_slice %arg7[%dma_wait3A_150, %dma_wait3A_151] : memref<8x128xi32, #tpu.memory_space<vmem>> -> memref<1x128xi32, #tpu.memory_space<vmem>>
      %dma_wait3A_153 = tpu.memref_squeeze %dma_wait3A_152 : memref<1x128xi32, #tpu.memory_space<vmem>> -> memref<128xi32, #tpu.memory_space<vmem>>
      %dma_wait3A_154 = arith.constant 0 : i32
      %dma_wait3A_155 = arith.constant 0 : i32
      %dma_wait3A_156 = tpu.memref_slice %arg2[%dma_wait3A_154, %dma_wait3A_155] : memref<50176x128xf32, #tpu.memory_space<hbm>> -> memref<50176x128xf32, #tpu.memory_space<hbm>>
      tpu.wait_indirect_dma semaphore(%arg11 : memref<!tpu.dma_semaphore, #tpu.memory_space<semaphore_mem>>) src(%dma_wait3A_156 : memref<50176x128xf32, #tpu.memory_space<hbm>>) dst(%arg9 : memref<128x128xf32, #tpu.memory_space<vmem>>)
      %dma_start3A_157 = arith.constant 2 : i32
      %dma_start3A_158 = arith.constant 0 : i32
      %dma_start3A_159 = tpu.memref_slice %arg8[%dma_start3A_157, %dma_start3A_158] : memref<8x128xi32, #tpu.memory_space<vmem>> -> memref<1x128xi32, #tpu.memory_space<vmem>>
      %dma_start3A_160 = tpu.memref_squeeze %dma_start3A_159 : memref<1x128xi32, #tpu.memory_space<vmem>> -> memref<128xi32, #tpu.memory_space<vmem>>
      %dma_start3A_161 = arith.constant 0 : i32
      %dma_start3A_162 = arith.constant 0 : i32
      %dma_start3A_163 = tpu.memref_slice %arg6[%dma_start3A_161, %dma_start3A_162] : memref<10240x128xf32, #tpu.memory_space<vmem_shared>> -> memref<10240x128xf32, #tpu.memory_space<vmem_shared>>
      tpu.enqueue_indirect_dma source(%arg9 : memref<128x128xf32, #tpu.memory_space<vmem>>) target(%dma_start3A_163 : memref<10240x128xf32, #tpu.memory_space<vmem_shared>>) offsets(%dma_start3A_160 : memref<128xi32, #tpu.memory_space<vmem>>) semaphore(%arg12 : memref<!tpu.dma_semaphore, #tpu.memory_space<semaphore_mem>>) {add = true}
      %dma_wait3A_164 = arith.constant 3 : i32
      %dma_wait3A_165 = arith.constant 0 : i32
      %dma_wait3A_166 = tpu.memref_slice %arg8[%dma_wait3A_164, %dma_wait3A_165] : memref<8x128xi32, #tpu.memory_space<vmem>> -> memref<1x128xi32, #tpu.memory_space<vmem>>
      %dma_wait3A_167 = tpu.memref_squeeze %dma_wait3A_166 : memref<1x128xi32, #tpu.memory_space<vmem>> -> memref<128xi32, #tpu.memory_space<vmem>>
      %dma_wait3A_168 = arith.constant 0 : i32
      %dma_wait3A_169 = arith.constant 0 : i32
      %dma_wait3A_170 = tpu.memref_slice %arg6[%dma_wait3A_168, %dma_wait3A_169] : memref<10240x128xf32, #tpu.memory_space<vmem_shared>> -> memref<10240x128xf32, #tpu.memory_space<vmem_shared>>
      tpu.wait_indirect_dma semaphore(%arg13 : memref<!tpu.dma_semaphore, #tpu.memory_space<semaphore_mem>>) src(%arg10 : memref<128x128xf32, #tpu.memory_space<vmem>>) dst(%dma_wait3A_170 : memref<10240x128xf32, #tpu.memory_space<vmem_shared>>)
      %dma_start3A_171 = arith.constant 3 : i32
      %dma_start3A_172 = arith.constant 0 : i32
      %dma_start3A_173 = tpu.memref_slice %arg7[%dma_start3A_171, %dma_start3A_172] : memref<8x128xi32, #tpu.memory_space<vmem>> -> memref<1x128xi32, #tpu.memory_space<vmem>>
      %dma_start3A_174 = tpu.memref_squeeze %dma_start3A_173 : memref<1x128xi32, #tpu.memory_space<vmem>> -> memref<128xi32, #tpu.memory_space<vmem>>
      %dma_start3A_175 = arith.constant 0 : i32
      %dma_start3A_176 = arith.constant 0 : i32
      %dma_start3A_177 = tpu.memref_slice %arg2[%dma_start3A_175, %dma_start3A_176] : memref<50176x128xf32, #tpu.memory_space<hbm>> -> memref<50176x128xf32, #tpu.memory_space<hbm>>
      tpu.enqueue_indirect_dma source(%dma_start3A_177 : memref<50176x128xf32, #tpu.memory_space<hbm>>) target(%arg10 : memref<128x128xf32, #tpu.memory_space<vmem>>) offsets(%dma_start3A_174 : memref<128xi32, #tpu.memory_space<vmem>>) semaphore(%arg11 : memref<!tpu.dma_semaphore, #tpu.memory_space<semaphore_mem>>)
      %dma_wait3A_178 = arith.constant 3 : i32
      %dma_wait3A_179 = arith.constant 0 : i32
      %dma_wait3A_180 = tpu.memref_slice %arg7[%dma_wait3A_178, %dma_wait3A_179] : memref<8x128xi32, #tpu.memory_space<vmem>> -> memref<1x128xi32, #tpu.memory_space<vmem>>
      %dma_wait3A_181 = tpu.memref_squeeze %dma_wait3A_180 : memref<1x128xi32, #tpu.memory_space<vmem>> -> memref<128xi32, #tpu.memory_space<vmem>>
      %dma_wait3A_182 = arith.constant 0 : i32
      %dma_wait3A_183 = arith.constant 0 : i32
      %dma_wait3A_184 = tpu.memref_slice %arg2[%dma_wait3A_182, %dma_wait3A_183] : memref<50176x128xf32, #tpu.memory_space<hbm>> -> memref<50176x128xf32, #tpu.memory_space<hbm>>
      tpu.wait_indirect_dma semaphore(%arg11 : memref<!tpu.dma_semaphore, #tpu.memory_space<semaphore_mem>>) src(%dma_wait3A_184 : memref<50176x128xf32, #tpu.memory_space<hbm>>) dst(%arg10 : memref<128x128xf32, #tpu.memory_space<vmem>>)
      %dma_start3A_185 = arith.constant 3 : i32
      %dma_start3A_186 = arith.constant 0 : i32
      %dma_start3A_187 = tpu.memref_slice %arg8[%dma_start3A_185, %dma_start3A_186] : memref<8x128xi32, #tpu.memory_space<vmem>> -> memref<1x128xi32, #tpu.memory_space<vmem>>
      %dma_start3A_188 = tpu.memref_squeeze %dma_start3A_187 : memref<1x128xi32, #tpu.memory_space<vmem>> -> memref<128xi32, #tpu.memory_space<vmem>>
      %dma_start3A_189 = arith.constant 0 : i32
      %dma_start3A_190 = arith.constant 0 : i32
      %dma_start3A_191 = tpu.memref_slice %arg6[%dma_start3A_189, %dma_start3A_190] : memref<10240x128xf32, #tpu.memory_space<vmem_shared>> -> memref<10240x128xf32, #tpu.memory_space<vmem_shared>>
      tpu.enqueue_indirect_dma source(%arg10 : memref<128x128xf32, #tpu.memory_space<vmem>>) target(%dma_start3A_191 : memref<10240x128xf32, #tpu.memory_space<vmem_shared>>) offsets(%dma_start3A_188 : memref<128xi32, #tpu.memory_space<vmem>>) semaphore(%arg13 : memref<!tpu.dma_semaphore, #tpu.memory_space<semaphore_mem>>) {add = true}
      %dma_wait3A_192 = arith.constant 4 : i32
      %dma_wait3A_193 = arith.constant 0 : i32
      %dma_wait3A_194 = tpu.memref_slice %arg8[%dma_wait3A_192, %dma_wait3A_193] : memref<8x128xi32, #tpu.memory_space<vmem>> -> memref<1x128xi32, #tpu.memory_space<vmem>>
      %dma_wait3A_195 = tpu.memref_squeeze %dma_wait3A_194 : memref<1x128xi32, #tpu.memory_space<vmem>> -> memref<128xi32, #tpu.memory_space<vmem>>
      %dma_wait3A_196 = arith.constant 0 : i32
      %dma_wait3A_197 = arith.constant 0 : i32
      %dma_wait3A_198 = tpu.memref_slice %arg6[%dma_wait3A_196, %dma_wait3A_197] : memref<10240x128xf32, #tpu.memory_space<vmem_shared>> -> memref<10240x128xf32, #tpu.memory_space<vmem_shared>>
      tpu.wait_indirect_dma semaphore(%arg12 : memref<!tpu.dma_semaphore, #tpu.memory_space<semaphore_mem>>) src(%arg9 : memref<128x128xf32, #tpu.memory_space<vmem>>) dst(%dma_wait3A_198 : memref<10240x128xf32, #tpu.memory_space<vmem_shared>>)
      %dma_start3A_199 = arith.constant 4 : i32
      %dma_start3A_200 = arith.constant 0 : i32
      %dma_start3A_201 = tpu.memref_slice %arg7[%dma_start3A_199, %dma_start3A_200] : memref<8x128xi32, #tpu.memory_space<vmem>> -> memref<1x128xi32, #tpu.memory_space<vmem>>
      %dma_start3A_202 = tpu.memref_squeeze %dma_start3A_201 : memref<1x128xi32, #tpu.memory_space<vmem>> -> memref<128xi32, #tpu.memory_space<vmem>>
      %dma_start3A_203 = arith.constant 0 : i32
      %dma_start3A_204 = arith.constant 0 : i32
      %dma_start3A_205 = tpu.memref_slice %arg2[%dma_start3A_203, %dma_start3A_204] : memref<50176x128xf32, #tpu.memory_space<hbm>> -> memref<50176x128xf32, #tpu.memory_space<hbm>>
      tpu.enqueue_indirect_dma source(%dma_start3A_205 : memref<50176x128xf32, #tpu.memory_space<hbm>>) target(%arg9 : memref<128x128xf32, #tpu.memory_space<vmem>>) offsets(%dma_start3A_202 : memref<128xi32, #tpu.memory_space<vmem>>) semaphore(%arg11 : memref<!tpu.dma_semaphore, #tpu.memory_space<semaphore_mem>>)
      %dma_wait3A_206 = arith.constant 4 : i32
      %dma_wait3A_207 = arith.constant 0 : i32
      %dma_wait3A_208 = tpu.memref_slice %arg7[%dma_wait3A_206, %dma_wait3A_207] : memref<8x128xi32, #tpu.memory_space<vmem>> -> memref<1x128xi32, #tpu.memory_space<vmem>>
      %dma_wait3A_209 = tpu.memref_squeeze %dma_wait3A_208 : memref<1x128xi32, #tpu.memory_space<vmem>> -> memref<128xi32, #tpu.memory_space<vmem>>
      %dma_wait3A_210 = arith.constant 0 : i32
      %dma_wait3A_211 = arith.constant 0 : i32
      %dma_wait3A_212 = tpu.memref_slice %arg2[%dma_wait3A_210, %dma_wait3A_211] : memref<50176x128xf32, #tpu.memory_space<hbm>> -> memref<50176x128xf32, #tpu.memory_space<hbm>>
      tpu.wait_indirect_dma semaphore(%arg11 : memref<!tpu.dma_semaphore, #tpu.memory_space<semaphore_mem>>) src(%dma_wait3A_212 : memref<50176x128xf32, #tpu.memory_space<hbm>>) dst(%arg9 : memref<128x128xf32, #tpu.memory_space<vmem>>)
      %dma_start3A_213 = arith.constant 4 : i32
      %dma_start3A_214 = arith.constant 0 : i32
      %dma_start3A_215 = tpu.memref_slice %arg8[%dma_start3A_213, %dma_start3A_214] : memref<8x128xi32, #tpu.memory_space<vmem>> -> memref<1x128xi32, #tpu.memory_space<vmem>>
      %dma_start3A_216 = tpu.memref_squeeze %dma_start3A_215 : memref<1x128xi32, #tpu.memory_space<vmem>> -> memref<128xi32, #tpu.memory_space<vmem>>
      %dma_start3A_217 = arith.constant 0 : i32
      %dma_start3A_218 = arith.constant 0 : i32
      %dma_start3A_219 = tpu.memref_slice %arg6[%dma_start3A_217, %dma_start3A_218] : memref<10240x128xf32, #tpu.memory_space<vmem_shared>> -> memref<10240x128xf32, #tpu.memory_space<vmem_shared>>
      tpu.enqueue_indirect_dma source(%arg9 : memref<128x128xf32, #tpu.memory_space<vmem>>) target(%dma_start3A_219 : memref<10240x128xf32, #tpu.memory_space<vmem_shared>>) offsets(%dma_start3A_216 : memref<128xi32, #tpu.memory_space<vmem>>) semaphore(%arg12 : memref<!tpu.dma_semaphore, #tpu.memory_space<semaphore_mem>>) {add = true}
      %dma_wait3A_220 = arith.constant 5 : i32
      %dma_wait3A_221 = arith.constant 0 : i32
      %dma_wait3A_222 = tpu.memref_slice %arg8[%dma_wait3A_220, %dma_wait3A_221] : memref<8x128xi32, #tpu.memory_space<vmem>> -> memref<1x128xi32, #tpu.memory_space<vmem>>
      %dma_wait3A_223 = tpu.memref_squeeze %dma_wait3A_222 : memref<1x128xi32, #tpu.memory_space<vmem>> -> memref<128xi32, #tpu.memory_space<vmem>>
      %dma_wait3A_224 = arith.constant 0 : i32
      %dma_wait3A_225 = arith.constant 0 : i32
      %dma_wait3A_226 = tpu.memref_slice %arg6[%dma_wait3A_224, %dma_wait3A_225] : memref<10240x128xf32, #tpu.memory_space<vmem_shared>> -> memref<10240x128xf32, #tpu.memory_space<vmem_shared>>
      tpu.wait_indirect_dma semaphore(%arg13 : memref<!tpu.dma_semaphore, #tpu.memory_space<semaphore_mem>>) src(%arg10 : memref<128x128xf32, #tpu.memory_space<vmem>>) dst(%dma_wait3A_226 : memref<10240x128xf32, #tpu.memory_space<vmem_shared>>)
      %dma_start3A_227 = arith.constant 5 : i32
      %dma_start3A_228 = arith.constant 0 : i32
      %dma_start3A_229 = tpu.memref_slice %arg7[%dma_start3A_227, %dma_start3A_228] : memref<8x128xi32, #tpu.memory_space<vmem>> -> memref<1x128xi32, #tpu.memory_space<vmem>>
      %dma_start3A_230 = tpu.memref_squeeze %dma_start3A_229 : memref<1x128xi32, #tpu.memory_space<vmem>> -> memref<128xi32, #tpu.memory_space<vmem>>
      %dma_start3A_231 = arith.constant 0 : i32
      %dma_start3A_232 = arith.constant 0 : i32
      %dma_start3A_233 = tpu.memref_slice %arg2[%dma_start3A_231, %dma_start3A_232] : memref<50176x128xf32, #tpu.memory_space<hbm>> -> memref<50176x128xf32, #tpu.memory_space<hbm>>
      tpu.enqueue_indirect_dma source(%dma_start3A_233 : memref<50176x128xf32, #tpu.memory_space<hbm>>) target(%arg10 : memref<128x128xf32, #tpu.memory_space<vmem>>) offsets(%dma_start3A_230 : memref<128xi32, #tpu.memory_space<vmem>>) semaphore(%arg11 : memref<!tpu.dma_semaphore, #tpu.memory_space<semaphore_mem>>)
      %dma_wait3A_234 = arith.constant 5 : i32
      %dma_wait3A_235 = arith.constant 0 : i32
      %dma_wait3A_236 = tpu.memref_slice %arg7[%dma_wait3A_234, %dma_wait3A_235] : memref<8x128xi32, #tpu.memory_space<vmem>> -> memref<1x128xi32, #tpu.memory_space<vmem>>
      %dma_wait3A_237 = tpu.memref_squeeze %dma_wait3A_236 : memref<1x128xi32, #tpu.memory_space<vmem>> -> memref<128xi32, #tpu.memory_space<vmem>>
      %dma_wait3A_238 = arith.constant 0 : i32
      %dma_wait3A_239 = arith.constant 0 : i32
      %dma_wait3A_240 = tpu.memref_slice %arg2[%dma_wait3A_238, %dma_wait3A_239] : memref<50176x128xf32, #tpu.memory_space<hbm>> -> memref<50176x128xf32, #tpu.memory_space<hbm>>
      tpu.wait_indirect_dma semaphore(%arg11 : memref<!tpu.dma_semaphore, #tpu.memory_space<semaphore_mem>>) src(%dma_wait3A_240 : memref<50176x128xf32, #tpu.memory_space<hbm>>) dst(%arg10 : memref<128x128xf32, #tpu.memory_space<vmem>>)
      %dma_start3A_241 = arith.constant 5 : i32
      %dma_start3A_242 = arith.constant 0 : i32
      %dma_start3A_243 = tpu.memref_slice %arg8[%dma_start3A_241, %dma_start3A_242] : memref<8x128xi32, #tpu.memory_space<vmem>> -> memref<1x128xi32, #tpu.memory_space<vmem>>
      %dma_start3A_244 = tpu.memref_squeeze %dma_start3A_243 : memref<1x128xi32, #tpu.memory_space<vmem>> -> memref<128xi32, #tpu.memory_space<vmem>>
      %dma_start3A_245 = arith.constant 0 : i32
      %dma_start3A_246 = arith.constant 0 : i32
      %dma_start3A_247 = tpu.memref_slice %arg6[%dma_start3A_245, %dma_start3A_246] : memref<10240x128xf32, #tpu.memory_space<vmem_shared>> -> memref<10240x128xf32, #tpu.memory_space<vmem_shared>>
      tpu.enqueue_indirect_dma source(%arg10 : memref<128x128xf32, #tpu.memory_space<vmem>>) target(%dma_start3A_247 : memref<10240x128xf32, #tpu.memory_space<vmem_shared>>) offsets(%dma_start3A_244 : memref<128xi32, #tpu.memory_space<vmem>>) semaphore(%arg13 : memref<!tpu.dma_semaphore, #tpu.memory_space<semaphore_mem>>) {add = true}
      %dma_wait3A_248 = arith.constant 6 : i32
      %dma_wait3A_249 = arith.constant 0 : i32
      %dma_wait3A_250 = tpu.memref_slice %arg8[%dma_wait3A_248, %dma_wait3A_249] : memref<8x128xi32, #tpu.memory_space<vmem>> -> memref<1x128xi32, #tpu.memory_space<vmem>>
      %dma_wait3A_251 = tpu.memref_squeeze %dma_wait3A_250 : memref<1x128xi32, #tpu.memory_space<vmem>> -> memref<128xi32, #tpu.memory_space<vmem>>
      %dma_wait3A_252 = arith.constant 0 : i32
      %dma_wait3A_253 = arith.constant 0 : i32
      %dma_wait3A_254 = tpu.memref_slice %arg6[%dma_wait3A_252, %dma_wait3A_253] : memref<10240x128xf32, #tpu.memory_space<vmem_shared>> -> memref<10240x128xf32, #tpu.memory_space<vmem_shared>>
      tpu.wait_indirect_dma semaphore(%arg12 : memref<!tpu.dma_semaphore, #tpu.memory_space<semaphore_mem>>) src(%arg9 : memref<128x128xf32, #tpu.memory_space<vmem>>) dst(%dma_wait3A_254 : memref<10240x128xf32, #tpu.memory_space<vmem_shared>>)
      %dma_start3A_255 = arith.constant 6 : i32
      %dma_start3A_256 = arith.constant 0 : i32
      %dma_start3A_257 = tpu.memref_slice %arg7[%dma_start3A_255, %dma_start3A_256] : memref<8x128xi32, #tpu.memory_space<vmem>> -> memref<1x128xi32, #tpu.memory_space<vmem>>
      %dma_start3A_258 = tpu.memref_squeeze %dma_start3A_257 : memref<1x128xi32, #tpu.memory_space<vmem>> -> memref<128xi32, #tpu.memory_space<vmem>>
      %dma_start3A_259 = arith.constant 0 : i32
      %dma_start3A_260 = arith.constant 0 : i32
      %dma_start3A_261 = tpu.memref_slice %arg2[%dma_start3A_259, %dma_start3A_260] : memref<50176x128xf32, #tpu.memory_space<hbm>> -> memref<50176x128xf32, #tpu.memory_space<hbm>>
      tpu.enqueue_indirect_dma source(%dma_start3A_261 : memref<50176x128xf32, #tpu.memory_space<hbm>>) target(%arg9 : memref<128x128xf32, #tpu.memory_space<vmem>>) offsets(%dma_start3A_258 : memref<128xi32, #tpu.memory_space<vmem>>) semaphore(%arg11 : memref<!tpu.dma_semaphore, #tpu.memory_space<semaphore_mem>>)
      %dma_wait3A_262 = arith.constant 6 : i32
      %dma_wait3A_263 = arith.constant 0 : i32
      %dma_wait3A_264 = tpu.memref_slice %arg7[%dma_wait3A_262, %dma_wait3A_263] : memref<8x128xi32, #tpu.memory_space<vmem>> -> memref<1x128xi32, #tpu.memory_space<vmem>>
      %dma_wait3A_265 = tpu.memref_squeeze %dma_wait3A_264 : memref<1x128xi32, #tpu.memory_space<vmem>> -> memref<128xi32, #tpu.memory_space<vmem>>
      %dma_wait3A_266 = arith.constant 0 : i32
      %dma_wait3A_267 = arith.constant 0 : i32
      %dma_wait3A_268 = tpu.memref_slice %arg2[%dma_wait3A_266, %dma_wait3A_267] : memref<50176x128xf32, #tpu.memory_space<hbm>> -> memref<50176x128xf32, #tpu.memory_space<hbm>>
      tpu.wait_indirect_dma semaphore(%arg11 : memref<!tpu.dma_semaphore, #tpu.memory_space<semaphore_mem>>) src(%dma_wait3A_268 : memref<50176x128xf32, #tpu.memory_space<hbm>>) dst(%arg9 : memref<128x128xf32, #tpu.memory_space<vmem>>)
      %dma_start3A_269 = arith.constant 6 : i32
      %dma_start3A_270 = arith.constant 0 : i32
      %dma_start3A_271 = tpu.memref_slice %arg8[%dma_start3A_269, %dma_start3A_270] : memref<8x128xi32, #tpu.memory_space<vmem>> -> memref<1x128xi32, #tpu.memory_space<vmem>>
      %dma_start3A_272 = tpu.memref_squeeze %dma_start3A_271 : memref<1x128xi32, #tpu.memory_space<vmem>> -> memref<128xi32, #tpu.memory_space<vmem>>
      %dma_start3A_273 = arith.constant 0 : i32
      %dma_start3A_274 = arith.constant 0 : i32
      %dma_start3A_275 = tpu.memref_slice %arg6[%dma_start3A_273, %dma_start3A_274] : memref<10240x128xf32, #tpu.memory_space<vmem_shared>> -> memref<10240x128xf32, #tpu.memory_space<vmem_shared>>
      tpu.enqueue_indirect_dma source(%arg9 : memref<128x128xf32, #tpu.memory_space<vmem>>) target(%dma_start3A_275 : memref<10240x128xf32, #tpu.memory_space<vmem_shared>>) offsets(%dma_start3A_272 : memref<128xi32, #tpu.memory_space<vmem>>) semaphore(%arg12 : memref<!tpu.dma_semaphore, #tpu.memory_space<semaphore_mem>>) {add = true}
      %dma_wait3A_276 = arith.constant 7 : i32
      %dma_wait3A_277 = arith.constant 0 : i32
      %dma_wait3A_278 = tpu.memref_slice %arg8[%dma_wait3A_276, %dma_wait3A_277] : memref<8x128xi32, #tpu.memory_space<vmem>> -> memref<1x128xi32, #tpu.memory_space<vmem>>
      %dma_wait3A_279 = tpu.memref_squeeze %dma_wait3A_278 : memref<1x128xi32, #tpu.memory_space<vmem>> -> memref<128xi32, #tpu.memory_space<vmem>>
      %dma_wait3A_280 = arith.constant 0 : i32
      %dma_wait3A_281 = arith.constant 0 : i32
      %dma_wait3A_282 = tpu.memref_slice %arg6[%dma_wait3A_280, %dma_wait3A_281] : memref<10240x128xf32, #tpu.memory_space<vmem_shared>> -> memref<10240x128xf32, #tpu.memory_space<vmem_shared>>
      tpu.wait_indirect_dma semaphore(%arg13 : memref<!tpu.dma_semaphore, #tpu.memory_space<semaphore_mem>>) src(%arg10 : memref<128x128xf32, #tpu.memory_space<vmem>>) dst(%dma_wait3A_282 : memref<10240x128xf32, #tpu.memory_space<vmem_shared>>)
      %dma_start3A_283 = arith.constant 7 : i32
      %dma_start3A_284 = arith.constant 0 : i32
      %dma_start3A_285 = tpu.memref_slice %arg7[%dma_start3A_283, %dma_start3A_284] : memref<8x128xi32, #tpu.memory_space<vmem>> -> memref<1x128xi32, #tpu.memory_space<vmem>>
      %dma_start3A_286 = tpu.memref_squeeze %dma_start3A_285 : memref<1x128xi32, #tpu.memory_space<vmem>> -> memref<128xi32, #tpu.memory_space<vmem>>
      %dma_start3A_287 = arith.constant 0 : i32
      %dma_start3A_288 = arith.constant 0 : i32
      %dma_start3A_289 = tpu.memref_slice %arg2[%dma_start3A_287, %dma_start3A_288] : memref<50176x128xf32, #tpu.memory_space<hbm>> -> memref<50176x128xf32, #tpu.memory_space<hbm>>
      tpu.enqueue_indirect_dma source(%dma_start3A_289 : memref<50176x128xf32, #tpu.memory_space<hbm>>) target(%arg10 : memref<128x128xf32, #tpu.memory_space<vmem>>) offsets(%dma_start3A_286 : memref<128xi32, #tpu.memory_space<vmem>>) semaphore(%arg11 : memref<!tpu.dma_semaphore, #tpu.memory_space<semaphore_mem>>)
      %dma_wait3A_290 = arith.constant 7 : i32
      %dma_wait3A_291 = arith.constant 0 : i32
      %dma_wait3A_292 = tpu.memref_slice %arg7[%dma_wait3A_290, %dma_wait3A_291] : memref<8x128xi32, #tpu.memory_space<vmem>> -> memref<1x128xi32, #tpu.memory_space<vmem>>
      %dma_wait3A_293 = tpu.memref_squeeze %dma_wait3A_292 : memref<1x128xi32, #tpu.memory_space<vmem>> -> memref<128xi32, #tpu.memory_space<vmem>>
      %dma_wait3A_294 = arith.constant 0 : i32
      %dma_wait3A_295 = arith.constant 0 : i32
      %dma_wait3A_296 = tpu.memref_slice %arg2[%dma_wait3A_294, %dma_wait3A_295] : memref<50176x128xf32, #tpu.memory_space<hbm>> -> memref<50176x128xf32, #tpu.memory_space<hbm>>
      tpu.wait_indirect_dma semaphore(%arg11 : memref<!tpu.dma_semaphore, #tpu.memory_space<semaphore_mem>>) src(%dma_wait3A_296 : memref<50176x128xf32, #tpu.memory_space<hbm>>) dst(%arg10 : memref<128x128xf32, #tpu.memory_space<vmem>>)
      %dma_start3A_297 = arith.constant 7 : i32
      %dma_start3A_298 = arith.constant 0 : i32
      %dma_start3A_299 = tpu.memref_slice %arg8[%dma_start3A_297, %dma_start3A_298] : memref<8x128xi32, #tpu.memory_space<vmem>> -> memref<1x128xi32, #tpu.memory_space<vmem>>
      %dma_start3A_300 = tpu.memref_squeeze %dma_start3A_299 : memref<1x128xi32, #tpu.memory_space<vmem>> -> memref<128xi32, #tpu.memory_space<vmem>>
      %dma_start3A_301 = arith.constant 0 : i32
      %dma_start3A_302 = arith.constant 0 : i32
      %dma_start3A_303 = tpu.memref_slice %arg6[%dma_start3A_301, %dma_start3A_302] : memref<10240x128xf32, #tpu.memory_space<vmem_shared>> -> memref<10240x128xf32, #tpu.memory_space<vmem_shared>>
      tpu.enqueue_indirect_dma source(%arg10 : memref<128x128xf32, #tpu.memory_space<vmem>>) target(%dma_start3A_303 : memref<10240x128xf32, #tpu.memory_space<vmem_shared>>) offsets(%dma_start3A_300 : memref<128xi32, #tpu.memory_space<vmem>>) semaphore(%arg13 : memref<!tpu.dma_semaphore, #tpu.memory_space<semaphore_mem>>) {add = true}
      %dma_wait3A_304 = arith.constant 0 : i32
      %dma_wait3A_305 = arith.constant 0 : i32
      %dma_wait3A_306 = tpu.memref_slice %arg8[%dma_wait3A_304, %dma_wait3A_305] : memref<8x128xi32, #tpu.memory_space<vmem>> -> memref<1x128xi32, #tpu.memory_space<vmem>>
      %dma_wait3A_307 = tpu.memref_squeeze %dma_wait3A_306 : memref<1x128xi32, #tpu.memory_space<vmem>> -> memref<128xi32, #tpu.memory_space<vmem>>
      %dma_wait3A_308 = arith.constant 0 : i32
      %dma_wait3A_309 = arith.constant 0 : i32
      %dma_wait3A_310 = tpu.memref_slice %arg6[%dma_wait3A_308, %dma_wait3A_309] : memref<10240x128xf32, #tpu.memory_space<vmem_shared>> -> memref<10240x128xf32, #tpu.memory_space<vmem_shared>>
      tpu.wait_indirect_dma semaphore(%arg12 : memref<!tpu.dma_semaphore, #tpu.memory_space<semaphore_mem>>) src(%arg9 : memref<128x128xf32, #tpu.memory_space<vmem>>) dst(%dma_wait3A_310 : memref<10240x128xf32, #tpu.memory_space<vmem_shared>>)
      %dma_wait3A_311 = arith.constant 0 : i32
      %dma_wait3A_312 = arith.constant 0 : i32
      %dma_wait3A_313 = tpu.memref_slice %arg8[%dma_wait3A_311, %dma_wait3A_312] : memref<8x128xi32, #tpu.memory_space<vmem>> -> memref<1x128xi32, #tpu.memory_space<vmem>>
      %dma_wait3A_314 = tpu.memref_squeeze %dma_wait3A_313 : memref<1x128xi32, #tpu.memory_space<vmem>> -> memref<128xi32, #tpu.memory_space<vmem>>
      %dma_wait3A_315 = arith.constant 0 : i32
      %dma_wait3A_316 = arith.constant 0 : i32
      %dma_wait3A_317 = tpu.memref_slice %arg6[%dma_wait3A_315, %dma_wait3A_316] : memref<10240x128xf32, #tpu.memory_space<vmem_shared>> -> memref<10240x128xf32, #tpu.memory_space<vmem_shared>>
      tpu.wait_indirect_dma semaphore(%arg13 : memref<!tpu.dma_semaphore, #tpu.memory_space<semaphore_mem>>) src(%arg10 : memref<128x128xf32, #tpu.memory_space<vmem>>) dst(%dma_wait3A_317 : memref<10240x128xf32, #tpu.memory_space<vmem_shared>>)
    }
    %scan3A_31 = arith.constant 10 : i32
    %barrier3A_32 = arith.constant 0 : index
    tpu.barrier barrier_id(%barrier3A_32)
    %mul3A_33 = arith.constant 640 : i32
    %mul3A_34 = arith.muli %arg1, %mul3A_33 : i32
    %add3A_35 = arith.constant 0 : i32
    %add3A_36 = arith.addi %mul3A_34, %add3A_35 : i32
    "tpu.region"() ({
      %run_scoped3A = tpu.sem_alloc : memref<!tpu.dma_semaphore, #tpu.memory_space<semaphore_mem>>
      %dma_start3A = arith.constant 0 : i32
      %dma_start3A_88 = tpu.memref_slice %arg6[%add3A_36, %dma_start3A] : memref<10240x128xf32, #tpu.memory_space<vmem_shared>> -> memref<128x128xf32, #tpu.memory_space<vmem_shared>>
      %dma_start3A_89 = arith.constant 0 : i32
      %dma_start3A_90 = tpu.memref_slice %arg6[%add3A_36, %dma_start3A_89] : memref<10240x128xf32, #tpu.memory_space<vmem_shared>> -> memref<128x128xf32, #tpu.memory_space<vmem_shared>>
      tpu.enqueue_dma source(%dma_start3A_90 : memref<128x128xf32, #tpu.memory_space<vmem_shared>>) target(%arg9 : memref<128x128xf32, #tpu.memory_space<vmem>>) target_semaphore(%run_scoped3A : memref<!tpu.dma_semaphore, #tpu.memory_space<semaphore_mem>>)
      %dma_wait3A = arith.constant 0 : i32
      %dma_wait3A_91 = tpu.memref_slice %arg6[%add3A_36, %dma_wait3A] : memref<10240x128xf32, #tpu.memory_space<vmem_shared>> -> memref<128x128xf32, #tpu.memory_space<vmem_shared>>
      %dma_wait3A_92 = arith.constant 0 : i32
      %dma_wait3A_93 = tpu.memref_slice %arg6[%add3A_36, %dma_wait3A_92] : memref<10240x128xf32, #tpu.memory_space<vmem_shared>> -> memref<128x128xf32, #tpu.memory_space<vmem_shared>>
      tpu.wait_dma2 semaphore(%run_scoped3A : memref<!tpu.dma_semaphore, #tpu.memory_space<semaphore_mem>>) src(%dma_wait3A_93 : memref<128x128xf32, #tpu.memory_space<vmem_shared>>) dst(%arg9 : memref<128x128xf32, #tpu.memory_space<vmem>>)
      tpu.yield
    }) : () -> ()
    %mul3A_37 = arith.constant 10240 : i32
    %mul3A_38 = arith.muli %arg0, %mul3A_37 : i32
    %mul3A_39 = arith.constant 640 : i32
    %mul3A_40 = arith.muli %arg1, %mul3A_39 : i32
    %add3A_41 = arith.addi %mul3A_38, %mul3A_40 : i32
    %add3A_42 = arith.constant 0 : i32
    %add3A_43 = arith.addi %add3A_41, %add3A_42 : i32
    "tpu.region"() ({
      %run_scoped3A = tpu.sem_alloc : memref<!tpu.dma_semaphore, #tpu.memory_space<semaphore_mem>>
      %dma_start3A = arith.constant 0 : i32
      %dma_start3A_88 = tpu.memref_slice %arg5[%add3A_43, %dma_start3A] : memref<20480x128xf32, #tpu.memory_space<hbm>> -> memref<128x128xf32, #tpu.memory_space<hbm>>
      %dma_start3A_89 = arith.constant 0 : i32
      %dma_start3A_90 = tpu.memref_slice %arg5[%add3A_43, %dma_start3A_89] : memref<20480x128xf32, #tpu.memory_space<hbm>> -> memref<128x128xf32, #tpu.memory_space<hbm>>
      tpu.enqueue_dma source(%arg9 : memref<128x128xf32, #tpu.memory_space<vmem>>) target(%dma_start3A_90 : memref<128x128xf32, #tpu.memory_space<hbm>>) target_semaphore(%run_scoped3A : memref<!tpu.dma_semaphore, #tpu.memory_space<semaphore_mem>>)
      %dma_wait3A = arith.constant 0 : i32
      %dma_wait3A_91 = tpu.memref_slice %arg5[%add3A_43, %dma_wait3A] : memref<20480x128xf32, #tpu.memory_space<hbm>> -> memref<128x128xf32, #tpu.memory_space<hbm>>
      %dma_wait3A_92 = arith.constant 0 : i32
      %dma_wait3A_93 = tpu.memref_slice %arg5[%add3A_43, %dma_wait3A_92] : memref<20480x128xf32, #tpu.memory_space<hbm>> -> memref<128x128xf32, #tpu.memory_space<hbm>>
      tpu.wait_dma2 semaphore(%run_scoped3A : memref<!tpu.dma_semaphore, #tpu.memory_space<semaphore_mem>>) src(%arg9 : memref<128x128xf32, #tpu.memory_space<vmem>>) dst(%dma_wait3A_93 : memref<128x128xf32, #tpu.memory_space<hbm>>)
      tpu.yield
    }) : () -> ()
    %mul3A_44 = arith.constant 640 : i32
    %mul3A_45 = arith.muli %arg1, %mul3A_44 : i32
    %add3A_46 = arith.constant 128 : i32
    %add3A_47 = arith.addi %mul3A_45, %add3A_46 : i32
    "tpu.region"() ({
      %run_scoped3A = tpu.sem_alloc : memref<!tpu.dma_semaphore, #tpu.memory_space<semaphore_mem>>
      %dma_start3A = arith.constant 0 : i32
      %dma_start3A_88 = tpu.memref_slice %arg6[%add3A_47, %dma_start3A] : memref<10240x128xf32, #tpu.memory_space<vmem_shared>> -> memref<128x128xf32, #tpu.memory_space<vmem_shared>>
      %dma_start3A_89 = arith.constant 0 : i32
      %dma_start3A_90 = tpu.memref_slice %arg6[%add3A_47, %dma_start3A_89] : memref<10240x128xf32, #tpu.memory_space<vmem_shared>> -> memref<128x128xf32, #tpu.memory_space<vmem_shared>>
      tpu.enqueue_dma source(%dma_start3A_90 : memref<128x128xf32, #tpu.memory_space<vmem_shared>>) target(%arg9 : memref<128x128xf32, #tpu.memory_space<vmem>>) target_semaphore(%run_scoped3A : memref<!tpu.dma_semaphore, #tpu.memory_space<semaphore_mem>>)
      %dma_wait3A = arith.constant 0 : i32
      %dma_wait3A_91 = tpu.memref_slice %arg6[%add3A_47, %dma_wait3A] : memref<10240x128xf32, #tpu.memory_space<vmem_shared>> -> memref<128x128xf32, #tpu.memory_space<vmem_shared>>
      %dma_wait3A_92 = arith.constant 0 : i32
      %dma_wait3A_93 = tpu.memref_slice %arg6[%add3A_47, %dma_wait3A_92] : memref<10240x128xf32, #tpu.memory_space<vmem_shared>> -> memref<128x128xf32, #tpu.memory_space<vmem_shared>>
      tpu.wait_dma2 semaphore(%run_scoped3A : memref<!tpu.dma_semaphore, #tpu.memory_space<semaphore_mem>>) src(%dma_wait3A_93 : memref<128x128xf32, #tpu.memory_space<vmem_shared>>) dst(%arg9 : memref<128x128xf32, #tpu.memory_space<vmem>>)
      tpu.yield
    }) : () -> ()
    %mul3A_48 = arith.constant 10240 : i32
    %mul3A_49 = arith.muli %arg0, %mul3A_48 : i32
    %mul3A_50 = arith.constant 640 : i32
    %mul3A_51 = arith.muli %arg1, %mul3A_50 : i32
    %add3A_52 = arith.addi %mul3A_49, %mul3A_51 : i32
    %add3A_53 = arith.constant 128 : i32
    %add3A_54 = arith.addi %add3A_52, %add3A_53 : i32
    "tpu.region"() ({
      %run_scoped3A = tpu.sem_alloc : memref<!tpu.dma_semaphore, #tpu.memory_space<semaphore_mem>>
      %dma_start3A = arith.constant 0 : i32
      %dma_start3A_88 = tpu.memref_slice %arg5[%add3A_54, %dma_start3A] : memref<20480x128xf32, #tpu.memory_space<hbm>> -> memref<128x128xf32, #tpu.memory_space<hbm>>
      %dma_start3A_89 = arith.constant 0 : i32
      %dma_start3A_90 = tpu.memref_slice %arg5[%add3A_54, %dma_start3A_89] : memref<20480x128xf32, #tpu.memory_space<hbm>> -> memref<128x128xf32, #tpu.memory_space<hbm>>
      tpu.enqueue_dma source(%arg9 : memref<128x128xf32, #tpu.memory_space<vmem>>) target(%dma_start3A_90 : memref<128x128xf32, #tpu.memory_space<hbm>>) target_semaphore(%run_scoped3A : memref<!tpu.dma_semaphore, #tpu.memory_space<semaphore_mem>>)
      %dma_wait3A = arith.constant 0 : i32
      %dma_wait3A_91 = tpu.memref_slice %arg5[%add3A_54, %dma_wait3A] : memref<20480x128xf32, #tpu.memory_space<hbm>> -> memref<128x128xf32, #tpu.memory_space<hbm>>
      %dma_wait3A_92 = arith.constant 0 : i32
      %dma_wait3A_93 = tpu.memref_slice %arg5[%add3A_54, %dma_wait3A_92] : memref<20480x128xf32, #tpu.memory_space<hbm>> -> memref<128x128xf32, #tpu.memory_space<hbm>>
      tpu.wait_dma2 semaphore(%run_scoped3A : memref<!tpu.dma_semaphore, #tpu.memory_space<semaphore_mem>>) src(%arg9 : memref<128x128xf32, #tpu.memory_space<vmem>>) dst(%dma_wait3A_93 : memref<128x128xf32, #tpu.memory_space<hbm>>)
      tpu.yield
    }) : () -> ()
    %mul3A_55 = arith.constant 640 : i32
    %mul3A_56 = arith.muli %arg1, %mul3A_55 : i32
    %add3A_57 = arith.constant 256 : i32
    %add3A_58 = arith.addi %mul3A_56, %add3A_57 : i32
    "tpu.region"() ({
      %run_scoped3A = tpu.sem_alloc : memref<!tpu.dma_semaphore, #tpu.memory_space<semaphore_mem>>
      %dma_start3A = arith.constant 0 : i32
      %dma_start3A_88 = tpu.memref_slice %arg6[%add3A_58, %dma_start3A] : memref<10240x128xf32, #tpu.memory_space<vmem_shared>> -> memref<128x128xf32, #tpu.memory_space<vmem_shared>>
      %dma_start3A_89 = arith.constant 0 : i32
      %dma_start3A_90 = tpu.memref_slice %arg6[%add3A_58, %dma_start3A_89] : memref<10240x128xf32, #tpu.memory_space<vmem_shared>> -> memref<128x128xf32, #tpu.memory_space<vmem_shared>>
      tpu.enqueue_dma source(%dma_start3A_90 : memref<128x128xf32, #tpu.memory_space<vmem_shared>>) target(%arg9 : memref<128x128xf32, #tpu.memory_space<vmem>>) target_semaphore(%run_scoped3A : memref<!tpu.dma_semaphore, #tpu.memory_space<semaphore_mem>>)
      %dma_wait3A = arith.constant 0 : i32
      %dma_wait3A_91 = tpu.memref_slice %arg6[%add3A_58, %dma_wait3A] : memref<10240x128xf32, #tpu.memory_space<vmem_shared>> -> memref<128x128xf32, #tpu.memory_space<vmem_shared>>
      %dma_wait3A_92 = arith.constant 0 : i32
      %dma_wait3A_93 = tpu.memref_slice %arg6[%add3A_58, %dma_wait3A_92] : memref<10240x128xf32, #tpu.memory_space<vmem_shared>> -> memref<128x128xf32, #tpu.memory_space<vmem_shared>>
      tpu.wait_dma2 semaphore(%run_scoped3A : memref<!tpu.dma_semaphore, #tpu.memory_space<semaphore_mem>>) src(%dma_wait3A_93 : memref<128x128xf32, #tpu.memory_space<vmem_shared>>) dst(%arg9 : memref<128x128xf32, #tpu.memory_space<vmem>>)
      tpu.yield
    }) : () -> ()
    %mul3A_59 = arith.constant 10240 : i32
    %mul3A_60 = arith.muli %arg0, %mul3A_59 : i32
    %mul3A_61 = arith.constant 640 : i32
    %mul3A_62 = arith.muli %arg1, %mul3A_61 : i32
    %add3A_63 = arith.addi %mul3A_60, %mul3A_62 : i32
    %add3A_64 = arith.constant 256 : i32
    %add3A_65 = arith.addi %add3A_63, %add3A_64 : i32
    "tpu.region"() ({
      %run_scoped3A = tpu.sem_alloc : memref<!tpu.dma_semaphore, #tpu.memory_space<semaphore_mem>>
      %dma_start3A = arith.constant 0 : i32
      %dma_start3A_88 = tpu.memref_slice %arg5[%add3A_65, %dma_start3A] : memref<20480x128xf32, #tpu.memory_space<hbm>> -> memref<128x128xf32, #tpu.memory_space<hbm>>
      %dma_start3A_89 = arith.constant 0 : i32
      %dma_start3A_90 = tpu.memref_slice %arg5[%add3A_65, %dma_start3A_89] : memref<20480x128xf32, #tpu.memory_space<hbm>> -> memref<128x128xf32, #tpu.memory_space<hbm>>
      tpu.enqueue_dma source(%arg9 : memref<128x128xf32, #tpu.memory_space<vmem>>) target(%dma_start3A_90 : memref<128x128xf32, #tpu.memory_space<hbm>>) target_semaphore(%run_scoped3A : memref<!tpu.dma_semaphore, #tpu.memory_space<semaphore_mem>>)
      %dma_wait3A = arith.constant 0 : i32
      %dma_wait3A_91 = tpu.memref_slice %arg5[%add3A_65, %dma_wait3A] : memref<20480x128xf32, #tpu.memory_space<hbm>> -> memref<128x128xf32, #tpu.memory_space<hbm>>
      %dma_wait3A_92 = arith.constant 0 : i32
      %dma_wait3A_93 = tpu.memref_slice %arg5[%add3A_65, %dma_wait3A_92] : memref<20480x128xf32, #tpu.memory_space<hbm>> -> memref<128x128xf32, #tpu.memory_space<hbm>>
      tpu.wait_dma2 semaphore(%run_scoped3A : memref<!tpu.dma_semaphore, #tpu.memory_space<semaphore_mem>>) src(%arg9 : memref<128x128xf32, #tpu.memory_space<vmem>>) dst(%dma_wait3A_93 : memref<128x128xf32, #tpu.memory_space<hbm>>)
      tpu.yield
    }) : () -> ()
    %mul3A_66 = arith.constant 640 : i32
    %mul3A_67 = arith.muli %arg1, %mul3A_66 : i32
    %add3A_68 = arith.constant 384 : i32
    %add3A_69 = arith.addi %mul3A_67, %add3A_68 : i32
    "tpu.region"() ({
      %run_scoped3A = tpu.sem_alloc : memref<!tpu.dma_semaphore, #tpu.memory_space<semaphore_mem>>
      %dma_start3A = arith.constant 0 : i32
      %dma_start3A_88 = tpu.memref_slice %arg6[%add3A_69, %dma_start3A] : memref<10240x128xf32, #tpu.memory_space<vmem_shared>> -> memref<128x128xf32, #tpu.memory_space<vmem_shared>>
      %dma_start3A_89 = arith.constant 0 : i32
      %dma_start3A_90 = tpu.memref_slice %arg6[%add3A_69, %dma_start3A_89] : memref<10240x128xf32, #tpu.memory_space<vmem_shared>> -> memref<128x128xf32, #tpu.memory_space<vmem_shared>>
      tpu.enqueue_dma source(%dma_start3A_90 : memref<128x128xf32, #tpu.memory_space<vmem_shared>>) target(%arg9 : memref<128x128xf32, #tpu.memory_space<vmem>>) target_semaphore(%run_scoped3A : memref<!tpu.dma_semaphore, #tpu.memory_space<semaphore_mem>>)
      %dma_wait3A = arith.constant 0 : i32
      %dma_wait3A_91 = tpu.memref_slice %arg6[%add3A_69, %dma_wait3A] : memref<10240x128xf32, #tpu.memory_space<vmem_shared>> -> memref<128x128xf32, #tpu.memory_space<vmem_shared>>
      %dma_wait3A_92 = arith.constant 0 : i32
      %dma_wait3A_93 = tpu.memref_slice %arg6[%add3A_69, %dma_wait3A_92] : memref<10240x128xf32, #tpu.memory_space<vmem_shared>> -> memref<128x128xf32, #tpu.memory_space<vmem_shared>>
      tpu.wait_dma2 semaphore(%run_scoped3A : memref<!tpu.dma_semaphore, #tpu.memory_space<semaphore_mem>>) src(%dma_wait3A_93 : memref<128x128xf32, #tpu.memory_space<vmem_shared>>) dst(%arg9 : memref<128x128xf32, #tpu.memory_space<vmem>>)
      tpu.yield
    }) : () -> ()
    %mul3A_70 = arith.constant 10240 : i32
    %mul3A_71 = arith.muli %arg0, %mul3A_70 : i32
    %mul3A_72 = arith.constant 640 : i32
    %mul3A_73 = arith.muli %arg1, %mul3A_72 : i32
    %add3A_74 = arith.addi %mul3A_71, %mul3A_73 : i32
    %add3A_75 = arith.constant 384 : i32
    %add3A_76 = arith.addi %add3A_74, %add3A_75 : i32
    "tpu.region"() ({
      %run_scoped3A = tpu.sem_alloc : memref<!tpu.dma_semaphore, #tpu.memory_space<semaphore_mem>>
      %dma_start3A = arith.constant 0 : i32
      %dma_start3A_88 = tpu.memref_slice %arg5[%add3A_76, %dma_start3A] : memref<20480x128xf32, #tpu.memory_space<hbm>> -> memref<128x128xf32, #tpu.memory_space<hbm>>
      %dma_start3A_89 = arith.constant 0 : i32
      %dma_start3A_90 = tpu.memref_slice %arg5[%add3A_76, %dma_start3A_89] : memref<20480x128xf32, #tpu.memory_space<hbm>> -> memref<128x128xf32, #tpu.memory_space<hbm>>
      tpu.enqueue_dma source(%arg9 : memref<128x128xf32, #tpu.memory_space<vmem>>) target(%dma_start3A_90 : memref<128x128xf32, #tpu.memory_space<hbm>>) target_semaphore(%run_scoped3A : memref<!tpu.dma_semaphore, #tpu.memory_space<semaphore_mem>>)
      %dma_wait3A = arith.constant 0 : i32
      %dma_wait3A_91 = tpu.memref_slice %arg5[%add3A_76, %dma_wait3A] : memref<20480x128xf32, #tpu.memory_space<hbm>> -> memref<128x128xf32, #tpu.memory_space<hbm>>
      %dma_wait3A_92 = arith.constant 0 : i32
      %dma_wait3A_93 = tpu.memref_slice %arg5[%add3A_76, %dma_wait3A_92] : memref<20480x128xf32, #tpu.memory_space<hbm>> -> memref<128x128xf32, #tpu.memory_space<hbm>>
      tpu.wait_dma2 semaphore(%run_scoped3A : memref<!tpu.dma_semaphore, #tpu.memory_space<semaphore_mem>>) src(%arg9 : memref<128x128xf32, #tpu.memory_space<vmem>>) dst(%dma_wait3A_93 : memref<128x128xf32, #tpu.memory_space<hbm>>)
      tpu.yield
    }) : () -> ()
    %mul3A_77 = arith.constant 640 : i32
    %mul3A_78 = arith.muli %arg1, %mul3A_77 : i32
    %add3A_79 = arith.constant 512 : i32
    %add3A_80 = arith.addi %mul3A_78, %add3A_79 : i32
    "tpu.region"() ({
      %run_scoped3A = tpu.sem_alloc : memref<!tpu.dma_semaphore, #tpu.memory_space<semaphore_mem>>
      %dma_start3A = arith.constant 0 : i32
      %dma_start3A_88 = tpu.memref_slice %arg6[%add3A_80, %dma_start3A] : memref<10240x128xf32, #tpu.memory_space<vmem_shared>> -> memref<128x128xf32, #tpu.memory_space<vmem_shared>>
      %dma_start3A_89 = arith.constant 0 : i32
      %dma_start3A_90 = tpu.memref_slice %arg6[%add3A_80, %dma_start3A_89] : memref<10240x128xf32, #tpu.memory_space<vmem_shared>> -> memref<128x128xf32, #tpu.memory_space<vmem_shared>>
      tpu.enqueue_dma source(%dma_start3A_90 : memref<128x128xf32, #tpu.memory_space<vmem_shared>>) target(%arg9 : memref<128x128xf32, #tpu.memory_space<vmem>>) target_semaphore(%run_scoped3A : memref<!tpu.dma_semaphore, #tpu.memory_space<semaphore_mem>>)
      %dma_wait3A = arith.constant 0 : i32
      %dma_wait3A_91 = tpu.memref_slice %arg6[%add3A_80, %dma_wait3A] : memref<10240x128xf32, #tpu.memory_space<vmem_shared>> -> memref<128x128xf32, #tpu.memory_space<vmem_shared>>
      %dma_wait3A_92 = arith.constant 0 : i32
      %dma_wait3A_93 = tpu.memref_slice %arg6[%add3A_80, %dma_wait3A_92] : memref<10240x128xf32, #tpu.memory_space<vmem_shared>> -> memref<128x128xf32, #tpu.memory_space<vmem_shared>>
      tpu.wait_dma2 semaphore(%run_scoped3A : memref<!tpu.dma_semaphore, #tpu.memory_space<semaphore_mem>>) src(%dma_wait3A_93 : memref<128x128xf32, #tpu.memory_space<vmem_shared>>) dst(%arg9 : memref<128x128xf32, #tpu.memory_space<vmem>>)
      tpu.yield
    }) : () -> ()
    %mul3A_81 = arith.constant 10240 : i32
    %mul3A_82 = arith.muli %arg0, %mul3A_81 : i32
    %mul3A_83 = arith.constant 640 : i32
    %mul3A_84 = arith.muli %arg1, %mul3A_83 : i32
    %add3A_85 = arith.addi %mul3A_82, %mul3A_84 : i32
    %add3A_86 = arith.constant 512 : i32
    %add3A_87 = arith.addi %add3A_85, %add3A_86 : i32
    "tpu.region"() ({
      %run_scoped3A = tpu.sem_alloc : memref<!tpu.dma_semaphore, #tpu.memory_space<semaphore_mem>>
      %dma_start3A = arith.constant 0 : i32
      %dma_start3A_88 = tpu.memref_slice %arg5[%add3A_87, %dma_start3A] : memref<20480x128xf32, #tpu.memory_space<hbm>> -> memref<128x128xf32, #tpu.memory_space<hbm>>
      %dma_start3A_89 = arith.constant 0 : i32
      %dma_start3A_90 = tpu.memref_slice %arg5[%add3A_87, %dma_start3A_89] : memref<20480x128xf32, #tpu.memory_space<hbm>> -> memref<128x128xf32, #tpu.memory_space<hbm>>
      tpu.enqueue_dma source(%arg9 : memref<128x128xf32, #tpu.memory_space<vmem>>) target(%dma_start3A_90 : memref<128x128xf32, #tpu.memory_space<hbm>>) target_semaphore(%run_scoped3A : memref<!tpu.dma_semaphore, #tpu.memory_space<semaphore_mem>>)
      %dma_wait3A = arith.constant 0 : i32
      %dma_wait3A_91 = tpu.memref_slice %arg5[%add3A_87, %dma_wait3A] : memref<20480x128xf32, #tpu.memory_space<hbm>> -> memref<128x128xf32, #tpu.memory_space<hbm>>
      %dma_wait3A_92 = arith.constant 0 : i32
      %dma_wait3A_93 = tpu.memref_slice %arg5[%add3A_87, %dma_wait3A_92] : memref<20480x128xf32, #tpu.memory_space<hbm>> -> memref<128x128xf32, #tpu.memory_space<hbm>>
      tpu.wait_dma2 semaphore(%run_scoped3A : memref<!tpu.dma_semaphore, #tpu.memory_space<semaphore_mem>>) src(%arg9 : memref<128x128xf32, #tpu.memory_space<vmem>>) dst(%dma_wait3A_93 : memref<128x128xf32, #tpu.memory_space<hbm>>)
      tpu.yield
    }) : () -> ()
    return
  }
}

#map = affine_map<(d0, d1) -> (0)>
#map1 = affine_map<(d0, d1) -> (0, 0)>
module attributes {stable_mosaic.version = 14 : i64} {
  func.func @body(%arg0: i32, %arg1: i32, %arg2: memref<50176xi32, #tpu.memory_space<hbm>>, %arg3: memref<50000x128xf32, #tpu.memory_space<hbm>>, %arg4: memref<50176x128xf32, #tpu.memory_space<hbm>>, %arg5: memref<64xi32, #tpu.memory_space<vmem>>, %arg6: memref<64x128xf32, #tpu.memory_space<vmem>>, %arg7: memref<!tpu.dma_semaphore, #tpu.memory_space<semaphore_mem>>) attributes {dimension_semantics = [#tpu.dimension_semantics<core_parallel>, #tpu.dimension_semantics<subcore_parallel>], iteration_bounds = array<i64: 2, 16>, scalar_prefetch = 0 : i64, scratch_operands = 3 : i64, tpu.core_type = #tpu.core_type<sc_vector_subcore>, window_params = [{transform_indices = #map}, {transform_indices = #map1}, {transform_indices = #map1}]} {
    %mul3A = arith.constant 2 : i32
    %mul3A_0 = arith.muli %arg1, %mul3A : i32
    %add3A = arith.addi %mul3A_0, %arg0 : i32
    %lt3A = arith.constant 16 : i32
    %lt3A_1 = arith.cmpi slt, %add3A, %lt3A : i32
    %jit3A = arith.constant 1 : i32
    %jit3A_2 = arith.constant 0 : i32
    %select_n3A = arith.select %lt3A_1, %jit3A, %jit3A_2 : i32
    %add3A_3 = arith.constant 24 : i32
    %add3A_4 = arith.addi %add3A_3, %select_n3A : i32
    %sub3A = arith.constant 0 : i32
    %sub3A_5 = arith.subi %add3A_4, %sub3A : i32
    %sub3A_6 = arith.constant 1 : i32
    %sub3A_7 = arith.constant 1 : i32
    %sub3A_8 = arith.subi %sub3A_6, %sub3A_7 : i32
    %add3A_9 = arith.addi %sub3A_5, %sub3A_8 : i32
    %div3A = arith.constant 1 : i32
    %div3A_10 = arith.divsi %add3A_9, %div3A : i32
    %while3A = arith.constant 1 : i32
    %while3A_11 = arith.constant 0 : i32
    %while3A_12 = arith.constant 0 : i32
    %while3A_13 = arith.subi %div3A_10, %while3A_12 : i32
    %while3A_14 = arith.addi %while3A_12, %while3A_13 : i32
    %while3A_15 = arith.constant 1 : i32
    %while3A_16 = arith.divsi %while3A_13, %while3A_15 : i32
    %while3A_17 = arith.muli %while3A_16, %while3A_15 : i32
    %while3A_18 = arith.addi %while3A_12, %while3A_17 : i32
    %while3A_19 = arith.constant 1 : i32
    scf.for %while3A_21 = %while3A_12 to %while3A_18 step %while3A_19  : i32 {
      %mul3A_22 = arith.muli %while3A_21, %while3A : i32
      %add3A_23 = arith.addi %while3A_11, %mul3A_22 : i32
      %mul3A_24 = arith.constant 32 : i32
      %mul3A_25 = arith.muli %add3A_23, %mul3A_24 : i32
      %add3A_26 = arith.addi %add3A, %mul3A_25 : i32
      %mul3A_27 = arith.constant 64 : i32
      %mul3A_28 = arith.muli %add3A_26, %mul3A_27 : i32
      "tpu.region"() ({
        %run_scoped3A = tpu.sem_alloc : memref<!tpu.dma_semaphore, #tpu.memory_space<semaphore_mem>>
        %dma_start3A_33 = tpu.memref_slice %arg2[%mul3A_28] : memref<50176xi32, #tpu.memory_space<hbm>> -> memref<64xi32, #tpu.memory_space<hbm>>
        %dma_start3A_34 = tpu.memref_slice %arg2[%mul3A_28] : memref<50176xi32, #tpu.memory_space<hbm>> -> memref<64xi32, #tpu.memory_space<hbm>>
        tpu.enqueue_dma source(%dma_start3A_34 : memref<64xi32, #tpu.memory_space<hbm>>) target(%arg5 : memref<64xi32, #tpu.memory_space<vmem>>) target_semaphore(%run_scoped3A : memref<!tpu.dma_semaphore, #tpu.memory_space<semaphore_mem>>)
        %dma_wait3A_35 = tpu.memref_slice %arg2[%mul3A_28] : memref<50176xi32, #tpu.memory_space<hbm>> -> memref<64xi32, #tpu.memory_space<hbm>>
        %dma_wait3A_36 = tpu.memref_slice %arg2[%mul3A_28] : memref<50176xi32, #tpu.memory_space<hbm>> -> memref<64xi32, #tpu.memory_space<hbm>>
        tpu.wait_dma2 semaphore(%run_scoped3A : memref<!tpu.dma_semaphore, #tpu.memory_space<semaphore_mem>>) src(%dma_wait3A_36 : memref<64xi32, #tpu.memory_space<hbm>>) dst(%arg5 : memref<64xi32, #tpu.memory_space<vmem>>)
        tpu.yield
      }) : () -> ()
      %dma_start3A = arith.constant 0 : i32
      %dma_start3A_29 = arith.constant 0 : i32
      %dma_start3A_30 = tpu.memref_slice %arg3[%dma_start3A, %dma_start3A_29] : memref<50000x128xf32, #tpu.memory_space<hbm>> -> memref<50000x128xf32, #tpu.memory_space<hbm>>
      tpu.enqueue_indirect_dma source(%dma_start3A_30 : memref<50000x128xf32, #tpu.memory_space<hbm>>) target(%arg6 : memref<64x128xf32, #tpu.memory_space<vmem>>) offsets(%arg5 : memref<64xi32, #tpu.memory_space<vmem>>) semaphore(%arg7 : memref<!tpu.dma_semaphore, #tpu.memory_space<semaphore_mem>>)
      %dma_wait3A = arith.constant 0 : i32
      %dma_wait3A_31 = arith.constant 0 : i32
      %dma_wait3A_32 = tpu.memref_slice %arg3[%dma_wait3A, %dma_wait3A_31] : memref<50000x128xf32, #tpu.memory_space<hbm>> -> memref<50000x128xf32, #tpu.memory_space<hbm>>
      tpu.wait_indirect_dma semaphore(%arg7 : memref<!tpu.dma_semaphore, #tpu.memory_space<semaphore_mem>>) src(%dma_wait3A_32 : memref<50000x128xf32, #tpu.memory_space<hbm>>) dst(%arg6 : memref<64x128xf32, #tpu.memory_space<vmem>>)
      "tpu.region"() ({
        %run_scoped3A = tpu.sem_alloc : memref<!tpu.dma_semaphore, #tpu.memory_space<semaphore_mem>>
        %dma_start3A_33 = arith.constant 0 : i32
        %dma_start3A_34 = tpu.memref_slice %arg4[%mul3A_28, %dma_start3A_33] : memref<50176x128xf32, #tpu.memory_space<hbm>> -> memref<64x128xf32, #tpu.memory_space<hbm>>
        %dma_start3A_35 = arith.constant 0 : i32
        %dma_start3A_36 = tpu.memref_slice %arg4[%mul3A_28, %dma_start3A_35] : memref<50176x128xf32, #tpu.memory_space<hbm>> -> memref<64x128xf32, #tpu.memory_space<hbm>>
        tpu.enqueue_dma source(%arg6 : memref<64x128xf32, #tpu.memory_space<vmem>>) target(%dma_start3A_36 : memref<64x128xf32, #tpu.memory_space<hbm>>) target_semaphore(%run_scoped3A : memref<!tpu.dma_semaphore, #tpu.memory_space<semaphore_mem>>)
        %dma_wait3A_37 = arith.constant 0 : i32
        %dma_wait3A_38 = tpu.memref_slice %arg4[%mul3A_28, %dma_wait3A_37] : memref<50176x128xf32, #tpu.memory_space<hbm>> -> memref<64x128xf32, #tpu.memory_space<hbm>>
        %dma_wait3A_39 = arith.constant 0 : i32
        %dma_wait3A_40 = tpu.memref_slice %arg4[%mul3A_28, %dma_wait3A_39] : memref<50176x128xf32, #tpu.memory_space<hbm>> -> memref<64x128xf32, #tpu.memory_space<hbm>>
        tpu.wait_dma2 semaphore(%run_scoped3A : memref<!tpu.dma_semaphore, #tpu.memory_space<semaphore_mem>>) src(%arg6 : memref<64x128xf32, #tpu.memory_space<vmem>>) dst(%dma_wait3A_40 : memref<64x128xf32, #tpu.memory_space<hbm>>)
        tpu.yield
      }) : () -> ()
    }
    %while3A_20 = arith.constant 1 : i32
    scf.for %while3A_21 = %while3A_18 to %while3A_14 step %while3A_20  : i32 {
      %mul3A_22 = arith.muli %while3A_21, %while3A : i32
      %add3A_23 = arith.addi %while3A_11, %mul3A_22 : i32
      %mul3A_24 = arith.constant 32 : i32
      %mul3A_25 = arith.muli %add3A_23, %mul3A_24 : i32
      %add3A_26 = arith.addi %add3A, %mul3A_25 : i32
      %mul3A_27 = arith.constant 64 : i32
      %mul3A_28 = arith.muli %add3A_26, %mul3A_27 : i32
      "tpu.region"() ({
        %run_scoped3A = tpu.sem_alloc : memref<!tpu.dma_semaphore, #tpu.memory_space<semaphore_mem>>
        %dma_start3A_33 = tpu.memref_slice %arg2[%mul3A_28] : memref<50176xi32, #tpu.memory_space<hbm>> -> memref<64xi32, #tpu.memory_space<hbm>>
        %dma_start3A_34 = tpu.memref_slice %arg2[%mul3A_28] : memref<50176xi32, #tpu.memory_space<hbm>> -> memref<64xi32, #tpu.memory_space<hbm>>
        tpu.enqueue_dma source(%dma_start3A_34 : memref<64xi32, #tpu.memory_space<hbm>>) target(%arg5 : memref<64xi32, #tpu.memory_space<vmem>>) target_semaphore(%run_scoped3A : memref<!tpu.dma_semaphore, #tpu.memory_space<semaphore_mem>>)
        %dma_wait3A_35 = tpu.memref_slice %arg2[%mul3A_28] : memref<50176xi32, #tpu.memory_space<hbm>> -> memref<64xi32, #tpu.memory_space<hbm>>
        %dma_wait3A_36 = tpu.memref_slice %arg2[%mul3A_28] : memref<50176xi32, #tpu.memory_space<hbm>> -> memref<64xi32, #tpu.memory_space<hbm>>
        tpu.wait_dma2 semaphore(%run_scoped3A : memref<!tpu.dma_semaphore, #tpu.memory_space<semaphore_mem>>) src(%dma_wait3A_36 : memref<64xi32, #tpu.memory_space<hbm>>) dst(%arg5 : memref<64xi32, #tpu.memory_space<vmem>>)
        tpu.yield
      }) : () -> ()
      %dma_start3A = arith.constant 0 : i32
      %dma_start3A_29 = arith.constant 0 : i32
      %dma_start3A_30 = tpu.memref_slice %arg3[%dma_start3A, %dma_start3A_29] : memref<50000x128xf32, #tpu.memory_space<hbm>> -> memref<50000x128xf32, #tpu.memory_space<hbm>>
      tpu.enqueue_indirect_dma source(%dma_start3A_30 : memref<50000x128xf32, #tpu.memory_space<hbm>>) target(%arg6 : memref<64x128xf32, #tpu.memory_space<vmem>>) offsets(%arg5 : memref<64xi32, #tpu.memory_space<vmem>>) semaphore(%arg7 : memref<!tpu.dma_semaphore, #tpu.memory_space<semaphore_mem>>)
      %dma_wait3A = arith.constant 0 : i32
      %dma_wait3A_31 = arith.constant 0 : i32
      %dma_wait3A_32 = tpu.memref_slice %arg3[%dma_wait3A, %dma_wait3A_31] : memref<50000x128xf32, #tpu.memory_space<hbm>> -> memref<50000x128xf32, #tpu.memory_space<hbm>>
      tpu.wait_indirect_dma semaphore(%arg7 : memref<!tpu.dma_semaphore, #tpu.memory_space<semaphore_mem>>) src(%dma_wait3A_32 : memref<50000x128xf32, #tpu.memory_space<hbm>>) dst(%arg6 : memref<64x128xf32, #tpu.memory_space<vmem>>)
      "tpu.region"() ({
        %run_scoped3A = tpu.sem_alloc : memref<!tpu.dma_semaphore, #tpu.memory_space<semaphore_mem>>
        %dma_start3A_33 = arith.constant 0 : i32
        %dma_start3A_34 = tpu.memref_slice %arg4[%mul3A_28, %dma_start3A_33] : memref<50176x128xf32, #tpu.memory_space<hbm>> -> memref<64x128xf32, #tpu.memory_space<hbm>>
        %dma_start3A_35 = arith.constant 0 : i32
        %dma_start3A_36 = tpu.memref_slice %arg4[%mul3A_28, %dma_start3A_35] : memref<50176x128xf32, #tpu.memory_space<hbm>> -> memref<64x128xf32, #tpu.memory_space<hbm>>
        tpu.enqueue_dma source(%arg6 : memref<64x128xf32, #tpu.memory_space<vmem>>) target(%dma_start3A_36 : memref<64x128xf32, #tpu.memory_space<hbm>>) target_semaphore(%run_scoped3A : memref<!tpu.dma_semaphore, #tpu.memory_space<semaphore_mem>>)
        %dma_wait3A_37 = arith.constant 0 : i32
        %dma_wait3A_38 = tpu.memref_slice %arg4[%mul3A_28, %dma_wait3A_37] : memref<50176x128xf32, #tpu.memory_space<hbm>> -> memref<64x128xf32, #tpu.memory_space<hbm>>
        %dma_wait3A_39 = arith.constant 0 : i32
        %dma_wait3A_40 = tpu.memref_slice %arg4[%mul3A_28, %dma_wait3A_39] : memref<50176x128xf32, #tpu.memory_space<hbm>> -> memref<64x128xf32, #tpu.memory_space<hbm>>
        tpu.wait_dma2 semaphore(%run_scoped3A : memref<!tpu.dma_semaphore, #tpu.memory_space<semaphore_mem>>) src(%arg6 : memref<64x128xf32, #tpu.memory_space<vmem>>) dst(%dma_wait3A_40 : memref<64x128xf32, #tpu.memory_space<hbm>>)
        tpu.yield
      }) : () -> ()
    }
    return
  }
}

#map = affine_map<(d0, d1) -> (0, 0)>
module attributes {stable_mosaic.version = 14 : i64} {
  func.func @body(%arg0: i32, %arg1: i32, %arg2: memref<50176x128xf32, #tpu.memory_space<hbm>>, %arg3: memref<2560x128xi32, #tpu.memory_space<hbm>>, %arg4: memref<2560x128xi32, #tpu.memory_space<hbm>>, %arg5: memref<20480x128xf32, #tpu.memory_space<hbm>>, %arg6: memref<10240x128xf32, #tpu.memory_space<vmem_shared>>, %arg7: memref<8x128xi32, #tpu.memory_space<vmem>>, %arg8: memref<8x128xi32, #tpu.memory_space<vmem>>, %arg9: memref<128x128xf32, #tpu.memory_space<vmem>>, %arg10: memref<128x128xf32, #tpu.memory_space<vmem>>, %arg11: memref<!tpu.dma_semaphore, #tpu.memory_space<semaphore_mem>>, %arg12: memref<!tpu.dma_semaphore, #tpu.memory_space<semaphore_mem>>, %arg13: memref<!tpu.dma_semaphore, #tpu.memory_space<semaphore_mem>>) attributes {dimension_semantics = [#tpu.dimension_semantics<core_parallel>, #tpu.dimension_semantics<subcore_parallel>], iteration_bounds = array<i64: 2, 16>, scalar_prefetch = 0 : i64, scratch_operands = 8 : i64, tpu.core_type = #tpu.core_type<sc_vector_subcore>, window_params = [{transform_indices = #map}, {transform_indices = #map}, {transform_indices = #map}, {transform_indices = #map}]} {
    %mul3A = arith.constant 2 : i32
    %mul3A_0 = arith.muli %arg1, %mul3A : i32
    %add3A = arith.addi %mul3A_0, %arg0 : i32
    %scan3A = arith.constant 0 : i32
    %scan3A_1 = arith.constant 128 : i32
    %scan3A_2 = arith.addi %scan3A, %scan3A_1 : i32
    %scan3A_3 = arith.constant 1 : i32
    scf.for %scan3A_88 = %scan3A to %scan3A_2 step %scan3A_3  : i32 {
      %mul3A_89 = arith.constant 1 : i32
      %mul3A_90 = arith.muli %scan3A_88, %mul3A_89 : i32
      %add3A_91 = arith.constant 0 : i32
      %add3A_92 = arith.addi %add3A_91, %mul3A_90 : i32
      %broadcast_in_dim3A = arith.constant 0.000000e+00 : f32
      %broadcast_in_dim3A_93 = vector.broadcast %broadcast_in_dim3A : f32 to vector<16xf32>
      %swap3A = arith.index_cast %add3A_92 : i32 to index
      %swap3A_94 = arith.constant 0 : index
      %swap3A_95 = tpu.vector_load %arg9[%swap3A, %swap3A_94] {strides = array<i32>} : memref<128x128xf32, #tpu.memory_space<vmem>>, vector<16xf32>,
      tpu.vector_store %arg9[%swap3A, %swap3A_94], %broadcast_in_dim3A_93 {strides = array<i32>} : memref<128x128xf32, #tpu.memory_space<vmem>>, vector<16xf32>,
      %broadcast_in_dim3A_96 = arith.constant 0.000000e+00 : f32
      %broadcast_in_dim3A_97 = vector.broadcast %broadcast_in_dim3A_96 : f32 to vector<16xf32>
      %swap3A_98 = arith.index_cast %add3A_92 : i32 to index
      %swap3A_99 = arith.constant 16 : index
      %swap3A_100 = tpu.vector_load %arg9[%swap3A_98, %swap3A_99] {strides = array<i32>} : memref<128x128xf32, #tpu.memory_space<vmem>>, vector<16xf32>,
      tpu.vector_store %arg9[%swap3A_98, %swap3A_99], %broadcast_in_dim3A_97 {strides = array<i32>} : memref<128x128xf32, #tpu.memory_space<vmem>>, vector<16xf32>,
      %broadcast_in_dim3A_101 = arith.constant 0.000000e+00 : f32
      %broadcast_in_dim3A_102 = vector.broadcast %broadcast_in_dim3A_101 : f32 to vector<16xf32>
      %swap3A_103 = arith.index_cast %add3A_92 : i32 to index
      %swap3A_104 = arith.constant 32 : index
      %swap3A_105 = tpu.vector_load %arg9[%swap3A_103, %swap3A_104] {strides = array<i32>} : memref<128x128xf32, #tpu.memory_space<vmem>>, vector<16xf32>,
      tpu.vector_store %arg9[%swap3A_103, %swap3A_104], %broadcast_in_dim3A_102 {strides = array<i32>} : memref<128x128xf32, #tpu.memory_space<vmem>>, vector<16xf32>,
      %broadcast_in_dim3A_106 = arith.constant 0.000000e+00 : f32
      %broadcast_in_dim3A_107 = vector.broadcast %broadcast_in_dim3A_106 : f32 to vector<16xf32>
      %swap3A_108 = arith.index_cast %add3A_92 : i32 to index
      %swap3A_109 = arith.constant 48 : index
      %swap3A_110 = tpu.vector_load %arg9[%swap3A_108, %swap3A_109] {strides = array<i32>} : memref<128x128xf32, #tpu.memory_space<vmem>>, vector<16xf32>,
      tpu.vector_store %arg9[%swap3A_108, %swap3A_109], %broadcast_in_dim3A_107 {strides = array<i32>} : memref<128x128xf32, #tpu.memory_space<vmem>>, vector<16xf32>,
      %broadcast_in_dim3A_111 = arith.constant 0.000000e+00 : f32
      %broadcast_in_dim3A_112 = vector.broadcast %broadcast_in_dim3A_111 : f32 to vector<16xf32>
      %swap3A_113 = arith.index_cast %add3A_92 : i32 to index
      %swap3A_114 = arith.constant 64 : index
      %swap3A_115 = tpu.vector_load %arg9[%swap3A_113, %swap3A_114] {strides = array<i32>} : memref<128x128xf32, #tpu.memory_space<vmem>>, vector<16xf32>,
      tpu.vector_store %arg9[%swap3A_113, %swap3A_114], %broadcast_in_dim3A_112 {strides = array<i32>} : memref<128x128xf32, #tpu.memory_space<vmem>>, vector<16xf32>,
      %broadcast_in_dim3A_116 = arith.constant 0.000000e+00 : f32
      %broadcast_in_dim3A_117 = vector.broadcast %broadcast_in_dim3A_116 : f32 to vector<16xf32>
      %swap3A_118 = arith.index_cast %add3A_92 : i32 to index
      %swap3A_119 = arith.constant 80 : index
      %swap3A_120 = tpu.vector_load %arg9[%swap3A_118, %swap3A_119] {strides = array<i32>} : memref<128x128xf32, #tpu.memory_space<vmem>>, vector<16xf32>,
      tpu.vector_store %arg9[%swap3A_118, %swap3A_119], %broadcast_in_dim3A_117 {strides = array<i32>} : memref<128x128xf32, #tpu.memory_space<vmem>>, vector<16xf32>,
      %broadcast_in_dim3A_121 = arith.constant 0.000000e+00 : f32
      %broadcast_in_dim3A_122 = vector.broadcast %broadcast_in_dim3A_121 : f32 to vector<16xf32>
      %swap3A_123 = arith.index_cast %add3A_92 : i32 to index
      %swap3A_124 = arith.constant 96 : index
      %swap3A_125 = tpu.vector_load %arg9[%swap3A_123, %swap3A_124] {strides = array<i32>} : memref<128x128xf32, #tpu.memory_space<vmem>>, vector<16xf32>,
      tpu.vector_store %arg9[%swap3A_123, %swap3A_124], %broadcast_in_dim3A_122 {strides = array<i32>} : memref<128x128xf32, #tpu.memory_space<vmem>>, vector<16xf32>,
      %broadcast_in_dim3A_126 = arith.constant 0.000000e+00 : f32
      %broadcast_in_dim3A_127 = vector.broadcast %broadcast_in_dim3A_126 : f32 to vector<16xf32>
      %swap3A_128 = arith.index_cast %add3A_92 : i32 to index
      %swap3A_129 = arith.constant 112 : index
      %swap3A_130 = tpu.vector_load %arg9[%swap3A_128, %swap3A_129] {strides = array<i32>} : memref<128x128xf32, #tpu.memory_space<vmem>>, vector<16xf32>,
      tpu.vector_store %arg9[%swap3A_128, %swap3A_129], %broadcast_in_dim3A_127 {strides = array<i32>} : memref<128x128xf32, #tpu.memory_space<vmem>>, vector<16xf32>,
    }
    %scan3A_4 = arith.constant 128 : i32
    %mul3A_5 = arith.constant 640 : i32
    %mul3A_6 = arith.muli %arg1, %mul3A_5 : i32
    %add3A_7 = arith.constant 0 : i32
    %add3A_8 = arith.addi %mul3A_6, %add3A_7 : i32
    "tpu.region"() ({
      %run_scoped3A = tpu.sem_alloc : memref<!tpu.dma_semaphore, #tpu.memory_space<semaphore_mem>>
      %dma_start3A = arith.constant 0 : i32
      %dma_start3A_88 = tpu.memref_slice %arg6[%add3A_8, %dma_start3A] : memref<10240x128xf32, #tpu.memory_space<vmem_shared>> -> memref<128x128xf32, #tpu.memory_space<vmem_shared>>
      %dma_start3A_89 = arith.constant 0 : i32
      %dma_start3A_90 = tpu.memref_slice %arg6[%add3A_8, %dma_start3A_89] : memref<10240x128xf32, #tpu.memory_space<vmem_shared>> -> memref<128x128xf32, #tpu.memory_space<vmem_shared>>
      tpu.enqueue_dma source(%arg9 : memref<128x128xf32, #tpu.memory_space<vmem>>) target(%dma_start3A_90 : memref<128x128xf32, #tpu.memory_space<vmem_shared>>) target_semaphore(%run_scoped3A : memref<!tpu.dma_semaphore, #tpu.memory_space<semaphore_mem>>)
      %dma_wait3A = arith.constant 0 : i32
      %dma_wait3A_91 = tpu.memref_slice %arg6[%add3A_8, %dma_wait3A] : memref<10240x128xf32, #tpu.memory_space<vmem_shared>> -> memref<128x128xf32, #tpu.memory_space<vmem_shared>>
      %dma_wait3A_92 = arith.constant 0 : i32
      %dma_wait3A_93 = tpu.memref_slice %arg6[%add3A_8, %dma_wait3A_92] : memref<10240x128xf32, #tpu.memory_space<vmem_shared>> -> memref<128x128xf32, #tpu.memory_space<vmem_shared>>
      tpu.wait_dma2 semaphore(%run_scoped3A : memref<!tpu.dma_semaphore, #tpu.memory_space<semaphore_mem>>) src(%arg9 : memref<128x128xf32, #tpu.memory_space<vmem>>) dst(%dma_wait3A_93 : memref<128x128xf32, #tpu.memory_space<vmem_shared>>)
      tpu.yield
    }) : () -> ()
    %mul3A_9 = arith.constant 640 : i32
    %mul3A_10 = arith.muli %arg1, %mul3A_9 : i32
    %add3A_11 = arith.constant 128 : i32
    %add3A_12 = arith.addi %mul3A_10, %add3A_11 : i32
    "tpu.region"() ({
      %run_scoped3A = tpu.sem_alloc : memref<!tpu.dma_semaphore, #tpu.memory_space<semaphore_mem>>
      %dma_start3A = arith.constant 0 : i32
      %dma_start3A_88 = tpu.memref_slice %arg6[%add3A_12, %dma_start3A] : memref<10240x128xf32, #tpu.memory_space<vmem_shared>> -> memref<128x128xf32, #tpu.memory_space<vmem_shared>>
      %dma_start3A_89 = arith.constant 0 : i32
      %dma_start3A_90 = tpu.memref_slice %arg6[%add3A_12, %dma_start3A_89] : memref<10240x128xf32, #tpu.memory_space<vmem_shared>> -> memref<128x128xf32, #tpu.memory_space<vmem_shared>>
      tpu.enqueue_dma source(%arg9 : memref<128x128xf32, #tpu.memory_space<vmem>>) target(%dma_start3A_90 : memref<128x128xf32, #tpu.memory_space<vmem_shared>>) target_semaphore(%run_scoped3A : memref<!tpu.dma_semaphore, #tpu.memory_space<semaphore_mem>>)
      %dma_wait3A = arith.constant 0 : i32
      %dma_wait3A_91 = tpu.memref_slice %arg6[%add3A_12, %dma_wait3A] : memref<10240x128xf32, #tpu.memory_space<vmem_shared>> -> memref<128x128xf32, #tpu.memory_space<vmem_shared>>
      %dma_wait3A_92 = arith.constant 0 : i32
      %dma_wait3A_93 = tpu.memref_slice %arg6[%add3A_12, %dma_wait3A_92] : memref<10240x128xf32, #tpu.memory_space<vmem_shared>> -> memref<128x128xf32, #tpu.memory_space<vmem_shared>>
      tpu.wait_dma2 semaphore(%run_scoped3A : memref<!tpu.dma_semaphore, #tpu.memory_space<semaphore_mem>>) src(%arg9 : memref<128x128xf32, #tpu.memory_space<vmem>>) dst(%dma_wait3A_93 : memref<128x128xf32, #tpu.memory_space<vmem_shared>>)
      tpu.yield
    }) : () -> ()
    %mul3A_13 = arith.constant 640 : i32
    %mul3A_14 = arith.muli %arg1, %mul3A_13 : i32
    %add3A_15 = arith.constant 256 : i32
    %add3A_16 = arith.addi %mul3A_14, %add3A_15 : i32
    "tpu.region"() ({
      %run_scoped3A = tpu.sem_alloc : memref<!tpu.dma_semaphore, #tpu.memory_space<semaphore_mem>>
      %dma_start3A = arith.constant 0 : i32
      %dma_start3A_88 = tpu.memref_slice %arg6[%add3A_16, %dma_start3A] : memref<10240x128xf32, #tpu.memory_space<vmem_shared>> -> memref<128x128xf32, #tpu.memory_space<vmem_shared>>
      %dma_start3A_89 = arith.constant 0 : i32
      %dma_start3A_90 = tpu.memref_slice %arg6[%add3A_16, %dma_start3A_89] : memref<10240x128xf32, #tpu.memory_space<vmem_shared>> -> memref<128x128xf32, #tpu.memory_space<vmem_shared>>
      tpu.enqueue_dma source(%arg9 : memref<128x128xf32, #tpu.memory_space<vmem>>) target(%dma_start3A_90 : memref<128x128xf32, #tpu.memory_space<vmem_shared>>) target_semaphore(%run_scoped3A : memref<!tpu.dma_semaphore, #tpu.memory_space<semaphore_mem>>)
      %dma_wait3A = arith.constant 0 : i32
      %dma_wait3A_91 = tpu.memref_slice %arg6[%add3A_16, %dma_wait3A] : memref<10240x128xf32, #tpu.memory_space<vmem_shared>> -> memref<128x128xf32, #tpu.memory_space<vmem_shared>>
      %dma_wait3A_92 = arith.constant 0 : i32
      %dma_wait3A_93 = tpu.memref_slice %arg6[%add3A_16, %dma_wait3A_92] : memref<10240x128xf32, #tpu.memory_space<vmem_shared>> -> memref<128x128xf32, #tpu.memory_space<vmem_shared>>
      tpu.wait_dma2 semaphore(%run_scoped3A : memref<!tpu.dma_semaphore, #tpu.memory_space<semaphore_mem>>) src(%arg9 : memref<128x128xf32, #tpu.memory_space<vmem>>) dst(%dma_wait3A_93 : memref<128x128xf32, #tpu.memory_space<vmem_shared>>)
      tpu.yield
    }) : () -> ()
    %mul3A_17 = arith.constant 640 : i32
    %mul3A_18 = arith.muli %arg1, %mul3A_17 : i32
    %add3A_19 = arith.constant 384 : i32
    %add3A_20 = arith.addi %mul3A_18, %add3A_19 : i32
    "tpu.region"() ({
      %run_scoped3A = tpu.sem_alloc : memref<!tpu.dma_semaphore, #tpu.memory_space<semaphore_mem>>
      %dma_start3A = arith.constant 0 : i32
      %dma_start3A_88 = tpu.memref_slice %arg6[%add3A_20, %dma_start3A] : memref<10240x128xf32, #tpu.memory_space<vmem_shared>> -> memref<128x128xf32, #tpu.memory_space<vmem_shared>>
      %dma_start3A_89 = arith.constant 0 : i32
      %dma_start3A_90 = tpu.memref_slice %arg6[%add3A_20, %dma_start3A_89] : memref<10240x128xf32, #tpu.memory_space<vmem_shared>> -> memref<128x128xf32, #tpu.memory_space<vmem_shared>>
      tpu.enqueue_dma source(%arg9 : memref<128x128xf32, #tpu.memory_space<vmem>>) target(%dma_start3A_90 : memref<128x128xf32, #tpu.memory_space<vmem_shared>>) target_semaphore(%run_scoped3A : memref<!tpu.dma_semaphore, #tpu.memory_space<semaphore_mem>>)
      %dma_wait3A = arith.constant 0 : i32
      %dma_wait3A_91 = tpu.memref_slice %arg6[%add3A_20, %dma_wait3A] : memref<10240x128xf32, #tpu.memory_space<vmem_shared>> -> memref<128x128xf32, #tpu.memory_space<vmem_shared>>
      %dma_wait3A_92 = arith.constant 0 : i32
      %dma_wait3A_93 = tpu.memref_slice %arg6[%add3A_20, %dma_wait3A_92] : memref<10240x128xf32, #tpu.memory_space<vmem_shared>> -> memref<128x128xf32, #tpu.memory_space<vmem_shared>>
      tpu.wait_dma2 semaphore(%run_scoped3A : memref<!tpu.dma_semaphore, #tpu.memory_space<semaphore_mem>>) src(%arg9 : memref<128x128xf32, #tpu.memory_space<vmem>>) dst(%dma_wait3A_93 : memref<128x128xf32, #tpu.memory_space<vmem_shared>>)
      tpu.yield
    }) : () -> ()
    %mul3A_21 = arith.constant 640 : i32
    %mul3A_22 = arith.muli %arg1, %mul3A_21 : i32
    %add3A_23 = arith.constant 512 : i32
    %add3A_24 = arith.addi %mul3A_22, %add3A_23 : i32
    "tpu.region"() ({
      %run_scoped3A = tpu.sem_alloc : memref<!tpu.dma_semaphore, #tpu.memory_space<semaphore_mem>>
      %dma_start3A = arith.constant 0 : i32
      %dma_start3A_88 = tpu.memref_slice %arg6[%add3A_24, %dma_start3A] : memref<10240x128xf32, #tpu.memory_space<vmem_shared>> -> memref<128x128xf32, #tpu.memory_space<vmem_shared>>
      %dma_start3A_89 = arith.constant 0 : i32
      %dma_start3A_90 = tpu.memref_slice %arg6[%add3A_24, %dma_start3A_89] : memref<10240x128xf32, #tpu.memory_space<vmem_shared>> -> memref<128x128xf32, #tpu.memory_space<vmem_shared>>
      tpu.enqueue_dma source(%arg9 : memref<128x128xf32, #tpu.memory_space<vmem>>) target(%dma_start3A_90 : memref<128x128xf32, #tpu.memory_space<vmem_shared>>) target_semaphore(%run_scoped3A : memref<!tpu.dma_semaphore, #tpu.memory_space<semaphore_mem>>)
      %dma_wait3A = arith.constant 0 : i32
      %dma_wait3A_91 = tpu.memref_slice %arg6[%add3A_24, %dma_wait3A] : memref<10240x128xf32, #tpu.memory_space<vmem_shared>> -> memref<128x128xf32, #tpu.memory_space<vmem_shared>>
      %dma_wait3A_92 = arith.constant 0 : i32
      %dma_wait3A_93 = tpu.memref_slice %arg6[%add3A_24, %dma_wait3A_92] : memref<10240x128xf32, #tpu.memory_space<vmem_shared>> -> memref<128x128xf32, #tpu.memory_space<vmem_shared>>
      tpu.wait_dma2 semaphore(%run_scoped3A : memref<!tpu.dma_semaphore, #tpu.memory_space<semaphore_mem>>) src(%arg9 : memref<128x128xf32, #tpu.memory_space<vmem>>) dst(%dma_wait3A_93 : memref<128x128xf32, #tpu.memory_space<vmem_shared>>)
      tpu.yield
    }) : () -> ()
    %barrier3A = arith.constant 0 : index
    tpu.barrier barrier_id(%barrier3A)
    %mul3A_25 = arith.constant 80 : i32
    %mul3A_26 = arith.muli %add3A, %mul3A_25 : i32
    %scan3A_27 = arith.constant 0 : i32
    %scan3A_28 = arith.constant 10 : i32
    %scan3A_29 = arith.addi %scan3A_27, %scan3A_28 : i32
    %scan3A_30 = arith.constant 1 : i32
    scf.for %scan3A_88 = %scan3A_27 to %scan3A_29 step %scan3A_30  : i32 {
      %mul3A_89 = arith.constant 1 : i32
      %mul3A_90 = arith.muli %scan3A_88, %mul3A_89 : i32
      %add3A_91 = arith.constant 0 : i32
      %add3A_92 = arith.addi %add3A_91, %mul3A_90 : i32
      %mul3A_93 = arith.constant 8 : i32
      %mul3A_94 = arith.muli %add3A_92, %mul3A_93 : i32
      %add3A_95 = arith.addi %mul3A_26, %mul3A_94 : i32
      "tpu.region"() ({
        %run_scoped3A = tpu.sem_alloc : memref<!tpu.dma_semaphore, #tpu.memory_space<semaphore_mem>>
        %dma_start3A_318 = arith.constant 0 : i32
        %dma_start3A_319 = tpu.memref_slice %arg3[%add3A_95, %dma_start3A_318] : memref<2560x128xi32, #tpu.memory_space<hbm>> -> memref<8x128xi32, #tpu.memory_space<hbm>>
        %dma_start3A_320 = arith.constant 0 : i32
        %dma_start3A_321 = tpu.memref_slice %arg3[%add3A_95, %dma_start3A_320] : memref<2560x128xi32, #tpu.memory_space<hbm>> -> memref<8x128xi32, #tpu.memory_space<hbm>>
        tpu.enqueue_dma source(%dma_start3A_321 : memref<8x128xi32, #tpu.memory_space<hbm>>) target(%arg7 : memref<8x128xi32, #tpu.memory_space<vmem>>) target_semaphore(%run_scoped3A : memref<!tpu.dma_semaphore, #tpu.memory_space<semaphore_mem>>)
        %dma_wait3A_322 = arith.constant 0 : i32
        %dma_wait3A_323 = tpu.memref_slice %arg3[%add3A_95, %dma_wait3A_322] : memref<2560x128xi32, #tpu.memory_space<hbm>> -> memref<8x128xi32, #tpu.memory_space<hbm>>
        %dma_wait3A_324 = arith.constant 0 : i32
        %dma_wait3A_325 = tpu.memref_slice %arg3[%add3A_95, %dma_wait3A_324] : memref<2560x128xi32, #tpu.memory_space<hbm>> -> memref<8x128xi32, #tpu.memory_space<hbm>>
        tpu.wait_dma2 semaphore(%run_scoped3A : memref<!tpu.dma_semaphore, #tpu.memory_space<semaphore_mem>>) src(%dma_wait3A_325 : memref<8x128xi32, #tpu.memory_space<hbm>>) dst(%arg7 : memref<8x128xi32, #tpu.memory_space<vmem>>)
        tpu.yield
      }) : () -> ()
      "tpu.region"() ({
        %run_scoped3A = tpu.sem_alloc : memref<!tpu.dma_semaphore, #tpu.memory_space<semaphore_mem>>
        %dma_start3A_318 = arith.constant 0 : i32
        %dma_start3A_319 = tpu.memref_slice %arg4[%add3A_95, %dma_start3A_318] : memref<2560x128xi32, #tpu.memory_space<hbm>> -> memref<8x128xi32, #tpu.memory_space<hbm>>
        %dma_start3A_320 = arith.constant 0 : i32
        %dma_start3A_321 = tpu.memref_slice %arg4[%add3A_95, %dma_start3A_320] : memref<2560x128xi32, #tpu.memory_space<hbm>> -> memref<8x128xi32, #tpu.memory_space<hbm>>
        tpu.enqueue_dma source(%dma_start3A_321 : memref<8x128xi32, #tpu.memory_space<hbm>>) target(%arg8 : memref<8x128xi32, #tpu.memory_space<vmem>>) target_semaphore(%run_scoped3A : memref<!tpu.dma_semaphore, #tpu.memory_space<semaphore_mem>>)
        %dma_wait3A_322 = arith.constant 0 : i32
        %dma_wait3A_323 = tpu.memref_slice %arg4[%add3A_95, %dma_wait3A_322] : memref<2560x128xi32, #tpu.memory_space<hbm>> -> memref<8x128xi32, #tpu.memory_space<hbm>>
        %dma_wait3A_324 = arith.constant 0 : i32
        %dma_wait3A_325 = tpu.memref_slice %arg4[%add3A_95, %dma_wait3A_324] : memref<2560x128xi32, #tpu.memory_space<hbm>> -> memref<8x128xi32, #tpu.memory_space<hbm>>
        tpu.wait_dma2 semaphore(%run_scoped3A : memref<!tpu.dma_semaphore, #tpu.memory_space<semaphore_mem>>) src(%dma_wait3A_325 : memref<8x128xi32, #tpu.memory_space<hbm>>) dst(%arg8 : memref<8x128xi32, #tpu.memory_space<vmem>>)
        tpu.yield
      }) : () -> ()
      %dma_start3A = arith.constant 0 : i32
      %dma_start3A_96 = arith.constant 0 : i32
      %dma_start3A_97 = tpu.memref_slice %arg7[%dma_start3A, %dma_start3A_96] : memref<8x128xi32, #tpu.memory_space<vmem>> -> memref<1x128xi32, #tpu.memory_space<vmem>>
      %dma_start3A_98 = tpu.memref_squeeze %dma_start3A_97 : memref<1x128xi32, #tpu.memory_space<vmem>> -> memref<128xi32, #tpu.memory_space<vmem>>
      %dma_start3A_99 = arith.constant 0 : i32
      %dma_start3A_100 = arith.constant 0 : i32
      %dma_start3A_101 = tpu.memref_slice %arg2[%dma_start3A_99, %dma_start3A_100] : memref<50176x128xf32, #tpu.memory_space<hbm>> -> memref<50176x128xf32, #tpu.memory_space<hbm>>
      tpu.enqueue_indirect_dma source(%dma_start3A_101 : memref<50176x128xf32, #tpu.memory_space<hbm>>) target(%arg9 : memref<128x128xf32, #tpu.memory_space<vmem>>) offsets(%dma_start3A_98 : memref<128xi32, #tpu.memory_space<vmem>>) semaphore(%arg11 : memref<!tpu.dma_semaphore, #tpu.memory_space<semaphore_mem>>)
      %dma_wait3A = arith.constant 0 : i32
      %dma_wait3A_102 = arith.constant 0 : i32
      %dma_wait3A_103 = tpu.memref_slice %arg7[%dma_wait3A, %dma_wait3A_102] : memref<8x128xi32, #tpu.memory_space<vmem>> -> memref<1x128xi32, #tpu.memory_space<vmem>>
      %dma_wait3A_104 = tpu.memref_squeeze %dma_wait3A_103 : memref<1x128xi32, #tpu.memory_space<vmem>> -> memref<128xi32, #tpu.memory_space<vmem>>
      %dma_wait3A_105 = arith.constant 0 : i32
      %dma_wait3A_106 = arith.constant 0 : i32
      %dma_wait3A_107 = tpu.memref_slice %arg2[%dma_wait3A_105, %dma_wait3A_106] : memref<50176x128xf32, #tpu.memory_space<hbm>> -> memref<50176x128xf32, #tpu.memory_space<hbm>>
      tpu.wait_indirect_dma semaphore(%arg11 : memref<!tpu.dma_semaphore, #tpu.memory_space<semaphore_mem>>) src(%dma_wait3A_107 : memref<50176x128xf32, #tpu.memory_space<hbm>>) dst(%arg9 : memref<128x128xf32, #tpu.memory_space<vmem>>)
      %dma_start3A_108 = arith.constant 0 : i32
      %dma_start3A_109 = arith.constant 0 : i32
      %dma_start3A_110 = tpu.memref_slice %arg8[%dma_start3A_108, %dma_start3A_109] : memref<8x128xi32, #tpu.memory_space<vmem>> -> memref<1x128xi32, #tpu.memory_space<vmem>>
      %dma_start3A_111 = tpu.memref_squeeze %dma_start3A_110 : memref<1x128xi32, #tpu.memory_space<vmem>> -> memref<128xi32, #tpu.memory_space<vmem>>
      %dma_start3A_112 = arith.constant 0 : i32
      %dma_start3A_113 = arith.constant 0 : i32
      %dma_start3A_114 = tpu.memref_slice %arg6[%dma_start3A_112, %dma_start3A_113] : memref<10240x128xf32, #tpu.memory_space<vmem_shared>> -> memref<10240x128xf32, #tpu.memory_space<vmem_shared>>
      tpu.enqueue_indirect_dma source(%arg9 : memref<128x128xf32, #tpu.memory_space<vmem>>) target(%dma_start3A_114 : memref<10240x128xf32, #tpu.memory_space<vmem_shared>>) offsets(%dma_start3A_111 : memref<128xi32, #tpu.memory_space<vmem>>) semaphore(%arg12 : memref<!tpu.dma_semaphore, #tpu.memory_space<semaphore_mem>>) {add = true}
      %dma_start3A_115 = arith.constant 1 : i32
      %dma_start3A_116 = arith.constant 0 : i32
      %dma_start3A_117 = tpu.memref_slice %arg7[%dma_start3A_115, %dma_start3A_116] : memref<8x128xi32, #tpu.memory_space<vmem>> -> memref<1x128xi32, #tpu.memory_space<vmem>>
      %dma_start3A_118 = tpu.memref_squeeze %dma_start3A_117 : memref<1x128xi32, #tpu.memory_space<vmem>> -> memref<128xi32, #tpu.memory_space<vmem>>
      %dma_start3A_119 = arith.constant 0 : i32
      %dma_start3A_120 = arith.constant 0 : i32
      %dma_start3A_121 = tpu.memref_slice %arg2[%dma_start3A_119, %dma_start3A_120] : memref<50176x128xf32, #tpu.memory_space<hbm>> -> memref<50176x128xf32, #tpu.memory_space<hbm>>
      tpu.enqueue_indirect_dma source(%dma_start3A_121 : memref<50176x128xf32, #tpu.memory_space<hbm>>) target(%arg10 : memref<128x128xf32, #tpu.memory_space<vmem>>) offsets(%dma_start3A_118 : memref<128xi32, #tpu.memory_space<vmem>>) semaphore(%arg11 : memref<!tpu.dma_semaphore, #tpu.memory_space<semaphore_mem>>)
      %dma_wait3A_122 = arith.constant 1 : i32
      %dma_wait3A_123 = arith.constant 0 : i32
      %dma_wait3A_124 = tpu.memref_slice %arg7[%dma_wait3A_122, %dma_wait3A_123] : memref<8x128xi32, #tpu.memory_space<vmem>> -> memref<1x128xi32, #tpu.memory_space<vmem>>
      %dma_wait3A_125 = tpu.memref_squeeze %dma_wait3A_124 : memref<1x128xi32, #tpu.memory_space<vmem>> -> memref<128xi32, #tpu.memory_space<vmem>>
      %dma_wait3A_126 = arith.constant 0 : i32
      %dma_wait3A_127 = arith.constant 0 : i32
      %dma_wait3A_128 = tpu.memref_slice %arg2[%dma_wait3A_126, %dma_wait3A_127] : memref<50176x128xf32, #tpu.memory_space<hbm>> -> memref<50176x128xf32, #tpu.memory_space<hbm>>
      tpu.wait_indirect_dma semaphore(%arg11 : memref<!tpu.dma_semaphore, #tpu.memory_space<semaphore_mem>>) src(%dma_wait3A_128 : memref<50176x128xf32, #tpu.memory_space<hbm>>) dst(%arg10 : memref<128x128xf32, #tpu.memory_space<vmem>>)
      %dma_start3A_129 = arith.constant 1 : i32
      %dma_start3A_130 = arith.constant 0 : i32
      %dma_start3A_131 = tpu.memref_slice %arg8[%dma_start3A_129, %dma_start3A_130] : memref<8x128xi32, #tpu.memory_space<vmem>> -> memref<1x128xi32, #tpu.memory_space<vmem>>
      %dma_start3A_132 = tpu.memref_squeeze %dma_start3A_131 : memref<1x128xi32, #tpu.memory_space<vmem>> -> memref<128xi32, #tpu.memory_space<vmem>>
      %dma_start3A_133 = arith.constant 0 : i32
      %dma_start3A_134 = arith.constant 0 : i32
      %dma_start3A_135 = tpu.memref_slice %arg6[%dma_start3A_133, %dma_start3A_134] : memref<10240x128xf32, #tpu.memory_space<vmem_shared>> -> memref<10240x128xf32, #tpu.memory_space<vmem_shared>>
      tpu.enqueue_indirect_dma source(%arg10 : memref<128x128xf32, #tpu.memory_space<vmem>>) target(%dma_start3A_135 : memref<10240x128xf32, #tpu.memory_space<vmem_shared>>) offsets(%dma_start3A_132 : memref<128xi32, #tpu.memory_space<vmem>>) semaphore(%arg13 : memref<!tpu.dma_semaphore, #tpu.memory_space<semaphore_mem>>) {add = true}
      %dma_wait3A_136 = arith.constant 2 : i32
      %dma_wait3A_137 = arith.constant 0 : i32
      %dma_wait3A_138 = tpu.memref_slice %arg8[%dma_wait3A_136, %dma_wait3A_137] : memref<8x128xi32, #tpu.memory_space<vmem>> -> memref<1x128xi32, #tpu.memory_space<vmem>>
      %dma_wait3A_139 = tpu.memref_squeeze %dma_wait3A_138 : memref<1x128xi32, #tpu.memory_space<vmem>> -> memref<128xi32, #tpu.memory_space<vmem>>
      %dma_wait3A_140 = arith.constant 0 : i32
      %dma_wait3A_141 = arith.constant 0 : i32
      %dma_wait3A_142 = tpu.memref_slice %arg6[%dma_wait3A_140, %dma_wait3A_141] : memref<10240x128xf32, #tpu.memory_space<vmem_shared>> -> memref<10240x128xf32, #tpu.memory_space<vmem_shared>>
      tpu.wait_indirect_dma semaphore(%arg12 : memref<!tpu.dma_semaphore, #tpu.memory_space<semaphore_mem>>) src(%arg9 : memref<128x128xf32, #tpu.memory_space<vmem>>) dst(%dma_wait3A_142 : memref<10240x128xf32, #tpu.memory_space<vmem_shared>>)
      %dma_start3A_143 = arith.constant 2 : i32
      %dma_start3A_144 = arith.constant 0 : i32
      %dma_start3A_145 = tpu.memref_slice %arg7[%dma_start3A_143, %dma_start3A_144] : memref<8x128xi32, #tpu.memory_space<vmem>> -> memref<1x128xi32, #tpu.memory_space<vmem>>
      %dma_start3A_146 = tpu.memref_squeeze %dma_start3A_145 : memref<1x128xi32, #tpu.memory_space<vmem>> -> memref<128xi32, #tpu.memory_space<vmem>>
      %dma_start3A_147 = arith.constant 0 : i32
      %dma_start3A_148 = arith.constant 0 : i32
      %dma_start3A_149 = tpu.memref_slice %arg2[%dma_start3A_147, %dma_start3A_148] : memref<50176x128xf32, #tpu.memory_space<hbm>> -> memref<50176x128xf32, #tpu.memory_space<hbm>>
      tpu.enqueue_indirect_dma source(%dma_start3A_149 : memref<50176x128xf32, #tpu.memory_space<hbm>>) target(%arg9 : memref<128x128xf32, #tpu.memory_space<vmem>>) offsets(%dma_start3A_146 : memref<128xi32, #tpu.memory_space<vmem>>) semaphore(%arg11 : memref<!tpu.dma_semaphore, #tpu.memory_space<semaphore_mem>>)
      %dma_wait3A_150 = arith.constant 2 : i32
      %dma_wait3A_151 = arith.constant 0 : i32
      %dma_wait3A_152 = tpu.memref_slice %arg7[%dma_wait3A_150, %dma_wait3A_151] : memref<8x128xi32, #tpu.memory_space<vmem>> -> memref<1x128xi32, #tpu.memory_space<vmem>>
      %dma_wait3A_153 = tpu.memref_squeeze %dma_wait3A_152 : memref<1x128xi32, #tpu.memory_space<vmem>> -> memref<128xi32, #tpu.memory_space<vmem>>
      %dma_wait3A_154 = arith.constant 0 : i32
      %dma_wait3A_155 = arith.constant 0 : i32
      %dma_wait3A_156 = tpu.memref_slice %arg2[%dma_wait3A_154, %dma_wait3A_155] : memref<50176x128xf32, #tpu.memory_space<hbm>> -> memref<50176x128xf32, #tpu.memory_space<hbm>>
      tpu.wait_indirect_dma semaphore(%arg11 : memref<!tpu.dma_semaphore, #tpu.memory_space<semaphore_mem>>) src(%dma_wait3A_156 : memref<50176x128xf32, #tpu.memory_space<hbm>>) dst(%arg9 : memref<128x128xf32, #tpu.memory_space<vmem>>)
      %dma_start3A_157 = arith.constant 2 : i32
      %dma_start3A_158 = arith.constant 0 : i32
      %dma_start3A_159 = tpu.memref_slice %arg8[%dma_start3A_157, %dma_start3A_158] : memref<8x128xi32, #tpu.memory_space<vmem>> -> memref<1x128xi32, #tpu.memory_space<vmem>>
      %dma_start3A_160 = tpu.memref_squeeze %dma_start3A_159 : memref<1x128xi32, #tpu.memory_space<vmem>> -> memref<128xi32, #tpu.memory_space<vmem>>
      %dma_start3A_161 = arith.constant 0 : i32
      %dma_start3A_162 = arith.constant 0 : i32
      %dma_start3A_163 = tpu.memref_slice %arg6[%dma_start3A_161, %dma_start3A_162] : memref<10240x128xf32, #tpu.memory_space<vmem_shared>> -> memref<10240x128xf32, #tpu.memory_space<vmem_shared>>
      tpu.enqueue_indirect_dma source(%arg9 : memref<128x128xf32, #tpu.memory_space<vmem>>) target(%dma_start3A_163 : memref<10240x128xf32, #tpu.memory_space<vmem_shared>>) offsets(%dma_start3A_160 : memref<128xi32, #tpu.memory_space<vmem>>) semaphore(%arg12 : memref<!tpu.dma_semaphore, #tpu.memory_space<semaphore_mem>>) {add = true}
      %dma_wait3A_164 = arith.constant 3 : i32
      %dma_wait3A_165 = arith.constant 0 : i32
      %dma_wait3A_166 = tpu.memref_slice %arg8[%dma_wait3A_164, %dma_wait3A_165] : memref<8x128xi32, #tpu.memory_space<vmem>> -> memref<1x128xi32, #tpu.memory_space<vmem>>
      %dma_wait3A_167 = tpu.memref_squeeze %dma_wait3A_166 : memref<1x128xi32, #tpu.memory_space<vmem>> -> memref<128xi32, #tpu.memory_space<vmem>>
      %dma_wait3A_168 = arith.constant 0 : i32
      %dma_wait3A_169 = arith.constant 0 : i32
      %dma_wait3A_170 = tpu.memref_slice %arg6[%dma_wait3A_168, %dma_wait3A_169] : memref<10240x128xf32, #tpu.memory_space<vmem_shared>> -> memref<10240x128xf32, #tpu.memory_space<vmem_shared>>
      tpu.wait_indirect_dma semaphore(%arg13 : memref<!tpu.dma_semaphore, #tpu.memory_space<semaphore_mem>>) src(%arg10 : memref<128x128xf32, #tpu.memory_space<vmem>>) dst(%dma_wait3A_170 : memref<10240x128xf32, #tpu.memory_space<vmem_shared>>)
      %dma_start3A_171 = arith.constant 3 : i32
      %dma_start3A_172 = arith.constant 0 : i32
      %dma_start3A_173 = tpu.memref_slice %arg7[%dma_start3A_171, %dma_start3A_172] : memref<8x128xi32, #tpu.memory_space<vmem>> -> memref<1x128xi32, #tpu.memory_space<vmem>>
      %dma_start3A_174 = tpu.memref_squeeze %dma_start3A_173 : memref<1x128xi32, #tpu.memory_space<vmem>> -> memref<128xi32, #tpu.memory_space<vmem>>
      %dma_start3A_175 = arith.constant 0 : i32
      %dma_start3A_176 = arith.constant 0 : i32
      %dma_start3A_177 = tpu.memref_slice %arg2[%dma_start3A_175, %dma_start3A_176] : memref<50176x128xf32, #tpu.memory_space<hbm>> -> memref<50176x128xf32, #tpu.memory_space<hbm>>
      tpu.enqueue_indirect_dma source(%dma_start3A_177 : memref<50176x128xf32, #tpu.memory_space<hbm>>) target(%arg10 : memref<128x128xf32, #tpu.memory_space<vmem>>) offsets(%dma_start3A_174 : memref<128xi32, #tpu.memory_space<vmem>>) semaphore(%arg11 : memref<!tpu.dma_semaphore, #tpu.memory_space<semaphore_mem>>)
      %dma_wait3A_178 = arith.constant 3 : i32
      %dma_wait3A_179 = arith.constant 0 : i32
      %dma_wait3A_180 = tpu.memref_slice %arg7[%dma_wait3A_178, %dma_wait3A_179] : memref<8x128xi32, #tpu.memory_space<vmem>> -> memref<1x128xi32, #tpu.memory_space<vmem>>
      %dma_wait3A_181 = tpu.memref_squeeze %dma_wait3A_180 : memref<1x128xi32, #tpu.memory_space<vmem>> -> memref<128xi32, #tpu.memory_space<vmem>>
      %dma_wait3A_182 = arith.constant 0 : i32
      %dma_wait3A_183 = arith.constant 0 : i32
      %dma_wait3A_184 = tpu.memref_slice %arg2[%dma_wait3A_182, %dma_wait3A_183] : memref<50176x128xf32, #tpu.memory_space<hbm>> -> memref<50176x128xf32, #tpu.memory_space<hbm>>
      tpu.wait_indirect_dma semaphore(%arg11 : memref<!tpu.dma_semaphore, #tpu.memory_space<semaphore_mem>>) src(%dma_wait3A_184 : memref<50176x128xf32, #tpu.memory_space<hbm>>) dst(%arg10 : memref<128x128xf32, #tpu.memory_space<vmem>>)
      %dma_start3A_185 = arith.constant 3 : i32
      %dma_start3A_186 = arith.constant 0 : i32
      %dma_start3A_187 = tpu.memref_slice %arg8[%dma_start3A_185, %dma_start3A_186] : memref<8x128xi32, #tpu.memory_space<vmem>> -> memref<1x128xi32, #tpu.memory_space<vmem>>
      %dma_start3A_188 = tpu.memref_squeeze %dma_start3A_187 : memref<1x128xi32, #tpu.memory_space<vmem>> -> memref<128xi32, #tpu.memory_space<vmem>>
      %dma_start3A_189 = arith.constant 0 : i32
      %dma_start3A_190 = arith.constant 0 : i32
      %dma_start3A_191 = tpu.memref_slice %arg6[%dma_start3A_189, %dma_start3A_190] : memref<10240x128xf32, #tpu.memory_space<vmem_shared>> -> memref<10240x128xf32, #tpu.memory_space<vmem_shared>>
      tpu.enqueue_indirect_dma source(%arg10 : memref<128x128xf32, #tpu.memory_space<vmem>>) target(%dma_start3A_191 : memref<10240x128xf32, #tpu.memory_space<vmem_shared>>) offsets(%dma_start3A_188 : memref<128xi32, #tpu.memory_space<vmem>>) semaphore(%arg13 : memref<!tpu.dma_semaphore, #tpu.memory_space<semaphore_mem>>) {add = true}
      %dma_wait3A_192 = arith.constant 4 : i32
      %dma_wait3A_193 = arith.constant 0 : i32
      %dma_wait3A_194 = tpu.memref_slice %arg8[%dma_wait3A_192, %dma_wait3A_193] : memref<8x128xi32, #tpu.memory_space<vmem>> -> memref<1x128xi32, #tpu.memory_space<vmem>>
      %dma_wait3A_195 = tpu.memref_squeeze %dma_wait3A_194 : memref<1x128xi32, #tpu.memory_space<vmem>> -> memref<128xi32, #tpu.memory_space<vmem>>
      %dma_wait3A_196 = arith.constant 0 : i32
      %dma_wait3A_197 = arith.constant 0 : i32
      %dma_wait3A_198 = tpu.memref_slice %arg6[%dma_wait3A_196, %dma_wait3A_197] : memref<10240x128xf32, #tpu.memory_space<vmem_shared>> -> memref<10240x128xf32, #tpu.memory_space<vmem_shared>>
      tpu.wait_indirect_dma semaphore(%arg12 : memref<!tpu.dma_semaphore, #tpu.memory_space<semaphore_mem>>) src(%arg9 : memref<128x128xf32, #tpu.memory_space<vmem>>) dst(%dma_wait3A_198 : memref<10240x128xf32, #tpu.memory_space<vmem_shared>>)
      %dma_start3A_199 = arith.constant 4 : i32
      %dma_start3A_200 = arith.constant 0 : i32
      %dma_start3A_201 = tpu.memref_slice %arg7[%dma_start3A_199, %dma_start3A_200] : memref<8x128xi32, #tpu.memory_space<vmem>> -> memref<1x128xi32, #tpu.memory_space<vmem>>
      %dma_start3A_202 = tpu.memref_squeeze %dma_start3A_201 : memref<1x128xi32, #tpu.memory_space<vmem>> -> memref<128xi32, #tpu.memory_space<vmem>>
      %dma_start3A_203 = arith.constant 0 : i32
      %dma_start3A_204 = arith.constant 0 : i32
      %dma_start3A_205 = tpu.memref_slice %arg2[%dma_start3A_203, %dma_start3A_204] : memref<50176x128xf32, #tpu.memory_space<hbm>> -> memref<50176x128xf32, #tpu.memory_space<hbm>>
      tpu.enqueue_indirect_dma source(%dma_start3A_205 : memref<50176x128xf32, #tpu.memory_space<hbm>>) target(%arg9 : memref<128x128xf32, #tpu.memory_space<vmem>>) offsets(%dma_start3A_202 : memref<128xi32, #tpu.memory_space<vmem>>) semaphore(%arg11 : memref<!tpu.dma_semaphore, #tpu.memory_space<semaphore_mem>>)
      %dma_wait3A_206 = arith.constant 4 : i32
      %dma_wait3A_207 = arith.constant 0 : i32
      %dma_wait3A_208 = tpu.memref_slice %arg7[%dma_wait3A_206, %dma_wait3A_207] : memref<8x128xi32, #tpu.memory_space<vmem>> -> memref<1x128xi32, #tpu.memory_space<vmem>>
      %dma_wait3A_209 = tpu.memref_squeeze %dma_wait3A_208 : memref<1x128xi32, #tpu.memory_space<vmem>> -> memref<128xi32, #tpu.memory_space<vmem>>
      %dma_wait3A_210 = arith.constant 0 : i32
      %dma_wait3A_211 = arith.constant 0 : i32
      %dma_wait3A_212 = tpu.memref_slice %arg2[%dma_wait3A_210, %dma_wait3A_211] : memref<50176x128xf32, #tpu.memory_space<hbm>> -> memref<50176x128xf32, #tpu.memory_space<hbm>>
      tpu.wait_indirect_dma semaphore(%arg11 : memref<!tpu.dma_semaphore, #tpu.memory_space<semaphore_mem>>) src(%dma_wait3A_212 : memref<50176x128xf32, #tpu.memory_space<hbm>>) dst(%arg9 : memref<128x128xf32, #tpu.memory_space<vmem>>)
      %dma_start3A_213 = arith.constant 4 : i32
      %dma_start3A_214 = arith.constant 0 : i32
      %dma_start3A_215 = tpu.memref_slice %arg8[%dma_start3A_213, %dma_start3A_214] : memref<8x128xi32, #tpu.memory_space<vmem>> -> memref<1x128xi32, #tpu.memory_space<vmem>>
      %dma_start3A_216 = tpu.memref_squeeze %dma_start3A_215 : memref<1x128xi32, #tpu.memory_space<vmem>> -> memref<128xi32, #tpu.memory_space<vmem>>
      %dma_start3A_217 = arith.constant 0 : i32
      %dma_start3A_218 = arith.constant 0 : i32
      %dma_start3A_219 = tpu.memref_slice %arg6[%dma_start3A_217, %dma_start3A_218] : memref<10240x128xf32, #tpu.memory_space<vmem_shared>> -> memref<10240x128xf32, #tpu.memory_space<vmem_shared>>
      tpu.enqueue_indirect_dma source(%arg9 : memref<128x128xf32, #tpu.memory_space<vmem>>) target(%dma_start3A_219 : memref<10240x128xf32, #tpu.memory_space<vmem_shared>>) offsets(%dma_start3A_216 : memref<128xi32, #tpu.memory_space<vmem>>) semaphore(%arg12 : memref<!tpu.dma_semaphore, #tpu.memory_space<semaphore_mem>>) {add = true}
      %dma_wait3A_220 = arith.constant 5 : i32
      %dma_wait3A_221 = arith.constant 0 : i32
      %dma_wait3A_222 = tpu.memref_slice %arg8[%dma_wait3A_220, %dma_wait3A_221] : memref<8x128xi32, #tpu.memory_space<vmem>> -> memref<1x128xi32, #tpu.memory_space<vmem>>
      %dma_wait3A_223 = tpu.memref_squeeze %dma_wait3A_222 : memref<1x128xi32, #tpu.memory_space<vmem>> -> memref<128xi32, #tpu.memory_space<vmem>>
      %dma_wait3A_224 = arith.constant 0 : i32
      %dma_wait3A_225 = arith.constant 0 : i32
      %dma_wait3A_226 = tpu.memref_slice %arg6[%dma_wait3A_224, %dma_wait3A_225] : memref<10240x128xf32, #tpu.memory_space<vmem_shared>> -> memref<10240x128xf32, #tpu.memory_space<vmem_shared>>
      tpu.wait_indirect_dma semaphore(%arg13 : memref<!tpu.dma_semaphore, #tpu.memory_space<semaphore_mem>>) src(%arg10 : memref<128x128xf32, #tpu.memory_space<vmem>>) dst(%dma_wait3A_226 : memref<10240x128xf32, #tpu.memory_space<vmem_shared>>)
      %dma_start3A_227 = arith.constant 5 : i32
      %dma_start3A_228 = arith.constant 0 : i32
      %dma_start3A_229 = tpu.memref_slice %arg7[%dma_start3A_227, %dma_start3A_228] : memref<8x128xi32, #tpu.memory_space<vmem>> -> memref<1x128xi32, #tpu.memory_space<vmem>>
      %dma_start3A_230 = tpu.memref_squeeze %dma_start3A_229 : memref<1x128xi32, #tpu.memory_space<vmem>> -> memref<128xi32, #tpu.memory_space<vmem>>
      %dma_start3A_231 = arith.constant 0 : i32
      %dma_start3A_232 = arith.constant 0 : i32
      %dma_start3A_233 = tpu.memref_slice %arg2[%dma_start3A_231, %dma_start3A_232] : memref<50176x128xf32, #tpu.memory_space<hbm>> -> memref<50176x128xf32, #tpu.memory_space<hbm>>
      tpu.enqueue_indirect_dma source(%dma_start3A_233 : memref<50176x128xf32, #tpu.memory_space<hbm>>) target(%arg10 : memref<128x128xf32, #tpu.memory_space<vmem>>) offsets(%dma_start3A_230 : memref<128xi32, #tpu.memory_space<vmem>>) semaphore(%arg11 : memref<!tpu.dma_semaphore, #tpu.memory_space<semaphore_mem>>)
      %dma_wait3A_234 = arith.constant 5 : i32
      %dma_wait3A_235 = arith.constant 0 : i32
      %dma_wait3A_236 = tpu.memref_slice %arg7[%dma_wait3A_234, %dma_wait3A_235] : memref<8x128xi32, #tpu.memory_space<vmem>> -> memref<1x128xi32, #tpu.memory_space<vmem>>
      %dma_wait3A_237 = tpu.memref_squeeze %dma_wait3A_236 : memref<1x128xi32, #tpu.memory_space<vmem>> -> memref<128xi32, #tpu.memory_space<vmem>>
      %dma_wait3A_238 = arith.constant 0 : i32
      %dma_wait3A_239 = arith.constant 0 : i32
      %dma_wait3A_240 = tpu.memref_slice %arg2[%dma_wait3A_238, %dma_wait3A_239] : memref<50176x128xf32, #tpu.memory_space<hbm>> -> memref<50176x128xf32, #tpu.memory_space<hbm>>
      tpu.wait_indirect_dma semaphore(%arg11 : memref<!tpu.dma_semaphore, #tpu.memory_space<semaphore_mem>>) src(%dma_wait3A_240 : memref<50176x128xf32, #tpu.memory_space<hbm>>) dst(%arg10 : memref<128x128xf32, #tpu.memory_space<vmem>>)
      %dma_start3A_241 = arith.constant 5 : i32
      %dma_start3A_242 = arith.constant 0 : i32
      %dma_start3A_243 = tpu.memref_slice %arg8[%dma_start3A_241, %dma_start3A_242] : memref<8x128xi32, #tpu.memory_space<vmem>> -> memref<1x128xi32, #tpu.memory_space<vmem>>
      %dma_start3A_244 = tpu.memref_squeeze %dma_start3A_243 : memref<1x128xi32, #tpu.memory_space<vmem>> -> memref<128xi32, #tpu.memory_space<vmem>>
      %dma_start3A_245 = arith.constant 0 : i32
      %dma_start3A_246 = arith.constant 0 : i32
      %dma_start3A_247 = tpu.memref_slice %arg6[%dma_start3A_245, %dma_start3A_246] : memref<10240x128xf32, #tpu.memory_space<vmem_shared>> -> memref<10240x128xf32, #tpu.memory_space<vmem_shared>>
      tpu.enqueue_indirect_dma source(%arg10 : memref<128x128xf32, #tpu.memory_space<vmem>>) target(%dma_start3A_247 : memref<10240x128xf32, #tpu.memory_space<vmem_shared>>) offsets(%dma_start3A_244 : memref<128xi32, #tpu.memory_space<vmem>>) semaphore(%arg13 : memref<!tpu.dma_semaphore, #tpu.memory_space<semaphore_mem>>) {add = true}
      %dma_wait3A_248 = arith.constant 6 : i32
      %dma_wait3A_249 = arith.constant 0 : i32
      %dma_wait3A_250 = tpu.memref_slice %arg8[%dma_wait3A_248, %dma_wait3A_249] : memref<8x128xi32, #tpu.memory_space<vmem>> -> memref<1x128xi32, #tpu.memory_space<vmem>>
      %dma_wait3A_251 = tpu.memref_squeeze %dma_wait3A_250 : memref<1x128xi32, #tpu.memory_space<vmem>> -> memref<128xi32, #tpu.memory_space<vmem>>
      %dma_wait3A_252 = arith.constant 0 : i32
      %dma_wait3A_253 = arith.constant 0 : i32
      %dma_wait3A_254 = tpu.memref_slice %arg6[%dma_wait3A_252, %dma_wait3A_253] : memref<10240x128xf32, #tpu.memory_space<vmem_shared>> -> memref<10240x128xf32, #tpu.memory_space<vmem_shared>>
      tpu.wait_indirect_dma semaphore(%arg12 : memref<!tpu.dma_semaphore, #tpu.memory_space<semaphore_mem>>) src(%arg9 : memref<128x128xf32, #tpu.memory_space<vmem>>) dst(%dma_wait3A_254 : memref<10240x128xf32, #tpu.memory_space<vmem_shared>>)
      %dma_start3A_255 = arith.constant 6 : i32
      %dma_start3A_256 = arith.constant 0 : i32
      %dma_start3A_257 = tpu.memref_slice %arg7[%dma_start3A_255, %dma_start3A_256] : memref<8x128xi32, #tpu.memory_space<vmem>> -> memref<1x128xi32, #tpu.memory_space<vmem>>
      %dma_start3A_258 = tpu.memref_squeeze %dma_start3A_257 : memref<1x128xi32, #tpu.memory_space<vmem>> -> memref<128xi32, #tpu.memory_space<vmem>>
      %dma_start3A_259 = arith.constant 0 : i32
      %dma_start3A_260 = arith.constant 0 : i32
      %dma_start3A_261 = tpu.memref_slice %arg2[%dma_start3A_259, %dma_start3A_260] : memref<50176x128xf32, #tpu.memory_space<hbm>> -> memref<50176x128xf32, #tpu.memory_space<hbm>>
      tpu.enqueue_indirect_dma source(%dma_start3A_261 : memref<50176x128xf32, #tpu.memory_space<hbm>>) target(%arg9 : memref<128x128xf32, #tpu.memory_space<vmem>>) offsets(%dma_start3A_258 : memref<128xi32, #tpu.memory_space<vmem>>) semaphore(%arg11 : memref<!tpu.dma_semaphore, #tpu.memory_space<semaphore_mem>>)
      %dma_wait3A_262 = arith.constant 6 : i32
      %dma_wait3A_263 = arith.constant 0 : i32
      %dma_wait3A_264 = tpu.memref_slice %arg7[%dma_wait3A_262, %dma_wait3A_263] : memref<8x128xi32, #tpu.memory_space<vmem>> -> memref<1x128xi32, #tpu.memory_space<vmem>>
      %dma_wait3A_265 = tpu.memref_squeeze %dma_wait3A_264 : memref<1x128xi32, #tpu.memory_space<vmem>> -> memref<128xi32, #tpu.memory_space<vmem>>
      %dma_wait3A_266 = arith.constant 0 : i32
      %dma_wait3A_267 = arith.constant 0 : i32
      %dma_wait3A_268 = tpu.memref_slice %arg2[%dma_wait3A_266, %dma_wait3A_267] : memref<50176x128xf32, #tpu.memory_space<hbm>> -> memref<50176x128xf32, #tpu.memory_space<hbm>>
      tpu.wait_indirect_dma semaphore(%arg11 : memref<!tpu.dma_semaphore, #tpu.memory_space<semaphore_mem>>) src(%dma_wait3A_268 : memref<50176x128xf32, #tpu.memory_space<hbm>>) dst(%arg9 : memref<128x128xf32, #tpu.memory_space<vmem>>)
      %dma_start3A_269 = arith.constant 6 : i32
      %dma_start3A_270 = arith.constant 0 : i32
      %dma_start3A_271 = tpu.memref_slice %arg8[%dma_start3A_269, %dma_start3A_270] : memref<8x128xi32, #tpu.memory_space<vmem>> -> memref<1x128xi32, #tpu.memory_space<vmem>>
      %dma_start3A_272 = tpu.memref_squeeze %dma_start3A_271 : memref<1x128xi32, #tpu.memory_space<vmem>> -> memref<128xi32, #tpu.memory_space<vmem>>
      %dma_start3A_273 = arith.constant 0 : i32
      %dma_start3A_274 = arith.constant 0 : i32
      %dma_start3A_275 = tpu.memref_slice %arg6[%dma_start3A_273, %dma_start3A_274] : memref<10240x128xf32, #tpu.memory_space<vmem_shared>> -> memref<10240x128xf32, #tpu.memory_space<vmem_shared>>
      tpu.enqueue_indirect_dma source(%arg9 : memref<128x128xf32, #tpu.memory_space<vmem>>) target(%dma_start3A_275 : memref<10240x128xf32, #tpu.memory_space<vmem_shared>>) offsets(%dma_start3A_272 : memref<128xi32, #tpu.memory_space<vmem>>) semaphore(%arg12 : memref<!tpu.dma_semaphore, #tpu.memory_space<semaphore_mem>>) {add = true}
      %dma_wait3A_276 = arith.constant 7 : i32
      %dma_wait3A_277 = arith.constant 0 : i32
      %dma_wait3A_278 = tpu.memref_slice %arg8[%dma_wait3A_276, %dma_wait3A_277] : memref<8x128xi32, #tpu.memory_space<vmem>> -> memref<1x128xi32, #tpu.memory_space<vmem>>
      %dma_wait3A_279 = tpu.memref_squeeze %dma_wait3A_278 : memref<1x128xi32, #tpu.memory_space<vmem>> -> memref<128xi32, #tpu.memory_space<vmem>>
      %dma_wait3A_280 = arith.constant 0 : i32
      %dma_wait3A_281 = arith.constant 0 : i32
      %dma_wait3A_282 = tpu.memref_slice %arg6[%dma_wait3A_280, %dma_wait3A_281] : memref<10240x128xf32, #tpu.memory_space<vmem_shared>> -> memref<10240x128xf32, #tpu.memory_space<vmem_shared>>
      tpu.wait_indirect_dma semaphore(%arg13 : memref<!tpu.dma_semaphore, #tpu.memory_space<semaphore_mem>>) src(%arg10 : memref<128x128xf32, #tpu.memory_space<vmem>>) dst(%dma_wait3A_282 : memref<10240x128xf32, #tpu.memory_space<vmem_shared>>)
      %dma_start3A_283 = arith.constant 7 : i32
      %dma_start3A_284 = arith.constant 0 : i32
      %dma_start3A_285 = tpu.memref_slice %arg7[%dma_start3A_283, %dma_start3A_284] : memref<8x128xi32, #tpu.memory_space<vmem>> -> memref<1x128xi32, #tpu.memory_space<vmem>>
      %dma_start3A_286 = tpu.memref_squeeze %dma_start3A_285 : memref<1x128xi32, #tpu.memory_space<vmem>> -> memref<128xi32, #tpu.memory_space<vmem>>
      %dma_start3A_287 = arith.constant 0 : i32
      %dma_start3A_288 = arith.constant 0 : i32
      %dma_start3A_289 = tpu.memref_slice %arg2[%dma_start3A_287, %dma_start3A_288] : memref<50176x128xf32, #tpu.memory_space<hbm>> -> memref<50176x128xf32, #tpu.memory_space<hbm>>
      tpu.enqueue_indirect_dma source(%dma_start3A_289 : memref<50176x128xf32, #tpu.memory_space<hbm>>) target(%arg10 : memref<128x128xf32, #tpu.memory_space<vmem>>) offsets(%dma_start3A_286 : memref<128xi32, #tpu.memory_space<vmem>>) semaphore(%arg11 : memref<!tpu.dma_semaphore, #tpu.memory_space<semaphore_mem>>)
      %dma_wait3A_290 = arith.constant 7 : i32
      %dma_wait3A_291 = arith.constant 0 : i32
      %dma_wait3A_292 = tpu.memref_slice %arg7[%dma_wait3A_290, %dma_wait3A_291] : memref<8x128xi32, #tpu.memory_space<vmem>> -> memref<1x128xi32, #tpu.memory_space<vmem>>
      %dma_wait3A_293 = tpu.memref_squeeze %dma_wait3A_292 : memref<1x128xi32, #tpu.memory_space<vmem>> -> memref<128xi32, #tpu.memory_space<vmem>>
      %dma_wait3A_294 = arith.constant 0 : i32
      %dma_wait3A_295 = arith.constant 0 : i32
      %dma_wait3A_296 = tpu.memref_slice %arg2[%dma_wait3A_294, %dma_wait3A_295] : memref<50176x128xf32, #tpu.memory_space<hbm>> -> memref<50176x128xf32, #tpu.memory_space<hbm>>
      tpu.wait_indirect_dma semaphore(%arg11 : memref<!tpu.dma_semaphore, #tpu.memory_space<semaphore_mem>>) src(%dma_wait3A_296 : memref<50176x128xf32, #tpu.memory_space<hbm>>) dst(%arg10 : memref<128x128xf32, #tpu.memory_space<vmem>>)
      %dma_start3A_297 = arith.constant 7 : i32
      %dma_start3A_298 = arith.constant 0 : i32
      %dma_start3A_299 = tpu.memref_slice %arg8[%dma_start3A_297, %dma_start3A_298] : memref<8x128xi32, #tpu.memory_space<vmem>> -> memref<1x128xi32, #tpu.memory_space<vmem>>
      %dma_start3A_300 = tpu.memref_squeeze %dma_start3A_299 : memref<1x128xi32, #tpu.memory_space<vmem>> -> memref<128xi32, #tpu.memory_space<vmem>>
      %dma_start3A_301 = arith.constant 0 : i32
      %dma_start3A_302 = arith.constant 0 : i32
      %dma_start3A_303 = tpu.memref_slice %arg6[%dma_start3A_301, %dma_start3A_302] : memref<10240x128xf32, #tpu.memory_space<vmem_shared>> -> memref<10240x128xf32, #tpu.memory_space<vmem_shared>>
      tpu.enqueue_indirect_dma source(%arg10 : memref<128x128xf32, #tpu.memory_space<vmem>>) target(%dma_start3A_303 : memref<10240x128xf32, #tpu.memory_space<vmem_shared>>) offsets(%dma_start3A_300 : memref<128xi32, #tpu.memory_space<vmem>>) semaphore(%arg13 : memref<!tpu.dma_semaphore, #tpu.memory_space<semaphore_mem>>) {add = true}
      %dma_wait3A_304 = arith.constant 0 : i32
      %dma_wait3A_305 = arith.constant 0 : i32
      %dma_wait3A_306 = tpu.memref_slice %arg8[%dma_wait3A_304, %dma_wait3A_305] : memref<8x128xi32, #tpu.memory_space<vmem>> -> memref<1x128xi32, #tpu.memory_space<vmem>>
      %dma_wait3A_307 = tpu.memref_squeeze %dma_wait3A_306 : memref<1x128xi32, #tpu.memory_space<vmem>> -> memref<128xi32, #tpu.memory_space<vmem>>
      %dma_wait3A_308 = arith.constant 0 : i32
      %dma_wait3A_309 = arith.constant 0 : i32
      %dma_wait3A_310 = tpu.memref_slice %arg6[%dma_wait3A_308, %dma_wait3A_309] : memref<10240x128xf32, #tpu.memory_space<vmem_shared>> -> memref<10240x128xf32, #tpu.memory_space<vmem_shared>>
      tpu.wait_indirect_dma semaphore(%arg12 : memref<!tpu.dma_semaphore, #tpu.memory_space<semaphore_mem>>) src(%arg9 : memref<128x128xf32, #tpu.memory_space<vmem>>) dst(%dma_wait3A_310 : memref<10240x128xf32, #tpu.memory_space<vmem_shared>>)
      %dma_wait3A_311 = arith.constant 0 : i32
      %dma_wait3A_312 = arith.constant 0 : i32
      %dma_wait3A_313 = tpu.memref_slice %arg8[%dma_wait3A_311, %dma_wait3A_312] : memref<8x128xi32, #tpu.memory_space<vmem>> -> memref<1x128xi32, #tpu.memory_space<vmem>>
      %dma_wait3A_314 = tpu.memref_squeeze %dma_wait3A_313 : memref<1x128xi32, #tpu.memory_space<vmem>> -> memref<128xi32, #tpu.memory_space<vmem>>
      %dma_wait3A_315 = arith.constant 0 : i32
      %dma_wait3A_316 = arith.constant 0 : i32
      %dma_wait3A_317 = tpu.memref_slice %arg6[%dma_wait3A_315, %dma_wait3A_316] : memref<10240x128xf32, #tpu.memory_space<vmem_shared>> -> memref<10240x128xf32, #tpu.memory_space<vmem_shared>>
      tpu.wait_indirect_dma semaphore(%arg13 : memref<!tpu.dma_semaphore, #tpu.memory_space<semaphore_mem>>) src(%arg10 : memref<128x128xf32, #tpu.memory_space<vmem>>) dst(%dma_wait3A_317 : memref<10240x128xf32, #tpu.memory_space<vmem_shared>>)
    }
    %scan3A_31 = arith.constant 10 : i32
    %barrier3A_32 = arith.constant 0 : index
    tpu.barrier barrier_id(%barrier3A_32)
    %mul3A_33 = arith.constant 640 : i32
    %mul3A_34 = arith.muli %arg1, %mul3A_33 : i32
    %add3A_35 = arith.constant 0 : i32
    %add3A_36 = arith.addi %mul3A_34, %add3A_35 : i32
    "tpu.region"() ({
      %run_scoped3A = tpu.sem_alloc : memref<!tpu.dma_semaphore, #tpu.memory_space<semaphore_mem>>
      %dma_start3A = arith.constant 0 : i32
      %dma_start3A_88 = tpu.memref_slice %arg6[%add3A_36, %dma_start3A] : memref<10240x128xf32, #tpu.memory_space<vmem_shared>> -> memref<128x128xf32, #tpu.memory_space<vmem_shared>>
      %dma_start3A_89 = arith.constant 0 : i32
      %dma_start3A_90 = tpu.memref_slice %arg6[%add3A_36, %dma_start3A_89] : memref<10240x128xf32, #tpu.memory_space<vmem_shared>> -> memref<128x128xf32, #tpu.memory_space<vmem_shared>>
      tpu.enqueue_dma source(%dma_start3A_90 : memref<128x128xf32, #tpu.memory_space<vmem_shared>>) target(%arg9 : memref<128x128xf32, #tpu.memory_space<vmem>>) target_semaphore(%run_scoped3A : memref<!tpu.dma_semaphore, #tpu.memory_space<semaphore_mem>>)
      %dma_wait3A = arith.constant 0 : i32
      %dma_wait3A_91 = tpu.memref_slice %arg6[%add3A_36, %dma_wait3A] : memref<10240x128xf32, #tpu.memory_space<vmem_shared>> -> memref<128x128xf32, #tpu.memory_space<vmem_shared>>
      %dma_wait3A_92 = arith.constant 0 : i32
      %dma_wait3A_93 = tpu.memref_slice %arg6[%add3A_36, %dma_wait3A_92] : memref<10240x128xf32, #tpu.memory_space<vmem_shared>> -> memref<128x128xf32, #tpu.memory_space<vmem_shared>>
      tpu.wait_dma2 semaphore(%run_scoped3A : memref<!tpu.dma_semaphore, #tpu.memory_space<semaphore_mem>>) src(%dma_wait3A_93 : memref<128x128xf32, #tpu.memory_space<vmem_shared>>) dst(%arg9 : memref<128x128xf32, #tpu.memory_space<vmem>>)
      tpu.yield
    }) : () -> ()
    %mul3A_37 = arith.constant 10240 : i32
    %mul3A_38 = arith.muli %arg0, %mul3A_37 : i32
    %mul3A_39 = arith.constant 640 : i32
    %mul3A_40 = arith.muli %arg1, %mul3A_39 : i32
    %add3A_41 = arith.addi %mul3A_38, %mul3A_40 : i32
    %add3A_42 = arith.constant 0 : i32
    %add3A_43 = arith.addi %add3A_41, %add3A_42 : i32
    "tpu.region"() ({
      %run_scoped3A = tpu.sem_alloc : memref<!tpu.dma_semaphore, #tpu.memory_space<semaphore_mem>>
      %dma_start3A = arith.constant 0 : i32
      %dma_start3A_88 = tpu.memref_slice %arg5[%add3A_43, %dma_start3A] : memref<20480x128xf32, #tpu.memory_space<hbm>> -> memref<128x128xf32, #tpu.memory_space<hbm>>
      %dma_start3A_89 = arith.constant 0 : i32
      %dma_start3A_90 = tpu.memref_slice %arg5[%add3A_43, %dma_start3A_89] : memref<20480x128xf32, #tpu.memory_space<hbm>> -> memref<128x128xf32, #tpu.memory_space<hbm>>
      tpu.enqueue_dma source(%arg9 : memref<128x128xf32, #tpu.memory_space<vmem>>) target(%dma_start3A_90 : memref<128x128xf32, #tpu.memory_space<hbm>>) target_semaphore(%run_scoped3A : memref<!tpu.dma_semaphore, #tpu.memory_space<semaphore_mem>>)
      %dma_wait3A = arith.constant 0 : i32
      %dma_wait3A_91 = tpu.memref_slice %arg5[%add3A_43, %dma_wait3A] : memref<20480x128xf32, #tpu.memory_space<hbm>> -> memref<128x128xf32, #tpu.memory_space<hbm>>
      %dma_wait3A_92 = arith.constant 0 : i32
      %dma_wait3A_93 = tpu.memref_slice %arg5[%add3A_43, %dma_wait3A_92] : memref<20480x128xf32, #tpu.memory_space<hbm>> -> memref<128x128xf32, #tpu.memory_space<hbm>>
      tpu.wait_dma2 semaphore(%run_scoped3A : memref<!tpu.dma_semaphore, #tpu.memory_space<semaphore_mem>>) src(%arg9 : memref<128x128xf32, #tpu.memory_space<vmem>>) dst(%dma_wait3A_93 : memref<128x128xf32, #tpu.memory_space<hbm>>)
      tpu.yield
    }) : () -> ()
    %mul3A_44 = arith.constant 640 : i32
    %mul3A_45 = arith.muli %arg1, %mul3A_44 : i32
    %add3A_46 = arith.constant 128 : i32
    %add3A_47 = arith.addi %mul3A_45, %add3A_46 : i32
    "tpu.region"() ({
      %run_scoped3A = tpu.sem_alloc : memref<!tpu.dma_semaphore, #tpu.memory_space<semaphore_mem>>
      %dma_start3A = arith.constant 0 : i32
      %dma_start3A_88 = tpu.memref_slice %arg6[%add3A_47, %dma_start3A] : memref<10240x128xf32, #tpu.memory_space<vmem_shared>> -> memref<128x128xf32, #tpu.memory_space<vmem_shared>>
      %dma_start3A_89 = arith.constant 0 : i32
      %dma_start3A_90 = tpu.memref_slice %arg6[%add3A_47, %dma_start3A_89] : memref<10240x128xf32, #tpu.memory_space<vmem_shared>> -> memref<128x128xf32, #tpu.memory_space<vmem_shared>>
      tpu.enqueue_dma source(%dma_start3A_90 : memref<128x128xf32, #tpu.memory_space<vmem_shared>>) target(%arg9 : memref<128x128xf32, #tpu.memory_space<vmem>>) target_semaphore(%run_scoped3A : memref<!tpu.dma_semaphore, #tpu.memory_space<semaphore_mem>>)
      %dma_wait3A = arith.constant 0 : i32
      %dma_wait3A_91 = tpu.memref_slice %arg6[%add3A_47, %dma_wait3A] : memref<10240x128xf32, #tpu.memory_space<vmem_shared>> -> memref<128x128xf32, #tpu.memory_space<vmem_shared>>
      %dma_wait3A_92 = arith.constant 0 : i32
      %dma_wait3A_93 = tpu.memref_slice %arg6[%add3A_47, %dma_wait3A_92] : memref<10240x128xf32, #tpu.memory_space<vmem_shared>> -> memref<128x128xf32, #tpu.memory_space<vmem_shared>>
      tpu.wait_dma2 semaphore(%run_scoped3A : memref<!tpu.dma_semaphore, #tpu.memory_space<semaphore_mem>>) src(%dma_wait3A_93 : memref<128x128xf32, #tpu.memory_space<vmem_shared>>) dst(%arg9 : memref<128x128xf32, #tpu.memory_space<vmem>>)
      tpu.yield
    }) : () -> ()
    %mul3A_48 = arith.constant 10240 : i32
    %mul3A_49 = arith.muli %arg0, %mul3A_48 : i32
    %mul3A_50 = arith.constant 640 : i32
    %mul3A_51 = arith.muli %arg1, %mul3A_50 : i32
    %add3A_52 = arith.addi %mul3A_49, %mul3A_51 : i32
    %add3A_53 = arith.constant 128 : i32
    %add3A_54 = arith.addi %add3A_52, %add3A_53 : i32
    "tpu.region"() ({
      %run_scoped3A = tpu.sem_alloc : memref<!tpu.dma_semaphore, #tpu.memory_space<semaphore_mem>>
      %dma_start3A = arith.constant 0 : i32
      %dma_start3A_88 = tpu.memref_slice %arg5[%add3A_54, %dma_start3A] : memref<20480x128xf32, #tpu.memory_space<hbm>> -> memref<128x128xf32, #tpu.memory_space<hbm>>
      %dma_start3A_89 = arith.constant 0 : i32
      %dma_start3A_90 = tpu.memref_slice %arg5[%add3A_54, %dma_start3A_89] : memref<20480x128xf32, #tpu.memory_space<hbm>> -> memref<128x128xf32, #tpu.memory_space<hbm>>
      tpu.enqueue_dma source(%arg9 : memref<128x128xf32, #tpu.memory_space<vmem>>) target(%dma_start3A_90 : memref<128x128xf32, #tpu.memory_space<hbm>>) target_semaphore(%run_scoped3A : memref<!tpu.dma_semaphore, #tpu.memory_space<semaphore_mem>>)
      %dma_wait3A = arith.constant 0 : i32
      %dma_wait3A_91 = tpu.memref_slice %arg5[%add3A_54, %dma_wait3A] : memref<20480x128xf32, #tpu.memory_space<hbm>> -> memref<128x128xf32, #tpu.memory_space<hbm>>
      %dma_wait3A_92 = arith.constant 0 : i32
      %dma_wait3A_93 = tpu.memref_slice %arg5[%add3A_54, %dma_wait3A_92] : memref<20480x128xf32, #tpu.memory_space<hbm>> -> memref<128x128xf32, #tpu.memory_space<hbm>>
      tpu.wait_dma2 semaphore(%run_scoped3A : memref<!tpu.dma_semaphore, #tpu.memory_space<semaphore_mem>>) src(%arg9 : memref<128x128xf32, #tpu.memory_space<vmem>>) dst(%dma_wait3A_93 : memref<128x128xf32, #tpu.memory_space<hbm>>)
      tpu.yield
    }) : () -> ()
    %mul3A_55 = arith.constant 640 : i32
    %mul3A_56 = arith.muli %arg1, %mul3A_55 : i32
    %add3A_57 = arith.constant 256 : i32
    %add3A_58 = arith.addi %mul3A_56, %add3A_57 : i32
    "tpu.region"() ({
      %run_scoped3A = tpu.sem_alloc : memref<!tpu.dma_semaphore, #tpu.memory_space<semaphore_mem>>
      %dma_start3A = arith.constant 0 : i32
      %dma_start3A_88 = tpu.memref_slice %arg6[%add3A_58, %dma_start3A] : memref<10240x128xf32, #tpu.memory_space<vmem_shared>> -> memref<128x128xf32, #tpu.memory_space<vmem_shared>>
      %dma_start3A_89 = arith.constant 0 : i32
      %dma_start3A_90 = tpu.memref_slice %arg6[%add3A_58, %dma_start3A_89] : memref<10240x128xf32, #tpu.memory_space<vmem_shared>> -> memref<128x128xf32, #tpu.memory_space<vmem_shared>>
      tpu.enqueue_dma source(%dma_start3A_90 : memref<128x128xf32, #tpu.memory_space<vmem_shared>>) target(%arg9 : memref<128x128xf32, #tpu.memory_space<vmem>>) target_semaphore(%run_scoped3A : memref<!tpu.dma_semaphore, #tpu.memory_space<semaphore_mem>>)
      %dma_wait3A = arith.constant 0 : i32
      %dma_wait3A_91 = tpu.memref_slice %arg6[%add3A_58, %dma_wait3A] : memref<10240x128xf32, #tpu.memory_space<vmem_shared>> -> memref<128x128xf32, #tpu.memory_space<vmem_shared>>
      %dma_wait3A_92 = arith.constant 0 : i32
      %dma_wait3A_93 = tpu.memref_slice %arg6[%add3A_58, %dma_wait3A_92] : memref<10240x128xf32, #tpu.memory_space<vmem_shared>> -> memref<128x128xf32, #tpu.memory_space<vmem_shared>>
      tpu.wait_dma2 semaphore(%run_scoped3A : memref<!tpu.dma_semaphore, #tpu.memory_space<semaphore_mem>>) src(%dma_wait3A_93 : memref<128x128xf32, #tpu.memory_space<vmem_shared>>) dst(%arg9 : memref<128x128xf32, #tpu.memory_space<vmem>>)
      tpu.yield
    }) : () -> ()
    %mul3A_59 = arith.constant 10240 : i32
    %mul3A_60 = arith.muli %arg0, %mul3A_59 : i32
    %mul3A_61 = arith.constant 640 : i32
    %mul3A_62 = arith.muli %arg1, %mul3A_61 : i32
    %add3A_63 = arith.addi %mul3A_60, %mul3A_62 : i32
    %add3A_64 = arith.constant 256 : i32
    %add3A_65 = arith.addi %add3A_63, %add3A_64 : i32
    "tpu.region"() ({
      %run_scoped3A = tpu.sem_alloc : memref<!tpu.dma_semaphore, #tpu.memory_space<semaphore_mem>>
      %dma_start3A = arith.constant 0 : i32
      %dma_start3A_88 = tpu.memref_slice %arg5[%add3A_65, %dma_start3A] : memref<20480x128xf32, #tpu.memory_space<hbm>> -> memref<128x128xf32, #tpu.memory_space<hbm>>
      %dma_start3A_89 = arith.constant 0 : i32
      %dma_start3A_90 = tpu.memref_slice %arg5[%add3A_65, %dma_start3A_89] : memref<20480x128xf32, #tpu.memory_space<hbm>> -> memref<128x128xf32, #tpu.memory_space<hbm>>
      tpu.enqueue_dma source(%arg9 : memref<128x128xf32, #tpu.memory_space<vmem>>) target(%dma_start3A_90 : memref<128x128xf32, #tpu.memory_space<hbm>>) target_semaphore(%run_scoped3A : memref<!tpu.dma_semaphore, #tpu.memory_space<semaphore_mem>>)
      %dma_wait3A = arith.constant 0 : i32
      %dma_wait3A_91 = tpu.memref_slice %arg5[%add3A_65, %dma_wait3A] : memref<20480x128xf32, #tpu.memory_space<hbm>> -> memref<128x128xf32, #tpu.memory_space<hbm>>
      %dma_wait3A_92 = arith.constant 0 : i32
      %dma_wait3A_93 = tpu.memref_slice %arg5[%add3A_65, %dma_wait3A_92] : memref<20480x128xf32, #tpu.memory_space<hbm>> -> memref<128x128xf32, #tpu.memory_space<hbm>>
      tpu.wait_dma2 semaphore(%run_scoped3A : memref<!tpu.dma_semaphore, #tpu.memory_space<semaphore_mem>>) src(%arg9 : memref<128x128xf32, #tpu.memory_space<vmem>>) dst(%dma_wait3A_93 : memref<128x128xf32, #tpu.memory_space<hbm>>)
      tpu.yield
    }) : () -> ()
    %mul3A_66 = arith.constant 640 : i32
    %mul3A_67 = arith.muli %arg1, %mul3A_66 : i32
    %add3A_68 = arith.constant 384 : i32
    %add3A_69 = arith.addi %mul3A_67, %add3A_68 : i32
    "tpu.region"() ({
      %run_scoped3A = tpu.sem_alloc : memref<!tpu.dma_semaphore, #tpu.memory_space<semaphore_mem>>
      %dma_start3A = arith.constant 0 : i32
      %dma_start3A_88 = tpu.memref_slice %arg6[%add3A_69, %dma_start3A] : memref<10240x128xf32, #tpu.memory_space<vmem_shared>> -> memref<128x128xf32, #tpu.memory_space<vmem_shared>>
      %dma_start3A_89 = arith.constant 0 : i32
      %dma_start3A_90 = tpu.memref_slice %arg6[%add3A_69, %dma_start3A_89] : memref<10240x128xf32, #tpu.memory_space<vmem_shared>> -> memref<128x128xf32, #tpu.memory_space<vmem_shared>>
      tpu.enqueue_dma source(%dma_start3A_90 : memref<128x128xf32, #tpu.memory_space<vmem_shared>>) target(%arg9 : memref<128x128xf32, #tpu.memory_space<vmem>>) target_semaphore(%run_scoped3A : memref<!tpu.dma_semaphore, #tpu.memory_space<semaphore_mem>>)
      %dma_wait3A = arith.constant 0 : i32
      %dma_wait3A_91 = tpu.memref_slice %arg6[%add3A_69, %dma_wait3A] : memref<10240x128xf32, #tpu.memory_space<vmem_shared>> -> memref<128x128xf32, #tpu.memory_space<vmem_shared>>
      %dma_wait3A_92 = arith.constant 0 : i32
      %dma_wait3A_93 = tpu.memref_slice %arg6[%add3A_69, %dma_wait3A_92] : memref<10240x128xf32, #tpu.memory_space<vmem_shared>> -> memref<128x128xf32, #tpu.memory_space<vmem_shared>>
      tpu.wait_dma2 semaphore(%run_scoped3A : memref<!tpu.dma_semaphore, #tpu.memory_space<semaphore_mem>>) src(%dma_wait3A_93 : memref<128x128xf32, #tpu.memory_space<vmem_shared>>) dst(%arg9 : memref<128x128xf32, #tpu.memory_space<vmem>>)
      tpu.yield
    }) : () -> ()
    %mul3A_70 = arith.constant 10240 : i32
    %mul3A_71 = arith.muli %arg0, %mul3A_70 : i32
    %mul3A_72 = arith.constant 640 : i32
    %mul3A_73 = arith.muli %arg1, %mul3A_72 : i32
    %add3A_74 = arith.addi %mul3A_71, %mul3A_73 : i32
    %add3A_75 = arith.constant 384 : i32
    %add3A_76 = arith.addi %add3A_74, %add3A_75 : i32
    "tpu.region"() ({
      %run_scoped3A = tpu.sem_alloc : memref<!tpu.dma_semaphore, #tpu.memory_space<semaphore_mem>>
      %dma_start3A = arith.constant 0 : i32
      %dma_start3A_88 = tpu.memref_slice %arg5[%add3A_76, %dma_start3A] : memref<20480x128xf32, #tpu.memory_space<hbm>> -> memref<128x128xf32, #tpu.memory_space<hbm>>
      %dma_start3A_89 = arith.constant 0 : i32
      %dma_start3A_90 = tpu.memref_slice %arg5[%add3A_76, %dma_start3A_89] : memref<20480x128xf32, #tpu.memory_space<hbm>> -> memref<128x128xf32, #tpu.memory_space<hbm>>
      tpu.enqueue_dma source(%arg9 : memref<128x128xf32, #tpu.memory_space<vmem>>) target(%dma_start3A_90 : memref<128x128xf32, #tpu.memory_space<hbm>>) target_semaphore(%run_scoped3A : memref<!tpu.dma_semaphore, #tpu.memory_space<semaphore_mem>>)
      %dma_wait3A = arith.constant 0 : i32
      %dma_wait3A_91 = tpu.memref_slice %arg5[%add3A_76, %dma_wait3A] : memref<20480x128xf32, #tpu.memory_space<hbm>> -> memref<128x128xf32, #tpu.memory_space<hbm>>
      %dma_wait3A_92 = arith.constant 0 : i32
      %dma_wait3A_93 = tpu.memref_slice %arg5[%add3A_76, %dma_wait3A_92] : memref<20480x128xf32, #tpu.memory_space<hbm>> -> memref<128x128xf32, #tpu.memory_space<hbm>>
      tpu.wait_dma2 semaphore(%run_scoped3A : memref<!tpu.dma_semaphore, #tpu.memory_space<semaphore_mem>>) src(%arg9 : memref<128x128xf32, #tpu.memory_space<vmem>>) dst(%dma_wait3A_93 : memref<128x128xf32, #tpu.memory_space<hbm>>)
      tpu.yield
    }) : () -> ()
    %mul3A_77 = arith.constant 640 : i32
    %mul3A_78 = arith.muli %arg1, %mul3A_77 : i32
    %add3A_79 = arith.constant 512 : i32
    %add3A_80 = arith.addi %mul3A_78, %add3A_79 : i32
    "tpu.region"() ({
      %run_scoped3A = tpu.sem_alloc : memref<!tpu.dma_semaphore, #tpu.memory_space<semaphore_mem>>
      %dma_start3A = arith.constant 0 : i32
      %dma_start3A_88 = tpu.memref_slice %arg6[%add3A_80, %dma_start3A] : memref<10240x128xf32, #tpu.memory_space<vmem_shared>> -> memref<128x128xf32, #tpu.memory_space<vmem_shared>>
      %dma_start3A_89 = arith.constant 0 : i32
      %dma_start3A_90 = tpu.memref_slice %arg6[%add3A_80, %dma_start3A_89] : memref<10240x128xf32, #tpu.memory_space<vmem_shared>> -> memref<128x128xf32, #tpu.memory_space<vmem_shared>>
      tpu.enqueue_dma source(%dma_start3A_90 : memref<128x128xf32, #tpu.memory_space<vmem_shared>>) target(%arg9 : memref<128x128xf32, #tpu.memory_space<vmem>>) target_semaphore(%run_scoped3A : memref<!tpu.dma_semaphore, #tpu.memory_space<semaphore_mem>>)
      %dma_wait3A = arith.constant 0 : i32
      %dma_wait3A_91 = tpu.memref_slice %arg6[%add3A_80, %dma_wait3A] : memref<10240x128xf32, #tpu.memory_space<vmem_shared>> -> memref<128x128xf32, #tpu.memory_space<vmem_shared>>
      %dma_wait3A_92 = arith.constant 0 : i32
      %dma_wait3A_93 = tpu.memref_slice %arg6[%add3A_80, %dma_wait3A_92] : memref<10240x128xf32, #tpu.memory_space<vmem_shared>> -> memref<128x128xf32, #tpu.memory_space<vmem_shared>>
      tpu.wait_dma2 semaphore(%run_scoped3A : memref<!tpu.dma_semaphore, #tpu.memory_space<semaphore_mem>>) src(%dma_wait3A_93 : memref<128x128xf32, #tpu.memory_space<vmem_shared>>) dst(%arg9 : memref<128x128xf32, #tpu.memory_space<vmem>>)
      tpu.yield
    }) : () -> ()
    %mul3A_81 = arith.constant 10240 : i32
    %mul3A_82 = arith.muli %arg0, %mul3A_81 : i32
    %mul3A_83 = arith.constant 640 : i32
    %mul3A_84 = arith.muli %arg1, %mul3A_83 : i32
    %add3A_85 = arith.addi %mul3A_82, %mul3A_84 : i32
    %add3A_86 = arith.constant 512 : i32
    %add3A_87 = arith.addi %add3A_85, %add3A_86 : i32
    "tpu.region"() ({
      %run_scoped3A = tpu.sem_alloc : memref<!tpu.dma_semaphore, #tpu.memory_space<semaphore_mem>>
      %dma_start3A = arith.constant 0 : i32
      %dma_start3A_88 = tpu.memref_slice %arg5[%add3A_87, %dma_start3A] : memref<20480x128xf32, #tpu.memory_space<hbm>> -> memref<128x128xf32, #tpu.memory_space<hbm>>
      %dma_start3A_89 = arith.constant 0 : i32
      %dma_start3A_90 = tpu.memref_slice %arg5[%add3A_87, %dma_start3A_89] : memref<20480x128xf32, #tpu.memory_space<hbm>> -> memref<128x128xf32, #tpu.memory_space<hbm>>
      tpu.enqueue_dma source(%arg9 : memref<128x128xf32, #tpu.memory_space<vmem>>) target(%dma_start3A_90 : memref<128x128xf32, #tpu.memory_space<hbm>>) target_semaphore(%run_scoped3A : memref<!tpu.dma_semaphore, #tpu.memory_space<semaphore_mem>>)
      %dma_wait3A = arith.constant 0 : i32
      %dma_wait3A_91 = tpu.memref_slice %arg5[%add3A_87, %dma_wait3A] : memref<20480x128xf32, #tpu.memory_space<hbm>> -> memref<128x128xf32, #tpu.memory_space<hbm>>
      %dma_wait3A_92 = arith.constant 0 : i32
      %dma_wait3A_93 = tpu.memref_slice %arg5[%add3A_87, %dma_wait3A_92] : memref<20480x128xf32, #tpu.memory_space<hbm>> -> memref<128x128xf32, #tpu.memory_space<hbm>>
      tpu.wait_dma2 semaphore(%run_scoped3A : memref<!tpu.dma_semaphore, #tpu.memory_space<semaphore_mem>>) src(%arg9 : memref<128x128xf32, #tpu.memory_space<vmem>>) dst(%dma_wait3A_93 : memref<128x128xf32, #tpu.memory_space<hbm>>)
      tpu.yield
    }) : () -> ()
    return
  }
}

#map = affine_map<(d0, d1) -> (0)>
module attributes {stable_mosaic.version = 14 : i64} {
  func.func @body(%arg0: i32, %arg1: i32, %arg2: memref<320000xi32, #tpu.memory_space<hbm>>, %arg3: memref<320000xi32, #tpu.memory_space<hbm>>, %arg4: memref<100352xf32, #tpu.memory_space<hbm>>, %arg5: memref<81920xf32, #tpu.memory_space<hbm>>, %arg6: memref<2048xi32, #tpu.memory_space<vmem>>, %arg7: memref<2048xi32, #tpu.memory_space<vmem>>, %arg8: memref<3152xf32, #tpu.memory_space<vmem>>, %arg9: memref<2576xf32, #tpu.memory_space<vmem>>, %arg10: memref<!tpu.dma_semaphore, #tpu.memory_space<semaphore_mem>>, %arg11: memref<!tpu.dma_semaphore, #tpu.memory_space<semaphore_mem>>) attributes {dimension_semantics = [#tpu.dimension_semantics<core_parallel>, #tpu.dimension_semantics<subcore_parallel>], iteration_bounds = array<i64: 2, 16>, scalar_prefetch = 0 : i64, scratch_operands = 6 : i64, tpu.core_type = #tpu.core_type<sc_vector_subcore>, window_params = [{transform_indices = #map}, {transform_indices = #map}, {transform_indices = #map}, {transform_indices = #map}]} {
    %mul3A = arith.constant 2 : i32
    %mul3A_0 = arith.muli %arg1, %mul3A : i32
    %add3A = arith.addi %mul3A_0, %arg0 : i32
    %scan3A = arith.constant 0 : i32
    %scan3A_1 = arith.constant 197 : i32
    %scan3A_2 = arith.addi %scan3A, %scan3A_1 : i32
    %scan3A_3 = arith.constant 1 : i32
    scf.for %scan3A_119 = %scan3A to %scan3A_2 step %scan3A_3  : i32 {
      %mul3A_120 = arith.constant 1 : i32
      %mul3A_121 = arith.muli %scan3A_119, %mul3A_120 : i32
      %add3A_122 = arith.constant 0 : i32
      %add3A_123 = arith.addi %add3A_122, %mul3A_121 : i32
      %broadcast_in_dim3A = arith.constant 0.000000e+00 : f32
      %broadcast_in_dim3A_124 = vector.broadcast %broadcast_in_dim3A : f32 to vector<16xf32>
      %mul3A_125 = arith.constant 16 : i32
      %mul3A_126 = arith.muli %add3A_123, %mul3A_125 : i32
      %swap3A = arith.index_cast %mul3A_126 : i32 to index
      %swap3A_127 = tpu.vector_load %arg8[%swap3A] {strides = array<i32>} : memref<3152xf32, #tpu.memory_space<vmem>>, vector<16xf32>,
      tpu.vector_store %arg8[%swap3A], %broadcast_in_dim3A_124 {strides = array<i32>} : memref<3152xf32, #tpu.memory_space<vmem>>, vector<16xf32>,
    }
    %scan3A_4 = arith.constant 197 : i32
    %scan3A_5 = arith.constant 0 : i32
    %scan3A_6 = arith.constant 161 : i32
    %scan3A_7 = arith.addi %scan3A_5, %scan3A_6 : i32
    %scan3A_8 = arith.constant 1 : i32
    scf.for %scan3A_119 = %scan3A_5 to %scan3A_7 step %scan3A_8  : i32 {
      %mul3A_120 = arith.constant 1 : i32
      %mul3A_121 = arith.muli %scan3A_119, %mul3A_120 : i32
      %add3A_122 = arith.constant 0 : i32
      %add3A_123 = arith.addi %add3A_122, %mul3A_121 : i32
      %broadcast_in_dim3A = arith.constant 0.000000e+00 : f32
      %broadcast_in_dim3A_124 = vector.broadcast %broadcast_in_dim3A : f32 to vector<16xf32>
      %mul3A_125 = arith.constant 16 : i32
      %mul3A_126 = arith.muli %add3A_123, %mul3A_125 : i32
      %swap3A = arith.index_cast %mul3A_126 : i32 to index
      %swap3A_127 = tpu.vector_load %arg9[%swap3A] {strides = array<i32>} : memref<2576xf32, #tpu.memory_space<vmem>>, vector<16xf32>,
      tpu.vector_store %arg9[%swap3A], %broadcast_in_dim3A_124 {strides = array<i32>} : memref<2576xf32, #tpu.memory_space<vmem>>, vector<16xf32>,
    }
    %scan3A_9 = arith.constant 161 : i32
    %jit3A = arith.constant 16 : i32
    %div3A = arith.divsi %add3A, %jit3A : i32
    %sign3A = arith.constant 0 : i32
    %sign3A_10 = arith.cmpi sgt, %add3A, %sign3A : i32
    %sign3A_11 = arith.extui %sign3A_10 : i1 to i32
    %sign3A_12 = arith.constant 0 : i32
    %sign3A_13 = arith.cmpi slt, %add3A, %sign3A_12 : i32
    %sign3A_14 = arith.extui %sign3A_13 : i1 to i32
    %sign3A_15 = arith.subi %sign3A_11, %sign3A_14 : i32
    %sign3A_16 = arith.constant 0 : i32
    %sign3A_17 = arith.cmpi sgt, %jit3A, %sign3A_16 : i32
    %sign3A_18 = arith.extui %sign3A_17 : i1 to i32
    %sign3A_19 = arith.constant 0 : i32
    %sign3A_20 = arith.cmpi slt, %jit3A, %sign3A_19 : i32
    %sign3A_21 = arith.extui %sign3A_20 : i1 to i32
    %sign3A_22 = arith.subi %sign3A_18, %sign3A_21 : i32
    %ne3A = arith.cmpi ne, %sign3A_15, %sign3A_22 : i32
    %rem3A = arith.remsi %add3A, %jit3A : i32
    %ne3A_23 = arith.constant 0 : i32
    %ne3A_24 = arith.cmpi ne, %rem3A, %ne3A_23 : i32
    %and3A = arith.andi %ne3A, %ne3A_24 : i1
    %sub3A = arith.constant 1 : i32
    %sub3A_25 = arith.subi %div3A, %sub3A : i32
    %select_n3A = arith.select %and3A, %sub3A_25, %div3A : i32
    %jit3A_26 = arith.constant 16 : i32
    %eq3A = arith.constant 0 : i32
    %eq3A_27 = arith.cmpi eq, %jit3A_26, %eq3A : i32
    %jit3A_28 = arith.constant 1 : i32
    %select_n3A_29 = arith.select %eq3A_27, %jit3A_28, %jit3A_26 : i32
    %rem3A_30 = arith.remsi %add3A, %select_n3A_29 : i32
    %ne3A_31 = arith.constant 0 : i32
    %ne3A_32 = arith.cmpi ne, %rem3A_30, %ne3A_31 : i32
    %lt3A = arith.constant 0 : i32
    %lt3A_33 = arith.cmpi slt, %rem3A_30, %lt3A : i32
    %lt3A_34 = arith.constant 0 : i32
    %lt3A_35 = arith.cmpi slt, %select_n3A_29, %lt3A_34 : i32
    %ne3A_36 = arith.xori %lt3A_33, %lt3A_35 : i1
    %and3A_37 = arith.andi %ne3A_36, %ne3A_32 : i1
    %add3A_38 = arith.addi %rem3A_30, %select_n3A_29 : i32
    %select_n3A_39 = arith.select %and3A_37, %add3A_38, %rem3A_30 : i32
    %mul3A_40 = arith.constant 3136 : i32
    %mul3A_41 = arith.muli %select_n3A_39, %mul3A_40 : i32
    %mul3A_42 = arith.constant 160000 : i32
    %mul3A_43 = arith.muli %select_n3A, %mul3A_42 : i32
    %dma_start3A = tpu.memref_slice %arg3[%mul3A_43] : memref<320000xi32, #tpu.memory_space<hbm>> -> memref<2048xi32, #tpu.memory_space<hbm>>
    %dma_start3A_44 = tpu.memref_slice %arg3[%mul3A_43] : memref<320000xi32, #tpu.memory_space<hbm>> -> memref<2048xi32, #tpu.memory_space<hbm>>
    tpu.enqueue_dma source(%dma_start3A_44 : memref<2048xi32, #tpu.memory_space<hbm>>) target(%arg6 : memref<2048xi32, #tpu.memory_space<vmem>>) target_semaphore(%arg10 : memref<!tpu.dma_semaphore, #tpu.memory_space<semaphore_mem>>)
    %scan3A_45 = arith.constant 0 : i32
    %scan3A_46 = arith.constant 39 : i32
    %scan3A_47 = arith.addi %scan3A_45, %scan3A_46 : i32
    %scan3A_48 = arith.constant 1 : i32
    scf.for %scan3A_119 = %scan3A_45 to %scan3A_47 step %scan3A_48  : i32 {
      %mul3A_120 = arith.constant 1 : i32
      %mul3A_121 = arith.muli %scan3A_119, %mul3A_120 : i32
      %add3A_122 = arith.constant 0 : i32
      %add3A_123 = arith.addi %add3A_122, %mul3A_121 : i32
      %dma_wait3A = tpu.memref_slice %arg3[%mul3A_43] : memref<320000xi32, #tpu.memory_space<hbm>> -> memref<2048xi32, #tpu.memory_space<hbm>>
      %dma_wait3A_124 = tpu.memref_slice %arg3[%mul3A_43] : memref<320000xi32, #tpu.memory_space<hbm>> -> memref<2048xi32, #tpu.memory_space<hbm>>
      tpu.wait_dma2 semaphore(%arg10 : memref<!tpu.dma_semaphore, #tpu.memory_space<semaphore_mem>>) src(%dma_wait3A_124 : memref<2048xi32, #tpu.memory_space<hbm>>) dst(%arg6 : memref<2048xi32, #tpu.memory_space<vmem>>)
      %mul3A_125 = arith.constant 2 : i32
      %mul3A_126 = arith.muli %mul3A_125, %add3A_123 : i32
      %add3A_127 = arith.constant 1 : i32
      %add3A_128 = arith.addi %mul3A_126, %add3A_127 : i32
      %mul3A_129 = arith.constant 2048 : i32
      %mul3A_130 = arith.muli %add3A_128, %mul3A_129 : i32
      %add3A_131 = arith.addi %mul3A_43, %mul3A_130 : i32
      %dma_start3A_132 = tpu.memref_slice %arg3[%add3A_131] : memref<320000xi32, #tpu.memory_space<hbm>> -> memref<2048xi32, #tpu.memory_space<hbm>>
      %dma_start3A_133 = tpu.memref_slice %arg3[%add3A_131] : memref<320000xi32, #tpu.memory_space<hbm>> -> memref<2048xi32, #tpu.memory_space<hbm>>
      tpu.enqueue_dma source(%dma_start3A_133 : memref<2048xi32, #tpu.memory_space<hbm>>) target(%arg7 : memref<2048xi32, #tpu.memory_space<vmem>>) target_semaphore(%arg11 : memref<!tpu.dma_semaphore, #tpu.memory_space<semaphore_mem>>)
      %scan3A_134 = arith.constant 0 : i32
      %scan3A_135 = arith.constant 128 : i32
      %scan3A_136 = arith.addi %scan3A_134, %scan3A_135 : i32
      %scan3A_137 = arith.constant 1 : i32
      scf.for %scan3A_149 = %scan3A_134 to %scan3A_136 step %scan3A_137  : i32 {
        %mul3A_150 = arith.constant 1 : i32
        %mul3A_151 = arith.muli %scan3A_149, %mul3A_150 : i32
        %add3A_152 = arith.constant 0 : i32
        %add3A_153 = arith.addi %add3A_152, %mul3A_151 : i32
        %mul3A_154 = arith.constant 16 : i32
        %mul3A_155 = arith.muli %add3A_153, %mul3A_154 : i32
        %get3A = arith.index_cast %mul3A_155 : i32 to index
        %get3A_156 = tpu.vector_load %arg6[%get3A] {strides = array<i32>} : memref<2048xi32, #tpu.memory_space<vmem>>, vector<16xi32>,
        %ge3A = vector.broadcast %mul3A_41 : i32 to vector<16xi32>
        %ge3A_157 = arith.cmpi sge, %get3A_156, %ge3A : vector<16xi32>
        %add3A_158 = arith.constant 3136 : i32
        %add3A_159 = arith.addi %mul3A_41, %add3A_158 : i32
        %lt3A_160 = vector.broadcast %add3A_159 : i32 to vector<16xi32>
        %lt3A_161 = arith.cmpi slt, %get3A_156, %lt3A_160 : vector<16xi32>
        %and3A_162 = arith.andi %ge3A_157, %lt3A_161 : vector<16xi1>
        %sub3A_163 = vector.broadcast %mul3A_41 : i32 to vector<16xi32>
        %sub3A_164 = arith.subi %get3A_156, %sub3A_163 : vector<16xi32>
        %jit3A_165 = arith.constant 3136 : i32
        %broadcast_in_dim3A = vector.broadcast %jit3A_165 : i32 to vector<16xi32>
        %select_n3A_166 = arith.select %and3A_162, %sub3A_164, %broadcast_in_dim3A : vector<16xi1>, vector<16xi32>
        %broadcast_in_dim3A_167 = arith.constant 1.000000e+00 : f32
        %broadcast_in_dim3A_168 = vector.broadcast %broadcast_in_dim3A_167 : f32 to vector<16xf32>
        tpu.vector_store_idx %arg8[%select_n3A_166], %broadcast_in_dim3A_168 : memref<3152xf32, #tpu.memory_space<vmem>>[vector<16xi32>], vector<16xf32>,
      }
      %scan3A_138 = arith.constant 128 : i32
      %dma_wait3A_139 = tpu.memref_slice %arg3[%mul3A_43] : memref<320000xi32, #tpu.memory_space<hbm>> -> memref<2048xi32, #tpu.memory_space<hbm>>
      %dma_wait3A_140 = tpu.memref_slice %arg3[%mul3A_43] : memref<320000xi32, #tpu.memory_space<hbm>> -> memref<2048xi32, #tpu.memory_space<hbm>>
      tpu.wait_dma2 semaphore(%arg11 : memref<!tpu.dma_semaphore, #tpu.memory_space<semaphore_mem>>) src(%dma_wait3A_140 : memref<2048xi32, #tpu.memory_space<hbm>>) dst(%arg7 : memref<2048xi32, #tpu.memory_space<vmem>>)
      %lt3A_141 = arith.constant 38 : i32
      %lt3A_142 = arith.cmpi slt, %add3A_123, %lt3A_141 : i32
      %convert_element_type3A = arith.extui %lt3A_142 : i1 to i32
      %cond3A = arith.constant 0 : i32
      %cond3A_143 = arith.cmpi ne, %convert_element_type3A, %cond3A : i32
      scf.if %cond3A_143 {
        %mul3A_149 = arith.constant 2 : i32
        %mul3A_150 = arith.muli %mul3A_149, %add3A_123 : i32
        %add3A_151 = arith.constant 2 : i32
        %add3A_152 = arith.addi %mul3A_150, %add3A_151 : i32
        %mul3A_153 = arith.constant 2048 : i32
        %mul3A_154 = arith.muli %add3A_152, %mul3A_153 : i32
        %add3A_155 = arith.addi %mul3A_43, %mul3A_154 : i32
        %dma_start3A_156 = tpu.memref_slice %arg3[%add3A_155] : memref<320000xi32, #tpu.memory_space<hbm>> -> memref<2048xi32, #tpu.memory_space<hbm>>
        %dma_start3A_157 = tpu.memref_slice %arg3[%add3A_155] : memref<320000xi32, #tpu.memory_space<hbm>> -> memref<2048xi32, #tpu.memory_space<hbm>>
        tpu.enqueue_dma source(%dma_start3A_157 : memref<2048xi32, #tpu.memory_space<hbm>>) target(%arg6 : memref<2048xi32, #tpu.memory_space<vmem>>) target_semaphore(%arg10 : memref<!tpu.dma_semaphore, #tpu.memory_space<semaphore_mem>>)
      } else {
      }
      %scan3A_144 = arith.constant 0 : i32
      %scan3A_145 = arith.constant 128 : i32
      %scan3A_146 = arith.addi %scan3A_144, %scan3A_145 : i32
      %scan3A_147 = arith.constant 1 : i32
      scf.for %scan3A_149 = %scan3A_144 to %scan3A_146 step %scan3A_147  : i32 {
        %mul3A_150 = arith.constant 1 : i32
        %mul3A_151 = arith.muli %scan3A_149, %mul3A_150 : i32
        %add3A_152 = arith.constant 0 : i32
        %add3A_153 = arith.addi %add3A_152, %mul3A_151 : i32
        %mul3A_154 = arith.constant 16 : i32
        %mul3A_155 = arith.muli %add3A_153, %mul3A_154 : i32
        %get3A = arith.index_cast %mul3A_155 : i32 to index
        %get3A_156 = tpu.vector_load %arg7[%get3A] {strides = array<i32>} : memref<2048xi32, #tpu.memory_space<vmem>>, vector<16xi32>,
        %ge3A = vector.broadcast %mul3A_41 : i32 to vector<16xi32>
        %ge3A_157 = arith.cmpi sge, %get3A_156, %ge3A : vector<16xi32>
        %add3A_158 = arith.constant 3136 : i32
        %add3A_159 = arith.addi %mul3A_41, %add3A_158 : i32
        %lt3A_160 = vector.broadcast %add3A_159 : i32 to vector<16xi32>
        %lt3A_161 = arith.cmpi slt, %get3A_156, %lt3A_160 : vector<16xi32>
        %and3A_162 = arith.andi %ge3A_157, %lt3A_161 : vector<16xi1>
        %sub3A_163 = vector.broadcast %mul3A_41 : i32 to vector<16xi32>
        %sub3A_164 = arith.subi %get3A_156, %sub3A_163 : vector<16xi32>
        %jit3A_165 = arith.constant 3136 : i32
        %broadcast_in_dim3A = vector.broadcast %jit3A_165 : i32 to vector<16xi32>
        %select_n3A_166 = arith.select %and3A_162, %sub3A_164, %broadcast_in_dim3A : vector<16xi1>, vector<16xi32>
        %broadcast_in_dim3A_167 = arith.constant 1.000000e+00 : f32
        %broadcast_in_dim3A_168 = vector.broadcast %broadcast_in_dim3A_167 : f32 to vector<16xf32>
        tpu.vector_store_idx %arg8[%select_n3A_166], %broadcast_in_dim3A_168 : memref<3152xf32, #tpu.memory_space<vmem>>[vector<16xi32>], vector<16xf32>,
      }
      %scan3A_148 = arith.constant 128 : i32
    }
    %scan3A_49 = arith.constant 39 : i32
    %add3A_50 = arith.constant 159744 : i32
    %add3A_51 = arith.addi %mul3A_43, %add3A_50 : i32
    "tpu.region"() ({
      %run_scoped3A = tpu.sem_alloc : memref<!tpu.dma_semaphore, #tpu.memory_space<semaphore_mem>>
      %dma_start3A_119 = arith.constant 0 : i32
      %dma_start3A_120 = tpu.memref_slice %arg6[%dma_start3A_119] : memref<2048xi32, #tpu.memory_space<vmem>> -> memref<256xi32, #tpu.memory_space<vmem>>
      %dma_start3A_121 = tpu.memref_slice %arg3[%add3A_51] : memref<320000xi32, #tpu.memory_space<hbm>> -> memref<256xi32, #tpu.memory_space<hbm>>
      %dma_start3A_122 = arith.constant 0 : i32
      %dma_start3A_123 = tpu.memref_slice %arg6[%dma_start3A_122] : memref<2048xi32, #tpu.memory_space<vmem>> -> memref<256xi32, #tpu.memory_space<vmem>>
      %dma_start3A_124 = tpu.memref_slice %arg3[%add3A_51] : memref<320000xi32, #tpu.memory_space<hbm>> -> memref<256xi32, #tpu.memory_space<hbm>>
      tpu.enqueue_dma source(%dma_start3A_124 : memref<256xi32, #tpu.memory_space<hbm>>) target(%dma_start3A_123 : memref<256xi32, #tpu.memory_space<vmem>>) target_semaphore(%run_scoped3A : memref<!tpu.dma_semaphore, #tpu.memory_space<semaphore_mem>>)
      %dma_wait3A = arith.constant 0 : i32
      %dma_wait3A_125 = tpu.memref_slice %arg6[%dma_wait3A] : memref<2048xi32, #tpu.memory_space<vmem>> -> memref<256xi32, #tpu.memory_space<vmem>>
      %dma_wait3A_126 = tpu.memref_slice %arg3[%add3A_51] : memref<320000xi32, #tpu.memory_space<hbm>> -> memref<256xi32, #tpu.memory_space<hbm>>
      %dma_wait3A_127 = arith.constant 0 : i32
      %dma_wait3A_128 = tpu.memref_slice %arg6[%dma_wait3A_127] : memref<2048xi32, #tpu.memory_space<vmem>> -> memref<256xi32, #tpu.memory_space<vmem>>
      %dma_wait3A_129 = tpu.memref_slice %arg3[%add3A_51] : memref<320000xi32, #tpu.memory_space<hbm>> -> memref<256xi32, #tpu.memory_space<hbm>>
      tpu.wait_dma2 semaphore(%run_scoped3A : memref<!tpu.dma_semaphore, #tpu.memory_space<semaphore_mem>>) src(%dma_wait3A_129 : memref<256xi32, #tpu.memory_space<hbm>>) dst(%dma_wait3A_128 : memref<256xi32, #tpu.memory_space<vmem>>)
      tpu.yield
    }) : () -> ()
    %scan3A_52 = arith.constant 0 : i32
    %scan3A_53 = arith.constant 16 : i32
    %scan3A_54 = arith.addi %scan3A_52, %scan3A_53 : i32
    %scan3A_55 = arith.constant 1 : i32
    scf.for %scan3A_119 = %scan3A_52 to %scan3A_54 step %scan3A_55  : i32 {
      %mul3A_120 = arith.constant 1 : i32
      %mul3A_121 = arith.muli %scan3A_119, %mul3A_120 : i32
      %add3A_122 = arith.constant 0 : i32
      %add3A_123 = arith.addi %add3A_122, %mul3A_121 : i32
      %mul3A_124 = arith.constant 16 : i32
      %mul3A_125 = arith.muli %add3A_123, %mul3A_124 : i32
      %get3A = arith.index_cast %mul3A_125 : i32 to index
      %get3A_126 = tpu.vector_load %arg6[%get3A] {strides = array<i32>} : memref<2048xi32, #tpu.memory_space<vmem>>, vector<16xi32>,
      %ge3A = vector.broadcast %mul3A_41 : i32 to vector<16xi32>
      %ge3A_127 = arith.cmpi sge, %get3A_126, %ge3A : vector<16xi32>
      %add3A_128 = arith.constant 3136 : i32
      %add3A_129 = arith.addi %mul3A_41, %add3A_128 : i32
      %lt3A_130 = vector.broadcast %add3A_129 : i32 to vector<16xi32>
      %lt3A_131 = arith.cmpi slt, %get3A_126, %lt3A_130 : vector<16xi32>
      %and3A_132 = arith.andi %ge3A_127, %lt3A_131 : vector<16xi1>
      %sub3A_133 = vector.broadcast %mul3A_41 : i32 to vector<16xi32>
      %sub3A_134 = arith.subi %get3A_126, %sub3A_133 : vector<16xi32>
      %jit3A_135 = arith.constant 3136 : i32
      %broadcast_in_dim3A = vector.broadcast %jit3A_135 : i32 to vector<16xi32>
      %select_n3A_136 = arith.select %and3A_132, %sub3A_134, %broadcast_in_dim3A : vector<16xi1>, vector<16xi32>
      %broadcast_in_dim3A_137 = arith.constant 1.000000e+00 : f32
      %broadcast_in_dim3A_138 = vector.broadcast %broadcast_in_dim3A_137 : f32 to vector<16xf32>
      tpu.vector_store_idx %arg8[%select_n3A_136], %broadcast_in_dim3A_138 : memref<3152xf32, #tpu.memory_space<vmem>>[vector<16xi32>], vector<16xf32>,
    }
    %scan3A_56 = arith.constant 16 : i32
    %mul3A_57 = arith.constant 50176 : i32
    %mul3A_58 = arith.muli %select_n3A, %mul3A_57 : i32
    %add3A_59 = arith.addi %mul3A_58, %mul3A_41 : i32
    "tpu.region"() ({
      %run_scoped3A = tpu.sem_alloc : memref<!tpu.dma_semaphore, #tpu.memory_space<semaphore_mem>>
      %dma_start3A_119 = arith.constant 0 : i32
      %dma_start3A_120 = tpu.memref_slice %arg8[%dma_start3A_119] : memref<3152xf32, #tpu.memory_space<vmem>> -> memref<3136xf32, #tpu.memory_space<vmem>>
      %dma_start3A_121 = tpu.memref_slice %arg4[%add3A_59] : memref<100352xf32, #tpu.memory_space<hbm>> -> memref<3136xf32, #tpu.memory_space<hbm>>
      %dma_start3A_122 = tpu.memref_slice %arg4[%add3A_59] : memref<100352xf32, #tpu.memory_space<hbm>> -> memref<3136xf32, #tpu.memory_space<hbm>>
      %dma_start3A_123 = arith.constant 0 : i32
      %dma_start3A_124 = tpu.memref_slice %arg8[%dma_start3A_123] : memref<3152xf32, #tpu.memory_space<vmem>> -> memref<3136xf32, #tpu.memory_space<vmem>>
      tpu.enqueue_dma source(%dma_start3A_124 : memref<3136xf32, #tpu.memory_space<vmem>>) target(%dma_start3A_122 : memref<3136xf32, #tpu.memory_space<hbm>>) target_semaphore(%run_scoped3A : memref<!tpu.dma_semaphore, #tpu.memory_space<semaphore_mem>>)
      %dma_wait3A = arith.constant 0 : i32
      %dma_wait3A_125 = tpu.memref_slice %arg8[%dma_wait3A] : memref<3152xf32, #tpu.memory_space<vmem>> -> memref<3136xf32, #tpu.memory_space<vmem>>
      %dma_wait3A_126 = tpu.memref_slice %arg4[%add3A_59] : memref<100352xf32, #tpu.memory_space<hbm>> -> memref<3136xf32, #tpu.memory_space<hbm>>
      %dma_wait3A_127 = tpu.memref_slice %arg4[%add3A_59] : memref<100352xf32, #tpu.memory_space<hbm>> -> memref<3136xf32, #tpu.memory_space<hbm>>
      %dma_wait3A_128 = arith.constant 0 : i32
      %dma_wait3A_129 = tpu.memref_slice %arg8[%dma_wait3A_128] : memref<3152xf32, #tpu.memory_space<vmem>> -> memref<3136xf32, #tpu.memory_space<vmem>>
      tpu.wait_dma2 semaphore(%run_scoped3A : memref<!tpu.dma_semaphore, #tpu.memory_space<semaphore_mem>>) src(%dma_wait3A_129 : memref<3136xf32, #tpu.memory_space<vmem>>) dst(%dma_wait3A_127 : memref<3136xf32, #tpu.memory_space<hbm>>)
      tpu.yield
    }) : () -> ()
    %jit3A_60 = arith.constant 4 : i32
    %div3A_61 = arith.divsi %add3A, %jit3A_60 : i32
    %sign3A_62 = arith.constant 0 : i32
    %sign3A_63 = arith.cmpi sgt, %add3A, %sign3A_62 : i32
    %sign3A_64 = arith.extui %sign3A_63 : i1 to i32
    %sign3A_65 = arith.constant 0 : i32
    %sign3A_66 = arith.cmpi slt, %add3A, %sign3A_65 : i32
    %sign3A_67 = arith.extui %sign3A_66 : i1 to i32
    %sign3A_68 = arith.subi %sign3A_64, %sign3A_67 : i32
    %sign3A_69 = arith.constant 0 : i32
    %sign3A_70 = arith.cmpi sgt, %jit3A_60, %sign3A_69 : i32
    %sign3A_71 = arith.extui %sign3A_70 : i1 to i32
    %sign3A_72 = arith.constant 0 : i32
    %sign3A_73 = arith.cmpi slt, %jit3A_60, %sign3A_72 : i32
    %sign3A_74 = arith.extui %sign3A_73 : i1 to i32
    %sign3A_75 = arith.subi %sign3A_71, %sign3A_74 : i32
    %ne3A_76 = arith.cmpi ne, %sign3A_68, %sign3A_75 : i32
    %rem3A_77 = arith.remsi %add3A, %jit3A_60 : i32
    %ne3A_78 = arith.constant 0 : i32
    %ne3A_79 = arith.cmpi ne, %rem3A_77, %ne3A_78 : i32
    %and3A_80 = arith.andi %ne3A_76, %ne3A_79 : i1
    %sub3A_81 = arith.constant 1 : i32
    %sub3A_82 = arith.subi %div3A_61, %sub3A_81 : i32
    %select_n3A_83 = arith.select %and3A_80, %sub3A_82, %div3A_61 : i32
    %jit3A_84 = arith.constant 4 : i32
    %eq3A_85 = arith.constant 0 : i32
    %eq3A_86 = arith.cmpi eq, %jit3A_84, %eq3A_85 : i32
    %jit3A_87 = arith.constant 1 : i32
    %select_n3A_88 = arith.select %eq3A_86, %jit3A_87, %jit3A_84 : i32
    %rem3A_89 = arith.remsi %add3A, %select_n3A_88 : i32
    %ne3A_90 = arith.constant 0 : i32
    %ne3A_91 = arith.cmpi ne, %rem3A_89, %ne3A_90 : i32
    %lt3A_92 = arith.constant 0 : i32
    %lt3A_93 = arith.cmpi slt, %rem3A_89, %lt3A_92 : i32
    %lt3A_94 = arith.constant 0 : i32
    %lt3A_95 = arith.cmpi slt, %select_n3A_88, %lt3A_94 : i32
    %ne3A_96 = arith.xori %lt3A_93, %lt3A_95 : i1
    %and3A_97 = arith.andi %ne3A_96, %ne3A_91 : i1
    %add3A_98 = arith.addi %rem3A_89, %select_n3A_88 : i32
    %select_n3A_99 = arith.select %and3A_97, %add3A_98, %rem3A_89 : i32
    %mul3A_100 = arith.constant 2560 : i32
    %mul3A_101 = arith.muli %select_n3A_99, %mul3A_100 : i32
    %mul3A_102 = arith.constant 40000 : i32
    %mul3A_103 = arith.muli %select_n3A_83, %mul3A_102 : i32
    %scan3A_104 = arith.constant 0 : i32
    %scan3A_105 = arith.constant 19 : i32
    %scan3A_106 = arith.addi %scan3A_104, %scan3A_105 : i32
    %scan3A_107 = arith.constant 1 : i32
    scf.for %scan3A_119 = %scan3A_104 to %scan3A_106 step %scan3A_107  : i32 {
      %mul3A_120 = arith.constant 1 : i32
      %mul3A_121 = arith.muli %scan3A_119, %mul3A_120 : i32
      %add3A_122 = arith.constant 0 : i32
      %add3A_123 = arith.addi %add3A_122, %mul3A_121 : i32
      %mul3A_124 = arith.constant 2048 : i32
      %mul3A_125 = arith.muli %add3A_123, %mul3A_124 : i32
      %add3A_126 = arith.addi %mul3A_103, %mul3A_125 : i32
      "tpu.region"() ({
        %run_scoped3A = tpu.sem_alloc : memref<!tpu.dma_semaphore, #tpu.memory_space<semaphore_mem>>
        %dma_start3A_132 = tpu.memref_slice %arg2[%add3A_126] : memref<320000xi32, #tpu.memory_space<hbm>> -> memref<2048xi32, #tpu.memory_space<hbm>>
        %dma_start3A_133 = tpu.memref_slice %arg2[%add3A_126] : memref<320000xi32, #tpu.memory_space<hbm>> -> memref<2048xi32, #tpu.memory_space<hbm>>
        tpu.enqueue_dma source(%dma_start3A_133 : memref<2048xi32, #tpu.memory_space<hbm>>) target(%arg6 : memref<2048xi32, #tpu.memory_space<vmem>>) target_semaphore(%run_scoped3A : memref<!tpu.dma_semaphore, #tpu.memory_space<semaphore_mem>>)
        %dma_wait3A = tpu.memref_slice %arg2[%add3A_126] : memref<320000xi32, #tpu.memory_space<hbm>> -> memref<2048xi32, #tpu.memory_space<hbm>>
        %dma_wait3A_134 = tpu.memref_slice %arg2[%add3A_126] : memref<320000xi32, #tpu.memory_space<hbm>> -> memref<2048xi32, #tpu.memory_space<hbm>>
        tpu.wait_dma2 semaphore(%run_scoped3A : memref<!tpu.dma_semaphore, #tpu.memory_space<semaphore_mem>>) src(%dma_wait3A_134 : memref<2048xi32, #tpu.memory_space<hbm>>) dst(%arg6 : memref<2048xi32, #tpu.memory_space<vmem>>)
        tpu.yield
      }) : () -> ()
      %scan3A_127 = arith.constant 0 : i32
      %scan3A_128 = arith.constant 128 : i32
      %scan3A_129 = arith.addi %scan3A_127, %scan3A_128 : i32
      %scan3A_130 = arith.constant 1 : i32
      scf.for %scan3A_132 = %scan3A_127 to %scan3A_129 step %scan3A_130  : i32 {
        %mul3A_133 = arith.constant 1 : i32
        %mul3A_134 = arith.muli %scan3A_132, %mul3A_133 : i32
        %add3A_135 = arith.constant 0 : i32
        %add3A_136 = arith.addi %add3A_135, %mul3A_134 : i32
        %mul3A_137 = arith.constant 16 : i32
        %mul3A_138 = arith.muli %add3A_136, %mul3A_137 : i32
        %get3A = arith.index_cast %mul3A_138 : i32 to index
        %get3A_139 = tpu.vector_load %arg6[%get3A] {strides = array<i32>} : memref<2048xi32, #tpu.memory_space<vmem>>, vector<16xi32>,
        %ge3A = vector.broadcast %mul3A_101 : i32 to vector<16xi32>
        %ge3A_140 = arith.cmpi sge, %get3A_139, %ge3A : vector<16xi32>
        %add3A_141 = arith.constant 2560 : i32
        %add3A_142 = arith.addi %mul3A_101, %add3A_141 : i32
        %lt3A_143 = vector.broadcast %add3A_142 : i32 to vector<16xi32>
        %lt3A_144 = arith.cmpi slt, %get3A_139, %lt3A_143 : vector<16xi32>
        %and3A_145 = arith.andi %ge3A_140, %lt3A_144 : vector<16xi1>
        %sub3A_146 = vector.broadcast %mul3A_101 : i32 to vector<16xi32>
        %sub3A_147 = arith.subi %get3A_139, %sub3A_146 : vector<16xi32>
        %jit3A_148 = arith.constant 2560 : i32
        %broadcast_in_dim3A = vector.broadcast %jit3A_148 : i32 to vector<16xi32>
        %select_n3A_149 = arith.select %and3A_145, %sub3A_147, %broadcast_in_dim3A : vector<16xi1>, vector<16xi32>
        %unique3A, %unique3A_150 = tpu.scan_count mask(%and3A_145 : vector<16xi1>) value(%get3A_139 : vector<16xi32>) : vector<16xi1>, vector<16xi32>
        %convert_element_type3A = arith.sitofp %unique3A_150 : vector<16xi32> to vector<16xf32>
        %and3A_151 = arith.andi %unique3A, %and3A_145 : vector<16xi1>
        tpu.vector_store_idx %arg9[%select_n3A_149], %convert_element_type3A masked %and3A_151 {add = true} : memref<2576xf32, #tpu.memory_space<vmem>>[vector<16xi32>], vector<16xf32>, vector<16xi1>
      }
      %scan3A_131 = arith.constant 128 : i32
    }
    %scan3A_108 = arith.constant 19 : i32
    %add3A_109 = arith.constant 38912 : i32
    %add3A_110 = arith.addi %mul3A_103, %add3A_109 : i32
    "tpu.region"() ({
      %run_scoped3A = tpu.sem_alloc : memref<!tpu.dma_semaphore, #tpu.memory_space<semaphore_mem>>
      %dma_start3A_119 = arith.constant 0 : i32
      %dma_start3A_120 = tpu.memref_slice %arg6[%dma_start3A_119] : memref<2048xi32, #tpu.memory_space<vmem>> -> memref<1088xi32, #tpu.memory_space<vmem>>
      %dma_start3A_121 = tpu.memref_slice %arg2[%add3A_110] : memref<320000xi32, #tpu.memory_space<hbm>> -> memref<1088xi32, #tpu.memory_space<hbm>>
      %dma_start3A_122 = arith.constant 0 : i32
      %dma_start3A_123 = tpu.memref_slice %arg6[%dma_start3A_122] : memref<2048xi32, #tpu.memory_space<vmem>> -> memref<1088xi32, #tpu.memory_space<vmem>>
      %dma_start3A_124 = tpu.memref_slice %arg2[%add3A_110] : memref<320000xi32, #tpu.memory_space<hbm>> -> memref<1088xi32, #tpu.memory_space<hbm>>
      tpu.enqueue_dma source(%dma_start3A_124 : memref<1088xi32, #tpu.memory_space<hbm>>) target(%dma_start3A_123 : memref<1088xi32, #tpu.memory_space<vmem>>) target_semaphore(%run_scoped3A : memref<!tpu.dma_semaphore, #tpu.memory_space<semaphore_mem>>)
      %dma_wait3A = arith.constant 0 : i32
      %dma_wait3A_125 = tpu.memref_slice %arg6[%dma_wait3A] : memref<2048xi32, #tpu.memory_space<vmem>> -> memref<1088xi32, #tpu.memory_space<vmem>>
      %dma_wait3A_126 = tpu.memref_slice %arg2[%add3A_110] : memref<320000xi32, #tpu.memory_space<hbm>> -> memref<1088xi32, #tpu.memory_space<hbm>>
      %dma_wait3A_127 = arith.constant 0 : i32
      %dma_wait3A_128 = tpu.memref_slice %arg6[%dma_wait3A_127] : memref<2048xi32, #tpu.memory_space<vmem>> -> memref<1088xi32, #tpu.memory_space<vmem>>
      %dma_wait3A_129 = tpu.memref_slice %arg2[%add3A_110] : memref<320000xi32, #tpu.memory_space<hbm>> -> memref<1088xi32, #tpu.memory_space<hbm>>
      tpu.wait_dma2 semaphore(%run_scoped3A : memref<!tpu.dma_semaphore, #tpu.memory_space<semaphore_mem>>) src(%dma_wait3A_129 : memref<1088xi32, #tpu.memory_space<hbm>>) dst(%dma_wait3A_128 : memref<1088xi32, #tpu.memory_space<vmem>>)
      tpu.yield
    }) : () -> ()
    %scan3A_111 = arith.constant 0 : i32
    %scan3A_112 = arith.constant 68 : i32
    %scan3A_113 = arith.addi %scan3A_111, %scan3A_112 : i32
    %scan3A_114 = arith.constant 1 : i32
    scf.for %scan3A_119 = %scan3A_111 to %scan3A_113 step %scan3A_114  : i32 {
      %mul3A_120 = arith.constant 1 : i32
      %mul3A_121 = arith.muli %scan3A_119, %mul3A_120 : i32
      %add3A_122 = arith.constant 0 : i32
      %add3A_123 = arith.addi %add3A_122, %mul3A_121 : i32
      %mul3A_124 = arith.constant 16 : i32
      %mul3A_125 = arith.muli %add3A_123, %mul3A_124 : i32
      %get3A = arith.index_cast %mul3A_125 : i32 to index
      %get3A_126 = tpu.vector_load %arg6[%get3A] {strides = array<i32>} : memref<2048xi32, #tpu.memory_space<vmem>>, vector<16xi32>,
      %ge3A = vector.broadcast %mul3A_101 : i32 to vector<16xi32>
      %ge3A_127 = arith.cmpi sge, %get3A_126, %ge3A : vector<16xi32>
      %add3A_128 = arith.constant 2560 : i32
      %add3A_129 = arith.addi %mul3A_101, %add3A_128 : i32
      %lt3A_130 = vector.broadcast %add3A_129 : i32 to vector<16xi32>
      %lt3A_131 = arith.cmpi slt, %get3A_126, %lt3A_130 : vector<16xi32>
      %and3A_132 = arith.andi %ge3A_127, %lt3A_131 : vector<16xi1>
      %sub3A_133 = vector.broadcast %mul3A_101 : i32 to vector<16xi32>
      %sub3A_134 = arith.subi %get3A_126, %sub3A_133 : vector<16xi32>
      %jit3A_135 = arith.constant 2560 : i32
      %broadcast_in_dim3A = vector.broadcast %jit3A_135 : i32 to vector<16xi32>
      %select_n3A_136 = arith.select %and3A_132, %sub3A_134, %broadcast_in_dim3A : vector<16xi1>, vector<16xi32>
      %unique3A, %unique3A_137 = tpu.scan_count mask(%and3A_132 : vector<16xi1>) value(%get3A_126 : vector<16xi32>) : vector<16xi1>, vector<16xi32>
      %convert_element_type3A = arith.sitofp %unique3A_137 : vector<16xi32> to vector<16xf32>
      %and3A_138 = arith.andi %unique3A, %and3A_132 : vector<16xi1>
      tpu.vector_store_idx %arg9[%select_n3A_136], %convert_element_type3A masked %and3A_138 {add = true} : memref<2576xf32, #tpu.memory_space<vmem>>[vector<16xi32>], vector<16xf32>, vector<16xi1>
    }
    %scan3A_115 = arith.constant 68 : i32
    %mul3A_116 = arith.constant 10240 : i32
    %mul3A_117 = arith.muli %select_n3A_83, %mul3A_116 : i32
    %add3A_118 = arith.addi %mul3A_117, %mul3A_101 : i32
    "tpu.region"() ({
      %run_scoped3A = tpu.sem_alloc : memref<!tpu.dma_semaphore, #tpu.memory_space<semaphore_mem>>
      %dma_start3A_119 = arith.constant 0 : i32
      %dma_start3A_120 = tpu.memref_slice %arg9[%dma_start3A_119] : memref<2576xf32, #tpu.memory_space<vmem>> -> memref<2560xf32, #tpu.memory_space<vmem>>
      %dma_start3A_121 = tpu.memref_slice %arg5[%add3A_118] : memref<81920xf32, #tpu.memory_space<hbm>> -> memref<2560xf32, #tpu.memory_space<hbm>>
      %dma_start3A_122 = tpu.memref_slice %arg5[%add3A_118] : memref<81920xf32, #tpu.memory_space<hbm>> -> memref<2560xf32, #tpu.memory_space<hbm>>
      %dma_start3A_123 = arith.constant 0 : i32
      %dma_start3A_124 = tpu.memref_slice %arg9[%dma_start3A_123] : memref<2576xf32, #tpu.memory_space<vmem>> -> memref<2560xf32, #tpu.memory_space<vmem>>
      tpu.enqueue_dma source(%dma_start3A_124 : memref<2560xf32, #tpu.memory_space<vmem>>) target(%dma_start3A_122 : memref<2560xf32, #tpu.memory_space<hbm>>) target_semaphore(%run_scoped3A : memref<!tpu.dma_semaphore, #tpu.memory_space<semaphore_mem>>)
      %dma_wait3A = arith.constant 0 : i32
      %dma_wait3A_125 = tpu.memref_slice %arg9[%dma_wait3A] : memref<2576xf32, #tpu.memory_space<vmem>> -> memref<2560xf32, #tpu.memory_space<vmem>>
      %dma_wait3A_126 = tpu.memref_slice %arg5[%add3A_118] : memref<81920xf32, #tpu.memory_space<hbm>> -> memref<2560xf32, #tpu.memory_space<hbm>>
      %dma_wait3A_127 = tpu.memref_slice %arg5[%add3A_118] : memref<81920xf32, #tpu.memory_space<hbm>> -> memref<2560xf32, #tpu.memory_space<hbm>>
      %dma_wait3A_128 = arith.constant 0 : i32
      %dma_wait3A_129 = tpu.memref_slice %arg9[%dma_wait3A_128] : memref<2576xf32, #tpu.memory_space<vmem>> -> memref<2560xf32, #tpu.memory_space<vmem>>
      tpu.wait_dma2 semaphore(%run_scoped3A : memref<!tpu.dma_semaphore, #tpu.memory_space<semaphore_mem>>) src(%dma_wait3A_129 : memref<2560xf32, #tpu.memory_space<vmem>>) dst(%dma_wait3A_127 : memref<2560xf32, #tpu.memory_space<hbm>>)
      tpu.yield
    }) : () -> ()
    return
  }
}

module attributes {stable_mosaic.version = 14 : i64} {
  func.func @_tc_protein_body(%arg0: i32, %arg1: memref<1024x128xf32, #tpu.memory_space<vmem>>, %arg2: memref<2x1024xf32, #tpu.memory_space<vmem>>, %arg3: memref<1x128xf32, #tpu.memory_space<vmem>>, %arg4: memref<128x128xf32, #tpu.memory_space<vmem>>, %arg5: memref<128xf32, #tpu.memory_space<vmem>>, %arg6: memref<128x128xf32, #tpu.memory_space<vmem>>, %arg7: memref<1024x128xf32, #tpu.memory_space<vmem>>) attributes {dimension_semantics = [#tpu.dimension_semantics<arbitrary>], iteration_bounds = array<i64: 49>, scalar_prefetch = 0 : i64, scratch_operands = 0 : i64, tpu.core_type = #tpu.core_type<tc>, window_params = [{transform_indices = @transform_0, window_bounds = array<i64: 1024, 128>}, {transform_indices = @transform_1, window_bounds = array<i64: 2, 1024>}, {pipeline_mode = #tpu.pipeline_mode<synchronous>, transform_indices = @transform_2, window_bounds = array<i64: 1, 128>}, {pipeline_mode = #tpu.pipeline_mode<synchronous>, transform_indices = @transform_3, window_bounds = array<i64: 128, 128>}, {pipeline_mode = #tpu.pipeline_mode<synchronous>, transform_indices = @transform_4, window_bounds = array<i64: 128>}, {pipeline_mode = #tpu.pipeline_mode<synchronous>, transform_indices = @transform_5, window_bounds = array<i64: 128, 128>}, {transform_indices = @transform_6, window_bounds = array<i64: 1024, 128>}]} {
    %get3A = arith.constant 0 : index
    %get3A_0 = arith.constant 0 : index
    %get3A_1 = vector.load %arg2[%get3A, %get3A_0] : memref<2x1024xf32, #tpu.memory_space<vmem>>, vector<2x1024xf32>
    %reduce_max3A = arith.constant dense<0xFF800000> : vector<1024xf32>
    %reduce_max3A_2 = vector.multi_reduction <maximumf>, %get3A_1, %reduce_max3A [0] : vector<2x1024xf32> to vector<1024xf32>
    %broadcast_in_dim3A = vector.shape_cast %reduce_max3A_2 : vector<1024xf32> to vector<1024x1xf32>
    %broadcast_in_dim3A_3 = vector.broadcast %broadcast_in_dim3A : vector<1024x1xf32> to vector<1024x128xf32>
    %get3A_4 = arith.constant 0 : index
    %get3A_5 = arith.constant 0 : index
    %get3A_6 = vector.load %arg3[%get3A_4, %get3A_5] : memref<1x128xf32, #tpu.memory_space<vmem>>, vector<1x128xf32>
    %get3A_7 = arith.constant 0 : index
    %get3A_8 = arith.constant 0 : index
    %get3A_9 = vector.load %arg4[%get3A_7, %get3A_8] : memref<128x128xf32, #tpu.memory_space<vmem>>, vector<128x128xf32>
    %dot_general3A = arith.constant dense<0.000000e+00> : vector<1x128xf32>
    %dot_general3A_10 = tpu.matmul %get3A_6, %get3A_9, %dot_general3A {dimension_numbers = #tpu.dot_dimension_numbers<[1], [0], [0], [1], [0, 0, 1, 1], [], []>, transpose_lhs_hint = false} : vector<1x128xf32>, vector<128x128xf32>, vector<1x128xf32> -> vector<1x128xf32>
    %mul3A = vector.broadcast %dot_general3A_10 : vector<1x128xf32> to vector<1024x128xf32>
    %mul3A_11 = arith.mulf %broadcast_in_dim3A_3, %mul3A : vector<1024x128xf32>
    %get3A_12 = arith.constant 0 : index
    %get3A_13 = vector.load %arg5[%get3A_12] : memref<128xf32, #tpu.memory_space<vmem>>, vector<128xf32>
    %broadcast_in_dim3A_14 = vector.shape_cast %get3A_13 : vector<128xf32> to vector<1x128xf32>
    %add3A = vector.broadcast %broadcast_in_dim3A_14 : vector<1x128xf32> to vector<1024x128xf32>
    %add3A_15 = arith.addf %mul3A_11, %add3A : vector<1024x128xf32>
    %get3A_16 = arith.constant 0 : index
    %get3A_17 = arith.constant 0 : index
    %get3A_18 = vector.load %arg1[%get3A_16, %get3A_17] : memref<1024x128xf32, #tpu.memory_space<vmem>>, vector<1024x128xf32>
    %get3A_19 = arith.constant 0 : index
    %get3A_20 = arith.constant 0 : index
    %get3A_21 = vector.load %arg6[%get3A_19, %get3A_20] : memref<128x128xf32, #tpu.memory_space<vmem>>, vector<128x128xf32>
    %dot_general3A_22 = arith.constant dense<0.000000e+00> : vector<1024x128xf32>
    %dot_general3A_23 = tpu.matmul %get3A_18, %get3A_21, %dot_general3A_22 {dimension_numbers = #tpu.dot_dimension_numbers<[1], [0], [0], [1], [0, 0, 1, 1], [], []>, transpose_lhs_hint = false} : vector<1024x128xf32>, vector<128x128xf32>, vector<1024x128xf32> -> vector<1024x128xf32>
    %add3A_24 = arith.addf %add3A_15, %dot_general3A_23 : vector<1024x128xf32>
    %mul3A_25 = arith.mulf %add3A_24, %add3A_24 : vector<1024x128xf32>
    %reduce_sum3A = arith.constant dense<0.000000e+00> : vector<1024xf32>
    %reduce_sum3A_26 = vector.multi_reduction <add>, %mul3A_25, %reduce_sum3A [1] : vector<1024x128xf32> to vector<1024xf32>
    %broadcast_in_dim3A_27 = vector.shape_cast %reduce_sum3A_26 : vector<1024xf32> to vector<1024x1xf32>
    %sqrt3A = math.sqrt %broadcast_in_dim3A_27 : vector<1024x1xf32>
    %max3A = arith.constant 9.99999996E-13 : f32
    %max3A_28 = vector.broadcast %max3A : f32 to vector<1024x1xf32>
    %max3A_29 = arith.maximumf %sqrt3A, %max3A_28 : vector<1024x1xf32>
    %div3A = vector.broadcast %max3A_29 : vector<1024x1xf32> to vector<1024x128xf32>
    %div3A_30 = arith.divf %add3A_24, %div3A : vector<1024x128xf32>
    %max3A_31 = arith.constant 0.000000e+00 : f32
    %max3A_32 = vector.broadcast %max3A_31 : f32 to vector<1024x128xf32>
    %max3A_33 = arith.maximumf %div3A_30, %max3A_32 : vector<1024x128xf32>
    %swap3A = arith.constant 0 : index
    %swap3A_34 = arith.constant 0 : index
    %swap3A_35 = vector.load %arg7[%swap3A, %swap3A_34] : memref<1024x128xf32, #tpu.memory_space<vmem>>, vector<1024x128xf32>
    tpu.vector_store %arg7[%swap3A, %swap3A_34], %max3A_33 {strides = array<i32>} : memref<1024x128xf32, #tpu.memory_space<vmem>>, vector<1024x128xf32>,
    return
  }
  func.func @transform_0(%arg0: i32) -> (i32, i32) {
    %c0_i32 = arith.constant 0 : i32
    %c0_i32_0 = arith.constant 0 : i32
    return %arg0, %c0_i32 : i32, i32
  }
  func.func @transform_1(%arg0: i32) -> (i32, i32) {
    %c0_i32 = arith.constant 0 : i32
    %c0_i32_0 = arith.constant 0 : i32
    return %c0_i32, %arg0 : i32, i32
  }
  func.func @transform_2(%arg0: i32) -> (i32, i32) {
    %c0_i32 = arith.constant 0 : i32
    %c0_i32_0 = arith.constant 0 : i32
    %c0_i32_1 = arith.constant 0 : i32
    return %c0_i32, %c0_i32_0 : i32, i32
  }
  func.func @transform_3(%arg0: i32) -> (i32, i32) {
    %c0_i32 = arith.constant 0 : i32
    %c0_i32_0 = arith.constant 0 : i32
    %c0_i32_1 = arith.constant 0 : i32
    return %c0_i32, %c0_i32_0 : i32, i32
  }
  func.func @transform_4(%arg0: i32) -> i32 {
    %c0_i32 = arith.constant 0 : i32
    %c0_i32_0 = arith.constant 0 : i32
    return %c0_i32 : i32
  }
  func.func @transform_5(%arg0: i32) -> (i32, i32) {
    %c0_i32 = arith.constant 0 : i32
    %c0_i32_0 = arith.constant 0 : i32
    %c0_i32_1 = arith.constant 0 : i32
    return %c0_i32, %c0_i32_0 : i32, i32
  }
  func.func @transform_6(%arg0: i32) -> (i32, i32) {
    %c0_i32 = arith.constant 0 : i32
    %c0_i32_0 = arith.constant 0 : i32
    return %arg0, %c0_i32 : i32, i32
  }
}

module attributes {stable_mosaic.version = 14 : i64} {
  func.func @_tc_react_body(%arg0: i32, %arg1: memref<2x1024x128xf32, #tpu.memory_space<vmem>>, %arg2: memref<8x1024xf32, #tpu.memory_space<vmem>>, %arg3: memref<1x128xf32, #tpu.memory_space<vmem>>, %arg4: memref<128x128xf32, #tpu.memory_space<vmem>>, %arg5: memref<128xf32, #tpu.memory_space<vmem>>, %arg6: memref<128x128xf32, #tpu.memory_space<vmem>>, %arg7: memref<1024x128xf32, #tpu.memory_space<vmem>>, %arg8: memref<1024x1xf32, #tpu.memory_space<vmem>>) attributes {dimension_semantics = [#tpu.dimension_semantics<arbitrary>], iteration_bounds = array<i64: 10>, scalar_prefetch = 0 : i64, scratch_operands = 0 : i64, tpu.core_type = #tpu.core_type<tc>, window_params = [{transform_indices = @transform_0, window_bounds = array<i64: 2, 1024, 128>}, {transform_indices = @transform_1, window_bounds = array<i64: 8, 1024>}, {pipeline_mode = #tpu.pipeline_mode<synchronous>, transform_indices = @transform_2, window_bounds = array<i64: 1, 128>}, {pipeline_mode = #tpu.pipeline_mode<synchronous>, transform_indices = @transform_3, window_bounds = array<i64: 128, 128>}, {pipeline_mode = #tpu.pipeline_mode<synchronous>, transform_indices = @transform_4, window_bounds = array<i64: 128>}, {pipeline_mode = #tpu.pipeline_mode<synchronous>, transform_indices = @transform_5, window_bounds = array<i64: 128, 128>}, {transform_indices = @transform_6, window_bounds = array<i64: 1024, 128>}, {transform_indices = @transform_7, window_bounds = array<i64: 1024, 1>}]} {
    %get3A = arith.constant 0 : index
    %get3A_0 = arith.constant 0 : index
    %get3A_1 = arith.constant 0 : index
    %get3A_2 = vector.load %arg1[%get3A, %get3A_0, %get3A_1] : memref<2x1024x128xf32, #tpu.memory_space<vmem>>, vector<1x1024x128xf32>
    %get3A_3 = vector.shape_cast %get3A_2 : vector<1x1024x128xf32> to vector<1024x128xf32>
    %get3A_4 = arith.constant 1 : index
    %get3A_5 = arith.constant 0 : index
    %get3A_6 = arith.constant 0 : index
    %get3A_7 = vector.load %arg1[%get3A_4, %get3A_5, %get3A_6] : memref<2x1024x128xf32, #tpu.memory_space<vmem>>, vector<1x1024x128xf32>
    %get3A_8 = vector.shape_cast %get3A_7 : vector<1x1024x128xf32> to vector<1024x128xf32>
    %add3A = arith.addf %get3A_3, %get3A_8 : vector<1024x128xf32>
    %get3A_9 = arith.constant 0 : index
    %get3A_10 = arith.constant 0 : index
    %get3A_11 = vector.load %arg2[%get3A_9, %get3A_10] : memref<8x1024xf32, #tpu.memory_space<vmem>>, vector<8x1024xf32>
    %reduce_sum3A = arith.constant dense<0.000000e+00> : vector<1024xf32>
    %reduce_sum3A_12 = vector.multi_reduction <add>, %get3A_11, %reduce_sum3A [0] : vector<8x1024xf32> to vector<1024xf32>
    %max3A = arith.constant 1.000000e+00 : f32
    %max3A_13 = vector.broadcast %max3A : f32 to vector<1024xf32>
    %max3A_14 = arith.maximumf %reduce_sum3A_12, %max3A_13 : vector<1024xf32>
    %div3A = arith.constant 1.000000e+00 : f32
    %div3A_15 = vector.broadcast %div3A : f32 to vector<1024xf32>
    %div3A_16 = arith.divf %div3A_15, %max3A_14 : vector<1024xf32>
    %broadcast_in_dim3A = vector.shape_cast %div3A_16 : vector<1024xf32> to vector<1024x1xf32>
    %broadcast_in_dim3A_17 = vector.shape_cast %div3A_16 : vector<1024xf32> to vector<1024x1xf32>
    %broadcast_in_dim3A_18 = vector.broadcast %broadcast_in_dim3A_17 : vector<1024x1xf32> to vector<1024x128xf32>
    %mul3A = arith.mulf %add3A, %broadcast_in_dim3A_18 : vector<1024x128xf32>
    %get3A_19 = arith.constant 0 : index
    %get3A_20 = arith.constant 0 : index
    %get3A_21 = vector.load %arg3[%get3A_19, %get3A_20] : memref<1x128xf32, #tpu.memory_space<vmem>>, vector<1x128xf32>
    %get3A_22 = arith.constant 0 : index
    %get3A_23 = arith.constant 0 : index
    %get3A_24 = vector.load %arg6[%get3A_22, %get3A_23] : memref<128x128xf32, #tpu.memory_space<vmem>>, vector<128x128xf32>
    %dot_general3A = arith.constant dense<0.000000e+00> : vector<1x128xf32>
    %dot_general3A_25 = tpu.matmul %get3A_21, %get3A_24, %dot_general3A {dimension_numbers = #tpu.dot_dimension_numbers<[1], [0], [0], [1], [0, 0, 1, 1], [], []>, transpose_lhs_hint = false} : vector<1x128xf32>, vector<128x128xf32>, vector<1x128xf32> -> vector<1x128xf32>
    %get3A_26 = arith.constant 0 : index
    %get3A_27 = arith.constant 0 : index
    %get3A_28 = vector.load %arg4[%get3A_26, %get3A_27] : memref<128x128xf32, #tpu.memory_space<vmem>>, vector<128x128xf32>
    %dot_general3A_29 = arith.constant dense<0.000000e+00> : vector<1024x128xf32>
    %dot_general3A_30 = tpu.matmul %mul3A, %get3A_28, %dot_general3A_29 {dimension_numbers = #tpu.dot_dimension_numbers<[1], [0], [0], [1], [0, 0, 1, 1], [], []>, transpose_lhs_hint = false} : vector<1024x128xf32>, vector<128x128xf32>, vector<1024x128xf32> -> vector<1024x128xf32>
    %get3A_31 = arith.constant 0 : index
    %get3A_32 = vector.load %arg5[%get3A_31] : memref<128xf32, #tpu.memory_space<vmem>>, vector<128xf32>
    %broadcast_in_dim3A_33 = vector.shape_cast %get3A_32 : vector<128xf32> to vector<1x128xf32>
    %add3A_34 = vector.broadcast %broadcast_in_dim3A_33 : vector<1x128xf32> to vector<1024x128xf32>
    %add3A_35 = arith.addf %dot_general3A_30, %add3A_34 : vector<1024x128xf32>
    %add3A_36 = vector.broadcast %dot_general3A_25 : vector<1x128xf32> to vector<1024x128xf32>
    %add3A_37 = arith.addf %add3A_35, %add3A_36 : vector<1024x128xf32>
    %mul3A_38 = arith.mulf %add3A_37, %add3A_37 : vector<1024x128xf32>
    %reduce_sum3A_39 = arith.constant dense<0.000000e+00> : vector<1024xf32>
    %reduce_sum3A_40 = vector.multi_reduction <add>, %mul3A_38, %reduce_sum3A_39 [1] : vector<1024x128xf32> to vector<1024xf32>
    %broadcast_in_dim3A_41 = vector.shape_cast %reduce_sum3A_40 : vector<1024xf32> to vector<1024x1xf32>
    %sqrt3A = math.sqrt %broadcast_in_dim3A_41 : vector<1024x1xf32>
    %max3A_42 = arith.constant 9.99999996E-13 : f32
    %max3A_43 = vector.broadcast %max3A_42 : f32 to vector<1024x1xf32>
    %max3A_44 = arith.maximumf %sqrt3A, %max3A_43 : vector<1024x1xf32>
    %div3A_45 = vector.broadcast %max3A_44 : vector<1024x1xf32> to vector<1024x128xf32>
    %div3A_46 = arith.divf %add3A_37, %div3A_45 : vector<1024x128xf32>
    %max3A_47 = arith.constant 0.000000e+00 : f32
    %max3A_48 = vector.broadcast %max3A_47 : f32 to vector<1024x128xf32>
    %max3A_49 = arith.maximumf %div3A_46, %max3A_48 : vector<1024x128xf32>
    %swap3A = arith.constant 0 : index
    %swap3A_50 = arith.constant 0 : index
    %swap3A_51 = vector.load %arg7[%swap3A, %swap3A_50] : memref<1024x128xf32, #tpu.memory_space<vmem>>, vector<1024x128xf32>
    tpu.vector_store %arg7[%swap3A, %swap3A_50], %max3A_49 {strides = array<i32>} : memref<1024x128xf32, #tpu.memory_space<vmem>>, vector<1024x128xf32>,
    %swap3A_52 = arith.constant 0 : index
    %swap3A_53 = arith.constant 0 : index
    %swap3A_54 = vector.load %arg8[%swap3A_52, %swap3A_53] : memref<1024x1xf32, #tpu.memory_space<vmem>>, vector<1024x1xf32>
    tpu.vector_store %arg8[%swap3A_52, %swap3A_53], %broadcast_in_dim3A {strides = array<i32>} : memref<1024x1xf32, #tpu.memory_space<vmem>>, vector<1024x1xf32>,
    return
  }
  func.func @transform_0(%arg0: i32) -> (i32, i32, i32) {
    %c0_i32 = arith.constant 0 : i32
    %c0_i32_0 = arith.constant 0 : i32
    %c0_i32_1 = arith.constant 0 : i32
    return %c0_i32, %arg0, %c0_i32_0 : i32, i32, i32
  }
  func.func @transform_1(%arg0: i32) -> (i32, i32) {
    %c0_i32 = arith.constant 0 : i32
    %c0_i32_0 = arith.constant 0 : i32
    return %c0_i32, %arg0 : i32, i32
  }
  func.func @transform_2(%arg0: i32) -> (i32, i32) {
    %c0_i32 = arith.constant 0 : i32
    %c0_i32_0 = arith.constant 0 : i32
    %c0_i32_1 = arith.constant 0 : i32
    return %c0_i32, %c0_i32_0 : i32, i32
  }
  func.func @transform_3(%arg0: i32) -> (i32, i32) {
    %c0_i32 = arith.constant 0 : i32
    %c0_i32_0 = arith.constant 0 : i32
    %c0_i32_1 = arith.constant 0 : i32
    return %c0_i32, %c0_i32_0 : i32, i32
  }
  func.func @transform_4(%arg0: i32) -> i32 {
    %c0_i32 = arith.constant 0 : i32
    %c0_i32_0 = arith.constant 0 : i32
    return %c0_i32 : i32
  }
  func.func @transform_5(%arg0: i32) -> (i32, i32) {
    %c0_i32 = arith.constant 0 : i32
    %c0_i32_0 = arith.constant 0 : i32
    %c0_i32_1 = arith.constant 0 : i32
    return %c0_i32, %c0_i32_0 : i32, i32
  }
  func.func @transform_6(%arg0: i32) -> (i32, i32) {
    %c0_i32 = arith.constant 0 : i32
    %c0_i32_0 = arith.constant 0 : i32
    return %arg0, %c0_i32 : i32, i32
  }
  func.func @transform_7(%arg0: i32) -> (i32, i32) {
    %c0_i32 = arith.constant 0 : i32
    %c0_i32_0 = arith.constant 0 : i32
    return %arg0, %c0_i32 : i32, i32
  }
}

module attributes {stable_mosaic.version = 14 : i64} {
  func.func @_tc_final_body(%arg0: i32, %arg1: memref<2x1024x128xf32, #tpu.memory_space<vmem>>, %arg2: memref<1024x1xf32, #tpu.memory_space<vmem>>, %arg3: memref<1024x128xf32, #tpu.memory_space<vmem>>, %arg4: memref<128x128xf32, #tpu.memory_space<vmem>>, %arg5: memref<128xf32, #tpu.memory_space<vmem>>, %arg6: memref<128x128xf32, #tpu.memory_space<vmem>>, %arg7: memref<128x2xf32, #tpu.memory_space<vmem>>, %arg8: memref<2xf32, #tpu.memory_space<vmem>>, %arg9: memref<1024x2xf32, #tpu.memory_space<vmem>>) attributes {dimension_semantics = [#tpu.dimension_semantics<arbitrary>], iteration_bounds = array<i64: 10>, scalar_prefetch = 0 : i64, scratch_operands = 0 : i64, tpu.core_type = #tpu.core_type<tc>, window_params = [{transform_indices = @transform_0, window_bounds = array<i64: 2, 1024, 128>}, {transform_indices = @transform_1, window_bounds = array<i64: 1024, 1>}, {transform_indices = @transform_2, window_bounds = array<i64: 1024, 128>}, {pipeline_mode = #tpu.pipeline_mode<synchronous>, transform_indices = @transform_3, window_bounds = array<i64: 128, 128>}, {pipeline_mode = #tpu.pipeline_mode<synchronous>, transform_indices = @transform_4, window_bounds = array<i64: 128>}, {pipeline_mode = #tpu.pipeline_mode<synchronous>, transform_indices = @transform_5, window_bounds = array<i64: 128, 128>}, {pipeline_mode = #tpu.pipeline_mode<synchronous>, transform_indices = @transform_6, window_bounds = array<i64: 128, 2>}, {pipeline_mode = #tpu.pipeline_mode<synchronous>, transform_indices = @transform_7, window_bounds = array<i64: 2>}, {transform_indices = @transform_8, window_bounds = array<i64: 1024, 2>}]} {
    %get3A = arith.constant 0 : index
    %get3A_0 = arith.constant 0 : index
    %get3A_1 = arith.constant 0 : index
    %get3A_2 = vector.load %arg1[%get3A, %get3A_0, %get3A_1] : memref<2x1024x128xf32, #tpu.memory_space<vmem>>, vector<1x1024x128xf32>
    %get3A_3 = vector.shape_cast %get3A_2 : vector<1x1024x128xf32> to vector<1024x128xf32>
    %get3A_4 = arith.constant 1 : index
    %get3A_5 = arith.constant 0 : index
    %get3A_6 = arith.constant 0 : index
    %get3A_7 = vector.load %arg1[%get3A_4, %get3A_5, %get3A_6] : memref<2x1024x128xf32, #tpu.memory_space<vmem>>, vector<1x1024x128xf32>
    %get3A_8 = vector.shape_cast %get3A_7 : vector<1x1024x128xf32> to vector<1024x128xf32>
    %add3A = arith.addf %get3A_3, %get3A_8 : vector<1024x128xf32>
    %get3A_9 = arith.constant 0 : index
    %get3A_10 = arith.constant 0 : index
    %get3A_11 = vector.load %arg2[%get3A_9, %get3A_10] : memref<1024x1xf32, #tpu.memory_space<vmem>>, vector<1024x1xf32>
    %mul3A = vector.broadcast %get3A_11 : vector<1024x1xf32> to vector<1024x128xf32>
    %mul3A_12 = arith.mulf %add3A, %mul3A : vector<1024x128xf32>
    %get3A_13 = arith.constant 0 : index
    %get3A_14 = arith.constant 0 : index
    %get3A_15 = vector.load %arg4[%get3A_13, %get3A_14] : memref<128x128xf32, #tpu.memory_space<vmem>>, vector<128x128xf32>
    %dot_general3A = arith.constant dense<0.000000e+00> : vector<1024x128xf32>
    %dot_general3A_16 = tpu.matmul %mul3A_12, %get3A_15, %dot_general3A {dimension_numbers = #tpu.dot_dimension_numbers<[1], [0], [0], [1], [0, 0, 1, 1], [], []>, transpose_lhs_hint = false} : vector<1024x128xf32>, vector<128x128xf32>, vector<1024x128xf32> -> vector<1024x128xf32>
    %get3A_17 = arith.constant 0 : index
    %get3A_18 = vector.load %arg5[%get3A_17] : memref<128xf32, #tpu.memory_space<vmem>>, vector<128xf32>
    %broadcast_in_dim3A = vector.shape_cast %get3A_18 : vector<128xf32> to vector<1x128xf32>
    %add3A_19 = vector.broadcast %broadcast_in_dim3A : vector<1x128xf32> to vector<1024x128xf32>
    %add3A_20 = arith.addf %dot_general3A_16, %add3A_19 : vector<1024x128xf32>
    %get3A_21 = arith.constant 0 : index
    %get3A_22 = arith.constant 0 : index
    %get3A_23 = vector.load %arg3[%get3A_21, %get3A_22] : memref<1024x128xf32, #tpu.memory_space<vmem>>, vector<1024x128xf32>
    %get3A_24 = arith.constant 0 : index
    %get3A_25 = arith.constant 0 : index
    %get3A_26 = vector.load %arg6[%get3A_24, %get3A_25] : memref<128x128xf32, #tpu.memory_space<vmem>>, vector<128x128xf32>
    %dot_general3A_27 = arith.constant dense<0.000000e+00> : vector<1024x128xf32>
    %dot_general3A_28 = tpu.matmul %get3A_23, %get3A_26, %dot_general3A_27 {dimension_numbers = #tpu.dot_dimension_numbers<[1], [0], [0], [1], [0, 0, 1, 1], [], []>, transpose_lhs_hint = false} : vector<1024x128xf32>, vector<128x128xf32>, vector<1024x128xf32> -> vector<1024x128xf32>
    %add3A_29 = arith.addf %add3A_20, %dot_general3A_28 : vector<1024x128xf32>
    %mul3A_30 = arith.mulf %add3A_29, %add3A_29 : vector<1024x128xf32>
    %reduce_sum3A = arith.constant dense<0.000000e+00> : vector<1024xf32>
    %reduce_sum3A_31 = vector.multi_reduction <add>, %mul3A_30, %reduce_sum3A [1] : vector<1024x128xf32> to vector<1024xf32>
    %broadcast_in_dim3A_32 = vector.shape_cast %reduce_sum3A_31 : vector<1024xf32> to vector<1024x1xf32>
    %sqrt3A = math.sqrt %broadcast_in_dim3A_32 : vector<1024x1xf32>
    %max3A = arith.constant 9.99999996E-13 : f32
    %max3A_33 = vector.broadcast %max3A : f32 to vector<1024x1xf32>
    %max3A_34 = arith.maximumf %sqrt3A, %max3A_33 : vector<1024x1xf32>
    %div3A = vector.broadcast %max3A_34 : vector<1024x1xf32> to vector<1024x128xf32>
    %div3A_35 = arith.divf %add3A_29, %div3A : vector<1024x128xf32>
    %max3A_36 = arith.constant 0.000000e+00 : f32
    %max3A_37 = vector.broadcast %max3A_36 : f32 to vector<1024x128xf32>
    %max3A_38 = arith.maximumf %div3A_35, %max3A_37 : vector<1024x128xf32>
    %get3A_39 = arith.constant 0 : index
    %get3A_40 = arith.constant 0 : index
    %get3A_41 = vector.load %arg7[%get3A_39, %get3A_40] : memref<128x2xf32, #tpu.memory_space<vmem>>, vector<128x2xf32>
    %dot_general3A_42 = arith.constant dense<0.000000e+00> : vector<1024x2xf32>
    %dot_general3A_43 = tpu.matmul %max3A_38, %get3A_41, %dot_general3A_42 {dimension_numbers = #tpu.dot_dimension_numbers<[1], [0], [0], [1], [0, 0, 1, 1], [], []>, transpose_lhs_hint = false} : vector<1024x128xf32>, vector<128x2xf32>, vector<1024x2xf32> -> vector<1024x2xf32>
    %get3A_44 = arith.constant 0 : index
    %get3A_45 = vector.load %arg8[%get3A_44] : memref<2xf32, #tpu.memory_space<vmem>>, vector<2xf32>
    %broadcast_in_dim3A_46 = vector.shape_cast %get3A_45 : vector<2xf32> to vector<1x2xf32>
    %add3A_47 = vector.broadcast %broadcast_in_dim3A_46 : vector<1x2xf32> to vector<1024x2xf32>
    %add3A_48 = arith.addf %dot_general3A_43, %add3A_47 : vector<1024x2xf32>
    %swap3A = arith.constant 0 : index
    %swap3A_49 = arith.constant 0 : index
    %swap3A_50 = vector.load %arg9[%swap3A, %swap3A_49] : memref<1024x2xf32, #tpu.memory_space<vmem>>, vector<1024x2xf32>
    tpu.vector_store %arg9[%swap3A, %swap3A_49], %add3A_48 {strides = array<i32>} : memref<1024x2xf32, #tpu.memory_space<vmem>>, vector<1024x2xf32>,
    return
  }
  func.func @transform_0(%arg0: i32) -> (i32, i32, i32) {
    %c0_i32 = arith.constant 0 : i32
    %c0_i32_0 = arith.constant 0 : i32
    %c0_i32_1 = arith.constant 0 : i32
    return %c0_i32, %arg0, %c0_i32_0 : i32, i32, i32
  }
  func.func @transform_1(%arg0: i32) -> (i32, i32) {
    %c0_i32 = arith.constant 0 : i32
    %c0_i32_0 = arith.constant 0 : i32
    return %arg0, %c0_i32 : i32, i32
  }
  func.func @transform_2(%arg0: i32) -> (i32, i32) {
    %c0_i32 = arith.constant 0 : i32
    %c0_i32_0 = arith.constant 0 : i32
    return %arg0, %c0_i32 : i32, i32
  }
  func.func @transform_3(%arg0: i32) -> (i32, i32) {
    %c0_i32 = arith.constant 0 : i32
    %c0_i32_0 = arith.constant 0 : i32
    %c0_i32_1 = arith.constant 0 : i32
    return %c0_i32, %c0_i32_0 : i32, i32
  }
  func.func @transform_4(%arg0: i32) -> i32 {
    %c0_i32 = arith.constant 0 : i32
    %c0_i32_0 = arith.constant 0 : i32
    return %c0_i32 : i32
  }
  func.func @transform_5(%arg0: i32) -> (i32, i32) {
    %c0_i32 = arith.constant 0 : i32
    %c0_i32_0 = arith.constant 0 : i32
    %c0_i32_1 = arith.constant 0 : i32
    return %c0_i32, %c0_i32_0 : i32, i32
  }
  func.func @transform_6(%arg0: i32) -> (i32, i32) {
    %c0_i32 = arith.constant 0 : i32
    %c0_i32_0 = arith.constant 0 : i32
    %c0_i32_1 = arith.constant 0 : i32
    return %c0_i32, %c0_i32_0 : i32, i32
  }
  func.func @transform_7(%arg0: i32) -> i32 {
    %c0_i32 = arith.constant 0 : i32
    %c0_i32_0 = arith.constant 0 : i32
    return %c0_i32 : i32
  }
  func.func @transform_8(%arg0: i32) -> (i32, i32) {
    %c0_i32 = arith.constant 0 : i32
    %c0_i32_0 = arith.constant 0 : i32
    return %arg0, %c0_i32 : i32, i32
  }
}

</mosaic_0001>

<sc_bundles>
// kernel: kernel.12.cloned.1.call-start
scs
__scs_entry_jumppad:
0x0: {  	(pc) =	sbr.rel $0x88, $3  }
0x1: {  	(tag) =	ssettag $0x0;
	lr =	simm.s32 $0x1  }
0x2: {  	[smem:$0x3F91] =	sst lr;
	_ =	strace $0xD0000000  }
0x3: {  	_ = 	snop  }
0x4: {  	_ = 	snop  }
0x5: {  	_ = 	snop  }
0x6: {  	_ = 	snop  }
0x7: {  	_ = 	snop  }
__scs_overlays_trampoline_lowered:
0x8: {  	[smem:$0x3FA0] =	sst s0  }
0x9: {  	[smem:$0x3FA1] =	sst s1  }
0xa: {  	[smem:$0x3FA2] =	sst s2  }
0xb: {  	[smem:$0x3FA3] =	sst s3  }
0xc: {  	[smem:$0x3FA4] =	sst s4  }
0xd: {  	[smem:$0x3FA5] =	sst s5  }
0xe: {  	[smem:$0x3FA6] =	sst s6  }
0xf: {  	[smem:$0x3FA7] =	sst s7  }
0x10: {  	[smem:$0x3FA8] =	sst s8  }
0x11: {  	[smem:$0x3FA9] =	sst s9;
	s0 =	simm.s32 @!p0 $0x0  }
0x12: {  	s1 =	sld [smem:$0x3F8F];
	s0 =	simm.s32 @p0 $0x1  }
0x13: {  	[smem:$0x3FAA] =	sst s0;
	s0 =	simm.s32 @!p1 $0x0  }
0x14: {  	s2 =	sld [smem:$0x3F8E];
	s0 =	simm.s32 @p1 $0x1  }
0x15: {  	[smem:$0x3FAB] =	sst s0;
	s0 =	simm.s32 @!p2 $0x0  }
0x16: {  	s3 =	sld [smem:$0x3FDB];
	s0 =	simm.s32 @p2 $0x1  }
0x17: {  	s4 =	simm.s32 $0x1BF5;
	[smem:$0x3FAD] =	sst s0  }
0x18: {  	s0 =	sld [smem:$0x3F90];
	_ =	swait.ge [sflag:s4], $0x0  }
0x19: {  	s7 =	sld [smem:$0x3F91]  }
0x1a: {  	s8 =	sadd.s32 $0xFFFFE003, lr  }
0x1b: {  	s9 =	sadd.s32 $0xFFFFFEF7, lr;
	s5 =	simm.s32 $0xFFFFFFFF;
	p2 =	slt.u32 s8, $0xFFFFF086  }
0x1c: {  	p1 =	slt.u32 s9, $0xF7A;
	s5 =	simm.s32 @!p2 $0x0  }
0x1d: {  	s5 =	simm.s32 @p1 $0x1;
	p0 =	seq.s32 s7, s2  }
0x1e: {  	s7 =	smul.u32 @!p0 $0xF7A, s2;
	p2 =	seq.s32 @!p0 s5, $0x0  }
0x1f: {  	s9 =	smul.u32 $0xF7A, s1;
	s8 =	simm.s32 @!p0 $0x1BF5;
	p2 =	por !p2, p0  }
0x20: {  	[sflag:s8] =	ssyncset.s32 @!p0 $0xFFFFF086;
	s6 =	sadd.s32 @!p0 s3, s7;
	s7 =	simm.s32 @!p0 $0x108  }
0x21: {  	s3 =	sadd.s32 s3, s9;
	s6 =	sadd.s32 @!p0 $0x88, s6;
	s7 =	simm.s32 @p2 $0x1082  }
0x22: {  	[simem:s7], [sflag:s8] =	dma.local @!p0 [hbm:s6], $0xF7A  }
0x23: {  	s9 =	sor.u32 $0xD0000000, s2;
	s6 =	simm.s32 $0x108;
	_ =	swait.ge @!p0 [sflag:s8], $0x0  }
0x24: {  	s3 =	sadd.s32 $0x88, s3;
	s6 =	simm.s32 @!p1 $0x1082;
	[sflag:s4] =	ssyncset.s32 $0xFFFFF086  }
0x25: {  	[simem:s6], [sflag:s4] =	dma.local [hbm:s3], $0xF7A  }
0x26: {  	[smem:$0x3F91] =	sst s1;
	(tag) =	ssettag s2;
	_ =	strace s9  }
0x27: {  	s1 =	sld [smem:$0x3FA1]  }
0x28: {  	s2 =	sld [smem:$0x3FA2]  }
0x29: {  	s4 =	sld [smem:$0x3FA4]  }
0x2a: {  	p0 =	seq.s32 s5, $0x0;
	s5 =	sld [smem:$0x3FA5]  }
0x2b: {  	s6 =	sld [smem:$0x3FA6]  }
0x2c: {  	s7 =	sld [smem:$0x3FA7]  }
0x2d: {  	s3 =	simm.s32 $0x108;
	s8 =	sld [smem:$0x3FA8]  }
0x2e: {  	s3 =	simm.s32 @!p0 $0x1082;
	s9 =	sld [smem:$0x3FA9]  }
0x2f: {  	lr =	sadd.s32 s0, s3;
	s0 =	sld [smem:$0x3FA0]  }
0x30: {  	s3 =	sld [smem:$0x3FA3]  }
0x31: {  	[smem:$0x3FAC] =	sst s10  }
0x32: {  	s10 =	sld [smem:$0x3FAA];
	_ =	sdelay $0x3  }
0x33: {  	p0 =	seq.s32 s10, $0x1;
	s10 =	sld [smem:$0x3FAC];
	_ =	sdelay $0x3  }
0x34: {  	[smem:$0x3FAC] =	sst s10  }
0x35: {  	s10 =	sld [smem:$0x3FAB];
	_ =	sdelay $0x3  }
0x36: {  	p1 =	seq.s32 s10, $0x1;
	s10 =	sld [smem:$0x3FAC];
	_ =	sdelay $0x3  }
0x37: {  	[smem:$0x3FAC] =	sst s10  }
0x38: {  	s10 =	sld [smem:$0x3FAD]  }
0x39: {  	_ = 	snop;
	(pc) =	sbr.ind lr, $3  }
0x3a: {  	_ = 	snop  }
0x3b: {  	_ = 	snop  }
0x3c: {  	p2 =	seq.s32 s10, $0x1;
	s10 =	sld [smem:$0x3FAC]  }
0x3d: {  	_ =	shalt  }
0x3e: {  	_ =	shalt  }
0x3f: {  	_ =	shalt  }
0x40: {  	_ =	shalt  }
0x41: {  	_ =	shalt  }
0x42: {  	_ =	shalt  }
0x43: {  	_ =	shalt  }
0x44: {  	_ =	shalt  }
0x45: {  	_ =	shalt  }
0x46: {  	_ =	shalt  }
0x47: {  	_ =	shalt  }
0x48: {  	_ =	shalt  }
0x49: {  	_ =	shalt  }
0x4a: {  	_ =	shalt  }
0x4b: {  	_ =	shalt  }
0x4c: {  	_ =	shalt  }
0x4d: {  	_ =	shalt  }
0x4e: {  	_ =	shalt  }
0x4f: {  	_ =	shalt  }
0x50: {  	_ =	shalt  }
0x51: {  	_ =	shalt  }
0x52: {  	_ =	shalt  }
0x53: {  	_ =	shalt  }
0x54: {  	_ =	shalt  }
0x55: {  	_ =	shalt  }
0x56: {  	_ =	shalt  }
0x57: {  	_ =	shalt  }
0x58: {  	_ =	shalt  }
0x59: {  	_ =	shalt  }
0x5a: {  	_ =	shalt  }
0x5b: {  	_ =	shalt  }
0x5c: {  	_ =	shalt  }
0x5d: {  	_ =	shalt  }
0x5e: {  	_ =	shalt  }
0x5f: {  	_ =	shalt  }
0x60: {  	_ =	shalt  }
0x61: {  	_ =	shalt  }
0x62: {  	_ =	shalt  }
0x63: {  	_ =	shalt  }
0x64: {  	_ =	shalt  }
0x65: {  	_ =	shalt  }
0x66: {  	_ =	shalt  }
0x67: {  	_ =	shalt  }
0x68: {  	_ =	shalt  }
0x69: {  	_ =	shalt  }
0x6a: {  	_ =	shalt  }
0x6b: {  	_ =	shalt  }
0x6c: {  	_ =	shalt  }
0x6d: {  	_ =	shalt  }
0x6e: {  	_ =	shalt  }
0x6f: {  	_ =	shalt  }
0x70: {  	_ =	shalt  }
0x71: {  	_ =	shalt  }
0x72: {  	_ =	shalt  }
0x73: {  	_ =	shalt  }
0x74: {  	_ =	shalt  }
0x75: {  	_ =	shalt  }
0x76: {  	_ =	shalt  }
0x77: {  	_ =	shalt  }
0x78: {  	_ =	shalt  }
0x79: {  	_ =	shalt  }
0x7a: {  	_ =	shalt  }
0x7b: {  	_ =	shalt  }
0x7c: {  	_ =	shalt  }
0x7d: {  	_ =	shalt  }
0x7e: {  	_ =	shalt  }
0x7f: {  	_ =	shalt  }
0x80: {  	_ =	shalt  }
0x81: {  	_ =	shalt  }
0x82: {  	_ =	shalt  }
0x83: {  	_ =	shalt  }
0x84: {  	_ =	shalt  }
0x85: {  	_ =	shalt  }
0x86: {  	_ =	shalt  }
0x87: {  	_ =	shalt  }
.Lfunc_end0:
.L_simem_size_0:
called_computation.1_lowered:
.L_overlay_start_0:
0x88: {  	s2 =	sld [smem:$0x3FD9]  }
0x89: {  	s3 =	sld [smem:$0x3FFE];
	_ =	sdelay $0x1  }
0x8a: {  	s1 =	srdreg.scid  }
0x8b: {  	s0 =	sand.u32 $0x1, s1  }
0x8c: {  	s17 =	sshll.u32 s0, $0xA;
	s2 =	sadd.s32 s3, s2  }
0x8d: {  	s2 =	sadd.s32 s2, s17  }
0x8e: {  	[smem:$0x3FB8] =	sst s2  }
0x8f: {  	_ = 	snop  }
0x90: {  	(tm) =	ssettm $0x1  }
0x91: {  	s18 =	sld [smem:$0x3FFB];
	_ =	sdelay $0x3  }
0x92: {  	_ =	strace s18  }
0x93: {  	s2 =	sld [smem:$0x3FFC];
	_ =	sdelay $0x3  }
0x94: {  	_ =	strace s2  }
0x95: {  	s2 =	sld [smem:$0x3FFD];
	_ =	sdelay $0x3  }
0x96: {  	_ =	strace s2  }
0x97: {  	_ =	strace $0x8FFFFFFF  }
0x98: {  	s19 =	sld [smem:$0x3FDB];
	_ =	sdelay $0x1  }
0x99: {  	s20 =	simm.s32 $_scs_section_size  }
0x9a: {  	s4 =	simm.s32 $_size__tile_overlayer_lowered;
	s5 =	simm.s32 $_tile_overlayer_lowered  }
0x9b: {  	s6 =	simm.s32 $0x1BFF;
	s21 =	sshll.u32 s5, $0x1;
	s3 =	sadd.s32 s20, s19  }
0x9c: {  	s22 =	simm.s32 $0x0;
	s4 =	sshll.u32 s4, $0x1;
	s5 =	sadd.s32 s21, s3  }
0x9d: {  	[timem:s22], [sflag:s6] =	dma.local [hbm:s5], s4  }
0x9e: {  	_ =	swait.ge [sflag:s6], s4  }
0x9f: {  	s4 =	ssub.s32 $0x0, s4;
	[sflag:s6] =	ssyncset.done $0x0  }
0xa0: {  	[sflag:s6] =	ssyncadd.s32 s4;
	_ =	sdelay $0x1  }
0xa1: {  	s23 =	simm.s32 $0x1B8B  }
0xa2: {  	_ =	swait.ge [sflag:s23], $0x1  }
0xa3: {  	[sflag:s23] =	ssyncset.done $0x0  }
0xa4: {  	[sflag:s23] =	ssyncadd.s32 $0xFFFFFFFF  }
0xa5: {  	s4 =	sld [smem:$0x0]  }
0xa6: {  	s5 =	sand.u32 $0xFFFFFFFE, s1  }
0xa7: {  	p0 =	sne.s32 s1, s5  }
0xa8: {  	s5 =	sshll.u32 @p0 s5, $0xE  }
0xa9: {  	s5 =	sadd.s32 @p0 $0x11B8D, s5;
	s6 =	sshll.u32 @p0 s4, $0x11  }
0xaa: {  	s5 =	sor.u32 @p0 s6, s5  }
0xab: {  	[sflag:s5] =	ssyncadd.remote.s32 @p0 $0x1;
	_ =	sdelay $0x1  }
0xac: {  	s5 =	simm.s32 @p0 $0x1B8D  }
0xad: {  	_ =	swait.eq @p0 [sflag:s5], $0x1  }
0xae: {  	[sflag:s5] =	ssyncadd.s32 @p0 $0xFFFFFFFF  }
0xaf: {  	s6 =	sshll.u32 @!p0 s1, $0xE  }
0xb0: {  	s6 =	sor.u32 @!p0 $0x4000, s6;
	s5 =	simm.s32 @!p0 $0x1B8D  }
0xb1: {  	s4 =	sshll.u32 @!p0 s4, $0x11;
	s6 =	sadd.s32 @!p0 $0x11B8D, s6;
	_ =	swait.eq @!p0 [sflag:s5], $0x1  }
0xb2: {  	s4 =	sor.u32 @!p0 s4, s6;
	[sflag:s5] =	ssyncadd.s32 @!p0 $0xFFFFFFFF  }
0xb3: {  	s25 =	simm.s32 $0x1B8E;
	s24 =	sld [smem:$0x3FFE];
	[sflag:s4] =	ssyncadd.remote.s32 @!p0 $0x1  }
0xb4: {  	s26 =	simm.s32 $execute0_lowered;
	[smem:$0x3FD2] =	sst s25  }
0xb5: {  	s5 =	sshll.u32 s26, $0x1;
	_ =	strace $0x8000004C;
	[dreg:$0x1] =	wrdreg $0xFFFFFFFF  }
0xb6: {  	s28 =	simm.s32 $_size_execute0_lowered;
	s3 =	sadd.s32 s3, s5;
	[dreg:$0x0] =	wrdreg $0x0  }
0xb7: {  	s5 =	sshll.u32 s28, $0x1;
	[dreg:$0x2] =	wrdreg s3  }
0xb8: {  	[dreg:$0x3] =	wrdreg s5  }
0xb9: {  	[dreg:$0x4] =	wrdreg $0xC0  }
0xba: {  	_ =	task [dreg:s22], $0x5FFFF  }
0xbb: {  	[dreg:$0x1] =	wrdreg $0xFFFFFFFF  }
0xbc: {  	[dreg:$0x0] =	wrdreg $0x60  }
0xbd: {  	[dreg:$0x2] =	wrdreg s24  }
0xbe: {  	[dreg:$0x3] =	wrdreg $0x0  }
0xbf: {  	[dreg:$0x4] =	wrdreg $0x9  }
0xc0: {  	_ =	task.clear_ibuf [dreg:s22], $0x5FFFF;
	_ =	strace $0x9000004C  }
0xc1: {  	s29 =	simm.s32 $0x9;
	_ =	strace $0x8000004E  }
0xc2: {  	_ =	swait.ge [sflag:s29], $0x1  }
0xc3: {  	[sflag:s29] =	ssyncadd.s32 $0xFFFFFFFF  }
0xc4: {  	_ =	strace $0x9000004E  }
0xc5: {  	_ =	sfence  }
0xc6: {  	s30 =	sld [smem:$0x0];
	_ =	sdelay $0x2  }
0xc7: {  	s31 =	sshll.u32 s1, $0xD;
	s1 =	sshrl.u32 s1, $0x2  }
0xc8: {  	s4 =	sand.u32 $0x4000, s31;
	s1 =	sadd.s32 s1, s30  }
0xc9: {  	s0 =	sor.u32 s4, s0;
	s1 =	sshll.u32 s1, $0x11  }
0xca: {  	s0 =	sor.u32 s1, s0  }
0xcb: {  	s0 =	sadd.s32 $0x8F2B, s0  }
0xcc: {  	[sflag:s0] =	ssyncadd.remote.s32 $0x1  }
0xcd: {  	_ =	sfence.sel $0xFFFF  }
0xce: {  	[dreg:$0x0] =	wrdreg $0xFFFFFFFF;
	(pc) =	sbr.abs _section_cstart, $3  }
0xcf: {  	[dreg:$0x1] =	wrdreg $0xFFFFFFFF  }
0xd0: {  	_ =	task.clear_ibuf [dreg:s22], $0x2FFFF;
	_ =	strace $0x9FFFFFFF  }
0xd1: {  	(tm) =	ssettm $0x7FFFFFFF  }
tec
execute0_lowered:
.L_overlay_start_1:
0x0: {  	(tag) =	ssettag $0x1  }
0x1: {  	s0 =	rddreg [dreg:$0x0]  }
0x2: {  	s2 =	rddreg [dreg:$0x1]  }
0x3: {  	s8 =	stileid.u32;
	s4 =	srdreg.scid;
	s3 =	simm.s32 $0x0  }
0x4: {  	s28 =	simm.s32 $0x14100;
	s29 =	simm.s32 $0x14500;
	s30 =	simm.s32 $0x3  }
0x5: {  	s31 =	simm.s32 $0x14180;
	s10 =	simm.s32 $0x14600;
	s11 =	simm.s32 $0x14280  }
0x6: {  	s12 =	simm.s32 $0x14680;
	s13 =	simm.s32 $0x14300;
	s1 =	smul.u32 $0xA00, s8  }
0x7: {  	s14 =	simm.s32 $0x14700;
	s15 =	simm.s32 $0x14380;
	s6 =	smul.u32 $0x280, s8  }
0x8: {  	s5 =	sand.u32 $0x1, s4;
	[smem:$0x7FF] =	sst s3;
	s8 =	smul.u32 $0x50000, s8  }
0x9: {  	s4 =	sadd.s32 $0x4000, s0;
	s7 =	smul.u32 $0x2800, s5;
	_ =	strace $0x8000004D  }
0xa: {  	s16 =	ssub.s32 $0x2, s5;
	s5 =	smul.u32 $0x500, s5;
	s1 =	sadd.s32 s1, s0  }
0xb: {  	s9 =	sshrl.u32 s16, $0x1;
	s8 =	sshrl.u32 s8, $0x2;
	s6 =	sadd.s32 s6, s7  }
0xc: {  	s17 =	ssub.s32 s16, s9;
	s7 =	sadd.s32 s8, s2;
	s1 =	sadd.s32 s5, s1  }
0xd: {  	s6 =	sshll.u32 s6, $0x4;
	s8 =	sadd.s32 $0x8000, s7;
	[dreg:$0x4] =	wrdreg s7  }
0xe: {  	s23 =	sadd.s32 $0x4000, s7;
	s18 =	sadd.s32 $0xC000, s7;
	[dreg:$0x6] =	wrdreg s8  }
0xf: {  	s19 =	sadd.s32 $0x10000, s7;
	s25 =	sadd.s32 $0xEB600, s1;
	[dreg:$0x7] =	wrdreg s18  }
0x10: {  	s26 =	smax.u32 s17, $0x1;
	s16 =	sadd.s32 $0xE1600, s1;
	[dreg:$0x8] =	wrdreg s19  }
0x11: {  	s17 =	simm.s32 $0x14800;
	s1 =	simm.s32 $0x14200;
	[dreg:$0xe] =	wrdreg s26  }
0x12: {  	s0 =	sadd.s32 s6, s0;
	[dreg:$0x3] =	wrdreg s25;
	s18 =	simm.s32 $0x4  }
0x13: {  	s19 =	simm.s32 $0x14000;
	[dreg:$0x5] =	wrdreg s23;
	s20 =	sadd.s32 $0xF5600, s0  }
0x14: {  	s25 =	simm.s32 $0x14480;
	s21 =	sadd.s32 $0xF5E00, s0;
	[dreg:$0x9] =	wrdreg s20  }
0x15: {  	s26 =	simm.s32 $0x2;
	s22 =	sadd.s32 $0xF6600, s0;
	[dreg:$0xa] =	wrdreg s21  }
0x16: {  	s6 =	simm.s32 $0x14780;
	s24 =	sadd.s32 $0xF6E00, s0;
	[dreg:$0xb] =	wrdreg s22  }
0x17: {  	s8 =	simm.s32 $0x0;
	s0 =	sadd.s32 $0xF7600, s0;
	[dreg:$0xc] =	wrdreg s24  }
0x18: {  	[dreg:$0xd] =	wrdreg s0;
	s20 =	simm.s32 $0x14400;
	s21 =	simm.s32 $0x80  }
0x19: {  	v0 =	vimm.f32 $0.0e+00;
	s22 =	simm.s32 $0x1;
	s24 =	simm.s32 $0x18800;
	s0 =	simm.s32 $0x14580  }
.LBB2_1:
0x1a: {  	[dreg:$0xf] =	wrdreg s8;
	s8 =	simm.s32 $0x0;
	s9 =	simm.s32 $0x200  }
.LBB2_2:
0x1b: {  	p0 =	sne.s32 s9, $0xFE00;
	[tilespmem:s8+$0x14870] =	vst v0  }
0x1c: {  	[tilespmem:s8+$0x14800] =	vst v0  }
0x1d: {  	[tilespmem:s8+$0x14810] =	vst v0  }
.Ltmp0:
0x1e: {  	[tilespmem:s8+$0x14820] =	vst v0;
	(pc) =	sbr.rel @p0 .LBB2_2-.Ltmp0, $4  }
0x1f: {  	[tilespmem:s8+$0x14830] =	vst v0  }
0x20: {  	[tilespmem:s8+$0x14840] =	vst v0  }
0x21: {  	[tilespmem:s8+$0x14850] =	vst v0  }
0x22: {  	[tilespmem:s8+$0x14860] =	vst v0;
	s8 =	sshra.s32 s9, $0x2;
	s9 =	sadd.s32 $0x200, s9  }
0x23: {  	[tilespmem:s8+$0x14870] =	vst v0  }
0x24: {  	[tilespmem:s8+$0x14800] =	vst v0  }
0x25: {  	[tilespmem:s8+$0x14810] =	vst v0  }
0x26: {  	[tilespmem:s8+$0x14820] =	vst v0  }
0x27: {  	[tilespmem:s8+$0x14830] =	vst v0  }
0x28: {  	[tilespmem:s8+$0x14840] =	vst v0  }
0x29: {  	[tilespmem:s8+$0x14850] =	vst v0  }
0x2a: {  	[tilespmem:s8+$0x14860] =	vst v0  }
0x2b: {  	[spmem:s7] =	stream.linear.scatter [tilespmem:s17], [sflag:$0x4], $0x4000, $0x38;
	[tilespmem:$0x1C800] =	vst v63  }
0x2c: {  	_ =	swait.ge [sflag:s18], $0x4000  }
0x2d: {  	[sflag:s18] =	ssyncset.done $0x0  }
0x2e: {  	[sflag:s18] =	ssyncadd.s32 $0xFFFFC000  }
0x2f: {  	[spmem:s23] =	stream.linear.scatter [tilespmem:s17], [sflag:$0x4], $0x4000, $0x38;
	[tilespmem:$0x1C800] =	vst v63  }
0x30: {  	_ =	swait.ge [sflag:s18], $0x4000  }
0x31: {  	[sflag:s18] =	ssyncset.done $0x0  }
0x32: {  	s5 =	rddreg [dreg:$0x6];
	[sflag:s18] =	ssyncadd.s32 $0xFFFFC000  }
0x33: {  	[spmem:s5] =	stream.linear.scatter [tilespmem:s17], [sflag:$0x4], $0x4000, $0x38;
	[tilespmem:$0x1C800] =	vst v63  }
0x34: {  	_ =	swait.ge [sflag:s18], $0x4000  }
0x35: {  	[sflag:s18] =	ssyncset.done $0x0  }
0x36: {  	s23 =	rddreg [dreg:$0x7];
	[sflag:s18] =	ssyncadd.s32 $0xFFFFC000  }
0x37: {  	[spmem:s23] =	stream.linear.scatter [tilespmem:s17], [sflag:$0x4], $0x4000, $0x38;
	[tilespmem:$0x1C800] =	vst v63  }
0x38: {  	_ =	swait.ge [sflag:s18], $0x4000  }
0x39: {  	[sflag:s18] =	ssyncset.done $0x0  }
0x3a: {  	s7 =	rddreg [dreg:$0x8];
	[sflag:s18] =	ssyncadd.s32 $0xFFFFC000  }
0x3b: {  	[spmem:s7] =	stream.linear.scatter [tilespmem:s17], [sflag:$0x4], $0x4000, $0x38;
	[tilespmem:$0x1C800] =	vst v63  }
0x3c: {  	_ =	swait.ge [sflag:s18], $0x4000  }
0x3d: {  	[sflag:s18] =	ssyncset.done $0x0  }
0x3e: {  	[sflag:s18] =	ssyncadd.s32 $0xFFFFC000  }
0x3f: {  	s8 =	sadd.s32 $0x0, s16;
	[bflag:$0x0] =	sbarrier.arrive $0xFFFF  }
0x40: {  	[tilespmem:s19], [sflag:$0x4] =	stream.linear.gather [hbm4b:s8+s3], $0x400, $0x38;
	[tilespmem:$0x1C800] =	vst v63  }
0x41: {  	_ =	swait.ge [sflag:s18], $0x400  }
0x42: {  	s9 =	rddreg [dreg:$0x3];
	[sflag:s18] =	ssyncset.done $0x0  }
0x43: {  	[sflag:s18] =	ssyncadd.s32 $0xFFFFFC00;
	s5 =	sadd.s32 $0x0, s9  }
0x44: {  	[tilespmem:s20], [sflag:$0x4] =	stream.linear.gather [hbm4b:s5+s3], $0x400, $0x38;
	[tilespmem:$0x1C800] =	vst v63  }
0x45: {  	_ =	swait.ge [sflag:s18], $0x400  }
0x46: {  	[sflag:s18] =	ssyncset.done $0x0  }
0x47: {  	[sflag:s18] =	ssyncadd.s32 $0xFFFFFC00  }
0x48: {  	[tilespmem:s17], [sflag:$0x1] =	stream.indirect.gather [hbm4b:s4+s21], $0x80, s19, s21, $0xb8;
	[tilespmem:$0x1C800] =	vst v63  }
0x49: {  	_ =	swait.ge [sflag:s22], $0x4000  }
0x4a: {  	[sflag:s22] =	ssyncset.done $0x0  }
0x4b: {  	[sflag:s22] =	ssyncadd.s32 $0xFFFFC000  }
0x4c: {  	[spmem:s2] =	stream.indirect.scatter.add.f32 [tilespmem:s17], [sflag:$0x2], $0x80, s20, s21, $0xb8;
	[tilespmem:$0x1C800] =	vst v63  }
0x4d: {  	s23 =	simm.s32 $0x14080  }
0x4e: {  	[tilespmem:s24], [sflag:$0x1] =	stream.indirect.gather [hbm4b:s4+s21], $0x80, s23, s21, $0xb8;
	[tilespmem:$0x1C800] =	vst v63  }
0x4f: {  	_ =	swait.ge [sflag:s22], $0x4000  }
0x50: {  	[sflag:s22] =	ssyncset.done $0x0  }
0x51: {  	[sflag:s22] =	ssyncadd.s32 $0xFFFFC000  }
0x52: {  	[spmem:s2] =	stream.indirect.scatter.add.f32 [tilespmem:s24], [sflag:$0x3], $0x80, s25, s21, $0xb8;
	[tilespmem:$0x1C800] =	vst v63  }
0x53: {  	_ =	swait.ge [sflag:s26], $0x4000  }
0x54: {  	[sflag:s26] =	ssyncset.done $0x0  }
0x55: {  	[sflag:s26] =	ssyncadd.s32 $0xFFFFC000  }
0x56: {  	[tilespmem:s17], [sflag:$0x1] =	stream.indirect.gather [hbm4b:s4+s21], $0x80, s28, s21, $0xb8;
	[tilespmem:$0x1C800] =	vst v63  }
0x57: {  	_ =	swait.ge [sflag:s22], $0x4000  }
0x58: {  	[sflag:s22] =	ssyncset.done $0x0  }
0x59: {  	[sflag:s22] =	ssyncadd.s32 $0xFFFFC000  }
0x5a: {  	[spmem:s2] =	stream.indirect.scatter.add.f32 [tilespmem:s17], [sflag:$0x2], $0x80, s29, s21, $0xb8;
	[tilespmem:$0x1C800] =	vst v63  }
0x5b: {  	_ =	swait.ge [sflag:s30], $0x4000  }
0x5c: {  	[sflag:s30] =	ssyncset.done $0x0  }
0x5d: {  	[sflag:s30] =	ssyncadd.s32 $0xFFFFC000  }
0x5e: {  	[tilespmem:s24], [sflag:$0x1] =	stream.indirect.gather [hbm4b:s4+s21], $0x80, s31, s21, $0xb8;
	[tilespmem:$0x1C800] =	vst v63  }
0x5f: {  	_ =	swait.ge [sflag:s22], $0x4000  }
0x60: {  	[sflag:s22] =	ssyncset.done $0x0  }
0x61: {  	[sflag:s22] =	ssyncadd.s32 $0xFFFFC000  }
0x62: {  	[spmem:s2] =	stream.indirect.scatter.add.f32 [tilespmem:s24], [sflag:$0x3], $0x80, s0, s21, $0xb8;
	[tilespmem:$0x1C800] =	vst v63  }
0x63: {  	_ =	swait.ge [sflag:s26], $0x4000  }
0x64: {  	[sflag:s26] =	ssyncset.done $0x0  }
0x65: {  	[sflag:s26] =	ssyncadd.s32 $0xFFFFC000  }
0x66: {  	[tilespmem:s17], [sflag:$0x1] =	stream.indirect.gather [hbm4b:s4+s21], $0x80, s1, s21, $0xb8;
	[tilespmem:$0x1C800] =	vst v63  }
0x67: {  	_ =	swait.ge [sflag:s22], $0x4000  }
0x68: {  	[sflag:s22] =	ssyncset.done $0x0  }
0x69: {  	[sflag:s22] =	ssyncadd.s32 $0xFFFFC000  }
0x6a: {  	[spmem:s2] =	stream.indirect.scatter.add.f32 [tilespmem:s17], [sflag:$0x2], $0x80, s10, s21, $0xb8;
	[tilespmem:$0x1C800] =	vst v63  }
0x6b: {  	_ =	swait.ge [sflag:s30], $0x4000  }
0x6c: {  	[sflag:s30] =	ssyncset.done $0x0  }
0x6d: {  	[sflag:s30] =	ssyncadd.s32 $0xFFFFC000  }
0x6e: {  	[tilespmem:s24], [sflag:$0x1] =	stream.indirect.gather [hbm4b:s4+s21], $0x80, s11, s21, $0xb8;
	[tilespmem:$0x1C800] =	vst v63  }
0x6f: {  	_ =	swait.ge [sflag:s22], $0x4000  }
0x70: {  	[sflag:s22] =	ssyncset.done $0x0  }
0x71: {  	[sflag:s22] =	ssyncadd.s32 $0xFFFFC000  }
0x72: {  	[spmem:s2] =	stream.indirect.scatter.add.f32 [tilespmem:s24], [sflag:$0x3], $0x80, s12, s21, $0xb8;
	[tilespmem:$0x1C800] =	vst v63  }
0x73: {  	_ =	swait.ge [sflag:s26], $0x4000  }
0x74: {  	[sflag:s26] =	ssyncset.done $0x0  }
0x75: {  	[sflag:s26] =	ssyncadd.s32 $0xFFFFC000  }
0x76: {  	[tilespmem:s17], [sflag:$0x1] =	stream.indirect.gather [hbm4b:s4+s21], $0x80, s13, s21, $0xb8;
	[tilespmem:$0x1C800] =	vst v63  }
0x77: {  	_ =	swait.ge [sflag:s22], $0x4000  }
0x78: {  	[sflag:s22] =	ssyncset.done $0x0  }
0x79: {  	[sflag:s22] =	ssyncadd.s32 $0xFFFFC000  }
0x7a: {  	[spmem:s2] =	stream.indirect.scatter.add.f32 [tilespmem:s17], [sflag:$0x2], $0x80, s14, s21, $0xb8;
	[tilespmem:$0x1C800] =	vst v63  }
0x7b: {  	_ =	swait.ge [sflag:s30], $0x4000  }
0x7c: {  	[sflag:s30] =	ssyncset.done $0x0  }
0x7d: {  	[sflag:s30] =	ssyncadd.s32 $0xFFFFC000  }
0x7e: {  	[tilespmem:s24], [sflag:$0x1] =	stream.indirect.gather [hbm4b:s4+s21], $0x80, s15, s21, $0xb8;
	[tilespmem:$0x1C800] =	vst v63  }
0x7f: {  	_ =	swait.ge [sflag:s22], $0x4000  }
0x80: {  	[sflag:s22] =	ssyncset.done $0x0  }
0x81: {  	[sflag:s22] =	ssyncadd.s32 $0xFFFFC000  }
0x82: {  	[spmem:s2] =	stream.indirect.scatter.add.f32 [tilespmem:s24], [sflag:$0x3], $0x80, s6, s21, $0xb8;
	[tilespmem:$0x1C800] =	vst v63  }
0x83: {  	_ =	swait.ge [sflag:s26], $0x4000  }
0x84: {  	[sflag:s26] =	ssyncset.done $0x0  }
0x85: {  	[sflag:s26] =	ssyncadd.s32 $0xFFFFC000  }
0x86: {  	_ =	swait.ge [sflag:s30], $0x4000  }
0x87: {  	s8 =	simm.s32 $0x80;
	s9 =	simm.s32 $0x100;
	[sflag:s30] =	ssyncset.done $0x0  }
.LBB2_4:
0x88: {  	s7 =	sadd.s32 s8, s16;
	[sflag:s30] =	ssyncadd.s32 $0xFFFFC000  }
0x89: {  	[tilespmem:s19], [sflag:$0x4] =	stream.linear.gather [hbm4b:s7+s3], $0x400, $0x38;
	[tilespmem:$0x1C800] =	vst v63  }
0x8a: {  	s23 =	smov.u32 s9;
	s5 =	sadd.s32 $0x80, s9;
	_ =	swait.ge [sflag:s18], $0x400  }
0x8b: {  	p0 =	sne.s32 s9, $0x480;
	s9 =	rddreg [dreg:$0x3];
	[sflag:s18] =	ssyncset.done $0x0  }
0x8c: {  	[sflag:s18] =	ssyncadd.s32 $0xFFFFFC00;
	s7 =	sadd.s32 s8, s9  }
0x8d: {  	[tilespmem:s20], [sflag:$0x4] =	stream.linear.gather [hbm4b:s7+s3], $0x400, $0x38;
	[tilespmem:$0x1C800] =	vst v63  }
0x8e: {  	_ =	swait.ge [sflag:s18], $0x400  }
0x8f: {  	[sflag:s18] =	ssyncset.done $0x0  }
0x90: {  	[sflag:s18] =	ssyncadd.s32 $0xFFFFFC00  }
0x91: {  	[tilespmem:s17], [sflag:$0x1] =	stream.indirect.gather [hbm4b:s4+s21], $0x80, s19, s21, $0xb8;
	[tilespmem:$0x1C800] =	vst v63  }
0x92: {  	_ =	swait.ge [sflag:s22], $0x4000  }
0x93: {  	[sflag:s22] =	ssyncset.done $0x0  }
0x94: {  	[sflag:s22] =	ssyncadd.s32 $0xFFFFC000  }
0x95: {  	[spmem:s2] =	stream.indirect.scatter.add.f32 [tilespmem:s17], [sflag:$0x2], $0x80, s20, s21, $0xb8;
	[tilespmem:$0x1C800] =	vst v63  }
0x96: {  	s7 =	simm.s32 $0x14080  }
0x97: {  	[tilespmem:s24], [sflag:$0x1] =	stream.indirect.gather [hbm4b:s4+s21], $0x80, s7, s21, $0xb8;
	[tilespmem:$0x1C800] =	vst v63  }
0x98: {  	_ =	swait.ge [sflag:s22], $0x4000  }
0x99: {  	[sflag:s22] =	ssyncset.done $0x0  }
0x9a: {  	[sflag:s22] =	ssyncadd.s32 $0xFFFFC000  }
0x9b: {  	[spmem:s2] =	stream.indirect.scatter.add.f32 [tilespmem:s24], [sflag:$0x3], $0x80, s25, s21, $0xb8;
	[tilespmem:$0x1C800] =	vst v63  }
0x9c: {  	_ =	swait.ge [sflag:s26], $0x4000  }
0x9d: {  	[sflag:s26] =	ssyncset.done $0x0  }
0x9e: {  	[sflag:s26] =	ssyncadd.s32 $0xFFFFC000  }
0x9f: {  	[tilespmem:s17], [sflag:$0x1] =	stream.indirect.gather [hbm4b:s4+s21], $0x80, s28, s21, $0xb8;
	[tilespmem:$0x1C800] =	vst v63  }
0xa0: {  	_ =	swait.ge [sflag:s22], $0x4000  }
0xa1: {  	[sflag:s22] =	ssyncset.done $0x0  }
0xa2: {  	[sflag:s22] =	ssyncadd.s32 $0xFFFFC000  }
0xa3: {  	[spmem:s2] =	stream.indirect.scatter.add.f32 [tilespmem:s17], [sflag:$0x2], $0x80, s29, s21, $0xb8;
	[tilespmem:$0x1C800] =	vst v63  }
0xa4: {  	_ =	swait.ge [sflag:s30], $0x4000  }
0xa5: {  	[sflag:s30] =	ssyncset.done $0x0  }
0xa6: {  	[sflag:s30] =	ssyncadd.s32 $0xFFFFC000  }
0xa7: {  	[tilespmem:s24], [sflag:$0x1] =	stream.indirect.gather [hbm4b:s4+s21], $0x80, s31, s21, $0xb8;
	[tilespmem:$0x1C800] =	vst v63  }
0xa8: {  	_ =	swait.ge [sflag:s22], $0x4000  }
0xa9: {  	[sflag:s22] =	ssyncset.done $0x0  }
0xaa: {  	[sflag:s22] =	ssyncadd.s32 $0xFFFFC000  }
0xab: {  	[spmem:s2] =	stream.indirect.scatter.add.f32 [tilespmem:s24], [sflag:$0x3], $0x80, s0, s21, $0xb8;
	[tilespmem:$0x1C800] =	vst v63  }
0xac: {  	_ =	swait.ge [sflag:s26], $0x4000  }
0xad: {  	[sflag:s26] =	ssyncset.done $0x0  }
0xae: {  	[sflag:s26] =	ssyncadd.s32 $0xFFFFC000  }
0xaf: {  	[tilespmem:s17], [sflag:$0x1] =	stream.indirect.gather [hbm4b:s4+s21], $0x80, s1, s21, $0xb8;
	[tilespmem:$0x1C800] =	vst v63  }
0xb0: {  	_ =	swait.ge [sflag:s22], $0x4000  }
0xb1: {  	[sflag:s22] =	ssyncset.done $0x0  }
0xb2: {  	[sflag:s22] =	ssyncadd.s32 $0xFFFFC000  }
0xb3: {  	[spmem:s2] =	stream.indirect.scatter.add.f32 [tilespmem:s17], [sflag:$0x2], $0x80, s10, s21, $0xb8;
	[tilespmem:$0x1C800] =	vst v63  }
0xb4: {  	_ =	swait.ge [sflag:s30], $0x4000  }
0xb5: {  	[sflag:s30] =	ssyncset.done $0x0  }
0xb6: {  	[sflag:s30] =	ssyncadd.s32 $0xFFFFC000  }
0xb7: {  	[tilespmem:s24], [sflag:$0x1] =	stream.indirect.gather [hbm4b:s4+s21], $0x80, s11, s21, $0xb8;
	[tilespmem:$0x1C800] =	vst v63  }
0xb8: {  	_ =	swait.ge [sflag:s22], $0x4000  }
0xb9: {  	[sflag:s22] =	ssyncset.done $0x0  }
0xba: {  	[sflag:s22] =	ssyncadd.s32 $0xFFFFC000  }
0xbb: {  	[spmem:s2] =	stream.indirect.scatter.add.f32 [tilespmem:s24], [sflag:$0x3], $0x80, s12, s21, $0xb8;
	[tilespmem:$0x1C800] =	vst v63  }
0xbc: {  	_ =	swait.ge [sflag:s26], $0x4000  }
0xbd: {  	[sflag:s26] =	ssyncset.done $0x0  }
0xbe: {  	[sflag:s26] =	ssyncadd.s32 $0xFFFFC000  }
0xbf: {  	[tilespmem:s17], [sflag:$0x1] =	stream.indirect.gather [hbm4b:s4+s21], $0x80, s13, s21, $0xb8;
	[tilespmem:$0x1C800] =	vst v63  }
0xc0: {  	_ =	swait.ge [sflag:s22], $0x4000  }
0xc1: {  	[sflag:s22] =	ssyncset.done $0x0  }
0xc2: {  	[sflag:s22] =	ssyncadd.s32 $0xFFFFC000  }
0xc3: {  	[spmem:s2] =	stream.indirect.scatter.add.f32 [tilespmem:s17], [sflag:$0x2], $0x80, s14, s21, $0xb8;
	[tilespmem:$0x1C800] =	vst v63  }
0xc4: {  	_ =	swait.ge [sflag:s30], $0x4000  }
0xc5: {  	[sflag:s30] =	ssyncset.done $0x0  }
0xc6: {  	[sflag:s30] =	ssyncadd.s32 $0xFFFFC000  }
0xc7: {  	[tilespmem:s24], [sflag:$0x1] =	stream.indirect.gather [hbm4b:s4+s21], $0x80, s15, s21, $0xb8;
	[tilespmem:$0x1C800] =	vst v63  }
0xc8: {  	_ =	swait.ge [sflag:s22], $0x4000  }
0xc9: {  	[sflag:s22] =	ssyncset.done $0x0  }
0xca: {  	[sflag:s22] =	ssyncadd.s32 $0xFFFFC000  }
0xcb: {  	[spmem:s2] =	stream.indirect.scatter.add.f32 [tilespmem:s24], [sflag:$0x3], $0x80, s6, s21, $0xb8;
	[tilespmem:$0x1C800] =	vst v63  }
.Ltmp1:
0xcc: {  	_ =	swait.ge [sflag:s26], $0x4000;
	(pc) =	sbr.rel @p0 .LBB2_4-.Ltmp1, $4  }
0xcd: {  	[sflag:s26] =	ssyncset.done $0x0  }
0xce: {  	[sflag:s26] =	ssyncadd.s32 $0xFFFFC000  }
0xcf: {  	_ =	swait.ge [sflag:s30], $0x4000  }
0xd0: {  	s8 =	smov.u32 s23;
	s9 =	smov.u32 s5;
	[sflag:s30] =	ssyncset.done $0x0  }
0xd1: {  	s5 =	sadd.s32 s8, s16;
	[sflag:s30] =	ssyncadd.s32 $0xFFFFC000  }
0xd2: {  	[tilespmem:s19], [sflag:$0x4] =	stream.linear.gather [hbm4b:s5+s3], $0x400, $0x38;
	[tilespmem:$0x1C800] =	vst v63  }
0xd3: {  	_ =	swait.ge [sflag:s18], $0x400  }
0xd4: {  	s23 =	rddreg [dreg:$0x3];
	[sflag:s18] =	ssyncset.done $0x0  }
0xd5: {  	s5 =	sadd.s32 s8, s23;
	[sflag:s18] =	ssyncadd.s32 $0xFFFFFC00  }
0xd6: {  	[tilespmem:s20], [sflag:$0x4] =	stream.linear.gather [hbm4b:s5+s3], $0x400, $0x38;
	[tilespmem:$0x1C800] =	vst v63  }
0xd7: {  	_ =	swait.ge [sflag:s18], $0x400  }
0xd8: {  	[sflag:s18] =	ssyncset.done $0x0  }
0xd9: {  	[sflag:s18] =	ssyncadd.s32 $0xFFFFFC00  }
0xda: {  	[tilespmem:s17], [sflag:$0x1] =	stream.indirect.gather [hbm4b:s4+s21], $0x80, s19, s21, $0xb8;
	[tilespmem:$0x1C800] =	vst v63  }
0xdb: {  	_ =	swait.ge [sflag:s22], $0x4000  }
0xdc: {  	[sflag:s22] =	ssyncset.done $0x0  }
0xdd: {  	[sflag:s22] =	ssyncadd.s32 $0xFFFFC000  }
0xde: {  	[spmem:s2] =	stream.indirect.scatter.add.f32 [tilespmem:s17], [sflag:$0x2], $0x80, s20, s21, $0xb8;
	[tilespmem:$0x1C800] =	vst v63  }
0xdf: {  	_ = 	snop  }
0xe0: {  	[tilespmem:s24], [sflag:$0x1] =	stream.indirect.gather [hbm4b:s4+s21], $0x80, s7, s21, $0xb8;
	[tilespmem:$0x1C800] =	vst v63  }
0xe1: {  	_ =	swait.ge [sflag:s22], $0x4000  }
0xe2: {  	[sflag:s22] =	ssyncset.done $0x0  }
0xe3: {  	[sflag:s22] =	ssyncadd.s32 $0xFFFFC000  }
0xe4: {  	[spmem:s2] =	stream.indirect.scatter.add.f32 [tilespmem:s24], [sflag:$0x3], $0x80, s25, s21, $0xb8;
	[tilespmem:$0x1C800] =	vst v63  }
0xe5: {  	_ =	swait.ge [sflag:s26], $0x4000  }
0xe6: {  	[sflag:s26] =	ssyncset.done $0x0  }
0xe7: {  	[sflag:s26] =	ssyncadd.s32 $0xFFFFC000  }
0xe8: {  	[tilespmem:s17], [sflag:$0x1] =	stream.indirect.gather [hbm4b:s4+s21], $0x80, s28, s21, $0xb8;
	[tilespmem:$0x1C800] =	vst v63  }
0xe9: {  	_ =	swait.ge [sflag:s22], $0x4000  }
0xea: {  	[sflag:s22] =	ssyncset.done $0x0  }
0xeb: {  	[sflag:s22] =	ssyncadd.s32 $0xFFFFC000  }
0xec: {  	[spmem:s2] =	stream.indirect.scatter.add.f32 [tilespmem:s17], [sflag:$0x2], $0x80, s29, s21, $0xb8;
	[tilespmem:$0x1C800] =	vst v63  }
0xed: {  	_ =	swait.ge [sflag:s30], $0x4000  }
0xee: {  	[sflag:s30] =	ssyncset.done $0x0  }
0xef: {  	[sflag:s30] =	ssyncadd.s32 $0xFFFFC000  }
0xf0: {  	[tilespmem:s24], [sflag:$0x1] =	stream.indirect.gather [hbm4b:s4+s21], $0x80, s31, s21, $0xb8;
	[tilespmem:$0x1C800] =	vst v63  }
0xf1: {  	_ =	swait.ge [sflag:s22], $0x4000  }
0xf2: {  	[sflag:s22] =	ssyncset.done $0x0  }
0xf3: {  	[sflag:s22] =	ssyncadd.s32 $0xFFFFC000  }
0xf4: {  	[spmem:s2] =	stream.indirect.scatter.add.f32 [tilespmem:s24], [sflag:$0x3], $0x80, s0, s21, $0xb8;
	[tilespmem:$0x1C800] =	vst v63  }
0xf5: {  	_ =	swait.ge [sflag:s26], $0x4000  }
0xf6: {  	[sflag:s26] =	ssyncset.done $0x0  }
0xf7: {  	[sflag:s26] =	ssyncadd.s32 $0xFFFFC000  }
0xf8: {  	[tilespmem:s17], [sflag:$0x1] =	stream.indirect.gather [hbm4b:s4+s21], $0x80, s1, s21, $0xb8;
	[tilespmem:$0x1C800] =	vst v63  }
0xf9: {  	_ =	swait.ge [sflag:s22], $0x4000  }
0xfa: {  	[sflag:s22] =	ssyncset.done $0x0  }
0xfb: {  	[sflag:s22] =	ssyncadd.s32 $0xFFFFC000  }
0xfc: {  	[spmem:s2] =	stream.indirect.scatter.add.f32 [tilespmem:s17], [sflag:$0x2], $0x80, s10, s21, $0xb8;
	[tilespmem:$0x1C800] =	vst v63  }
0xfd: {  	_ =	swait.ge [sflag:s30], $0x4000  }
0xfe: {  	[sflag:s30] =	ssyncset.done $0x0  }
0xff: {  	[sflag:s30] =	ssyncadd.s32 $0xFFFFC000  }
0x100: {  	[tilespmem:s24], [sflag:$0x1] =	stream.indirect.gather [hbm4b:s4+s21], $0x80, s11, s21, $0xb8;
	[tilespmem:$0x1C800] =	vst v63  }
0x101: {  	_ =	swait.ge [sflag:s22], $0x4000  }
0x102: {  	[sflag:s22] =	ssyncset.done $0x0  }
0x103: {  	[sflag:s22] =	ssyncadd.s32 $0xFFFFC000  }
0x104: {  	[spmem:s2] =	stream.indirect.scatter.add.f32 [tilespmem:s24], [sflag:$0x3], $0x80, s12, s21, $0xb8;
	[tilespmem:$0x1C800] =	vst v63  }
0x105: {  	_ =	swait.ge [sflag:s26], $0x4000  }
0x106: {  	[sflag:s26] =	ssyncset.done $0x0  }
0x107: {  	[sflag:s26] =	ssyncadd.s32 $0xFFFFC000  }
0x108: {  	[tilespmem:s17], [sflag:$0x1] =	stream.indirect.gather [hbm4b:s4+s21], $0x80, s13, s21, $0xb8;
	[tilespmem:$0x1C800] =	vst v63  }
0x109: {  	_ =	swait.ge [sflag:s22], $0x4000  }
0x10a: {  	[sflag:s22] =	ssyncset.done $0x0  }
0x10b: {  	[sflag:s22] =	ssyncadd.s32 $0xFFFFC000  }
0x10c: {  	[spmem:s2] =	stream.indirect.scatter.add.f32 [tilespmem:s17], [sflag:$0x2], $0x80, s14, s21, $0xb8;
	[tilespmem:$0x1C800] =	vst v63  }
0x10d: {  	_ =	swait.ge [sflag:s30], $0x4000  }
0x10e: {  	[sflag:s30] =	ssyncset.done $0x0  }
0x10f: {  	[sflag:s30] =	ssyncadd.s32 $0xFFFFC000  }
0x110: {  	[tilespmem:s24], [sflag:$0x1] =	stream.indirect.gather [hbm4b:s4+s21], $0x80, s15, s21, $0xb8;
	[tilespmem:$0x1C800] =	vst v63  }
0x111: {  	_ =	swait.ge [sflag:s22], $0x4000  }
0x112: {  	[sflag:s22] =	ssyncset.done $0x0  }
0x113: {  	[sflag:s22] =	ssyncadd.s32 $0xFFFFC000  }
0x114: {  	[spmem:s2] =	stream.indirect.scatter.add.f32 [tilespmem:s24], [sflag:$0x3], $0x80, s6, s21, $0xb8;
	[tilespmem:$0x1C800] =	vst v63  }
0x115: {  	_ =	swait.ge [sflag:s26], $0x4000  }
0x116: {  	[sflag:s26] =	ssyncset.done $0x0  }
0x117: {  	[sflag:s26] =	ssyncadd.s32 $0xFFFFC000  }
0x118: {  	_ =	swait.ge [sflag:s30], $0x4000  }
0x119: {  	[sflag:s30] =	ssyncset.done $0x0  }
0x11a: {  	[sflag:s30] =	ssyncadd.s32 $0xFFFFC000  }
0x11b: {  	[bflag:$0x0] =	sbarrier.arrive $0xFFFF  }
0x11c: {  	s7 =	rddreg [dreg:$0x4]  }
0x11d: {  	[tilespmem:s17], [sflag:$0x4] =	stream.linear.gather [spmem:s7], $0x4000, $0x38;
	[tilespmem:$0x1C800] =	vst v63  }
0x11e: {  	_ =	swait.ge [sflag:s18], $0x4000  }
0x11f: {  	[sflag:s18] =	ssyncset.done $0x0  }
0x120: {  	s8 =	rddreg [dreg:$0x9];
	[sflag:s18] =	ssyncadd.s32 $0xFFFFC000  }
0x121: {  	[hbm4b:s8+s3] =	stream.linear.scatter [tilespmem:s17], [sflag:$0x4], $0x4000, $0x38;
	[tilespmem:$0x1C800] =	vst v63  }
0x122: {  	_ =	swait.ge [sflag:s18], $0x4000  }
0x123: {  	[sflag:s18] =	ssyncset.done $0x0  }
0x124: {  	s23 =	rddreg [dreg:$0x5];
	[sflag:s18] =	ssyncadd.s32 $0xFFFFC000  }
0x125: {  	[tilespmem:s17], [sflag:$0x4] =	stream.linear.gather [spmem:s23], $0x4000, $0x38;
	[tilespmem:$0x1C800] =	vst v63  }
0x126: {  	_ =	swait.ge [sflag:s18], $0x4000  }
0x127: {  	[sflag:s18] =	ssyncset.done $0x0  }
0x128: {  	s9 =	rddreg [dreg:$0xa];
	[sflag:s18] =	ssyncadd.s32 $0xFFFFC000  }
0x129: {  	[hbm4b:s9+s3] =	stream.linear.scatter [tilespmem:s17], [sflag:$0x4], $0x4000, $0x38;
	[tilespmem:$0x1C800] =	vst v63  }
0x12a: {  	_ =	swait.ge [sflag:s18], $0x4000  }
0x12b: {  	[sflag:s18] =	ssyncset.done $0x0  }
0x12c: {  	s8 =	rddreg [dreg:$0x6];
	[sflag:s18] =	ssyncadd.s32 $0xFFFFC000  }
0x12d: {  	[tilespmem:s17], [sflag:$0x4] =	stream.linear.gather [spmem:s8], $0x4000, $0x38;
	[tilespmem:$0x1C800] =	vst v63  }
0x12e: {  	_ =	swait.ge [sflag:s18], $0x4000  }
0x12f: {  	[sflag:s18] =	ssyncset.done $0x0  }
0x130: {  	s9 =	rddreg [dreg:$0xb];
	[sflag:s18] =	ssyncadd.s32 $0xFFFFC000  }
0x131: {  	[hbm4b:s9+s3] =	stream.linear.scatter [tilespmem:s17], [sflag:$0x4], $0x4000, $0x38;
	[tilespmem:$0x1C800] =	vst v63  }
0x132: {  	_ =	swait.ge [sflag:s18], $0x4000  }
0x133: {  	[sflag:s18] =	ssyncset.done $0x0  }
0x134: {  	s8 =	rddreg [dreg:$0x7];
	[sflag:s18] =	ssyncadd.s32 $0xFFFFC000  }
0x135: {  	[tilespmem:s17], [sflag:$0x4] =	stream.linear.gather [spmem:s8], $0x4000, $0x38;
	[tilespmem:$0x1C800] =	vst v63  }
0x136: {  	_ =	swait.ge [sflag:s18], $0x4000  }
0x137: {  	[sflag:s18] =	ssyncset.done $0x0  }
0x138: {  	s9 =	rddreg [dreg:$0xc];
	[sflag:s18] =	ssyncadd.s32 $0xFFFFC000  }
0x139: {  	[hbm4b:s9+s3] =	stream.linear.scatter [tilespmem:s17], [sflag:$0x4], $0x4000, $0x38;
	[tilespmem:$0x1C800] =	vst v63  }
0x13a: {  	_ =	swait.ge [sflag:s18], $0x4000  }
0x13b: {  	[sflag:s18] =	ssyncset.done $0x0  }
0x13c: {  	s8 =	rddreg [dreg:$0x8];
	[sflag:s18] =	ssyncadd.s32 $0xFFFFC000  }
0x13d: {  	[tilespmem:s17], [sflag:$0x4] =	stream.linear.gather [spmem:s8], $0x4000, $0x38;
	[tilespmem:$0x1C800] =	vst v63  }
0x13e: {  	_ =	swait.ge [sflag:s18], $0x4000  }
0x13f: {  	[sflag:s18] =	ssyncset.done $0x0  }
0x140: {  	s9 =	rddreg [dreg:$0xd];
	[sflag:s18] =	ssyncadd.s32 $0xFFFFC000  }
0x141: {  	[hbm4b:s9+s3] =	stream.linear.scatter [tilespmem:s17], [sflag:$0x4], $0x4000, $0x38;
	[tilespmem:$0x1C800] =	vst v63  }
0x142: {  	_ =	swait.ge [sflag:s18], $0x4000  }
0x143: {  	s5 =	rddreg [dreg:$0xf]  }
0x144: {  	s9 =	rddreg [dreg:$0xe];
	s8 =	sadd.s32 $0x1, s5  }
0x145: {  	p0 =	sne.s32 s8, s9  }
.Ltmp2:
0x146: {  	_ = 	snop;
	(pc) =	sbr.rel @p0 .LBB2_1-.Ltmp2, $3  }
0x147: {  	_ =	sdelay $0x1  }
0x148: {  	[sflag:s18] =	ssyncset.done $0x0  }
0x149: {  	[sflag:s18] =	ssyncadd.s32 $0xFFFFC000  }
0x14a: {  	_ =	sfence.sel $0x180000  }
0x14b: {  	[bflag:$0x0] =	sbarrier.arrive $0xFFFF  }
0x14c: {  	_ =	strace $0x9000004D  }
0x14d: {  	s0 =	stileid.u32;
	[bflag:$0x2] =	sbarrier.arrive $0xFFFF  }
0x14e: {  	p0 =	sne.s32 s0, $0x0;
	s0 =	rddreg [dreg:$0x2]  }
0x14f: {  	s0 =	sadd.s32 @!p0 $0x100000, s0  }
0x150: {  	[sflag:s0] =	ssyncadd.tile.s32 @!p0 $0x1;
	_ =	shalt  }
.Lfunc_end2:
_tile_overlayer_lowered:
.L_overlay_start_2:
0x151: {  	(tag) =	ssettag $0x2  }
0x152: {  	s0 =	rddreg [dreg:$0x0];
	s2 =	stileid.u32  }
0x153: {  	s1 =	rddreg [dreg:$0x1];
	p0 =	sne.s32 s2, $0x0  }
0x154: {  	s3 =	rddreg [dreg:$0x2];
	[bflag:$0x3] =	sbarrier.arrive $0xFFFF;
	s2 =	simm.s32 @!p0 $0x1C04  }
0x155: {  	[timem:s3], [sflag:s2] =	dma.local @!p0 [hbm:s0], s1  }
0x156: {  	s0 =	simm.s32 @!p0 $0x4  }
0x157: {  	_ =	swait.ge @!p0 [sflag:s0], s1  }
0x158: {  	s1 =	ssub.s32 @!p0 $0x0, s1;
	[sflag:s0] =	ssyncset.done @!p0 $0x0  }
0x159: {  	[sflag:s0] =	ssyncadd.s32 @!p0 s1  }
0x15a: {  	[bflag:$0x3] =	sbarrier.arrive $0xFFFF  }
0x15b: {  	_ =	shalt  }

// kernel: kernel.15.cloned.1.call-start
scs
__scs_entry_jumppad:
0x0: {  	(pc) =	sbr.rel $0x88, $3  }
0x1: {  	(tag) =	ssettag $0x0;
	lr =	simm.s32 $0x1  }
0x2: {  	[smem:$0x3F91] =	sst lr;
	_ =	strace $0xD0000000  }
0x3: {  	_ = 	snop  }
0x4: {  	_ = 	snop  }
0x5: {  	_ = 	snop  }
0x6: {  	_ = 	snop  }
0x7: {  	_ = 	snop  }
__scs_overlays_trampoline_lowered:
0x8: {  	[smem:$0x3FA0] =	sst s0  }
0x9: {  	[smem:$0x3FA1] =	sst s1  }
0xa: {  	[smem:$0x3FA2] =	sst s2  }
0xb: {  	[smem:$0x3FA3] =	sst s3  }
0xc: {  	[smem:$0x3FA4] =	sst s4  }
0xd: {  	[smem:$0x3FA5] =	sst s5  }
0xe: {  	[smem:$0x3FA6] =	sst s6  }
0xf: {  	[smem:$0x3FA7] =	sst s7  }
0x10: {  	[smem:$0x3FA8] =	sst s8  }
0x11: {  	[smem:$0x3FA9] =	sst s9;
	s0 =	simm.s32 @!p0 $0x0  }
0x12: {  	s1 =	sld [smem:$0x3F8F];
	s0 =	simm.s32 @p0 $0x1  }
0x13: {  	[smem:$0x3FAA] =	sst s0;
	s0 =	simm.s32 @!p1 $0x0  }
0x14: {  	s2 =	sld [smem:$0x3F8E];
	s0 =	simm.s32 @p1 $0x1  }
0x15: {  	[smem:$0x3FAB] =	sst s0;
	s0 =	simm.s32 @!p2 $0x0  }
0x16: {  	s3 =	sld [smem:$0x3FDB];
	s0 =	simm.s32 @p2 $0x1  }
0x17: {  	s4 =	simm.s32 $0x1BF5;
	[smem:$0x3FAD] =	sst s0  }
0x18: {  	s0 =	sld [smem:$0x3F90];
	_ =	swait.ge [sflag:s4], $0x0  }
0x19: {  	s7 =	sld [smem:$0x3F91]  }
0x1a: {  	s8 =	sadd.s32 $0xFFFFE003, lr  }
0x1b: {  	s9 =	sadd.s32 $0xFFFFFEF7, lr;
	s5 =	simm.s32 $0xFFFFFFFF;
	p2 =	slt.u32 s8, $0xFFFFF086  }
0x1c: {  	p1 =	slt.u32 s9, $0xF7A;
	s5 =	simm.s32 @!p2 $0x0  }
0x1d: {  	s5 =	simm.s32 @p1 $0x1;
	p0 =	seq.s32 s7, s2  }
0x1e: {  	s7 =	smul.u32 @!p0 $0xF7A, s2;
	p2 =	seq.s32 @!p0 s5, $0x0  }
0x1f: {  	s9 =	smul.u32 $0xF7A, s1;
	s8 =	simm.s32 @!p0 $0x1BF5;
	p2 =	por !p2, p0  }
0x20: {  	[sflag:s8] =	ssyncset.s32 @!p0 $0xFFFFF086;
	s6 =	sadd.s32 @!p0 s3, s7;
	s7 =	simm.s32 @!p0 $0x108  }
0x21: {  	s3 =	sadd.s32 s3, s9;
	s6 =	sadd.s32 @!p0 $0x88, s6;
	s7 =	simm.s32 @p2 $0x1082  }
0x22: {  	[simem:s7], [sflag:s8] =	dma.local @!p0 [hbm:s6], $0xF7A  }
0x23: {  	s9 =	sor.u32 $0xD0000000, s2;
	s6 =	simm.s32 $0x108;
	_ =	swait.ge @!p0 [sflag:s8], $0x0  }
0x24: {  	s3 =	sadd.s32 $0x88, s3;
	s6 =	simm.s32 @!p1 $0x1082;
	[sflag:s4] =	ssyncset.s32 $0xFFFFF086  }
0x25: {  	[simem:s6], [sflag:s4] =	dma.local [hbm:s3], $0xF7A  }
0x26: {  	[smem:$0x3F91] =	sst s1;
	(tag) =	ssettag s2;
	_ =	strace s9  }
0x27: {  	s1 =	sld [smem:$0x3FA1]  }
0x28: {  	s2 =	sld [smem:$0x3FA2]  }
0x29: {  	s4 =	sld [smem:$0x3FA4]  }
0x2a: {  	p0 =	seq.s32 s5, $0x0;
	s5 =	sld [smem:$0x3FA5]  }
0x2b: {  	s6 =	sld [smem:$0x3FA6]  }
0x2c: {  	s7 =	sld [smem:$0x3FA7]  }
0x2d: {  	s3 =	simm.s32 $0x108;
	s8 =	sld [smem:$0x3FA8]  }
0x2e: {  	s3 =	simm.s32 @!p0 $0x1082;
	s9 =	sld [smem:$0x3FA9]  }
0x2f: {  	lr =	sadd.s32 s0, s3;
	s0 =	sld [smem:$0x3FA0]  }
0x30: {  	s3 =	sld [smem:$0x3FA3]  }
0x31: {  	[smem:$0x3FAC] =	sst s10  }
0x32: {  	s10 =	sld [smem:$0x3FAA];
	_ =	sdelay $0x3  }
0x33: {  	p0 =	seq.s32 s10, $0x1;
	s10 =	sld [smem:$0x3FAC];
	_ =	sdelay $0x3  }
0x34: {  	[smem:$0x3FAC] =	sst s10  }
0x35: {  	s10 =	sld [smem:$0x3FAB];
	_ =	sdelay $0x3  }
0x36: {  	p1 =	seq.s32 s10, $0x1;
	s10 =	sld [smem:$0x3FAC];
	_ =	sdelay $0x3  }
0x37: {  	[smem:$0x3FAC] =	sst s10  }
0x38: {  	s10 =	sld [smem:$0x3FAD]  }
0x39: {  	_ = 	snop;
	(pc) =	sbr.ind lr, $3  }
0x3a: {  	_ = 	snop  }
0x3b: {  	_ = 	snop  }
0x3c: {  	p2 =	seq.s32 s10, $0x1;
	s10 =	sld [smem:$0x3FAC]  }
0x3d: {  	_ =	shalt  }
0x3e: {  	_ =	shalt  }
0x3f: {  	_ =	shalt  }
0x40: {  	_ =	shalt  }
0x41: {  	_ =	shalt  }
0x42: {  	_ =	shalt  }
0x43: {  	_ =	shalt  }
0x44: {  	_ =	shalt  }
0x45: {  	_ =	shalt  }
0x46: {  	_ =	shalt  }
0x47: {  	_ =	shalt  }
0x48: {  	_ =	shalt  }
0x49: {  	_ =	shalt  }
0x4a: {  	_ =	shalt  }
0x4b: {  	_ =	shalt  }
0x4c: {  	_ =	shalt  }
0x4d: {  	_ =	shalt  }
0x4e: {  	_ =	shalt  }
0x4f: {  	_ =	shalt  }
0x50: {  	_ =	shalt  }
0x51: {  	_ =	shalt  }
0x52: {  	_ =	shalt  }
0x53: {  	_ =	shalt  }
0x54: {  	_ =	shalt  }
0x55: {  	_ =	shalt  }
0x56: {  	_ =	shalt  }
0x57: {  	_ =	shalt  }
0x58: {  	_ =	shalt  }
0x59: {  	_ =	shalt  }
0x5a: {  	_ =	shalt  }
0x5b: {  	_ =	shalt  }
0x5c: {  	_ =	shalt  }
0x5d: {  	_ =	shalt  }
0x5e: {  	_ =	shalt  }
0x5f: {  	_ =	shalt  }
0x60: {  	_ =	shalt  }
0x61: {  	_ =	shalt  }
0x62: {  	_ =	shalt  }
0x63: {  	_ =	shalt  }
0x64: {  	_ =	shalt  }
0x65: {  	_ =	shalt  }
0x66: {  	_ =	shalt  }
0x67: {  	_ =	shalt  }
0x68: {  	_ =	shalt  }
0x69: {  	_ =	shalt  }
0x6a: {  	_ =	shalt  }
0x6b: {  	_ =	shalt  }
0x6c: {  	_ =	shalt  }
0x6d: {  	_ =	shalt  }
0x6e: {  	_ =	shalt  }
0x6f: {  	_ =	shalt  }
0x70: {  	_ =	shalt  }
0x71: {  	_ =	shalt  }
0x72: {  	_ =	shalt  }
0x73: {  	_ =	shalt  }
0x74: {  	_ =	shalt  }
0x75: {  	_ =	shalt  }
0x76: {  	_ =	shalt  }
0x77: {  	_ =	shalt  }
0x78: {  	_ =	shalt  }
0x79: {  	_ =	shalt  }
0x7a: {  	_ =	shalt  }
0x7b: {  	_ =	shalt  }
0x7c: {  	_ =	shalt  }
0x7d: {  	_ =	shalt  }
0x7e: {  	_ =	shalt  }
0x7f: {  	_ =	shalt  }
0x80: {  	_ =	shalt  }
0x81: {  	_ =	shalt  }
0x82: {  	_ =	shalt  }
0x83: {  	_ =	shalt  }
0x84: {  	_ =	shalt  }
0x85: {  	_ =	shalt  }
0x86: {  	_ =	shalt  }
0x87: {  	_ =	shalt  }
.Lfunc_end0:
.L_simem_size_0:
called_computation.2_lowered:
.L_overlay_start_0:
0x88: {  	s2 =	sld [smem:$0x3FD9]  }
0x89: {  	s3 =	sld [smem:$0x3FFE];
	_ =	sdelay $0x1  }
0x8a: {  	s1 =	srdreg.scid  }
0x8b: {  	s0 =	sand.u32 $0x1, s1  }
0x8c: {  	s17 =	sshll.u32 s0, $0xA;
	s2 =	sadd.s32 s3, s2  }
0x8d: {  	s2 =	sadd.s32 s2, s17  }
0x8e: {  	[smem:$0x3FB8] =	sst s2  }
0x8f: {  	_ = 	snop  }
0x90: {  	(tm) =	ssettm $0x1  }
0x91: {  	s18 =	sld [smem:$0x3FFB];
	_ =	sdelay $0x3  }
0x92: {  	_ =	strace s18  }
0x93: {  	s2 =	sld [smem:$0x3FFC];
	_ =	sdelay $0x3  }
0x94: {  	_ =	strace s2  }
0x95: {  	s2 =	sld [smem:$0x3FFD];
	_ =	sdelay $0x3  }
0x96: {  	_ =	strace s2  }
0x97: {  	_ =	strace $0x8FFFFFFF  }
0x98: {  	s19 =	sld [smem:$0x3FDB];
	_ =	sdelay $0x1  }
0x99: {  	s20 =	simm.s32 $_scs_section_size  }
0x9a: {  	s4 =	simm.s32 $_size__tile_overlayer_lowered;
	s5 =	simm.s32 $_tile_overlayer_lowered  }
0x9b: {  	s6 =	simm.s32 $0x1BFF;
	s21 =	sshll.u32 s5, $0x1;
	s3 =	sadd.s32 s20, s19  }
0x9c: {  	s22 =	simm.s32 $0x0;
	s4 =	sshll.u32 s4, $0x1;
	s5 =	sadd.s32 s21, s3  }
0x9d: {  	[timem:s22], [sflag:s6] =	dma.local [hbm:s5], s4  }
0x9e: {  	_ =	swait.ge [sflag:s6], s4  }
0x9f: {  	s4 =	ssub.s32 $0x0, s4;
	[sflag:s6] =	ssyncset.done $0x0  }
0xa0: {  	[sflag:s6] =	ssyncadd.s32 s4;
	_ =	sdelay $0x1  }
0xa1: {  	s23 =	simm.s32 $0x1B8B  }
0xa2: {  	_ =	swait.ge [sflag:s23], $0x1  }
0xa3: {  	[sflag:s23] =	ssyncset.done $0x0  }
0xa4: {  	[sflag:s23] =	ssyncadd.s32 $0xFFFFFFFF  }
0xa5: {  	s4 =	sld [smem:$0x0]  }
0xa6: {  	s5 =	sand.u32 $0xFFFFFFFE, s1  }
0xa7: {  	p0 =	sne.s32 s1, s5  }
0xa8: {  	s5 =	sshll.u32 @p0 s5, $0xE  }
0xa9: {  	s5 =	sadd.s32 @p0 $0x11B8D, s5;
	s6 =	sshll.u32 @p0 s4, $0x11  }
0xaa: {  	s5 =	sor.u32 @p0 s6, s5  }
0xab: {  	[sflag:s5] =	ssyncadd.remote.s32 @p0 $0x1;
	_ =	sdelay $0x1  }
0xac: {  	s5 =	simm.s32 @p0 $0x1B8D  }
0xad: {  	_ =	swait.eq @p0 [sflag:s5], $0x1  }
0xae: {  	[sflag:s5] =	ssyncadd.s32 @p0 $0xFFFFFFFF  }
0xaf: {  	s6 =	sshll.u32 @!p0 s1, $0xE  }
0xb0: {  	s6 =	sor.u32 @!p0 $0x4000, s6;
	s5 =	simm.s32 @!p0 $0x1B8D  }
0xb1: {  	s4 =	sshll.u32 @!p0 s4, $0x11;
	s6 =	sadd.s32 @!p0 $0x11B8D, s6;
	_ =	swait.eq @!p0 [sflag:s5], $0x1  }
0xb2: {  	s4 =	sor.u32 @!p0 s4, s6;
	[sflag:s5] =	ssyncadd.s32 @!p0 $0xFFFFFFFF  }
0xb3: {  	s25 =	simm.s32 $0x1B8E;
	s24 =	sld [smem:$0x3FFE];
	[sflag:s4] =	ssyncadd.remote.s32 @!p0 $0x1  }
0xb4: {  	s26 =	simm.s32 $execute0_lowered;
	[smem:$0x3FD2] =	sst s25  }
0xb5: {  	s5 =	sshll.u32 s26, $0x1;
	_ =	strace $0x80000049;
	[dreg:$0x1] =	wrdreg $0xFFFFFFFF  }
0xb6: {  	s28 =	simm.s32 $_size_execute0_lowered;
	s3 =	sadd.s32 s3, s5;
	[dreg:$0x0] =	wrdreg $0x0  }
0xb7: {  	s5 =	sshll.u32 s28, $0x1;
	[dreg:$0x2] =	wrdreg s3  }
0xb8: {  	[dreg:$0x3] =	wrdreg s5  }
0xb9: {  	[dreg:$0x4] =	wrdreg $0xC0  }
0xba: {  	_ =	task [dreg:s22], $0x5FFFF  }
0xbb: {  	[dreg:$0x1] =	wrdreg $0xFFFFFFFF  }
0xbc: {  	[dreg:$0x0] =	wrdreg $0x60  }
0xbd: {  	[dreg:$0x2] =	wrdreg s24  }
0xbe: {  	[dreg:$0x3] =	wrdreg $0xA  }
0xbf: {  	_ =	task.clear_ibuf [dreg:s22], $0x4FFFF;
	_ =	strace $0x90000049  }
0xc0: {  	s29 =	simm.s32 $0xA;
	_ =	strace $0x8000004B  }
0xc1: {  	_ =	swait.ge [sflag:s29], $0x1  }
0xc2: {  	[sflag:s29] =	ssyncadd.s32 $0xFFFFFFFF  }
0xc3: {  	_ =	strace $0x9000004B  }
0xc4: {  	_ =	sfence  }
0xc5: {  	s30 =	sld [smem:$0x0];
	_ =	sdelay $0x2  }
0xc6: {  	s31 =	sshll.u32 s1, $0xD;
	s1 =	sshrl.u32 s1, $0x2  }
0xc7: {  	s4 =	sand.u32 $0x4000, s31;
	s1 =	sadd.s32 s1, s30  }
0xc8: {  	s0 =	sor.u32 s4, s0;
	s1 =	sshll.u32 s1, $0x11  }
0xc9: {  	s0 =	sor.u32 s1, s0  }
0xca: {  	s0 =	sadd.s32 $0x8F2B, s0  }
0xcb: {  	[sflag:s0] =	ssyncadd.remote.s32 $0x1  }
0xcc: {  	_ =	sfence.sel $0xFFFF  }
0xcd: {  	[dreg:$0x0] =	wrdreg $0xFFFFFFFF;
	(pc) =	sbr.abs _section_cstart, $3  }
0xce: {  	[dreg:$0x1] =	wrdreg $0xFFFFFFFF  }
0xcf: {  	_ =	task.clear_ibuf [dreg:s22], $0x2FFFF;
	_ =	strace $0x9FFFFFFF  }
0xd0: {  	(tm) =	ssettm $0x7FFFFFFF  }
0xd1: {  	_ =	shalt  }
tec
execute0_lowered:
.L_overlay_start_1:
0x0: {  	(tag) =	ssettag $0x1  }
0x1: {  	s1 =	srdreg.scid  }
0x2: {  	s0 =	stileid.u32;
	s6 =	rddreg [dreg:$0x0]  }
0x3: {  	s20 =	simm.s32 $0x0;
	s5 =	sand.u32 $0x1, s1;
	s7 =	sshrl.u32 s0, $0x3  }
0x4: {  	s25 =	sshll.u32 s0, $0x1;
	s9 =	sshrl.u32 s0, $0x1;
	s8 =	smul.u32 $0xC400, s7  }
0x5: {  	s1 =	rddreg [dreg:$0x1];
	s4 =	sadd.s32 $0xC8000, s6;
	s10 =	smul.u32 $0x2800, s9  }
0x6: {  	s3 =	sor.u32 s5, s25;
	s11 =	smul.u32 $0x27100, s7;
	s28 =	ssub.s32 $0x2, s5  }
0x7: {  	s5 =	smul.u32 $0x9C40, s9;
	s2 =	sand.u32 $0xF, s3;
	s3 =	sand.u32 $0x3, s3  }
0x8: {  	s29 =	sshrl.u32 s28, $0x1;
	s15 =	smul.u32 $0xC40, s2;
	s2 =	simm.s32 $0x0  }
0x9: {  	s16 =	smul.u32 $0xA00, s3;
	s3 =	sadd.s32 $0xD1E00, s6;
	s13 =	sshrl.u32 s11, $0x3  }
0xa: {  	s17 =	ssub.s32 s28, s29;
	s30 =	sshrl.u32 s5, $0x3;
	[smem:$0x7FF] =	sst s2  }
0xb: {  	s7 =	sadd.s32 $0x800, s11;
	s31 =	sadd.s32 s3, s30;
	_ =	strace $0x8000004A  }
0xc: {  	s8 =	sadd.s32 s8, s15;
	s10 =	sadd.s32 s10, s16;
	s18 =	sadd.s32 $0xC40, s15  }
0xd: {  	s19 =	sadd.s32 $0xA00, s16;
	v0 =	vmov s15;
	v2 =	vmov s16;
	s15 =	simm.s32 $0x800;
	s16 =	simm.s32 $0x1000  }
0xe: {  	s8 =	sshrl.u32 s8, $0x3;
	s26 =	sshrl.u32 s10, $0x3;
	v1 =	vmov s18;
	s18 =	simm.s32 $0x3  }
0xf: {  	v3 =	vmov s19;
	s19 =	simm.s32 $0x1C80;
	s12 =	sadd.s32 s8, s6;
	s14 =	sadd.s32 s26, s6  }
0x10: {  	s6 =	sadd.s32 s4, s13;
	s8 =	sadd.s32 $0x1000, s11;
	s11 =	sadd.s32 $0x1300, s31  }
0x11: {  	s13 =	smax.u32 s17, $0x1;
	s17 =	simm.s32 $0x2;
	s9 =	sadd.s32 $0x4E00, s6  }
0x12: {  	v4 =	vimm.f32 $0.0e+00;
	v5 =	vimm.f32 $1.000000000e+00;
	s10 =	sadd.s32 $0xDBC00, s12;
	s12 =	sadd.s32 $0xDEE00, s14;
	s14 =	simm.s32 $0x1  }
.LBB2_1:
0x13: {  	s21 =	simm.s32 $0x0  }
.LBB2_2:
0x14: {  	p0 =	sne.s32 s21, $0x3100  }
.Ltmp0:
0x15: {  	_ = 	snop;
	(pc) =	sbr.rel @p0 .LBB2_2-.Ltmp0, $3  }
0x16: {  	_ =	sdelay $0x1  }
0x17: {  	s22 =	sshra.s32 s21, $0x2  }
0x18: {  	s21 =	sadd.s32 $0x40, s21;
	[tilespmem:s22+$0x1000] =	vst v4  }
0x19: {  	s21 =	simm.s32 $0x40;
	s22 =	simm.s32 $0x0  }
.LBB2_4:
0x1a: {  	p0 =	sne.s32 s21, $0x2800;
	[tilespmem:s22+$0x1C80] =	vst v4;
	s22 =	smov.u32 s21;
	s21 =	sadd.s32 $0x40, s21  }
.Ltmp1:
0x1b: {  	(pc) =	sbr.rel @p0 .LBB2_4-.Ltmp1, $2  }
0x1c: {  	_ =	sdelay $0x2  }
0x1d: {  	s22 =	sshra.s32 s22, $0x2  }
0x1e: {  	[tilespmem:s22+$0x1C80] =	vst v4;
	s21 =	simm.s32 $0x0;
	s22 =	simm.s32 $0x0  }
0x1f: {  	[tilespmem:s21], [sflag:$0x1] =	stream.linear.gather [hbm4b:s6+s21], $0x800, $0x38;
	[tilespmem:$0x2700] =	vst v63  }
.LBB2_6:
0x20: {  	s23 =	sshll.u32 s22, $0xC  }
0x21: {  	_ =	swait.ge [sflag:s14], $0x800;
	s24 =	sadd.s32 s23, s7  }
0x22: {  	[sflag:s14] =	ssyncset.done $0x0;
	s24 =	sshrl.u32 s24, $0x3  }
0x23: {  	[sflag:s14] =	ssyncadd.s32 $0xFFFFF800;
	s24 =	sadd.s32 s4, s24  }
0x24: {  	[tilespmem:s15], [sflag:$0x2] =	stream.linear.gather [hbm4b:s24+s21], $0x800, $0x38;
	[tilespmem:$0x2700] =	vst v63  }
0x25: {  	s25 =	simm.s32 $0x0;
	s24 =	simm.s32 $0x40  }
.LBB2_7:
0x26: {  	p0 =	sne.s32 s24, $0x1FC0;
	v6 =	vld [tilespmem:s25+$0x0];
	_ =	sdelay $0x4  }
0x27: {  	vm0 =	vge.s32 v6, v0;
	vm1 =	vlt.s32 v6, v1  }
0x28: {  	v6 =	vsub.s32 v6, v0;
	vm0 =	vmand vm0, vm1  }
0x29: {  	v6 =	vnsel vm0, $0xC40, v6  }
.Ltmp2:
0x2a: {  	(pc) =	sbr.rel @p0 .LBB2_7-.Ltmp2, $2  }
0x2b: {  	_ =	sdelay $0x2  }
0x2c: {  	s25 =	sshra.s32 s24, $0x2;
	s24 =	sadd.s32 $0x40, s24;
	[tilespmem:v6+s16+$0x0] =	vst.idx.msk $0xffff, v5  }
0x2d: {  	v6 =	vld [tilespmem:s25+$0x0];
	_ =	sdelay $0x4  }
0x2e: {  	vm0 =	vge.s32 v6, v0;
	vm1 =	vlt.s32 v6, v1  }
0x2f: {  	v6 =	vsub.s32 v6, v0;
	vm0 =	vmand vm0, vm1  }
0x30: {  	v6 =	vnsel vm0, $0xC40, v6;
	_ =	sdelay $0x4  }
0x31: {  	p0 =	seq.s32 s22, $0x26;
	[tilespmem:v6+s16+$0x0] =	vst.idx.msk $0xffff, v5  }
0x32: {  	s23 =	sadd.s32 @!p0 s23, s8;
	_ =	swait.ge [sflag:s17], $0x800  }
0x33: {  	s23 =	sshrl.u32 @!p0 s23, $0x3;
	[sflag:s17] =	ssyncset.done $0x0  }
0x34: {  	s24 =	simm.s32 @!p0 $0x0;
	s23 =	sadd.s32 @!p0 s4, s23;
	[sflag:s17] =	ssyncadd.s32 $0xFFFFF800  }
0x35: {  	[tilespmem:s24], [sflag:$0x1] =	stream.linear.gather @!p0 [hbm4b:s23+s24], $0x800, $0x38;
	[tilespmem:$0x2700] =	vst v63  }
0x36: {  	s24 =	simm.s32 $0x0;
	s23 =	simm.s32 $0x40  }
.LBB2_9:
0x37: {  	p0 =	sne.s32 s23, $0x1FC0;
	v6 =	vld [tilespmem:s24+$0x800];
	_ =	sdelay $0x4  }
0x38: {  	vm0 =	vge.s32 v6, v0;
	vm1 =	vlt.s32 v6, v1  }
0x39: {  	v6 =	vsub.s32 v6, v0;
	vm0 =	vmand vm0, vm1  }
0x3a: {  	v6 =	vnsel vm0, $0xC40, v6  }
.Ltmp3:
0x3b: {  	(pc) =	sbr.rel @p0 .LBB2_9-.Ltmp3, $2  }
0x3c: {  	_ =	sdelay $0x2  }
0x3d: {  	s24 =	sshra.s32 s23, $0x2;
	s23 =	sadd.s32 $0x40, s23;
	[tilespmem:v6+s16+$0x0] =	vst.idx.msk $0xffff, v5  }
0x3e: {  	v6 =	vld [tilespmem:s24+$0x800];
	_ =	sdelay $0x4  }
0x3f: {  	vm0 =	vge.s32 v6, v0;
	vm1 =	vlt.s32 v6, v1  }
0x40: {  	s22 =	sadd.s32 $0x1, s22;
	v6 =	vsub.s32 v6, v0;
	vm0 =	vmand vm0, vm1  }
0x41: {  	p0 =	sne.s32 s22, $0x27;
	v6 =	vnsel vm0, $0xC40, v6  }
.Ltmp4:
0x42: {  	_ = 	snop;
	(pc) =	sbr.rel @p0 .LBB2_6-.Ltmp4, $2  }
0x43: {  	_ =	sdelay $0x2  }
0x44: {  	[tilespmem:v6+s16+$0x0] =	vst.idx.msk $0xffff, v5  }
0x45: {  	s21 =	simm.s32 $0x0  }
0x46: {  	[tilespmem:s21], [sflag:$0x3] =	stream.linear.gather [hbm4b:s9+s21], $0x100, $0x38;
	[tilespmem:$0x2700] =	vst v63  }
0x47: {  	_ =	swait.ge [sflag:s18], $0x100  }
0x48: {  	[sflag:s18] =	ssyncset.done $0x0  }
0x49: {  	[sflag:s18] =	ssyncadd.s32 $0xFFFFFF00  }
0x4a: {  	v6 =	vld [tilespmem:$0x0];
	_ =	sdelay $0x4  }
0x4b: {  	vm0 =	vge.s32 v6, v0;
	vm1 =	vlt.s32 v6, v1  }
0x4c: {  	v6 =	vsub.s32 v6, v0;
	vm0 =	vmand vm0, vm1  }
0x4d: {  	v6 =	vnsel vm0, $0xC40, v6;
	_ =	sdelay $0x4  }
0x4e: {  	[tilespmem:v6+s16+$0x0] =	vst.idx.msk $0xffff, v5  }
0x4f: {  	v6 =	vld [tilespmem:$0x10];
	_ =	sdelay $0x4  }
0x50: {  	vm10 =	vge.s32 v6, v0;
	vm11 =	vlt.s32 v6, v1  }
0x51: {  	v6 =	vsub.s32 v6, v0;
	vm0 =	vmand vm10, vm11  }
0x52: {  	v6 =	vnsel vm0, $0xC40, v6;
	_ =	sdelay $0x4  }
0x53: {  	[tilespmem:v6+s16+$0x0] =	vst.idx.msk $0xffff, v5  }
0x54: {  	v6 =	vld [tilespmem:$0x20];
	_ =	sdelay $0x4  }
0x55: {  	vm12 =	vge.s32 v6, v0;
	vm13 =	vlt.s32 v6, v1  }
0x56: {  	v6 =	vsub.s32 v6, v0;
	vm0 =	vmand vm12, vm13  }
0x57: {  	v6 =	vnsel vm0, $0xC40, v6;
	_ =	sdelay $0x4  }
0x58: {  	[tilespmem:v6+s16+$0x0] =	vst.idx.msk $0xffff, v5  }
0x59: {  	v6 =	vld [tilespmem:$0x30];
	_ =	sdelay $0x4  }
0x5a: {  	vm14 =	vge.s32 v6, v0;
	vm15 =	vlt.s32 v6, v1  }
0x5b: {  	v6 =	vsub.s32 v6, v0;
	vm0 =	vmand vm14, vm15  }
0x5c: {  	v6 =	vnsel vm0, $0xC40, v6;
	_ =	sdelay $0x4  }
0x5d: {  	[tilespmem:v6+s16+$0x0] =	vst.idx.msk $0xffff, v5  }
0x5e: {  	v6 =	vld [tilespmem:$0x40];
	_ =	sdelay $0x4  }
0x5f: {  	vm4 =	vge.s32 v6, v0;
	vm5 =	vlt.s32 v6, v1  }
0x60: {  	v6 =	vsub.s32 v6, v0;
	vm0 =	vmand vm4, vm5  }
0x61: {  	v6 =	vnsel vm0, $0xC40, v6;
	_ =	sdelay $0x4  }
0x62: {  	[tilespmem:v6+s16+$0x0] =	vst.idx.msk $0xffff, v5  }
0x63: {  	v6 =	vld [tilespmem:$0x50];
	_ =	sdelay $0x4  }
0x64: {  	vm6 =	vge.s32 v6, v0;
	vm7 =	vlt.s32 v6, v1  }
0x65: {  	v6 =	vsub.s32 v6, v0;
	vm0 =	vmand vm6, vm7  }
0x66: {  	v6 =	vnsel vm0, $0xC40, v6;
	_ =	sdelay $0x4  }
0x67: {  	[tilespmem:v6+s16+$0x0] =	vst.idx.msk $0xffff, v5  }
0x68: {  	v6 =	vld [tilespmem:$0x60];
	_ =	sdelay $0x4  }
0x69: {  	vm8 =	vge.s32 v6, v0;
	vm9 =	vlt.s32 v6, v1  }
0x6a: {  	v6 =	vsub.s32 v6, v0;
	vm0 =	vmand vm8, vm9  }
0x6b: {  	v6 =	vnsel vm0, $0xC40, v6;
	_ =	sdelay $0x4  }
0x6c: {  	[tilespmem:v6+s16+$0x0] =	vst.idx.msk $0xffff, v5  }
0x6d: {  	v6 =	vld [tilespmem:$0x70];
	_ =	sdelay $0x4  }
0x6e: {  	vm10 =	vge.s32 v6, v0;
	vm11 =	vlt.s32 v6, v1  }
0x6f: {  	v6 =	vsub.s32 v6, v0;
	vm0 =	vmand vm10, vm11  }
0x70: {  	v6 =	vnsel vm0, $0xC40, v6;
	_ =	sdelay $0x4  }
0x71: {  	[tilespmem:v6+s16+$0x0] =	vst.idx.msk $0xffff, v5  }
0x72: {  	v6 =	vld [tilespmem:$0x80];
	_ =	sdelay $0x4  }
0x73: {  	vm12 =	vge.s32 v6, v0;
	vm13 =	vlt.s32 v6, v1  }
0x74: {  	v6 =	vsub.s32 v6, v0;
	vm0 =	vmand vm12, vm13  }
0x75: {  	v6 =	vnsel vm0, $0xC40, v6;
	_ =	sdelay $0x4  }
0x76: {  	[tilespmem:v6+s16+$0x0] =	vst.idx.msk $0xffff, v5  }
0x77: {  	v6 =	vld [tilespmem:$0x90];
	_ =	sdelay $0x4  }
0x78: {  	vm14 =	vge.s32 v6, v0;
	vm15 =	vlt.s32 v6, v1  }
0x79: {  	v6 =	vsub.s32 v6, v0;
	vm0 =	vmand vm14, vm15  }
0x7a: {  	v6 =	vnsel vm0, $0xC40, v6;
	_ =	sdelay $0x4  }
0x7b: {  	[tilespmem:v6+s16+$0x0] =	vst.idx.msk $0xffff, v5  }
0x7c: {  	v6 =	vld [tilespmem:$0xA0];
	_ =	sdelay $0x4  }
0x7d: {  	vm4 =	vge.s32 v6, v0;
	vm5 =	vlt.s32 v6, v1  }
0x7e: {  	v6 =	vsub.s32 v6, v0;
	vm0 =	vmand vm4, vm5  }
0x7f: {  	v6 =	vnsel vm0, $0xC40, v6;
	_ =	sdelay $0x4  }
0x80: {  	[tilespmem:v6+s16+$0x0] =	vst.idx.msk $0xffff, v5  }
0x81: {  	v6 =	vld [tilespmem:$0xB0];
	_ =	sdelay $0x4  }
0x82: {  	vm6 =	vge.s32 v6, v0;
	vm7 =	vlt.s32 v6, v1  }
0x83: {  	v6 =	vsub.s32 v6, v0;
	vm0 =	vmand vm6, vm7  }
0x84: {  	v6 =	vnsel vm0, $0xC40, v6;
	_ =	sdelay $0x4  }
0x85: {  	[tilespmem:v6+s16+$0x0] =	vst.idx.msk $0xffff, v5  }
0x86: {  	v6 =	vld [tilespmem:$0xC0];
	_ =	sdelay $0x4  }
0x87: {  	vm8 =	vge.s32 v6, v0;
	vm9 =	vlt.s32 v6, v1  }
0x88: {  	v6 =	vsub.s32 v6, v0;
	vm0 =	vmand vm8, vm9  }
0x89: {  	v6 =	vnsel vm0, $0xC40, v6;
	_ =	sdelay $0x4  }
0x8a: {  	[tilespmem:v6+s16+$0x0] =	vst.idx.msk $0xffff, v5  }
0x8b: {  	v6 =	vld [tilespmem:$0xD0];
	_ =	sdelay $0x4  }
0x8c: {  	vm10 =	vge.s32 v6, v0;
	vm11 =	vlt.s32 v6, v1  }
0x8d: {  	v6 =	vsub.s32 v6, v0;
	vm0 =	vmand vm10, vm11  }
0x8e: {  	v6 =	vnsel vm0, $0xC40, v6;
	_ =	sdelay $0x4  }
0x8f: {  	[tilespmem:v6+s16+$0x0] =	vst.idx.msk $0xffff, v5  }
0x90: {  	v6 =	vld [tilespmem:$0xE0];
	_ =	sdelay $0x4  }
0x91: {  	vm12 =	vge.s32 v6, v0;
	vm13 =	vlt.s32 v6, v1  }
0x92: {  	v6 =	vsub.s32 v6, v0;
	vm0 =	vmand vm12, vm13  }
0x93: {  	v6 =	vnsel vm0, $0xC40, v6;
	_ =	sdelay $0x4  }
0x94: {  	[tilespmem:v6+s16+$0x0] =	vst.idx.msk $0xffff, v5  }
0x95: {  	v6 =	vld [tilespmem:$0xF0];
	_ =	sdelay $0x4  }
0x96: {  	vm14 =	vge.s32 v6, v0;
	vm15 =	vlt.s32 v6, v1  }
0x97: {  	v6 =	vsub.s32 v6, v0;
	vm0 =	vmand vm14, vm15  }
0x98: {  	v6 =	vnsel vm0, $0xC40, v6;
	_ =	sdelay $0x4  }
0x99: {  	[tilespmem:v6+s16+$0x0] =	vst.idx.msk $0xffff, v5  }
0x9a: {  	[hbm4b:s10+s21] =	stream.linear.scatter [tilespmem:s16], [sflag:$0x3], $0xC40, $0x38;
	[tilespmem:$0x2700] =	vst v63  }
0x9b: {  	_ =	swait.ge [sflag:s18], $0xC40  }
0x9c: {  	[sflag:s18] =	ssyncset.done $0x0  }
0x9d: {  	s22 =	simm.s32 $0x0;
	[sflag:s18] =	ssyncadd.s32 $0xFFFFF3C0  }
.LBB2_12:
0x9e: {  	s23 =	sshll.u32 s22, $0xB  }
0x9f: {  	s23 =	sadd.s32 s5, s23  }
0xa0: {  	s23 =	sshrl.u32 s23, $0x3  }
0xa1: {  	s23 =	sadd.s32 s3, s23  }
0xa2: {  	[tilespmem:s21], [sflag:$0x3] =	stream.linear.gather [hbm4b:s23+s21], $0x800, $0x38;
	[tilespmem:$0x2700] =	vst v63  }
0xa3: {  	_ =	swait.ge [sflag:s18], $0x800  }
0xa4: {  	[sflag:s18] =	ssyncset.done $0x0  }
0xa5: {  	s24 =	simm.s32 $0x0;
	s23 =	simm.s32 $0x40;
	[sflag:s18] =	ssyncadd.s32 $0xFFFFF800  }
.LBB2_13:
0xa6: {  	p0 =	sne.s32 s23, $0x1FC0;
	v6 =	vld [tilespmem:s24+$0x0];
	_ =	sdelay $0x4  }
0xa7: {  	vm0 =	vge.s32 v6, v2;
	vm1 =	vlt.s32 v6, v3  }
0xa8: {  	vm0 =	vmand vm0, vm1  }
0xa9: {  	(xrf1) =	vunique.msk.u32 vm0, v6;
	_ =	sdelay $0xd  }
0xaa: {  	_, v7, vm1 =	vpop (xrf1)  }
0xab: {  	v6 =	vsub.s32 v6, v2;
	vm1 =	vmand vm0, vm1  }
0xac: {  	v6 =	vnsel vm0, $0xA00, v6  }
.Ltmp5:
0xad: {  	(pc) =	sbr.rel @p0 .LBB2_13-.Ltmp5, $3  }
0xae: {  	_ = 	snop  }
0xaf: {  	v7 =	vcvt.s32.f32 v7;
	_ =	sdelay $0x1  }
0xb0: {  	s24 =	sshra.s32 s23, $0x2;
	s23 =	sadd.s32 $0x40, s23;
	[tilespmem:v6+s19+$0x0] =	vst.idx.add.f32.msk vm1, v7  }
0xb1: {  	v6 =	vld [tilespmem:s24+$0x0];
	_ =	sdelay $0x4  }
0xb2: {  	vm0 =	vge.s32 v6, v2;
	vm1 =	vlt.s32 v6, v3  }
0xb3: {  	vm0 =	vmand vm0, vm1  }
0xb4: {  	(xrf1) =	vunique.msk.u32 vm0, v6;
	_ =	sdelay $0xd  }
0xb5: {  	_, v7, vm15 =	vpop (xrf1)  }
0xb6: {  	s22 =	sadd.s32 $0x1, s22;
	v6 =	vsub.s32 v6, v2;
	vm1 =	vmand vm0, vm15  }
0xb7: {  	p0 =	sne.s32 s22, $0x13;
	v6 =	vnsel vm0, $0xA00, v6  }
.Ltmp6:
0xb8: {  	_ = 	snop;
	(pc) =	sbr.rel @p0 .LBB2_12-.Ltmp6, $3  }
0xb9: {  	_ = 	snop  }
0xba: {  	v7 =	vcvt.s32.f32 v7;
	_ =	sdelay $0x1  }
0xbb: {  	[tilespmem:v6+s19+$0x0] =	vst.idx.add.f32.msk vm1, v7  }
0xbc: {  	s21 =	simm.s32 $0x0  }
0xbd: {  	[tilespmem:s21], [sflag:$0x3] =	stream.linear.gather [hbm4b:s11+s21], $0x440, $0x38;
	[tilespmem:$0x2700] =	vst v63  }
0xbe: {  	_ =	swait.ge [sflag:s18], $0x440  }
0xbf: {  	[sflag:s18] =	ssyncset.done $0x0  }
0xc0: {  	s22 =	simm.s32 $0x0;
	s21 =	simm.s32 $0x40;
	[sflag:s18] =	ssyncadd.s32 $0xFFFFFBC0  }
.LBB2_16:
0xc1: {  	p0 =	sne.s32 s21, $0x10C0;
	v6 =	vld [tilespmem:s22+$0x0];
	_ =	sdelay $0x4  }
0xc2: {  	vm0 =	vge.s32 v6, v2;
	vm1 =	vlt.s32 v6, v3  }
0xc3: {  	vm0 =	vmand vm0, vm1  }
0xc4: {  	(xrf1) =	vunique.msk.u32 vm0, v6;
	_ =	sdelay $0xd  }
0xc5: {  	_, v7, vm1 =	vpop (xrf1)  }
0xc6: {  	v6 =	vsub.s32 v6, v2;
	vm1 =	vmand vm0, vm1  }
0xc7: {  	v6 =	vnsel vm0, $0xA00, v6  }
.Ltmp7:
0xc8: {  	(pc) =	sbr.rel @p0 .LBB2_16-.Ltmp7, $3  }
0xc9: {  	_ = 	snop  }
0xca: {  	v7 =	vcvt.s32.f32 v7;
	_ =	sdelay $0x1  }
0xcb: {  	s22 =	sshra.s32 s21, $0x2;
	s21 =	sadd.s32 $0x40, s21;
	[tilespmem:v6+s19+$0x0] =	vst.idx.add.f32.msk vm1, v7  }
0xcc: {  	v6 =	vld [tilespmem:s22+$0x0];
	_ =	sdelay $0x4  }
0xcd: {  	vm0 =	vge.s32 v6, v2;
	vm1 =	vlt.s32 v6, v3  }
0xce: {  	vm0 =	vmand vm0, vm1  }
0xcf: {  	(xrf1) =	vunique.msk.u32 vm0, v6;
	_ =	sdelay $0xd  }
0xd0: {  	_, v7, vm15 =	vpop (xrf1)  }
0xd1: {  	v6 =	vsub.s32 v6, v2;
	vm1 =	vmand vm0, vm15  }
0xd2: {  	v6 =	vnsel vm0, $0xA00, v6;
	_ =	sdelay $0x2  }
0xd3: {  	s20 =	sadd.s32 $0x1, s20;
	v7 =	vcvt.s32.f32 v7  }
0xd4: {  	p0 =	sne.s32 s20, s13  }
.Ltmp8:
0xd5: {  	[tilespmem:v6+s19+$0x0] =	vst.idx.add.f32.msk vm1, v7;
	(pc) =	sbr.rel @p0 .LBB2_1-.Ltmp8, $4  }
0xd6: {  	[hbm4b:s12+s2] =	stream.linear.scatter [tilespmem:s19], [sflag:$0x3], $0xA00, $0x38;
	[tilespmem:$0x2700] =	vst v63  }
0xd7: {  	_ =	swait.ge [sflag:s18], $0xA00  }
0xd8: {  	[sflag:s18] =	ssyncset.done $0x0  }
0xd9: {  	[sflag:s18] =	ssyncadd.s32 $0xFFFFF600  }
0xda: {  	_ =	sfence.sel $0x180000  }
0xdb: {  	[bflag:$0x0] =	sbarrier.arrive $0xFFFF  }
0xdc: {  	p0 =	sne.s32 s0, $0x0;
	_ =	strace $0x9000004A  }
0xdd: {  	s0 =	sadd.s32 @!p0 $0x100000, s1;
	[bflag:$0x2] =	sbarrier.arrive $0xFFFF  }
0xde: {  	[sflag:s0] =	ssyncadd.tile.s32 @!p0 $0x1;
	_ =	shalt  }
.Lfunc_end2:
_tile_overlayer_lowered:
.L_overlay_start_2:
0xdf: {  	(tag) =	ssettag $0x2  }
0xe0: {  	s0 =	rddreg [dreg:$0x0];
	s2 =	stileid.u32  }
0xe1: {  	s1 =	rddreg [dreg:$0x1];
	p0 =	sne.s32 s2, $0x0  }
0xe2: {  	s3 =	rddreg [dreg:$0x2];
	[bflag:$0x3] =	sbarrier.arrive $0xFFFF;
	s2 =	simm.s32 @!p0 $0x1C03  }
0xe3: {  	[timem:s3], [sflag:s2] =	dma.local @!p0 [hbm:s0], s1  }
0xe4: {  	s0 =	simm.s32 @!p0 $0x3  }
0xe5: {  	_ =	swait.ge @!p0 [sflag:s0], s1  }
0xe6: {  	s1 =	ssub.s32 @!p0 $0x0, s1;
	[sflag:s0] =	ssyncset.done @!p0 $0x0  }
0xe7: {  	[sflag:s0] =	ssyncadd.s32 @!p0 s1  }
0xe8: {  	[bflag:$0x3] =	sbarrier.arrive $0xFFFF  }
0xe9: {  	_ =	shalt  }

// kernel: kernel.18.cloned.1.call-start
scs
__scs_entry_jumppad:
0x0: {  	(pc) =	sbr.rel $0x88, $3  }
0x1: {  	(tag) =	ssettag $0x0;
	lr =	simm.s32 $0x1  }
0x2: {  	[smem:$0x3F91] =	sst lr;
	_ =	strace $0xD0000000  }
0x3: {  	_ = 	snop  }
0x4: {  	_ = 	snop  }
0x5: {  	_ = 	snop  }
0x6: {  	_ = 	snop  }
0x7: {  	_ = 	snop  }
__scs_overlays_trampoline_lowered:
0x8: {  	[smem:$0x3FA0] =	sst s0  }
0x9: {  	[smem:$0x3FA1] =	sst s1  }
0xa: {  	[smem:$0x3FA2] =	sst s2  }
0xb: {  	[smem:$0x3FA3] =	sst s3  }
0xc: {  	[smem:$0x3FA4] =	sst s4  }
0xd: {  	[smem:$0x3FA5] =	sst s5  }
0xe: {  	[smem:$0x3FA6] =	sst s6  }
0xf: {  	[smem:$0x3FA7] =	sst s7  }
0x10: {  	[smem:$0x3FA8] =	sst s8  }
0x11: {  	[smem:$0x3FA9] =	sst s9;
	s0 =	simm.s32 @!p0 $0x0  }
0x12: {  	s1 =	sld [smem:$0x3F8F];
	s0 =	simm.s32 @p0 $0x1  }
0x13: {  	[smem:$0x3FAA] =	sst s0;
	s0 =	simm.s32 @!p1 $0x0  }
0x14: {  	s2 =	sld [smem:$0x3F8E];
	s0 =	simm.s32 @p1 $0x1  }
0x15: {  	[smem:$0x3FAB] =	sst s0;
	s0 =	simm.s32 @!p2 $0x0  }
0x16: {  	s3 =	sld [smem:$0x3FDB];
	s0 =	simm.s32 @p2 $0x1  }
0x17: {  	s4 =	simm.s32 $0x1BF5;
	[smem:$0x3FAD] =	sst s0  }
0x18: {  	s0 =	sld [smem:$0x3F90];
	_ =	swait.ge [sflag:s4], $0x0  }
0x19: {  	s7 =	sld [smem:$0x3F91]  }
0x1a: {  	s8 =	sadd.s32 $0xFFFFE003, lr  }
0x1b: {  	s9 =	sadd.s32 $0xFFFFFEF7, lr;
	s5 =	simm.s32 $0xFFFFFFFF;
	p2 =	slt.u32 s8, $0xFFFFF086  }
0x1c: {  	p1 =	slt.u32 s9, $0xF7A;
	s5 =	simm.s32 @!p2 $0x0  }
0x1d: {  	s5 =	simm.s32 @p1 $0x1;
	p0 =	seq.s32 s7, s2  }
0x1e: {  	s7 =	smul.u32 @!p0 $0xF7A, s2;
	p2 =	seq.s32 @!p0 s5, $0x0  }
0x1f: {  	s9 =	smul.u32 $0xF7A, s1;
	s8 =	simm.s32 @!p0 $0x1BF5;
	p2 =	por !p2, p0  }
0x20: {  	[sflag:s8] =	ssyncset.s32 @!p0 $0xFFFFF086;
	s6 =	sadd.s32 @!p0 s3, s7;
	s7 =	simm.s32 @!p0 $0x108  }
0x21: {  	s3 =	sadd.s32 s3, s9;
	s6 =	sadd.s32 @!p0 $0x88, s6;
	s7 =	simm.s32 @p2 $0x1082  }
0x22: {  	[simem:s7], [sflag:s8] =	dma.local @!p0 [hbm:s6], $0xF7A  }
0x23: {  	s9 =	sor.u32 $0xD0000000, s2;
	s6 =	simm.s32 $0x108;
	_ =	swait.ge @!p0 [sflag:s8], $0x0  }
0x24: {  	s3 =	sadd.s32 $0x88, s3;
	s6 =	simm.s32 @!p1 $0x1082;
	[sflag:s4] =	ssyncset.s32 $0xFFFFF086  }
0x25: {  	[simem:s6], [sflag:s4] =	dma.local [hbm:s3], $0xF7A  }
0x26: {  	[smem:$0x3F91] =	sst s1;
	(tag) =	ssettag s2;
	_ =	strace s9  }
0x27: {  	s1 =	sld [smem:$0x3FA1]  }
0x28: {  	s2 =	sld [smem:$0x3FA2]  }
0x29: {  	s4 =	sld [smem:$0x3FA4]  }
0x2a: {  	p0 =	seq.s32 s5, $0x0;
	s5 =	sld [smem:$0x3FA5]  }
0x2b: {  	s6 =	sld [smem:$0x3FA6]  }
0x2c: {  	s7 =	sld [smem:$0x3FA7]  }
0x2d: {  	s3 =	simm.s32 $0x108;
	s8 =	sld [smem:$0x3FA8]  }
0x2e: {  	s3 =	simm.s32 @!p0 $0x1082;
	s9 =	sld [smem:$0x3FA9]  }
0x2f: {  	lr =	sadd.s32 s0, s3;
	s0 =	sld [smem:$0x3FA0]  }
0x30: {  	s3 =	sld [smem:$0x3FA3]  }
0x31: {  	[smem:$0x3FAC] =	sst s10  }
0x32: {  	s10 =	sld [smem:$0x3FAA];
	_ =	sdelay $0x3  }
0x33: {  	p0 =	seq.s32 s10, $0x1;
	s10 =	sld [smem:$0x3FAC];
	_ =	sdelay $0x3  }
0x34: {  	[smem:$0x3FAC] =	sst s10  }
0x35: {  	s10 =	sld [smem:$0x3FAB];
	_ =	sdelay $0x3  }
0x36: {  	p1 =	seq.s32 s10, $0x1;
	s10 =	sld [smem:$0x3FAC];
	_ =	sdelay $0x3  }
0x37: {  	[smem:$0x3FAC] =	sst s10  }
0x38: {  	s10 =	sld [smem:$0x3FAD]  }
0x39: {  	_ = 	snop;
	(pc) =	sbr.ind lr, $3  }
0x3a: {  	_ = 	snop  }
0x3b: {  	_ = 	snop  }
0x3c: {  	p2 =	seq.s32 s10, $0x1;
	s10 =	sld [smem:$0x3FAC]  }
0x3d: {  	_ =	shalt  }
0x3e: {  	_ =	shalt  }
0x3f: {  	_ =	shalt  }
0x40: {  	_ =	shalt  }
0x41: {  	_ =	shalt  }
0x42: {  	_ =	shalt  }
0x43: {  	_ =	shalt  }
0x44: {  	_ =	shalt  }
0x45: {  	_ =	shalt  }
0x46: {  	_ =	shalt  }
0x47: {  	_ =	shalt  }
0x48: {  	_ =	shalt  }
0x49: {  	_ =	shalt  }
0x4a: {  	_ =	shalt  }
0x4b: {  	_ =	shalt  }
0x4c: {  	_ =	shalt  }
0x4d: {  	_ =	shalt  }
0x4e: {  	_ =	shalt  }
0x4f: {  	_ =	shalt  }
0x50: {  	_ =	shalt  }
0x51: {  	_ =	shalt  }
0x52: {  	_ =	shalt  }
0x53: {  	_ =	shalt  }
0x54: {  	_ =	shalt  }
0x55: {  	_ =	shalt  }
0x56: {  	_ =	shalt  }
0x57: {  	_ =	shalt  }
0x58: {  	_ =	shalt  }
0x59: {  	_ =	shalt  }
0x5a: {  	_ =	shalt  }
0x5b: {  	_ =	shalt  }
0x5c: {  	_ =	shalt  }
0x5d: {  	_ =	shalt  }
0x5e: {  	_ =	shalt  }
0x5f: {  	_ =	shalt  }
0x60: {  	_ =	shalt  }
0x61: {  	_ =	shalt  }
0x62: {  	_ =	shalt  }
0x63: {  	_ =	shalt  }
0x64: {  	_ =	shalt  }
0x65: {  	_ =	shalt  }
0x66: {  	_ =	shalt  }
0x67: {  	_ =	shalt  }
0x68: {  	_ =	shalt  }
0x69: {  	_ =	shalt  }
0x6a: {  	_ =	shalt  }
0x6b: {  	_ =	shalt  }
0x6c: {  	_ =	shalt  }
0x6d: {  	_ =	shalt  }
0x6e: {  	_ =	shalt  }
0x6f: {  	_ =	shalt  }
0x70: {  	_ =	shalt  }
0x71: {  	_ =	shalt  }
0x72: {  	_ =	shalt  }
0x73: {  	_ =	shalt  }
0x74: {  	_ =	shalt  }
0x75: {  	_ =	shalt  }
0x76: {  	_ =	shalt  }
0x77: {  	_ =	shalt  }
0x78: {  	_ =	shalt  }
0x79: {  	_ =	shalt  }
0x7a: {  	_ =	shalt  }
0x7b: {  	_ =	shalt  }
0x7c: {  	_ =	shalt  }
0x7d: {  	_ =	shalt  }
0x7e: {  	_ =	shalt  }
0x7f: {  	_ =	shalt  }
0x80: {  	_ =	shalt  }
0x81: {  	_ =	shalt  }
0x82: {  	_ =	shalt  }
0x83: {  	_ =	shalt  }
0x84: {  	_ =	shalt  }
0x85: {  	_ =	shalt  }
0x86: {  	_ =	shalt  }
0x87: {  	_ =	shalt  }
.Lfunc_end0:
.L_simem_size_0:
called_computation.3_lowered:
.L_overlay_start_0:
0x88: {  	s2 =	sld [smem:$0x3FD9]  }
0x89: {  	s3 =	sld [smem:$0x3FFE];
	_ =	sdelay $0x1  }
0x8a: {  	s1 =	srdreg.scid  }
0x8b: {  	s0 =	sand.u32 $0x1, s1  }
0x8c: {  	s17 =	sshll.u32 s0, $0xA;
	s2 =	sadd.s32 s3, s2  }
0x8d: {  	s2 =	sadd.s32 s2, s17  }
0x8e: {  	[smem:$0x3FB8] =	sst s2  }
0x8f: {  	_ = 	snop  }
0x90: {  	(tm) =	ssettm $0x1  }
0x91: {  	s18 =	sld [smem:$0x3FFB];
	_ =	sdelay $0x3  }
0x92: {  	_ =	strace s18  }
0x93: {  	s2 =	sld [smem:$0x3FFC];
	_ =	sdelay $0x3  }
0x94: {  	_ =	strace s2  }
0x95: {  	s2 =	sld [smem:$0x3FFD];
	_ =	sdelay $0x3  }
0x96: {  	_ =	strace s2  }
0x97: {  	_ =	strace $0x8FFFFFFF  }
0x98: {  	s19 =	sld [smem:$0x3FDB];
	_ =	sdelay $0x1  }
0x99: {  	s20 =	simm.s32 $_scs_section_size  }
0x9a: {  	s4 =	simm.s32 $_size__tile_overlayer_lowered;
	s5 =	simm.s32 $_tile_overlayer_lowered  }
0x9b: {  	s6 =	simm.s32 $0x1BFF;
	s21 =	sshll.u32 s5, $0x1;
	s3 =	sadd.s32 s20, s19  }
0x9c: {  	s22 =	simm.s32 $0x0;
	s4 =	sshll.u32 s4, $0x1;
	s5 =	sadd.s32 s21, s3  }
0x9d: {  	[timem:s22], [sflag:s6] =	dma.local [hbm:s5], s4  }
0x9e: {  	_ =	swait.ge [sflag:s6], s4  }
0x9f: {  	s4 =	ssub.s32 $0x0, s4;
	[sflag:s6] =	ssyncset.done $0x0  }
0xa0: {  	[sflag:s6] =	ssyncadd.s32 s4;
	_ =	sdelay $0x1  }
0xa1: {  	s23 =	simm.s32 $0x1B8B  }
0xa2: {  	_ =	swait.ge [sflag:s23], $0x1  }
0xa3: {  	[sflag:s23] =	ssyncset.done $0x0  }
0xa4: {  	[sflag:s23] =	ssyncadd.s32 $0xFFFFFFFF  }
0xa5: {  	s4 =	sld [smem:$0x0]  }
0xa6: {  	s5 =	sand.u32 $0xFFFFFFFE, s1  }
0xa7: {  	p0 =	sne.s32 s1, s5  }
0xa8: {  	s5 =	sshll.u32 @p0 s5, $0xE  }
0xa9: {  	s5 =	sadd.s32 @p0 $0x11B8D, s5;
	s6 =	sshll.u32 @p0 s4, $0x11  }
0xaa: {  	s5 =	sor.u32 @p0 s6, s5  }
0xab: {  	[sflag:s5] =	ssyncadd.remote.s32 @p0 $0x1;
	_ =	sdelay $0x1  }
0xac: {  	s5 =	simm.s32 @p0 $0x1B8D  }
0xad: {  	_ =	swait.eq @p0 [sflag:s5], $0x1  }
0xae: {  	[sflag:s5] =	ssyncadd.s32 @p0 $0xFFFFFFFF  }
0xaf: {  	s6 =	sshll.u32 @!p0 s1, $0xE  }
0xb0: {  	s6 =	sor.u32 @!p0 $0x4000, s6;
	s5 =	simm.s32 @!p0 $0x1B8D  }
0xb1: {  	s4 =	sshll.u32 @!p0 s4, $0x11;
	s6 =	sadd.s32 @!p0 $0x11B8D, s6;
	_ =	swait.eq @!p0 [sflag:s5], $0x1  }
0xb2: {  	s4 =	sor.u32 @!p0 s4, s6;
	[sflag:s5] =	ssyncadd.s32 @!p0 $0xFFFFFFFF  }
0xb3: {  	s25 =	simm.s32 $0x1B8E;
	s24 =	sld [smem:$0x3FFE];
	[sflag:s4] =	ssyncadd.remote.s32 @!p0 $0x1  }
0xb4: {  	s26 =	simm.s32 $execute0_lowered;
	[smem:$0x3FD2] =	sst s25  }
0xb5: {  	s5 =	sshll.u32 s26, $0x1;
	_ =	strace $0x8000004F;
	[dreg:$0x1] =	wrdreg $0xFFFFFFFF  }
0xb6: {  	s28 =	simm.s32 $_size_execute0_lowered;
	s3 =	sadd.s32 s3, s5;
	[dreg:$0x0] =	wrdreg $0x0  }
0xb7: {  	s5 =	sshll.u32 s28, $0x1;
	[dreg:$0x2] =	wrdreg s3  }
0xb8: {  	[dreg:$0x3] =	wrdreg s5  }
0xb9: {  	[dreg:$0x4] =	wrdreg $0xC0  }
0xba: {  	_ =	task [dreg:s22], $0x5FFFF  }
0xbb: {  	[dreg:$0x1] =	wrdreg $0xFFFFFFFF  }
0xbc: {  	[dreg:$0x0] =	wrdreg $0x60  }
0xbd: {  	[dreg:$0x2] =	wrdreg s24  }
0xbe: {  	[dreg:$0x3] =	wrdreg $0x0  }
0xbf: {  	[dreg:$0x4] =	wrdreg $0xA  }
0xc0: {  	_ =	task.clear_ibuf [dreg:s22], $0x5FFFF;
	_ =	strace $0x9000004F  }
0xc1: {  	s29 =	simm.s32 $0xA;
	_ =	strace $0x80000051  }
0xc2: {  	_ =	swait.ge [sflag:s29], $0x1  }
0xc3: {  	[sflag:s29] =	ssyncadd.s32 $0xFFFFFFFF  }
0xc4: {  	_ =	strace $0x90000051  }
0xc5: {  	_ =	sfence  }
0xc6: {  	s30 =	sld [smem:$0x0];
	_ =	sdelay $0x2  }
0xc7: {  	s31 =	sshll.u32 s1, $0xD;
	s1 =	sshrl.u32 s1, $0x2  }
0xc8: {  	s4 =	sand.u32 $0x4000, s31;
	s1 =	sadd.s32 s1, s30  }
0xc9: {  	s0 =	sor.u32 s4, s0;
	s1 =	sshll.u32 s1, $0x11  }
0xca: {  	s0 =	sor.u32 s1, s0  }
0xcb: {  	s0 =	sadd.s32 $0x8F2B, s0  }
0xcc: {  	[sflag:s0] =	ssyncadd.remote.s32 $0x1  }
0xcd: {  	_ =	sfence.sel $0xFFFF  }
0xce: {  	[dreg:$0x0] =	wrdreg $0xFFFFFFFF;
	(pc) =	sbr.abs _section_cstart, $3  }
0xcf: {  	[dreg:$0x1] =	wrdreg $0xFFFFFFFF  }
0xd0: {  	_ =	task.clear_ibuf [dreg:s22], $0x2FFFF;
	_ =	strace $0x9FFFFFFF  }
0xd1: {  	(tm) =	ssettm $0x7FFFFFFF  }
tec
execute0_lowered:
.L_overlay_start_1:
0x0: {  	(tag) =	ssettag $0x1  }
0x1: {  	s0 =	rddreg [dreg:$0x0];
	s4 =	stileid.u32  }
0x2: {  	s3 =	srdreg.scid;
	s2 =	rddreg [dreg:$0x1];
	s28 =	simm.s32 $0x14100  }
0x3: {  	s29 =	simm.s32 $0x14500;
	s30 =	simm.s32 $0x3;
	s31 =	simm.s32 $0x14180  }
0x4: {  	s10 =	simm.s32 $0x14280;
	s11 =	simm.s32 $0x14680;
	s1 =	smul.u32 $0xA00, s4  }
0x5: {  	s12 =	simm.s32 $0x14300;
	s14 =	simm.s32 $0x14700;
	s6 =	smul.u32 $0x280, s4  }
0x6: {  	s5 =	sand.u32 $0x1, s3;
	s3 =	simm.s32 $0x0;
	s8 =	smul.u32 $0x50000, s4  }
0x7: {  	s4 =	sadd.s32 $0x145600, s0;
	s7 =	smul.u32 $0x2800, s5;
	[smem:$0x7FF] =	sst s3  }
0x8: {  	s16 =	ssub.s32 $0x2, s5;
	s5 =	smul.u32 $0x500, s5;
	_ =	strace $0x80000050  }
0x9: {  	s1 =	sadd.s32 s1, s0;
	s15 =	sshrl.u32 s8, $0x2;
	s17 =	sshrl.u32 s16, $0x1  }
0xa: {  	s8 =	simm.s32 $0x0;
	s6 =	sadd.s32 s6, s7;
	s7 =	sadd.s32 s15, s2  }
0xb: {  	s1 =	sadd.s32 s5, s1;
	s9 =	sadd.s32 $0x8000, s7;
	[dreg:$0x4] =	wrdreg s7  }
0xc: {  	s15 =	simm.s32 $0x14380;
	s18 =	sadd.s32 $0xC000, s7;
	[dreg:$0x6] =	wrdreg s9  }
0xd: {  	s6 =	sshll.u32 s6, $0x4;
	s24 =	sadd.s32 $0x10000, s7;
	[dreg:$0x7] =	wrdreg s18  }
0xe: {  	s23 =	sadd.s32 $0x4000, s7;
	s25 =	sadd.s32 $0xEB600, s1;
	[dreg:$0xc] =	wrdreg s24  }
0xf: {  	s0 =	sadd.s32 s6, s0;
	s6 =	ssub.s32 s16, s17;
	[dreg:$0x3] =	wrdreg s25  }
0x10: {  	s16 =	sadd.s32 $0xE1600, s1;
	[dreg:$0x5] =	wrdreg s23;
	s19 =	sadd.s32 $0x209600, s0  }
0x11: {  	s17 =	simm.s32 $0x14800;
	s20 =	sadd.s32 $0x209E00, s0;
	[dreg:$0x8] =	wrdreg s19  }
0x12: {  	s18 =	simm.s32 $0x4;
	s21 =	sadd.s32 $0x20A600, s0;
	[dreg:$0x9] =	wrdreg s20  }
0x13: {  	s24 =	simm.s32 $0x18800;
	s22 =	sadd.s32 $0x20AE00, s0;
	[dreg:$0xa] =	wrdreg s21  }
0x14: {  	s25 =	simm.s32 $0x14480;
	s0 =	sadd.s32 $0x20B600, s0;
	[dreg:$0xb] =	wrdreg s22  }
0x15: {  	s1 =	simm.s32 $0x14580;
	s26 =	smax.u32 s6, $0x1;
	[dreg:$0xd] =	wrdreg s0  }
0x16: {  	s9 =	simm.s32 $0x14600;
	s6 =	simm.s32 $0x14780;
	[dreg:$0xe] =	wrdreg s26  }
0x17: {  	s19 =	simm.s32 $0x14000;
	s20 =	simm.s32 $0x14400;
	s21 =	simm.s32 $0x80  }
0x18: {  	v0 =	vimm.f32 $0.0e+00;
	s22 =	simm.s32 $0x1;
	s26 =	simm.s32 $0x2;
	s0 =	simm.s32 $0x14200  }
.LBB2_1:
0x19: {  	[dreg:$0xf] =	wrdreg s8;
	s8 =	simm.s32 $0x0;
	s13 =	simm.s32 $0x200  }
.LBB2_2:
0x1a: {  	p0 =	sne.s32 s13, $0xFE00;
	[tilespmem:s8+$0x14870] =	vst v0  }
0x1b: {  	[tilespmem:s8+$0x14800] =	vst v0  }
0x1c: {  	[tilespmem:s8+$0x14810] =	vst v0  }
.Ltmp0:
0x1d: {  	[tilespmem:s8+$0x14820] =	vst v0;
	(pc) =	sbr.rel @p0 .LBB2_2-.Ltmp0, $4  }
0x1e: {  	[tilespmem:s8+$0x14830] =	vst v0  }
0x1f: {  	[tilespmem:s8+$0x14840] =	vst v0  }
0x20: {  	[tilespmem:s8+$0x14850] =	vst v0  }
0x21: {  	[tilespmem:s8+$0x14860] =	vst v0;
	s8 =	sshra.s32 s13, $0x2;
	s13 =	sadd.s32 $0x200, s13  }
0x22: {  	[tilespmem:s8+$0x14870] =	vst v0  }
0x23: {  	[tilespmem:s8+$0x14800] =	vst v0  }
0x24: {  	[tilespmem:s8+$0x14810] =	vst v0  }
0x25: {  	[tilespmem:s8+$0x14820] =	vst v0  }
0x26: {  	[tilespmem:s8+$0x14830] =	vst v0  }
0x27: {  	[tilespmem:s8+$0x14840] =	vst v0  }
0x28: {  	[tilespmem:s8+$0x14850] =	vst v0  }
0x29: {  	[tilespmem:s8+$0x14860] =	vst v0  }
0x2a: {  	[spmem:s7] =	stream.linear.scatter [tilespmem:s17], [sflag:$0x4], $0x4000, $0x38;
	[tilespmem:$0x1C800] =	vst v63  }
0x2b: {  	_ =	swait.ge [sflag:s18], $0x4000  }
0x2c: {  	[sflag:s18] =	ssyncset.done $0x0  }
0x2d: {  	[sflag:s18] =	ssyncadd.s32 $0xFFFFC000  }
0x2e: {  	[spmem:s23] =	stream.linear.scatter [tilespmem:s17], [sflag:$0x4], $0x4000, $0x38;
	[tilespmem:$0x1C800] =	vst v63  }
0x2f: {  	_ =	swait.ge [sflag:s18], $0x4000  }
0x30: {  	[sflag:s18] =	ssyncset.done $0x0  }
0x31: {  	s5 =	rddreg [dreg:$0x6];
	[sflag:s18] =	ssyncadd.s32 $0xFFFFC000  }
0x32: {  	[spmem:s5] =	stream.linear.scatter [tilespmem:s17], [sflag:$0x4], $0x4000, $0x38;
	[tilespmem:$0x1C800] =	vst v63  }
0x33: {  	_ =	swait.ge [sflag:s18], $0x4000  }
0x34: {  	[sflag:s18] =	ssyncset.done $0x0  }
0x35: {  	s23 =	rddreg [dreg:$0x7];
	[sflag:s18] =	ssyncadd.s32 $0xFFFFC000  }
0x36: {  	[spmem:s23] =	stream.linear.scatter [tilespmem:s17], [sflag:$0x4], $0x4000, $0x38;
	[tilespmem:$0x1C800] =	vst v63  }
0x37: {  	_ =	swait.ge [sflag:s18], $0x4000  }
0x38: {  	[sflag:s18] =	ssyncset.done $0x0  }
0x39: {  	s7 =	rddreg [dreg:$0xc];
	[sflag:s18] =	ssyncadd.s32 $0xFFFFC000  }
0x3a: {  	[spmem:s7] =	stream.linear.scatter [tilespmem:s17], [sflag:$0x4], $0x4000, $0x38;
	[tilespmem:$0x1C800] =	vst v63  }
0x3b: {  	_ =	swait.ge [sflag:s18], $0x4000  }
0x3c: {  	[sflag:s18] =	ssyncset.done $0x0  }
0x3d: {  	[sflag:s18] =	ssyncadd.s32 $0xFFFFC000  }
0x3e: {  	s8 =	sadd.s32 $0x0, s16;
	[bflag:$0x0] =	sbarrier.arrive $0xFFFF  }
0x3f: {  	[tilespmem:s19], [sflag:$0x4] =	stream.linear.gather [hbm4b:s8+s3], $0x400, $0x38;
	[tilespmem:$0x1C800] =	vst v63  }
0x40: {  	_ =	swait.ge [sflag:s18], $0x400  }
0x41: {  	s13 =	rddreg [dreg:$0x3];
	[sflag:s18] =	ssyncset.done $0x0  }
0x42: {  	[sflag:s18] =	ssyncadd.s32 $0xFFFFFC00;
	s5 =	sadd.s32 $0x0, s13  }
0x43: {  	[tilespmem:s20], [sflag:$0x4] =	stream.linear.gather [hbm4b:s5+s3], $0x400, $0x38;
	[tilespmem:$0x1C800] =	vst v63  }
0x44: {  	_ =	swait.ge [sflag:s18], $0x400  }
0x45: {  	[sflag:s18] =	ssyncset.done $0x0  }
0x46: {  	[sflag:s18] =	ssyncadd.s32 $0xFFFFFC00  }
0x47: {  	[tilespmem:s17], [sflag:$0x1] =	stream.indirect.gather [hbm4b:s4+s21], $0x80, s19, s21, $0xb8;
	[tilespmem:$0x1C800] =	vst v63  }
0x48: {  	_ =	swait.ge [sflag:s22], $0x4000  }
0x49: {  	[sflag:s22] =	ssyncset.done $0x0  }
0x4a: {  	[sflag:s22] =	ssyncadd.s32 $0xFFFFC000  }
0x4b: {  	[spmem:s2] =	stream.indirect.scatter.add.f32 [tilespmem:s17], [sflag:$0x2], $0x80, s20, s21, $0xb8;
	[tilespmem:$0x1C800] =	vst v63  }
0x4c: {  	s23 =	simm.s32 $0x14080  }
0x4d: {  	[tilespmem:s24], [sflag:$0x1] =	stream.indirect.gather [hbm4b:s4+s21], $0x80, s23, s21, $0xb8;
	[tilespmem:$0x1C800] =	vst v63  }
0x4e: {  	_ =	swait.ge [sflag:s22], $0x4000  }
0x4f: {  	[sflag:s22] =	ssyncset.done $0x0  }
0x50: {  	[sflag:s22] =	ssyncadd.s32 $0xFFFFC000  }
0x51: {  	[spmem:s2] =	stream.indirect.scatter.add.f32 [tilespmem:s24], [sflag:$0x3], $0x80, s25, s21, $0xb8;
	[tilespmem:$0x1C800] =	vst v63  }
0x52: {  	_ =	swait.ge [sflag:s26], $0x4000  }
0x53: {  	[sflag:s26] =	ssyncset.done $0x0  }
0x54: {  	[sflag:s26] =	ssyncadd.s32 $0xFFFFC000  }
0x55: {  	[tilespmem:s17], [sflag:$0x1] =	stream.indirect.gather [hbm4b:s4+s21], $0x80, s28, s21, $0xb8;
	[tilespmem:$0x1C800] =	vst v63  }
0x56: {  	_ =	swait.ge [sflag:s22], $0x4000  }
0x57: {  	[sflag:s22] =	ssyncset.done $0x0  }
0x58: {  	[sflag:s22] =	ssyncadd.s32 $0xFFFFC000  }
0x59: {  	[spmem:s2] =	stream.indirect.scatter.add.f32 [tilespmem:s17], [sflag:$0x2], $0x80, s29, s21, $0xb8;
	[tilespmem:$0x1C800] =	vst v63  }
0x5a: {  	_ =	swait.ge [sflag:s30], $0x4000  }
0x5b: {  	[sflag:s30] =	ssyncset.done $0x0  }
0x5c: {  	[sflag:s30] =	ssyncadd.s32 $0xFFFFC000  }
0x5d: {  	[tilespmem:s24], [sflag:$0x1] =	stream.indirect.gather [hbm4b:s4+s21], $0x80, s31, s21, $0xb8;
	[tilespmem:$0x1C800] =	vst v63  }
0x5e: {  	_ =	swait.ge [sflag:s22], $0x4000  }
0x5f: {  	[sflag:s22] =	ssyncset.done $0x0  }
0x60: {  	[sflag:s22] =	ssyncadd.s32 $0xFFFFC000  }
0x61: {  	[spmem:s2] =	stream.indirect.scatter.add.f32 [tilespmem:s24], [sflag:$0x3], $0x80, s1, s21, $0xb8;
	[tilespmem:$0x1C800] =	vst v63  }
0x62: {  	_ =	swait.ge [sflag:s26], $0x4000  }
0x63: {  	[sflag:s26] =	ssyncset.done $0x0  }
0x64: {  	[sflag:s26] =	ssyncadd.s32 $0xFFFFC000  }
0x65: {  	[tilespmem:s17], [sflag:$0x1] =	stream.indirect.gather [hbm4b:s4+s21], $0x80, s0, s21, $0xb8;
	[tilespmem:$0x1C800] =	vst v63  }
0x66: {  	_ =	swait.ge [sflag:s22], $0x4000  }
0x67: {  	[sflag:s22] =	ssyncset.done $0x0  }
0x68: {  	[sflag:s22] =	ssyncadd.s32 $0xFFFFC000  }
0x69: {  	[spmem:s2] =	stream.indirect.scatter.add.f32 [tilespmem:s17], [sflag:$0x2], $0x80, s9, s21, $0xb8;
	[tilespmem:$0x1C800] =	vst v63  }
0x6a: {  	_ =	swait.ge [sflag:s30], $0x4000  }
0x6b: {  	[sflag:s30] =	ssyncset.done $0x0  }
0x6c: {  	[sflag:s30] =	ssyncadd.s32 $0xFFFFC000  }
0x6d: {  	[tilespmem:s24], [sflag:$0x1] =	stream.indirect.gather [hbm4b:s4+s21], $0x80, s10, s21, $0xb8;
	[tilespmem:$0x1C800] =	vst v63  }
0x6e: {  	_ =	swait.ge [sflag:s22], $0x4000  }
0x6f: {  	[sflag:s22] =	ssyncset.done $0x0  }
0x70: {  	[sflag:s22] =	ssyncadd.s32 $0xFFFFC000  }
0x71: {  	[spmem:s2] =	stream.indirect.scatter.add.f32 [tilespmem:s24], [sflag:$0x3], $0x80, s11, s21, $0xb8;
	[tilespmem:$0x1C800] =	vst v63  }
0x72: {  	_ =	swait.ge [sflag:s26], $0x4000  }
0x73: {  	[sflag:s26] =	ssyncset.done $0x0  }
0x74: {  	[sflag:s26] =	ssyncadd.s32 $0xFFFFC000  }
0x75: {  	[tilespmem:s17], [sflag:$0x1] =	stream.indirect.gather [hbm4b:s4+s21], $0x80, s12, s21, $0xb8;
	[tilespmem:$0x1C800] =	vst v63  }
0x76: {  	_ =	swait.ge [sflag:s22], $0x4000  }
0x77: {  	[sflag:s22] =	ssyncset.done $0x0  }
0x78: {  	[sflag:s22] =	ssyncadd.s32 $0xFFFFC000  }
0x79: {  	[spmem:s2] =	stream.indirect.scatter.add.f32 [tilespmem:s17], [sflag:$0x2], $0x80, s14, s21, $0xb8;
	[tilespmem:$0x1C800] =	vst v63  }
0x7a: {  	_ =	swait.ge [sflag:s30], $0x4000  }
0x7b: {  	[sflag:s30] =	ssyncset.done $0x0  }
0x7c: {  	[sflag:s30] =	ssyncadd.s32 $0xFFFFC000  }
0x7d: {  	[tilespmem:s24], [sflag:$0x1] =	stream.indirect.gather [hbm4b:s4+s21], $0x80, s15, s21, $0xb8;
	[tilespmem:$0x1C800] =	vst v63  }
0x7e: {  	_ =	swait.ge [sflag:s22], $0x4000  }
0x7f: {  	[sflag:s22] =	ssyncset.done $0x0  }
0x80: {  	[sflag:s22] =	ssyncadd.s32 $0xFFFFC000  }
0x81: {  	[spmem:s2] =	stream.indirect.scatter.add.f32 [tilespmem:s24], [sflag:$0x3], $0x80, s6, s21, $0xb8;
	[tilespmem:$0x1C800] =	vst v63  }
0x82: {  	_ =	swait.ge [sflag:s26], $0x4000  }
0x83: {  	[sflag:s26] =	ssyncset.done $0x0  }
0x84: {  	[sflag:s26] =	ssyncadd.s32 $0xFFFFC000  }
0x85: {  	_ =	swait.ge [sflag:s30], $0x4000  }
0x86: {  	s8 =	simm.s32 $0x80;
	s13 =	simm.s32 $0x100;
	[sflag:s30] =	ssyncset.done $0x0  }
.LBB2_4:
0x87: {  	s7 =	sadd.s32 s8, s16;
	[sflag:s30] =	ssyncadd.s32 $0xFFFFC000  }
0x88: {  	[tilespmem:s19], [sflag:$0x4] =	stream.linear.gather [hbm4b:s7+s3], $0x400, $0x38;
	[tilespmem:$0x1C800] =	vst v63  }
0x89: {  	s23 =	smov.u32 s13;
	s5 =	sadd.s32 $0x80, s13;
	_ =	swait.ge [sflag:s18], $0x400  }
0x8a: {  	p0 =	sne.s32 s13, $0x480;
	s13 =	rddreg [dreg:$0x3];
	[sflag:s18] =	ssyncset.done $0x0  }
0x8b: {  	[sflag:s18] =	ssyncadd.s32 $0xFFFFFC00;
	s7 =	sadd.s32 s8, s13  }
0x8c: {  	[tilespmem:s20], [sflag:$0x4] =	stream.linear.gather [hbm4b:s7+s3], $0x400, $0x38;
	[tilespmem:$0x1C800] =	vst v63  }
0x8d: {  	_ =	swait.ge [sflag:s18], $0x400  }
0x8e: {  	[sflag:s18] =	ssyncset.done $0x0  }
0x8f: {  	[sflag:s18] =	ssyncadd.s32 $0xFFFFFC00  }
0x90: {  	[tilespmem:s17], [sflag:$0x1] =	stream.indirect.gather [hbm4b:s4+s21], $0x80, s19, s21, $0xb8;
	[tilespmem:$0x1C800] =	vst v63  }
0x91: {  	_ =	swait.ge [sflag:s22], $0x4000  }
0x92: {  	[sflag:s22] =	ssyncset.done $0x0  }
0x93: {  	[sflag:s22] =	ssyncadd.s32 $0xFFFFC000  }
0x94: {  	[spmem:s2] =	stream.indirect.scatter.add.f32 [tilespmem:s17], [sflag:$0x2], $0x80, s20, s21, $0xb8;
	[tilespmem:$0x1C800] =	vst v63  }
0x95: {  	s7 =	simm.s32 $0x14080  }
0x96: {  	[tilespmem:s24], [sflag:$0x1] =	stream.indirect.gather [hbm4b:s4+s21], $0x80, s7, s21, $0xb8;
	[tilespmem:$0x1C800] =	vst v63  }
0x97: {  	_ =	swait.ge [sflag:s22], $0x4000  }
0x98: {  	[sflag:s22] =	ssyncset.done $0x0  }
0x99: {  	[sflag:s22] =	ssyncadd.s32 $0xFFFFC000  }
0x9a: {  	[spmem:s2] =	stream.indirect.scatter.add.f32 [tilespmem:s24], [sflag:$0x3], $0x80, s25, s21, $0xb8;
	[tilespmem:$0x1C800] =	vst v63  }
0x9b: {  	_ =	swait.ge [sflag:s26], $0x4000  }
0x9c: {  	[sflag:s26] =	ssyncset.done $0x0  }
0x9d: {  	[sflag:s26] =	ssyncadd.s32 $0xFFFFC000  }
0x9e: {  	[tilespmem:s17], [sflag:$0x1] =	stream.indirect.gather [hbm4b:s4+s21], $0x80, s28, s21, $0xb8;
	[tilespmem:$0x1C800] =	vst v63  }
0x9f: {  	_ =	swait.ge [sflag:s22], $0x4000  }
0xa0: {  	[sflag:s22] =	ssyncset.done $0x0  }
0xa1: {  	[sflag:s22] =	ssyncadd.s32 $0xFFFFC000  }
0xa2: {  	[spmem:s2] =	stream.indirect.scatter.add.f32 [tilespmem:s17], [sflag:$0x2], $0x80, s29, s21, $0xb8;
	[tilespmem:$0x1C800] =	vst v63  }
0xa3: {  	_ =	swait.ge [sflag:s30], $0x4000  }
0xa4: {  	[sflag:s30] =	ssyncset.done $0x0  }
0xa5: {  	[sflag:s30] =	ssyncadd.s32 $0xFFFFC000  }
0xa6: {  	[tilespmem:s24], [sflag:$0x1] =	stream.indirect.gather [hbm4b:s4+s21], $0x80, s31, s21, $0xb8;
	[tilespmem:$0x1C800] =	vst v63  }
0xa7: {  	_ =	swait.ge [sflag:s22], $0x4000  }
0xa8: {  	[sflag:s22] =	ssyncset.done $0x0  }
0xa9: {  	[sflag:s22] =	ssyncadd.s32 $0xFFFFC000  }
0xaa: {  	[spmem:s2] =	stream.indirect.scatter.add.f32 [tilespmem:s24], [sflag:$0x3], $0x80, s1, s21, $0xb8;
	[tilespmem:$0x1C800] =	vst v63  }
0xab: {  	_ =	swait.ge [sflag:s26], $0x4000  }
0xac: {  	[sflag:s26] =	ssyncset.done $0x0  }
0xad: {  	[sflag:s26] =	ssyncadd.s32 $0xFFFFC000  }
0xae: {  	[tilespmem:s17], [sflag:$0x1] =	stream.indirect.gather [hbm4b:s4+s21], $0x80, s0, s21, $0xb8;
	[tilespmem:$0x1C800] =	vst v63  }
0xaf: {  	_ =	swait.ge [sflag:s22], $0x4000  }
0xb0: {  	[sflag:s22] =	ssyncset.done $0x0  }
0xb1: {  	[sflag:s22] =	ssyncadd.s32 $0xFFFFC000  }
0xb2: {  	[spmem:s2] =	stream.indirect.scatter.add.f32 [tilespmem:s17], [sflag:$0x2], $0x80, s9, s21, $0xb8;
	[tilespmem:$0x1C800] =	vst v63  }
0xb3: {  	_ =	swait.ge [sflag:s30], $0x4000  }
0xb4: {  	[sflag:s30] =	ssyncset.done $0x0  }
0xb5: {  	[sflag:s30] =	ssyncadd.s32 $0xFFFFC000  }
0xb6: {  	[tilespmem:s24], [sflag:$0x1] =	stream.indirect.gather [hbm4b:s4+s21], $0x80, s10, s21, $0xb8;
	[tilespmem:$0x1C800] =	vst v63  }
0xb7: {  	_ =	swait.ge [sflag:s22], $0x4000  }
0xb8: {  	[sflag:s22] =	ssyncset.done $0x0  }
0xb9: {  	[sflag:s22] =	ssyncadd.s32 $0xFFFFC000  }
0xba: {  	[spmem:s2] =	stream.indirect.scatter.add.f32 [tilespmem:s24], [sflag:$0x3], $0x80, s11, s21, $0xb8;
	[tilespmem:$0x1C800] =	vst v63  }
0xbb: {  	_ =	swait.ge [sflag:s26], $0x4000  }
0xbc: {  	[sflag:s26] =	ssyncset.done $0x0  }
0xbd: {  	[sflag:s26] =	ssyncadd.s32 $0xFFFFC000  }
0xbe: {  	[tilespmem:s17], [sflag:$0x1] =	stream.indirect.gather [hbm4b:s4+s21], $0x80, s12, s21, $0xb8;
	[tilespmem:$0x1C800] =	vst v63  }
0xbf: {  	_ =	swait.ge [sflag:s22], $0x4000  }
0xc0: {  	[sflag:s22] =	ssyncset.done $0x0  }
0xc1: {  	[sflag:s22] =	ssyncadd.s32 $0xFFFFC000  }
0xc2: {  	[spmem:s2] =	stream.indirect.scatter.add.f32 [tilespmem:s17], [sflag:$0x2], $0x80, s14, s21, $0xb8;
	[tilespmem:$0x1C800] =	vst v63  }
0xc3: {  	_ =	swait.ge [sflag:s30], $0x4000  }
0xc4: {  	[sflag:s30] =	ssyncset.done $0x0  }
0xc5: {  	[sflag:s30] =	ssyncadd.s32 $0xFFFFC000  }
0xc6: {  	[tilespmem:s24], [sflag:$0x1] =	stream.indirect.gather [hbm4b:s4+s21], $0x80, s15, s21, $0xb8;
	[tilespmem:$0x1C800] =	vst v63  }
0xc7: {  	_ =	swait.ge [sflag:s22], $0x4000  }
0xc8: {  	[sflag:s22] =	ssyncset.done $0x0  }
0xc9: {  	[sflag:s22] =	ssyncadd.s32 $0xFFFFC000  }
0xca: {  	[spmem:s2] =	stream.indirect.scatter.add.f32 [tilespmem:s24], [sflag:$0x3], $0x80, s6, s21, $0xb8;
	[tilespmem:$0x1C800] =	vst v63  }
.Ltmp1:
0xcb: {  	_ =	swait.ge [sflag:s26], $0x4000;
	(pc) =	sbr.rel @p0 .LBB2_4-.Ltmp1, $4  }
0xcc: {  	[sflag:s26] =	ssyncset.done $0x0  }
0xcd: {  	[sflag:s26] =	ssyncadd.s32 $0xFFFFC000  }
0xce: {  	_ =	swait.ge [sflag:s30], $0x4000  }
0xcf: {  	s8 =	smov.u32 s23;
	s13 =	smov.u32 s5;
	[sflag:s30] =	ssyncset.done $0x0  }
0xd0: {  	s5 =	sadd.s32 s8, s16;
	[sflag:s30] =	ssyncadd.s32 $0xFFFFC000  }
0xd1: {  	[tilespmem:s19], [sflag:$0x4] =	stream.linear.gather [hbm4b:s5+s3], $0x400, $0x38;
	[tilespmem:$0x1C800] =	vst v63  }
0xd2: {  	_ =	swait.ge [sflag:s18], $0x400  }
0xd3: {  	s23 =	rddreg [dreg:$0x3];
	[sflag:s18] =	ssyncset.done $0x0  }
0xd4: {  	s5 =	sadd.s32 s8, s23;
	[sflag:s18] =	ssyncadd.s32 $0xFFFFFC00  }
0xd5: {  	[tilespmem:s20], [sflag:$0x4] =	stream.linear.gather [hbm4b:s5+s3], $0x400, $0x38;
	[tilespmem:$0x1C800] =	vst v63  }
0xd6: {  	_ =	swait.ge [sflag:s18], $0x400  }
0xd7: {  	[sflag:s18] =	ssyncset.done $0x0  }
0xd8: {  	[sflag:s18] =	ssyncadd.s32 $0xFFFFFC00  }
0xd9: {  	[tilespmem:s17], [sflag:$0x1] =	stream.indirect.gather [hbm4b:s4+s21], $0x80, s19, s21, $0xb8;
	[tilespmem:$0x1C800] =	vst v63  }
0xda: {  	_ =	swait.ge [sflag:s22], $0x4000  }
0xdb: {  	[sflag:s22] =	ssyncset.done $0x0  }
0xdc: {  	[sflag:s22] =	ssyncadd.s32 $0xFFFFC000  }
0xdd: {  	[spmem:s2] =	stream.indirect.scatter.add.f32 [tilespmem:s17], [sflag:$0x2], $0x80, s20, s21, $0xb8;
	[tilespmem:$0x1C800] =	vst v63  }
0xde: {  	_ = 	snop  }
0xdf: {  	[tilespmem:s24], [sflag:$0x1] =	stream.indirect.gather [hbm4b:s4+s21], $0x80, s7, s21, $0xb8;
	[tilespmem:$0x1C800] =	vst v63  }
0xe0: {  	_ =	swait.ge [sflag:s22], $0x4000  }
0xe1: {  	[sflag:s22] =	ssyncset.done $0x0  }
0xe2: {  	[sflag:s22] =	ssyncadd.s32 $0xFFFFC000  }
0xe3: {  	[spmem:s2] =	stream.indirect.scatter.add.f32 [tilespmem:s24], [sflag:$0x3], $0x80, s25, s21, $0xb8;
	[tilespmem:$0x1C800] =	vst v63  }
0xe4: {  	_ =	swait.ge [sflag:s26], $0x4000  }
0xe5: {  	[sflag:s26] =	ssyncset.done $0x0  }
0xe6: {  	[sflag:s26] =	ssyncadd.s32 $0xFFFFC000  }
0xe7: {  	[tilespmem:s17], [sflag:$0x1] =	stream.indirect.gather [hbm4b:s4+s21], $0x80, s28, s21, $0xb8;
	[tilespmem:$0x1C800] =	vst v63  }
0xe8: {  	_ =	swait.ge [sflag:s22], $0x4000  }
0xe9: {  	[sflag:s22] =	ssyncset.done $0x0  }
0xea: {  	[sflag:s22] =	ssyncadd.s32 $0xFFFFC000  }
0xeb: {  	[spmem:s2] =	stream.indirect.scatter.add.f32 [tilespmem:s17], [sflag:$0x2], $0x80, s29, s21, $0xb8;
	[tilespmem:$0x1C800] =	vst v63  }
0xec: {  	_ =	swait.ge [sflag:s30], $0x4000  }
0xed: {  	[sflag:s30] =	ssyncset.done $0x0  }
0xee: {  	[sflag:s30] =	ssyncadd.s32 $0xFFFFC000  }
0xef: {  	[tilespmem:s24], [sflag:$0x1] =	stream.indirect.gather [hbm4b:s4+s21], $0x80, s31, s21, $0xb8;
	[tilespmem:$0x1C800] =	vst v63  }
0xf0: {  	_ =	swait.ge [sflag:s22], $0x4000  }
0xf1: {  	[sflag:s22] =	ssyncset.done $0x0  }
0xf2: {  	[sflag:s22] =	ssyncadd.s32 $0xFFFFC000  }
0xf3: {  	[spmem:s2] =	stream.indirect.scatter.add.f32 [tilespmem:s24], [sflag:$0x3], $0x80, s1, s21, $0xb8;
	[tilespmem:$0x1C800] =	vst v63  }
0xf4: {  	_ =	swait.ge [sflag:s26], $0x4000  }
0xf5: {  	[sflag:s26] =	ssyncset.done $0x0  }
0xf6: {  	[sflag:s26] =	ssyncadd.s32 $0xFFFFC000  }
0xf7: {  	[tilespmem:s17], [sflag:$0x1] =	stream.indirect.gather [hbm4b:s4+s21], $0x80, s0, s21, $0xb8;
	[tilespmem:$0x1C800] =	vst v63  }
0xf8: {  	_ =	swait.ge [sflag:s22], $0x4000  }
0xf9: {  	[sflag:s22] =	ssyncset.done $0x0  }
0xfa: {  	[sflag:s22] =	ssyncadd.s32 $0xFFFFC000  }
0xfb: {  	[spmem:s2] =	stream.indirect.scatter.add.f32 [tilespmem:s17], [sflag:$0x2], $0x80, s9, s21, $0xb8;
	[tilespmem:$0x1C800] =	vst v63  }
0xfc: {  	_ =	swait.ge [sflag:s30], $0x4000  }
0xfd: {  	[sflag:s30] =	ssyncset.done $0x0  }
0xfe: {  	[sflag:s30] =	ssyncadd.s32 $0xFFFFC000  }
0xff: {  	[tilespmem:s24], [sflag:$0x1] =	stream.indirect.gather [hbm4b:s4+s21], $0x80, s10, s21, $0xb8;
	[tilespmem:$0x1C800] =	vst v63  }
0x100: {  	_ =	swait.ge [sflag:s22], $0x4000  }
0x101: {  	[sflag:s22] =	ssyncset.done $0x0  }
0x102: {  	[sflag:s22] =	ssyncadd.s32 $0xFFFFC000  }
0x103: {  	[spmem:s2] =	stream.indirect.scatter.add.f32 [tilespmem:s24], [sflag:$0x3], $0x80, s11, s21, $0xb8;
	[tilespmem:$0x1C800] =	vst v63  }
0x104: {  	_ =	swait.ge [sflag:s26], $0x4000  }
0x105: {  	[sflag:s26] =	ssyncset.done $0x0  }
0x106: {  	[sflag:s26] =	ssyncadd.s32 $0xFFFFC000  }
0x107: {  	[tilespmem:s17], [sflag:$0x1] =	stream.indirect.gather [hbm4b:s4+s21], $0x80, s12, s21, $0xb8;
	[tilespmem:$0x1C800] =	vst v63  }
0x108: {  	_ =	swait.ge [sflag:s22], $0x4000  }
0x109: {  	[sflag:s22] =	ssyncset.done $0x0  }
0x10a: {  	[sflag:s22] =	ssyncadd.s32 $0xFFFFC000  }
0x10b: {  	[spmem:s2] =	stream.indirect.scatter.add.f32 [tilespmem:s17], [sflag:$0x2], $0x80, s14, s21, $0xb8;
	[tilespmem:$0x1C800] =	vst v63  }
0x10c: {  	_ =	swait.ge [sflag:s30], $0x4000  }
0x10d: {  	[sflag:s30] =	ssyncset.done $0x0  }
0x10e: {  	[sflag:s30] =	ssyncadd.s32 $0xFFFFC000  }
0x10f: {  	[tilespmem:s24], [sflag:$0x1] =	stream.indirect.gather [hbm4b:s4+s21], $0x80, s15, s21, $0xb8;
	[tilespmem:$0x1C800] =	vst v63  }
0x110: {  	_ =	swait.ge [sflag:s22], $0x4000  }
0x111: {  	[sflag:s22] =	ssyncset.done $0x0  }
0x112: {  	[sflag:s22] =	ssyncadd.s32 $0xFFFFC000  }
0x113: {  	[spmem:s2] =	stream.indirect.scatter.add.f32 [tilespmem:s24], [sflag:$0x3], $0x80, s6, s21, $0xb8;
	[tilespmem:$0x1C800] =	vst v63  }
0x114: {  	_ =	swait.ge [sflag:s26], $0x4000  }
0x115: {  	[sflag:s26] =	ssyncset.done $0x0  }
0x116: {  	[sflag:s26] =	ssyncadd.s32 $0xFFFFC000  }
0x117: {  	_ =	swait.ge [sflag:s30], $0x4000  }
0x118: {  	[sflag:s30] =	ssyncset.done $0x0  }
0x119: {  	[sflag:s30] =	ssyncadd.s32 $0xFFFFC000  }
0x11a: {  	[bflag:$0x0] =	sbarrier.arrive $0xFFFF  }
0x11b: {  	s7 =	rddreg [dreg:$0x4]  }
0x11c: {  	[tilespmem:s17], [sflag:$0x4] =	stream.linear.gather [spmem:s7], $0x4000, $0x38;
	[tilespmem:$0x1C800] =	vst v63  }
0x11d: {  	_ =	swait.ge [sflag:s18], $0x4000  }
0x11e: {  	[sflag:s18] =	ssyncset.done $0x0  }
0x11f: {  	s8 =	rddreg [dreg:$0x8];
	[sflag:s18] =	ssyncadd.s32 $0xFFFFC000  }
0x120: {  	[hbm4b:s8+s3] =	stream.linear.scatter [tilespmem:s17], [sflag:$0x4], $0x4000, $0x38;
	[tilespmem:$0x1C800] =	vst v63  }
0x121: {  	_ =	swait.ge [sflag:s18], $0x4000  }
0x122: {  	[sflag:s18] =	ssyncset.done $0x0  }
0x123: {  	s23 =	rddreg [dreg:$0x5];
	[sflag:s18] =	ssyncadd.s32 $0xFFFFC000  }
0x124: {  	[tilespmem:s17], [sflag:$0x4] =	stream.linear.gather [spmem:s23], $0x4000, $0x38;
	[tilespmem:$0x1C800] =	vst v63  }
0x125: {  	_ =	swait.ge [sflag:s18], $0x4000  }
0x126: {  	[sflag:s18] =	ssyncset.done $0x0  }
0x127: {  	s13 =	rddreg [dreg:$0x9];
	[sflag:s18] =	ssyncadd.s32 $0xFFFFC000  }
0x128: {  	[hbm4b:s13+s3] =	stream.linear.scatter [tilespmem:s17], [sflag:$0x4], $0x4000, $0x38;
	[tilespmem:$0x1C800] =	vst v63  }
0x129: {  	_ =	swait.ge [sflag:s18], $0x4000  }
0x12a: {  	[sflag:s18] =	ssyncset.done $0x0  }
0x12b: {  	s8 =	rddreg [dreg:$0x6];
	[sflag:s18] =	ssyncadd.s32 $0xFFFFC000  }
0x12c: {  	[tilespmem:s17], [sflag:$0x4] =	stream.linear.gather [spmem:s8], $0x4000, $0x38;
	[tilespmem:$0x1C800] =	vst v63  }
0x12d: {  	_ =	swait.ge [sflag:s18], $0x4000  }
0x12e: {  	[sflag:s18] =	ssyncset.done $0x0  }
0x12f: {  	s13 =	rddreg [dreg:$0xa];
	[sflag:s18] =	ssyncadd.s32 $0xFFFFC000  }
0x130: {  	[hbm4b:s13+s3] =	stream.linear.scatter [tilespmem:s17], [sflag:$0x4], $0x4000, $0x38;
	[tilespmem:$0x1C800] =	vst v63  }
0x131: {  	_ =	swait.ge [sflag:s18], $0x4000  }
0x132: {  	[sflag:s18] =	ssyncset.done $0x0  }
0x133: {  	s8 =	rddreg [dreg:$0x7];
	[sflag:s18] =	ssyncadd.s32 $0xFFFFC000  }
0x134: {  	[tilespmem:s17], [sflag:$0x4] =	stream.linear.gather [spmem:s8], $0x4000, $0x38;
	[tilespmem:$0x1C800] =	vst v63  }
0x135: {  	_ =	swait.ge [sflag:s18], $0x4000  }
0x136: {  	[sflag:s18] =	ssyncset.done $0x0  }
0x137: {  	s13 =	rddreg [dreg:$0xb];
	[sflag:s18] =	ssyncadd.s32 $0xFFFFC000  }
0x138: {  	[hbm4b:s13+s3] =	stream.linear.scatter [tilespmem:s17], [sflag:$0x4], $0x4000, $0x38;
	[tilespmem:$0x1C800] =	vst v63  }
0x139: {  	_ =	swait.ge [sflag:s18], $0x4000  }
0x13a: {  	[sflag:s18] =	ssyncset.done $0x0  }
0x13b: {  	s8 =	rddreg [dreg:$0xc];
	[sflag:s18] =	ssyncadd.s32 $0xFFFFC000  }
0x13c: {  	[tilespmem:s17], [sflag:$0x4] =	stream.linear.gather [spmem:s8], $0x4000, $0x38;
	[tilespmem:$0x1C800] =	vst v63  }
0x13d: {  	_ =	swait.ge [sflag:s18], $0x4000  }
0x13e: {  	[sflag:s18] =	ssyncset.done $0x0  }
0x13f: {  	s13 =	rddreg [dreg:$0xd];
	[sflag:s18] =	ssyncadd.s32 $0xFFFFC000  }
0x140: {  	[hbm4b:s13+s3] =	stream.linear.scatter [tilespmem:s17], [sflag:$0x4], $0x4000, $0x38;
	[tilespmem:$0x1C800] =	vst v63  }
0x141: {  	_ =	swait.ge [sflag:s18], $0x4000  }
0x142: {  	s5 =	rddreg [dreg:$0xf]  }
0x143: {  	s13 =	rddreg [dreg:$0xe];
	s8 =	sadd.s32 $0x1, s5  }
0x144: {  	p0 =	sne.s32 s8, s13  }
.Ltmp2:
0x145: {  	_ = 	snop;
	(pc) =	sbr.rel @p0 .LBB2_1-.Ltmp2, $3  }
0x146: {  	_ =	sdelay $0x1  }
0x147: {  	[sflag:s18] =	ssyncset.done $0x0  }
0x148: {  	[sflag:s18] =	ssyncadd.s32 $0xFFFFC000  }
0x149: {  	_ =	sfence.sel $0x180000  }
0x14a: {  	[bflag:$0x0] =	sbarrier.arrive $0xFFFF  }
0x14b: {  	_ =	strace $0x90000050  }
0x14c: {  	s0 =	stileid.u32;
	[bflag:$0x2] =	sbarrier.arrive $0xFFFF  }
0x14d: {  	p0 =	sne.s32 s0, $0x0;
	s0 =	rddreg [dreg:$0x2]  }
0x14e: {  	s0 =	sadd.s32 @!p0 $0x100000, s0  }
0x14f: {  	[sflag:s0] =	ssyncadd.tile.s32 @!p0 $0x1;
	_ =	shalt  }
.Lfunc_end2:
_tile_overlayer_lowered:
.L_overlay_start_2:
0x150: {  	(tag) =	ssettag $0x2  }
0x151: {  	s0 =	rddreg [dreg:$0x0];
	s2 =	stileid.u32  }
0x152: {  	s1 =	rddreg [dreg:$0x1];
	p0 =	sne.s32 s2, $0x0  }
0x153: {  	s3 =	rddreg [dreg:$0x2];
	[bflag:$0x3] =	sbarrier.arrive $0xFFFF;
	s2 =	simm.s32 @!p0 $0x1C04  }
0x154: {  	[timem:s3], [sflag:s2] =	dma.local @!p0 [hbm:s0], s1  }
0x155: {  	s0 =	simm.s32 @!p0 $0x4  }
0x156: {  	_ =	swait.ge @!p0 [sflag:s0], s1  }
0x157: {  	s1 =	ssub.s32 @!p0 $0x0, s1;
	[sflag:s0] =	ssyncset.done @!p0 $0x0  }
0x158: {  	[sflag:s0] =	ssyncadd.s32 @!p0 s1  }
0x159: {  	[bflag:$0x3] =	sbarrier.arrive $0xFFFF  }
0x15a: {  	_ =	shalt  }

// kernel: kernel.9.cloned.1.call-start
scs
__scs_entry_jumppad:
0x0: {  	(pc) =	sbr.rel $0x88, $3  }
0x1: {  	(tag) =	ssettag $0x0;
	lr =	simm.s32 $0x1  }
0x2: {  	[smem:$0x3F91] =	sst lr;
	_ =	strace $0xD0000000  }
0x3: {  	_ = 	snop  }
0x4: {  	_ = 	snop  }
0x5: {  	_ = 	snop  }
0x6: {  	_ = 	snop  }
0x7: {  	_ = 	snop  }
__scs_overlays_trampoline_lowered:
0x8: {  	[smem:$0x3FA0] =	sst s0  }
0x9: {  	[smem:$0x3FA1] =	sst s1  }
0xa: {  	[smem:$0x3FA2] =	sst s2  }
0xb: {  	[smem:$0x3FA3] =	sst s3  }
0xc: {  	[smem:$0x3FA4] =	sst s4  }
0xd: {  	[smem:$0x3FA5] =	sst s5  }
0xe: {  	[smem:$0x3FA6] =	sst s6  }
0xf: {  	[smem:$0x3FA7] =	sst s7  }
0x10: {  	[smem:$0x3FA8] =	sst s8  }
0x11: {  	[smem:$0x3FA9] =	sst s9;
	s0 =	simm.s32 @!p0 $0x0  }
0x12: {  	s1 =	sld [smem:$0x3F8F];
	s0 =	simm.s32 @p0 $0x1  }
0x13: {  	[smem:$0x3FAA] =	sst s0;
	s0 =	simm.s32 @!p1 $0x0  }
0x14: {  	s2 =	sld [smem:$0x3F8E];
	s0 =	simm.s32 @p1 $0x1  }
0x15: {  	[smem:$0x3FAB] =	sst s0;
	s0 =	simm.s32 @!p2 $0x0  }
0x16: {  	s3 =	sld [smem:$0x3FDB];
	s0 =	simm.s32 @p2 $0x1  }
0x17: {  	s4 =	simm.s32 $0x1BF5;
	[smem:$0x3FAD] =	sst s0  }
0x18: {  	s0 =	sld [smem:$0x3F90];
	_ =	swait.ge [sflag:s4], $0x0  }
0x19: {  	s7 =	sld [smem:$0x3F91]  }
0x1a: {  	s8 =	sadd.s32 $0xFFFFE003, lr  }
0x1b: {  	s9 =	sadd.s32 $0xFFFFFEF7, lr;
	s5 =	simm.s32 $0xFFFFFFFF;
	p2 =	slt.u32 s8, $0xFFFFF086  }
0x1c: {  	p1 =	slt.u32 s9, $0xF7A;
	s5 =	simm.s32 @!p2 $0x0  }
0x1d: {  	s5 =	simm.s32 @p1 $0x1;
	p0 =	seq.s32 s7, s2  }
0x1e: {  	s7 =	smul.u32 @!p0 $0xF7A, s2;
	p2 =	seq.s32 @!p0 s5, $0x0  }
0x1f: {  	s9 =	smul.u32 $0xF7A, s1;
	s8 =	simm.s32 @!p0 $0x1BF5;
	p2 =	por !p2, p0  }
0x20: {  	[sflag:s8] =	ssyncset.s32 @!p0 $0xFFFFF086;
	s6 =	sadd.s32 @!p0 s3, s7;
	s7 =	simm.s32 @!p0 $0x108  }
0x21: {  	s3 =	sadd.s32 s3, s9;
	s6 =	sadd.s32 @!p0 $0x88, s6;
	s7 =	simm.s32 @p2 $0x1082  }
0x22: {  	[simem:s7], [sflag:s8] =	dma.local @!p0 [hbm:s6], $0xF7A  }
0x23: {  	s9 =	sor.u32 $0xD0000000, s2;
	s6 =	simm.s32 $0x108;
	_ =	swait.ge @!p0 [sflag:s8], $0x0  }
0x24: {  	s3 =	sadd.s32 $0x88, s3;
	s6 =	simm.s32 @!p1 $0x1082;
	[sflag:s4] =	ssyncset.s32 $0xFFFFF086  }
0x25: {  	[simem:s6], [sflag:s4] =	dma.local [hbm:s3], $0xF7A  }
0x26: {  	[smem:$0x3F91] =	sst s1;
	(tag) =	ssettag s2;
	_ =	strace s9  }
0x27: {  	s1 =	sld [smem:$0x3FA1]  }
0x28: {  	s2 =	sld [smem:$0x3FA2]  }
0x29: {  	s4 =	sld [smem:$0x3FA4]  }
0x2a: {  	p0 =	seq.s32 s5, $0x0;
	s5 =	sld [smem:$0x3FA5]  }
0x2b: {  	s6 =	sld [smem:$0x3FA6]  }
0x2c: {  	s7 =	sld [smem:$0x3FA7]  }
0x2d: {  	s3 =	simm.s32 $0x108;
	s8 =	sld [smem:$0x3FA8]  }
0x2e: {  	s3 =	simm.s32 @!p0 $0x1082;
	s9 =	sld [smem:$0x3FA9]  }
0x2f: {  	lr =	sadd.s32 s0, s3;
	s0 =	sld [smem:$0x3FA0]  }
0x30: {  	s3 =	sld [smem:$0x3FA3]  }
0x31: {  	[smem:$0x3FAC] =	sst s10  }
0x32: {  	s10 =	sld [smem:$0x3FAA];
	_ =	sdelay $0x3  }
0x33: {  	p0 =	seq.s32 s10, $0x1;
	s10 =	sld [smem:$0x3FAC];
	_ =	sdelay $0x3  }
0x34: {  	[smem:$0x3FAC] =	sst s10  }
0x35: {  	s10 =	sld [smem:$0x3FAB];
	_ =	sdelay $0x3  }
0x36: {  	p1 =	seq.s32 s10, $0x1;
	s10 =	sld [smem:$0x3FAC];
	_ =	sdelay $0x3  }
0x37: {  	[smem:$0x3FAC] =	sst s10  }
0x38: {  	s10 =	sld [smem:$0x3FAD]  }
0x39: {  	_ = 	snop;
	(pc) =	sbr.ind lr, $3  }
0x3a: {  	_ = 	snop  }
0x3b: {  	_ = 	snop  }
0x3c: {  	p2 =	seq.s32 s10, $0x1;
	s10 =	sld [smem:$0x3FAC]  }
0x3d: {  	_ =	shalt  }
0x3e: {  	_ =	shalt  }
0x3f: {  	_ =	shalt  }
0x40: {  	_ =	shalt  }
0x41: {  	_ =	shalt  }
0x42: {  	_ =	shalt  }
0x43: {  	_ =	shalt  }
0x44: {  	_ =	shalt  }
0x45: {  	_ =	shalt  }
0x46: {  	_ =	shalt  }
0x47: {  	_ =	shalt  }
0x48: {  	_ =	shalt  }
0x49: {  	_ =	shalt  }
0x4a: {  	_ =	shalt  }
0x4b: {  	_ =	shalt  }
0x4c: {  	_ =	shalt  }
0x4d: {  	_ =	shalt  }
0x4e: {  	_ =	shalt  }
0x4f: {  	_ =	shalt  }
0x50: {  	_ =	shalt  }
0x51: {  	_ =	shalt  }
0x52: {  	_ =	shalt  }
0x53: {  	_ =	shalt  }
0x54: {  	_ =	shalt  }
0x55: {  	_ =	shalt  }
0x56: {  	_ =	shalt  }
0x57: {  	_ =	shalt  }
0x58: {  	_ =	shalt  }
0x59: {  	_ =	shalt  }
0x5a: {  	_ =	shalt  }
0x5b: {  	_ =	shalt  }
0x5c: {  	_ =	shalt  }
0x5d: {  	_ =	shalt  }
0x5e: {  	_ =	shalt  }
0x5f: {  	_ =	shalt  }
0x60: {  	_ =	shalt  }
0x61: {  	_ =	shalt  }
0x62: {  	_ =	shalt  }
0x63: {  	_ =	shalt  }
0x64: {  	_ =	shalt  }
0x65: {  	_ =	shalt  }
0x66: {  	_ =	shalt  }
0x67: {  	_ =	shalt  }
0x68: {  	_ =	shalt  }
0x69: {  	_ =	shalt  }
0x6a: {  	_ =	shalt  }
0x6b: {  	_ =	shalt  }
0x6c: {  	_ =	shalt  }
0x6d: {  	_ =	shalt  }
0x6e: {  	_ =	shalt  }
0x6f: {  	_ =	shalt  }
0x70: {  	_ =	shalt  }
0x71: {  	_ =	shalt  }
0x72: {  	_ =	shalt  }
0x73: {  	_ =	shalt  }
0x74: {  	_ =	shalt  }
0x75: {  	_ =	shalt  }
0x76: {  	_ =	shalt  }
0x77: {  	_ =	shalt  }
0x78: {  	_ =	shalt  }
0x79: {  	_ =	shalt  }
0x7a: {  	_ =	shalt  }
0x7b: {  	_ =	shalt  }
0x7c: {  	_ =	shalt  }
0x7d: {  	_ =	shalt  }
0x7e: {  	_ =	shalt  }
0x7f: {  	_ =	shalt  }
0x80: {  	_ =	shalt  }
0x81: {  	_ =	shalt  }
0x82: {  	_ =	shalt  }
0x83: {  	_ =	shalt  }
0x84: {  	_ =	shalt  }
0x85: {  	_ =	shalt  }
0x86: {  	_ =	shalt  }
0x87: {  	_ =	shalt  }
.Lfunc_end0:
.L_simem_size_0:
called_computation_lowered:
.L_overlay_start_0:
0x88: {  	s2 =	sld [smem:$0x3FD9]  }
0x89: {  	s3 =	sld [smem:$0x3FFE];
	_ =	sdelay $0x1  }
0x8a: {  	s1 =	srdreg.scid  }
0x8b: {  	s0 =	sand.u32 $0x1, s1  }
0x8c: {  	s17 =	sshll.u32 s0, $0xA;
	s2 =	sadd.s32 s3, s2  }
0x8d: {  	s2 =	sadd.s32 s2, s17  }
0x8e: {  	[smem:$0x3FB8] =	sst s2  }
0x8f: {  	_ = 	snop  }
0x90: {  	s2 =	sld [smem:$0x3FC5];
	(tm) =	ssettm $0x1  }
0x91: {  	s18 =	sld [smem:$0x3FFB];
	_ =	sdelay $0x3  }
0x92: {  	_ =	strace s18  }
0x93: {  	s3 =	sld [smem:$0x3FFC];
	_ =	sdelay $0x3  }
0x94: {  	_ =	strace s3  }
0x95: {  	s3 =	sld [smem:$0x3FFD];
	_ =	sdelay $0x3  }
0x96: {  	_ =	strace s3  }
0x97: {  	_ =	strace $0x8FFFFFFF  }
0x98: {  	s19 =	sld [smem:$0x3FDB];
	_ =	sdelay $0x1  }
0x99: {  	s4 =	simm.s32 $_scs_section_size  }
0x9a: {  	s5 =	simm.s32 $_size__tile_overlayer_lowered;
	s6 =	simm.s32 $_tile_overlayer_lowered  }
0x9b: {  	s22 =	simm.s32 $0x1BFF;
	s21 =	sshll.u32 s6, $0x1;
	s3 =	sadd.s32 s4, s19  }
0x9c: {  	s7 =	simm.s32 $0x0;
	s20 =	sshll.u32 s5, $0x1;
	s5 =	sadd.s32 s21, s3  }
0x9d: {  	[timem:s7], [sflag:s22] =	dma.local [hbm:s5], s20  }
0x9e: {  	_ =	swait.ge [sflag:s22], s20  }
0x9f: {  	s4 =	ssub.s32 $0x0, s20;
	[sflag:s22] =	ssyncset.done $0x0  }
0xa0: {  	[sflag:s22] =	ssyncadd.s32 s4;
	_ =	sdelay $0x1  }
0xa1: {  	s23 =	simm.s32 $0x1B8B  }
0xa2: {  	_ =	swait.ge [sflag:s23], $0x1  }
0xa3: {  	[sflag:s23] =	ssyncset.done $0x0  }
0xa4: {  	s25 =	simm.s32 $0x1B8E;
	s24 =	sld [smem:$0x3FFE];
	[sflag:s23] =	ssyncadd.s32 $0xFFFFFFFF  }
0xa5: {  	s26 =	simm.s32 $execute0_lowered;
	[smem:$0x3FD2] =	sst s25  }
0xa6: {  	s5 =	sshll.u32 s26, $0x1;
	_ =	strace $0x80000046;
	[dreg:$0x1] =	wrdreg $0xFFFFFFFF  }
0xa7: {  	s28 =	simm.s32 $_size_execute0_lowered;
	s3 =	sadd.s32 s3, s5;
	[dreg:$0x0] =	wrdreg $0x0  }
0xa8: {  	s5 =	sshll.u32 s28, $0x1;
	[dreg:$0x2] =	wrdreg s3  }
0xa9: {  	[dreg:$0x3] =	wrdreg s5  }
0xaa: {  	[dreg:$0x4] =	wrdreg $0xC0  }
0xab: {  	_ =	task [dreg:s7], $0x5FFFF  }
0xac: {  	[dreg:$0x1] =	wrdreg $0xFFFFFFFF  }
0xad: {  	[dreg:$0x0] =	wrdreg $0x60  }
0xae: {  	[dreg:$0x2] =	wrdreg s24  }
0xaf: {  	[dreg:$0x3] =	wrdreg s2  }
0xb0: {  	[dreg:$0x4] =	wrdreg $0x9  }
0xb1: {  	_ =	task.clear_ibuf [dreg:s7], $0x5FFFF;
	_ =	strace $0x90000046  }
0xb2: {  	s29 =	simm.s32 $0x9;
	_ =	strace $0x80000048  }
0xb3: {  	_ =	swait.ge [sflag:s29], $0x1  }
0xb4: {  	[sflag:s29] =	ssyncadd.s32 $0xFFFFFFFF  }
0xb5: {  	_ =	strace $0x90000048  }
0xb6: {  	_ =	sfence  }
0xb7: {  	s30 =	sld [smem:$0x0];
	_ =	sdelay $0x2  }
0xb8: {  	s31 =	sshll.u32 s1, $0xD;
	s1 =	sshrl.u32 s1, $0x2  }
0xb9: {  	s3 =	sand.u32 $0x4000, s31;
	s1 =	sadd.s32 s1, s30  }
0xba: {  	s0 =	sor.u32 s3, s0;
	s1 =	sshll.u32 s1, $0x11  }
0xbb: {  	s0 =	sor.u32 s1, s0  }
0xbc: {  	s0 =	sadd.s32 $0x8F2B, s0  }
0xbd: {  	[sflag:s0] =	ssyncadd.remote.s32 $0x1  }
0xbe: {  	_ =	sfence.sel $0xFFFF  }
0xbf: {  	[dreg:$0x0] =	wrdreg $0xFFFFFFFF;
	(pc) =	sbr.abs _section_cstart, $3  }
0xc0: {  	[dreg:$0x1] =	wrdreg $0xFFFFFFFF  }
0xc1: {  	_ =	task.clear_ibuf [dreg:s7], $0x2FFFF;
	_ =	strace $0x9FFFFFFF  }
0xc2: {  	(tm) =	ssettm $0x7FFFFFFF  }
0xc3: {  	_ =	shalt  }
tec
execute0_lowered:
.L_overlay_start_1:
0x0: {  	(tag) =	ssettag $0x1  }
0x1: {  	s4 =	rddreg [dreg:$0x0]  }
0x2: {  	s2 =	rddreg [dreg:$0x1];
	s3 =	srdreg.scid  }
0x3: {  	s0 =	rddreg [dreg:$0x2];
	s1 =	stileid.u32  }
0x4: {  	s10 =	simm.s32 $0x80;
	s11 =	simm.s32 $0x1;
	s12 =	simm.s32 $0x0  }
0x5: {  	s5 =	sand.u32 $0x1, s3;
	s3 =	simm.s32 $0x0;
	s6 =	sshll.u32 s1, $0x7  }
0x6: {  	s31 =	sshll.u32 s1, $0xB;
	p0 =	slt.u32 s1, $0x8;
	s7 =	sshll.u32 s5, $0x6  }
0x7: {  	[smem:$0x7FF] =	sst s3;
	s30 =	ssub.s32 $0x2, s5;
	s5 =	sshll.u32 s5, $0xA  }
0x8: {  	s6 =	sor.u32 s7, s6;
	_ =	strace $0x80000047;
	s9 =	sshrl.u32 s30, $0x1  }
0x9: {  	s6 =	sshrl.u32 s6, $0x3;
	s7 =	ssub.s32 s30, s9;
	s9 =	simm.s32 $0x40  }
0xa: {  	s8 =	sadd.s32 s6, s4;
	s6 =	sadd.s32 s31, s4;
	s4 =	simm.s32 $0x19  }
0xb: {  	s6 =	sadd.s32 s5, s6;
	s4 =	simm.s32 @!p0 $0x18;
	s5 =	smax.u32 s7, $0x1  }
0xc: {  	s7 =	sadd.s32 $0x2600, s8;
	s8 =	simm.s32 $0x2;
	s6 =	sadd.s32 $0x4000, s6  }
.LBB2_1:
0xd: {  	[tilespmem:s3], [sflag:$0x2] =	stream.linear.gather [hbm4b:s7+s3], $0x40, $0x38;
	[tilespmem:$0x2080] =	vst v63  }
0xe: {  	_ =	swait.ge [sflag:s8], $0x40  }
0xf: {  	[sflag:s8] =	ssyncset.done $0x0  }
0x10: {  	[sflag:s8] =	ssyncadd.s32 $0xFFFFFFC0  }
0x11: {  	[tilespmem:s10], [sflag:$0x1] =	stream.indirect.gather [hbm4b:s2+s9], $0x80, s3, s9, $0xb8;
	[tilespmem:$0x2080] =	vst v63  }
0x12: {  	p0 =	sne.s32 s4, $0x1;
	_ =	swait.ge [sflag:s11], $0x2000  }
.Ltmp0:
0x13: {  	[sflag:s11] =	ssyncset.done $0x0;
	(pc) =	sbr.rel @!p0 .LBB2_3-.Ltmp0, $4  }
0x14: {  	[sflag:s11] =	ssyncadd.s32 $0xFFFFE000  }
0x15: {  	[hbm4b:s6+s3] =	stream.linear.scatter [tilespmem:s10], [sflag:$0x2], $0x2000, $0x38;
	[tilespmem:$0x2080] =	vst v63  }
0x16: {  	s13 =	sadd.s32 $0xFFFFFFFF, s4;
	_ =	swait.ge [sflag:s8], $0x2000  }
0x17: {  	s14 =	smov.u32 s6;
	s15 =	smov.u32 s7;
	[sflag:s8] =	ssyncset.done $0x0  }
.LBB2_2:
0x18: {  	[sflag:s8] =	ssyncadd.s32 $0xFFFFE000;
	s14 =	sadd.s32 $0x8000, s14;
	s15 =	sadd.s32 $0x100, s15  }
0x19: {  	[tilespmem:s3], [sflag:$0x2] =	stream.linear.gather [hbm4b:s15+s3], $0x40, $0x38;
	[tilespmem:$0x2080] =	vst v63  }
0x1a: {  	p0 =	sne.s32 s13, $0x1;
	s13 =	sadd.s32 $0xFFFFFFFF, s13;
	_ =	swait.ge [sflag:s8], $0x40  }
0x1b: {  	[sflag:s8] =	ssyncset.done $0x0  }
0x1c: {  	[sflag:s8] =	ssyncadd.s32 $0xFFFFFFC0  }
0x1d: {  	[tilespmem:s10], [sflag:$0x1] =	stream.indirect.gather [hbm4b:s2+s9], $0x80, s3, s9, $0xb8;
	[tilespmem:$0x2080] =	vst v63  }
0x1e: {  	_ =	swait.ge [sflag:s11], $0x2000  }
.Ltmp1:
0x1f: {  	[sflag:s11] =	ssyncset.done $0x0;
	(pc) =	sbr.rel @p0 .LBB2_2-.Ltmp1, $4  }
0x20: {  	[sflag:s11] =	ssyncadd.s32 $0xFFFFE000  }
0x21: {  	[hbm4b:s14+s3] =	stream.linear.scatter [tilespmem:s10], [sflag:$0x2], $0x2000, $0x38;
	[tilespmem:$0x2080] =	vst v63  }
0x22: {  	_ =	swait.ge [sflag:s8], $0x2000  }
0x23: {  	[sflag:s8] =	ssyncset.done $0x0  }
.LBB2_3:
0x24: {  	s12 =	sadd.s32 $0x1, s12  }
0x25: {  	p0 =	sne.s32 s12, s5  }
.Ltmp2:
0x26: {  	_ = 	snop;
	(pc) =	sbr.rel @p0 .LBB2_1-.Ltmp2, $2  }
0x27: {  	_ =	sdelay $0x2  }
0x28: {  	[sflag:s8] =	ssyncadd.s32 $0xFFFFE000  }
0x29: {  	_ =	sfence.sel $0x180000  }
0x2a: {  	[bflag:$0x0] =	sbarrier.arrive $0xFFFF  }
0x2b: {  	p0 =	sne.s32 s1, $0x0;
	_ =	strace $0x90000047  }
0x2c: {  	s0 =	sadd.s32 @!p0 $0x100000, s0;
	[bflag:$0x2] =	sbarrier.arrive $0xFFFF  }
0x2d: {  	[sflag:s0] =	ssyncadd.tile.s32 @!p0 $0x1;
	_ =	shalt  }
.Lfunc_end2:
_tile_overlayer_lowered:
.L_overlay_start_2:
0x2e: {  	(tag) =	ssettag $0x2  }
0x2f: {  	s0 =	rddreg [dreg:$0x0];
	s2 =	stileid.u32  }
0x30: {  	s1 =	rddreg [dreg:$0x1];
	p0 =	sne.s32 s2, $0x0  }
0x31: {  	s3 =	rddreg [dreg:$0x2];
	[bflag:$0x3] =	sbarrier.arrive $0xFFFF;
	s2 =	simm.s32 @!p0 $0x1C02  }
0x32: {  	[timem:s3], [sflag:s2] =	dma.local @!p0 [hbm:s0], s1  }
0x33: {  	s0 =	simm.s32 @!p0 $0x2  }
0x34: {  	_ =	swait.ge @!p0 [sflag:s0], s1  }
0x35: {  	s1 =	ssub.s32 @!p0 $0x0, s1;
	[sflag:s0] =	ssyncset.done @!p0 $0x0  }
0x36: {  	[sflag:s0] =	ssyncadd.s32 @!p0 s1  }
0x37: {  	[bflag:$0x3] =	sbarrier.arrive $0xFFFF  }
0x38: {  	_ =	shalt  }

</sc_bundles>
